<compile_context>
chip_gen: v7x
topology: tpu7x:2x2x1
jax: 0.10.2.dev20260603
libtpu: 0.0.44.dev20260713+nightly
codegen_flags: <defaults>
</compile_context>

<pallas_src>
import functools

import jax
import jax.numpy as jnp
from jax import lax
from jax.experimental import pallas as pl
from jax.experimental.pallas import tpu as pltpu
from jax.experimental.pallas import tpu_sc as plsc

NS = 16
NC = 2
LL = 16
NBUF = 4


def _ceil_to(a, b):
    return (a + b - 1) // b * b


def _sc_spmm(npad, nb, dh, nub):
    rpt = npad // NS
    zr = 32

    mesh = plsc.VectorSubcoreMesh(core_axis_name="c", subcore_axis_name="s",
                                  num_cores=NC, num_subcores=NS)

    @functools.partial(
        pl.kernel,
        out_type=[
            jax.ShapeDtypeStruct((NC, npad, dh), jnp.float32),
            jax.ShapeDtypeStruct((npad,), jnp.float32),
        ],
        mesh=mesh,
        compiler_params=pltpu.CompilerParams(needs_layout_passes=False,
                                             use_tc_tiling_on_sc=False),
        scratch_types=[
            pltpu.VMEM((nb, 128), jnp.int32),
            pltpu.VMEM((nb, 128), jnp.float32),
            pltpu.VMEM((nb, 128), jnp.int32),
            pltpu.VMEM((npad,), jnp.float32),
            pltpu.VMEM((zr, dh), jnp.float32),
            pltpu.VMEM((nub, 128), jnp.int32),
            pltpu.VMEM((nub, 128), jnp.float32),
            pltpu.VMEM((NBUF, 128, dh), jnp.float32),
            pltpu.SemaphoreType.DMA((NBUF,)),
            pltpu.SemaphoreType.DMA((NBUF,)),
            pltpu.SemaphoreType.DMA,
            pltpu.VMEM_SHARED((npad, dh), jnp.float32),
            pltpu.VMEM_SHARED((npad,), jnp.float32),
            pltpu.VMEM_SHARED((npad,), jnp.float32),
            pltpu.VMEM_SHARED((npad,), jnp.float32),
        ],
    )
    def sc_kernel(src_t, dst_t, ew_t, uniq_t, xcat,
                  y2, cnt,
                  dst_v, ew_v, src_v, dinv_v, zrows, uniq_v, ones_v,
                  rows, gsem, ssem, dgsem, y_sh, deg_sh, cnt_sh, dinv_sh):
        c = lax.axis_index("c")
        s = lax.axis_index("s")

        pltpu.async_copy(dst_t.at[s], dst_v, dgsem)
        pltpu.async_copy(ew_t.at[s], ew_v, dgsem)

        def zlin_body(i, _):
            dinv_v[pl.ds(i * LL, LL)] = jnp.zeros((LL,), jnp.float32)
            return 0
        lax.fori_loop(0, npad // LL, zlin_body, 0)

        def zrows_body(i, _):
            for k in range(dh // LL):
                zrows[i, pl.ds(k * LL, LL)] = jnp.zeros((LL,), jnp.float32)
            return 0
        lax.fori_loop(0, zr, zrows_body, 0)

        def ones_body(i, _):
            for ub in range(nub):
                ones_v[ub, pl.ds(i * LL, LL)] = jnp.full((LL,), 1.0,
                                                         jnp.float32)
            return 0
        lax.fori_loop(0, 128 // LL, ones_body, 0)

        for j in range(rpt // zr):
            pltpu.sync_copy(zrows, y_sh.at[pl.ds(s * rpt + j * zr, zr)])

        @pl.when(s == 0)
        def _zero_hist():
            pltpu.sync_copy(dinv_v, deg_sh)
            pltpu.sync_copy(dinv_v, cnt_sh)

        plsc.subcore_barrier()

        for ci, w in enumerate((s, NS + s)):
            if ci == 0:
                pltpu.make_async_copy(dst_t.at[s], dst_v, dgsem).wait()
                pltpu.make_async_copy(ew_t.at[s], ew_v, dgsem).wait()
            else:
                pltpu.sync_copy(dst_t.at[w], dst_v)
                pltpu.sync_copy(ew_t.at[w], ew_v)

            def deg_body(b, _):
                pltpu.async_copy(ew_v.at[b], deg_sh.at[dst_v.at[b]], dgsem,
                                 add=True)
                return 0
            lax.fori_loop(0, nb, deg_body, 0)
            pltpu.make_async_copy(ew_t.at[w], ew_v, dgsem).wait()
        plsc.subcore_barrier()

        pltpu.sync_copy(deg_sh.at[pl.ds(s * rpt, rpt)],
                        dinv_v.at[pl.ds(0, rpt)])

        def dinv_body(i, _):
            dd = jnp.maximum(dinv_v[pl.ds(i * LL, LL)], 1.0)
            ib = plsc.bitcast(dd, jnp.int32)
            yv = plsc.bitcast(jnp.int32(0x5F3759DF)
                              - lax.shift_right_logical(ib, 1), jnp.float32)
            for _ in range(3):
                yv = yv * (1.5 - 0.5 * dd * yv * yv)
            dinv_v[pl.ds(i * LL, LL)] = yv
            return 0
        lax.fori_loop(0, rpt // LL, dinv_body, 0)
        pltpu.sync_copy(dinv_v.at[pl.ds(0, rpt)],
                        dinv_sh.at[pl.ds(s * rpt, rpt)])
        plsc.subcore_barrier()
        pltpu.sync_copy(dinv_sh, dinv_v)

        pltpu.sync_copy(uniq_t.at[s], uniq_v)
        for ub in range(nub):
            pltpu.sync_copy(ones_v.at[ub], cnt_sh.at[uniq_v.at[ub]],
                            add=True)

        xh = xcat.at[c]
        for w in (s, NS + s):
            pltpu.sync_copy(src_t.at[w], src_v)
            pltpu.sync_copy(dst_t.at[w], dst_v)
            pltpu.sync_copy(ew_t.at[w], ew_v)

            def coeff_batch(bb):
                for k in range(128 // LL):
                    sl = pl.ds(k * LL, LL)
                    si = src_v[bb, sl]
                    di = dst_v[bb, sl]
                    wv = ew_v[bb, sl]
                    ew_v[bb, sl] = (plsc.load_gather(dinv_v, [si]) * wv
                                    * plsc.load_gather(dinv_v, [di]))

            for p in range(min(2, nb)):
                pltpu.async_copy(xh.at[src_v.at[p]], rows.at[p], gsem.at[p])
            for p in range(min(2, nb)):
                coeff_batch(jnp.int32(p))

            def spmm_body(b, _):
                buf = b % NBUF

                @pl.when(b >= NBUF)
                def _drain():
                    pltpu.make_async_copy(rows.at[buf],
                                          y_sh.at[dst_v.at[b - NBUF]],
                                          ssem.at[buf]).wait()

                pltpu.make_async_copy(xh.at[src_v.at[b]], rows.at[buf],
                                      gsem.at[buf]).wait()
                bv = jnp.full((LL,), b, jnp.int32)

                def scale_body(eg, _):
                    for j in range(8):
                        e = eg * 8 + j
                        cs = plsc.load_gather(
                            ew_v, [bv, jnp.full((LL,), e, jnp.int32)])
                        for k in range(dh // LL):
                            sl = pl.ds(k * LL, LL)
                            rows[buf, e, sl] = rows[buf, e, sl] * cs
                    return 0
                lax.fori_loop(0, 128 // 8, scale_body, 0)

                pltpu.async_copy(rows.at[buf], y_sh.at[dst_v.at[b]],
                                 ssem.at[buf], add=True)

                bn = b + 2

                @pl.when(bn < nb)
                def _prefetch():
                    pltpu.async_copy(xh.at[src_v.at[bn]],
                                     rows.at[bn % NBUF], gsem.at[bn % NBUF])
                    coeff_batch(bn)
                return 0
            lax.fori_loop(0, nb, spmm_body, 0)

            for p in range(min(NBUF, nb)):
                bb = nb - min(NBUF, nb) + p
                pltpu.make_async_copy(rows.at[bb % NBUF],
                                      y_sh.at[dst_v.at[bb]],
                                      ssem.at[bb % NBUF]).wait()

        plsc.subcore_barrier()

        pltpu.sync_copy(y_sh.at[pl.ds(s * rpt, rpt)],
                        y2.at[c].at[pl.ds(s * rpt, rpt)])

        @pl.when(c == 0)
        def _out_cnt():
            pltpu.sync_copy(cnt_sh.at[pl.ds(s * rpt, rpt)],
                            cnt.at[pl.ds(s * rpt, rpt)])

    return sc_kernel


def _tc_gates(n, npad, h, br):
    nq = br // 128
    dh = h // 2
    grid = npad // br

    def body(y2, h0b, c2d, wcat, bcat, wla, wlbzr, blzr, wlhb, blh,
             h_out, pool):
        i = pl.program_id(0)
        wc = wcat[...]
        conv = (jnp.dot(y2[0], wc[:dh], preferred_element_type=jnp.float32)
                + jnp.dot(y2[1], wc[dh:], preferred_element_type=jnp.float32)
                + bcat[...])
        tz = jnp.dot(conv[:, :h], wla[:, :h],
                     preferred_element_type=jnp.float32)
        tr = jnp.dot(conv[:, h:2 * h], wla[:, h:2 * h],
                     preferred_element_type=jnp.float32)
        th = jnp.dot(conv[:, 2 * h:], wla[:, 2 * h:],
                     preferred_element_type=jnp.float32)
        h0v = h0b[...]
        u = jnp.dot(h0v, wlbzr[...], preferred_element_type=jnp.float32)
        zg = jax.nn.sigmoid(tz + u[:, :h] + blzr[...][0:1, :h])
        rg = jax.nn.sigmoid(tr + u[:, h:] + blzr[...][0:1, h:])
        v = jnp.dot(h0v * rg, wlhb[...], preferred_element_type=jnp.float32)
        ht = jnp.tanh(th + v + blh[...])
        hn = zg * h0v + (1.0 - zg) * ht
        h_out[...] = hn

        qi = lax.broadcasted_iota(jnp.int32, (nq, 128), 0)
        mi = lax.broadcasted_iota(jnp.int32, (nq, 128), 1)
        row = i * br + qi * 128 + mi
        cm = jnp.where(row < n, c2d[...], 0.0)
        rh = jax.nn.relu(hn).reshape(nq, 128, h)
        part = lax.dot_general(cm, rh, (((1,), (1,)), ((0,), (0,))),
                               preferred_element_type=jnp.float32)

        @pl.when(i == 0)
        def _init():
            pool[...] = jnp.zeros_like(pool)

        pool[...] += part

    full = lambda shp: pl.BlockSpec(shp, lambda i: (0,) * len(shp))
    return pl.pallas_call(
        body,
        grid=(grid,),
        in_specs=[
            pl.BlockSpec((NC, br, dh), lambda i: (0, i, 0)),
            pl.BlockSpec((br, h), lambda i: (i, 0)),
            pl.BlockSpec((nq, 128), lambda i: (i, 0)),
            full((h, 3 * h)), full((1, 3 * h)), full((h, 3 * h)),
            full((h, 2 * h)), full((1, 2 * h)), full((h, h)), full((1, h)),
        ],
        out_specs=[
            pl.BlockSpec((br, h), lambda i: (i, 0)),
            pl.BlockSpec((nq, 128), lambda i: (0, 0)),
        ],
        out_shape=[
            jax.ShapeDtypeStruct((npad, h), jnp.float32),
            jax.ShapeDtypeStruct((nq, 128), jnp.float32),
        ],
    )


def kernel(node_feat, src, dst, edge_weight, h0, unique_idx,
           Wz, bz, Wlz, blz, Wr, br, Wlr, blr, Wh, bh, Wlh, blh,
           W_enc, b_enc, W_ln, b_ln, W_out, b_out):
    f32 = jnp.float32
    n, d = node_feat.shape
    h = h0.shape[1]
    e = src.shape[0]
    u = unique_idx.shape[0]

    npad = _ceil_to(n, NS * 128)
    etot = e + n
    nb = -(-etot // (2 * NS * 128))
    epad = 2 * NS * nb * 128
    nub = -(-u // (NS * 128))
    upad = NS * nub * 128

    loop = jnp.arange(n, dtype=jnp.int32)
    pad_e = epad - etot
    src_t = jnp.concatenate(
        [src, loop, jnp.zeros((pad_e,), jnp.int32)]).reshape(2 * NS, nb, 128)
    dst_t = jnp.concatenate(
        [dst, loop, jnp.zeros((pad_e,), jnp.int32)]).reshape(2 * NS, nb, 128)
    ew_t = jnp.concatenate(
        [edge_weight.astype(f32), jnp.ones((n,), f32),
         jnp.zeros((pad_e,), f32)]).reshape(2 * NS, nb, 128)
    uniq_t = jnp.concatenate(
        [unique_idx, jnp.full((upad - u,), n, jnp.int32)]
    ).reshape(NS, nub, 128)
    xpad = jnp.pad(node_feat.astype(f32), ((0, npad - n), (0, 0)))
    xcat = jnp.stack([xpad[:, :d // 2], xpad[:, d // 2:]])

    y2, cnt = _sc_spmm(npad, nb, d // 2, nub)(src_t, dst_t, ew_t, uniq_t,
                                              xcat)

    wcat = jnp.concatenate([Wz, Wr, Wh], axis=1)
    bcat = jnp.concatenate([bz, br, bh]).reshape(1, 3 * h)
    wla = jnp.concatenate([Wlz[:h], Wlr[:h], Wlh[:h]], axis=1)
    wlbzr = jnp.concatenate([Wlz[h:], Wlr[h:]], axis=1)
    blzr = jnp.concatenate([blz, blr]).reshape(1, 2 * h)
    wlhb = Wlh[h:]
    blhr = blh.reshape(1, h)

    h0p = jnp.pad(h0.astype(f32), ((0, npad - n), (0, 0)))
    c2d = cnt.reshape(npad // 128, 128)

    h_out, pool = _tc_gates(n, npad, h, 2048)(
        y2, h0p, c2d, wcat, bcat, wla, wlbzr, blzr, wlhb, blhr)

    pooled = pool.sum(axis=0) / u
    zgr = pooled @ W_enc + b_enc
    g = jax.nn.relu(zgr @ W_ln + b_ln)
    pred = jax.nn.sigmoid(g @ W_out + b_out)
    return (pred, h_out[:n])

# --- scband reference (transcript-rebuilt; emitter-appended) ---
"""Pipeline reference for scband-tgcn-model-5282809774877 (READ-ONLY COPY).

The authoritative reference and input builder live on the scoring server;
editing this copy changes nothing except your own understanding.
"""

import jax, jax.numpy as jnp
import numpy as np

N = 10000
E = 320000
D = 128
H = 128
C = 10
U = 5000


def gcn_conv(x, src, dst, ew, W, b):
    n = x.shape[0]
    xw = x @ W
    loop = jnp.arange(n)
    s = jnp.concatenate([src, loop])
    d = jnp.concatenate([dst, loop])
    w = jnp.concatenate([ew, jnp.ones((n,), dtype=x.dtype)])
    deg = jnp.zeros((n,), dtype=x.dtype).at[d].add(w)
    dinv = jnp.where(deg > 0, jax.lax.rsqrt(jnp.maximum(deg, 1e-12)), 0.0)
    norm = dinv[s] * w * dinv[d]
    msg = xw[s] * norm[:, None]
    out = jnp.zeros_like(xw).at[d].add(msg)
    return out + b


def setup_inputs(seed: int = 0) -> dict:
    key = jax.random.key(seed)
    ks = jax.random.split(key, 30)
    inp = {}
    inp["node_feat"] = jax.random.normal(ks[0], (N, D), dtype=jnp.float32)
    inp["src"] = jax.random.randint(ks[1], (E,), 0, N, dtype=jnp.int32)
    inp["dst"] = jax.random.randint(ks[2], (E,), 0, N, dtype=jnp.int32)
    inp["edge_weight"] = jax.random.uniform(ks[3], (E,), dtype=jnp.float32)
    inp["h0"] = jax.random.normal(ks[4], (N, H), dtype=jnp.float32)
    inp["unique_idx"] = jax.random.randint(ks[5], (U,), 0, N, dtype=jnp.int32)
    # TGCN cell parameters (GCNConv weight/bias + gate linears)
    inp["Wz"] = jax.random.normal(ks[6], (D, H), dtype=jnp.float32) * 0.05
    inp["bz"] = jnp.zeros((H,), dtype=jnp.float32)
    inp["Wlz"] = jax.random.normal(ks[7], (2 * H, H), dtype=jnp.float32) * 0.05
    inp["blz"] = jnp.zeros((H,), dtype=jnp.float32)
    inp["Wr"] = jax.random.normal(ks[8], (D, H), dtype=jnp.float32) * 0.05
    inp["br"] = jnp.zeros((H,), dtype=jnp.float32)
    inp["Wlr"] = jax.random.normal(ks[9], (2 * H, H), dtype=jnp.float32) * 0.05
    inp["blr"] = jnp.zeros((H,), dtype=jnp.float32)
    inp["Wh"] = jax.random.normal(ks[10], (D, H), dtype=jnp.float32) * 0.05
    inp["bh"] = jnp.zeros((H,), dtype=jnp.float32)
    inp["Wlh"] = jax.random.normal(ks[11], (2 * H, H), dtype=jnp.float32) * 0.05
    inp["blh"] = jnp.zeros((H,), dtype=jnp.float32)
    # RecurrentGCN.linear
    inp["W_enc"] = jax.random.normal(ks[12], (H, H), dtype=jnp.float32) * 0.05
    inp["b_enc"] = jnp.zeros((H,), dtype=jnp.float32)
    # GraphPredictor
    inp["W_ln"] = jax.random.normal(ks[13], (H, H), dtype=jnp.float32) * 0.05
    inp["b_ln"] = jnp.zeros((H,), dtype=jnp.float32)
    inp["W_out"] = jax.random.normal(ks[14], (H, C), dtype=jnp.float32) * 0.05
    inp["b_out"] = jnp.zeros((C,), dtype=jnp.float32)
    return inp


def reference(node_feat, src, dst, edge_weight, h0, unique_idx,
              Wz, bz, Wlz, blz, Wr, br, Wlr, blr, Wh, bh, Wlh, blh,
              W_enc, b_enc, W_ln, b_ln, W_out, b_out):
    # TGCN cell (GRU-style gating with GCN convolutions)
    Z = jax.nn.sigmoid(jnp.concatenate([gcn_conv(node_feat, src, dst, edge_weight, Wz, bz), h0], axis=1) @ Wlz + blz)
    R = jax.nn.sigmoid(jnp.concatenate([gcn_conv(node_feat, src, dst, edge_weight, Wr, br), h0], axis=1) @ Wlr + blr)
    Htilde = jnp.tanh(jnp.concatenate([gcn_conv(node_feat, src, dst, edge_weight, Wh, bh), h0 * R], axis=1) @ Wlh + blh)
    h_0 = Z * h0 + (1.0 - Z) * Htilde
    # RecurrentGCN post-linear
    z = jax.nn.relu(h_0) @ W_enc + b_enc
    # graph pooling over unique nodes
    z_node = z[unique_idx]
    z_graph = jnp.mean(z_node, axis=0)
    # GraphPredictor decoder
    g = jax.nn.relu(z_graph @ W_ln + b_ln)
    pred = jax.nn.sigmoid(g @ W_out + b_out)
    return (pred, h_0)

if __name__ == "__main__":
    import jax
    _d = setup_inputs()
    print(jax.jit(kernel)(*tuple(_d.values())))

</pallas_src>

<mosaic_0001>
#map = affine_map<(d0, d1) -> (0, 0, 0)>
#map1 = affine_map<(d0, d1) -> (0)>
module attributes {stable_mosaic.version = 14 : i64} {
  func.func @sc_kernel(%arg0: i32, %arg1: i32, %arg2: memref<32x81x128xi32, #tpu.memory_space<hbm>>, %arg3: memref<32x81x128xi32, #tpu.memory_space<hbm>>, %arg4: memref<32x81x128xf32, #tpu.memory_space<hbm>>, %arg5: memref<16x3x128xi32, #tpu.memory_space<hbm>>, %arg6: memref<2x10240x64xf32, #tpu.memory_space<hbm>>, %arg7: memref<2x10240x64xf32, #tpu.memory_space<hbm>>, %arg8: memref<10240xf32, #tpu.memory_space<hbm>>, %arg9: memref<81x128xi32, #tpu.memory_space<vmem>>, %arg10: memref<81x128xf32, #tpu.memory_space<vmem>>, %arg11: memref<81x128xi32, #tpu.memory_space<vmem>>, %arg12: memref<10240xf32, #tpu.memory_space<vmem>>, %arg13: memref<32x64xf32, #tpu.memory_space<vmem>>, %arg14: memref<3x128xi32, #tpu.memory_space<vmem>>, %arg15: memref<3x128xf32, #tpu.memory_space<vmem>>, %arg16: memref<4x128x64xf32, #tpu.memory_space<vmem>>, %arg17: memref<4x!tpu.dma_semaphore, #tpu.memory_space<semaphore_mem>>, %arg18: memref<4x!tpu.dma_semaphore, #tpu.memory_space<semaphore_mem>>, %arg19: memref<!tpu.dma_semaphore, #tpu.memory_space<semaphore_mem>>, %arg20: memref<10240x64xf32, #tpu.memory_space<vmem_shared>>, %arg21: memref<10240xf32, #tpu.memory_space<vmem_shared>>, %arg22: memref<10240xf32, #tpu.memory_space<vmem_shared>>, %arg23: memref<10240xf32, #tpu.memory_space<vmem_shared>>) attributes {dimension_semantics = [#tpu.dimension_semantics<core_parallel>, #tpu.dimension_semantics<subcore_parallel>], iteration_bounds = array<i64: 2, 16>, scalar_prefetch = 0 : i64, scratch_operands = 15 : i64, tpu.core_type = #tpu.core_type<sc_vector_subcore>, window_params = [{transform_indices = #map}, {transform_indices = #map}, {transform_indices = #map}, {transform_indices = #map}, {transform_indices = #map}, {transform_indices = #map}, {transform_indices = #map1}]} {
    %dma_start3A = arith.constant 0 : i32
    %dma_start3A_0 = arith.constant 0 : i32
    %dma_start3A_1 = tpu.memref_slice %arg3[%arg1, %dma_start3A, %dma_start3A_0] : memref<32x81x128xi32, #tpu.memory_space<hbm>> -> memref<1x81x128xi32, #tpu.memory_space<hbm>>
    %dma_start3A_2 = tpu.memref_squeeze %dma_start3A_1 : memref<1x81x128xi32, #tpu.memory_space<hbm>> -> memref<81x128xi32, #tpu.memory_space<hbm>>
    %dma_start3A_3 = arith.constant 0 : i32
    %dma_start3A_4 = arith.constant 0 : i32
    %dma_start3A_5 = tpu.memref_slice %arg3[%arg1, %dma_start3A_3, %dma_start3A_4] : memref<32x81x128xi32, #tpu.memory_space<hbm>> -> memref<1x81x128xi32, #tpu.memory_space<hbm>>
    %dma_start3A_6 = tpu.memref_squeeze %dma_start3A_5 : memref<1x81x128xi32, #tpu.memory_space<hbm>> -> memref<81x128xi32, #tpu.memory_space<hbm>>
    tpu.enqueue_dma source(%dma_start3A_6 : memref<81x128xi32, #tpu.memory_space<hbm>>) target(%arg9 : memref<81x128xi32, #tpu.memory_space<vmem>>) target_semaphore(%arg19 : memref<!tpu.dma_semaphore, #tpu.memory_space<semaphore_mem>>)
    %dma_start3A_7 = arith.constant 0 : i32
    %dma_start3A_8 = arith.constant 0 : i32
    %dma_start3A_9 = tpu.memref_slice %arg4[%arg1, %dma_start3A_7, %dma_start3A_8] : memref<32x81x128xf32, #tpu.memory_space<hbm>> -> memref<1x81x128xf32, #tpu.memory_space<hbm>>
    %dma_start3A_10 = tpu.memref_squeeze %dma_start3A_9 : memref<1x81x128xf32, #tpu.memory_space<hbm>> -> memref<81x128xf32, #tpu.memory_space<hbm>>
    %dma_start3A_11 = arith.constant 0 : i32
    %dma_start3A_12 = arith.constant 0 : i32
    %dma_start3A_13 = tpu.memref_slice %arg4[%arg1, %dma_start3A_11, %dma_start3A_12] : memref<32x81x128xf32, #tpu.memory_space<hbm>> -> memref<1x81x128xf32, #tpu.memory_space<hbm>>
    %dma_start3A_14 = tpu.memref_squeeze %dma_start3A_13 : memref<1x81x128xf32, #tpu.memory_space<hbm>> -> memref<81x128xf32, #tpu.memory_space<hbm>>
    tpu.enqueue_dma source(%dma_start3A_14 : memref<81x128xf32, #tpu.memory_space<hbm>>) target(%arg10 : memref<81x128xf32, #tpu.memory_space<vmem>>) target_semaphore(%arg19 : memref<!tpu.dma_semaphore, #tpu.memory_space<semaphore_mem>>)
    %scan3A = arith.constant 0 : i32
    %scan3A_15 = arith.constant 0 : i32
    %scan3A_16 = arith.constant 640 : i32
    %scan3A_17 = arith.addi %scan3A_15, %scan3A_16 : i32
    %scan3A_18 = arith.constant 1 : i32
    %scan3A_19 = scf.for %scan3A_1039 = %scan3A_15 to %scan3A_17 step %scan3A_18 iter_args(%scan3A_1040 = %scan3A) -> (i32)  : i32 {
      %broadcast_in_dim3A = arith.constant 0.000000e+00 : f32
      %broadcast_in_dim3A_1041 = vector.broadcast %broadcast_in_dim3A : f32 to vector<16xf32>
      %mul3A_1042 = arith.constant 16 : i32
      %mul3A_1043 = arith.muli %scan3A_1039, %mul3A_1042 : i32
      %swap3A_1044 = arith.index_cast %mul3A_1043 : i32 to index
      %swap3A_1045 = tpu.vector_load %arg12[%swap3A_1044] {strides = array<i32>} : memref<10240xf32, #tpu.memory_space<vmem>>, vector<16xf32>,
      tpu.vector_store %arg12[%swap3A_1044], %broadcast_in_dim3A_1041 {strides = array<i32>} : memref<10240xf32, #tpu.memory_space<vmem>>, vector<16xf32>,
      %scan3A_1046 = arith.constant 0 : i32
      scf.yield %scan3A_1046 : i32
    }
    %scan3A_20 = arith.constant 640 : i32
    %scan3A_21 = arith.constant 0 : i32
    %scan3A_22 = arith.constant 0 : i32
    %scan3A_23 = arith.constant 32 : i32
    %scan3A_24 = arith.addi %scan3A_22, %scan3A_23 : i32
    %scan3A_25 = arith.constant 1 : i32
    %scan3A_26 = scf.for %scan3A_1039 = %scan3A_22 to %scan3A_24 step %scan3A_25 iter_args(%scan3A_1040 = %scan3A_21) -> (i32)  : i32 {
      %broadcast_in_dim3A = arith.constant 0.000000e+00 : f32
      %broadcast_in_dim3A_1041 = vector.broadcast %broadcast_in_dim3A : f32 to vector<16xf32>
      %swap3A_1042 = arith.index_cast %scan3A_1039 : i32 to index
      %swap3A_1043 = arith.constant 0 : index
      %swap3A_1044 = tpu.vector_load %arg13[%swap3A_1042, %swap3A_1043] {strides = array<i32>} : memref<32x64xf32, #tpu.memory_space<vmem>>, vector<16xf32>,
      tpu.vector_store %arg13[%swap3A_1042, %swap3A_1043], %broadcast_in_dim3A_1041 {strides = array<i32>} : memref<32x64xf32, #tpu.memory_space<vmem>>, vector<16xf32>,
      %broadcast_in_dim3A_1045 = arith.constant 0.000000e+00 : f32
      %broadcast_in_dim3A_1046 = vector.broadcast %broadcast_in_dim3A_1045 : f32 to vector<16xf32>
      %swap3A_1047 = arith.index_cast %scan3A_1039 : i32 to index
      %swap3A_1048 = arith.constant 16 : index
      %swap3A_1049 = tpu.vector_load %arg13[%swap3A_1047, %swap3A_1048] {strides = array<i32>} : memref<32x64xf32, #tpu.memory_space<vmem>>, vector<16xf32>,
      tpu.vector_store %arg13[%swap3A_1047, %swap3A_1048], %broadcast_in_dim3A_1046 {strides = array<i32>} : memref<32x64xf32, #tpu.memory_space<vmem>>, vector<16xf32>,
      %broadcast_in_dim3A_1050 = arith.constant 0.000000e+00 : f32
      %broadcast_in_dim3A_1051 = vector.broadcast %broadcast_in_dim3A_1050 : f32 to vector<16xf32>
      %swap3A_1052 = arith.index_cast %scan3A_1039 : i32 to index
      %swap3A_1053 = arith.constant 32 : index
      %swap3A_1054 = tpu.vector_load %arg13[%swap3A_1052, %swap3A_1053] {strides = array<i32>} : memref<32x64xf32, #tpu.memory_space<vmem>>, vector<16xf32>,
      tpu.vector_store %arg13[%swap3A_1052, %swap3A_1053], %broadcast_in_dim3A_1051 {strides = array<i32>} : memref<32x64xf32, #tpu.memory_space<vmem>>, vector<16xf32>,
      %broadcast_in_dim3A_1055 = arith.constant 0.000000e+00 : f32
      %broadcast_in_dim3A_1056 = vector.broadcast %broadcast_in_dim3A_1055 : f32 to vector<16xf32>
      %swap3A_1057 = arith.index_cast %scan3A_1039 : i32 to index
      %swap3A_1058 = arith.constant 48 : index
      %swap3A_1059 = tpu.vector_load %arg13[%swap3A_1057, %swap3A_1058] {strides = array<i32>} : memref<32x64xf32, #tpu.memory_space<vmem>>, vector<16xf32>,
      tpu.vector_store %arg13[%swap3A_1057, %swap3A_1058], %broadcast_in_dim3A_1056 {strides = array<i32>} : memref<32x64xf32, #tpu.memory_space<vmem>>, vector<16xf32>,
      %scan3A_1060 = arith.constant 0 : i32
      scf.yield %scan3A_1060 : i32
    }
    %scan3A_27 = arith.constant 32 : i32
    %scan3A_28 = arith.constant 0 : i32
    %scan3A_29 = arith.constant 0 : i32
    %scan3A_30 = arith.constant 8 : i32
    %scan3A_31 = arith.addi %scan3A_29, %scan3A_30 : i32
    %scan3A_32 = arith.constant 1 : i32
    %scan3A_33 = scf.for %scan3A_1039 = %scan3A_29 to %scan3A_31 step %scan3A_32 iter_args(%scan3A_1040 = %scan3A_28) -> (i32)  : i32 {
      %broadcast_in_dim3A = arith.constant 1.000000e+00 : f32
      %broadcast_in_dim3A_1041 = vector.broadcast %broadcast_in_dim3A : f32 to vector<16xf32>
      %mul3A_1042 = arith.constant 16 : i32
      %mul3A_1043 = arith.muli %scan3A_1039, %mul3A_1042 : i32
      %swap3A_1044 = arith.constant 0 : i32
      %swap3A_1045 = arith.index_cast %swap3A_1044 : i32 to index
      %swap3A_1046 = arith.index_cast %mul3A_1043 : i32 to index
      %swap3A_1047 = tpu.vector_load %arg15[%swap3A_1045, %swap3A_1046] {strides = array<i32>} : memref<3x128xf32, #tpu.memory_space<vmem>>, vector<16xf32>,
      tpu.vector_store %arg15[%swap3A_1045, %swap3A_1046], %broadcast_in_dim3A_1041 {strides = array<i32>} : memref<3x128xf32, #tpu.memory_space<vmem>>, vector<16xf32>,
      %broadcast_in_dim3A_1048 = arith.constant 1.000000e+00 : f32
      %broadcast_in_dim3A_1049 = vector.broadcast %broadcast_in_dim3A_1048 : f32 to vector<16xf32>
      %mul3A_1050 = arith.constant 16 : i32
      %mul3A_1051 = arith.muli %scan3A_1039, %mul3A_1050 : i32
      %swap3A_1052 = arith.constant 1 : i32
      %swap3A_1053 = arith.index_cast %swap3A_1052 : i32 to index
      %swap3A_1054 = arith.index_cast %mul3A_1051 : i32 to index
      %swap3A_1055 = tpu.vector_load %arg15[%swap3A_1053, %swap3A_1054] {strides = array<i32>} : memref<3x128xf32, #tpu.memory_space<vmem>>, vector<16xf32>,
      tpu.vector_store %arg15[%swap3A_1053, %swap3A_1054], %broadcast_in_dim3A_1049 {strides = array<i32>} : memref<3x128xf32, #tpu.memory_space<vmem>>, vector<16xf32>,
      %broadcast_in_dim3A_1056 = arith.constant 1.000000e+00 : f32
      %broadcast_in_dim3A_1057 = vector.broadcast %broadcast_in_dim3A_1056 : f32 to vector<16xf32>
      %mul3A_1058 = arith.constant 16 : i32
      %mul3A_1059 = arith.muli %scan3A_1039, %mul3A_1058 : i32
      %swap3A_1060 = arith.constant 2 : i32
      %swap3A_1061 = arith.index_cast %swap3A_1060 : i32 to index
      %swap3A_1062 = arith.index_cast %mul3A_1059 : i32 to index
      %swap3A_1063 = tpu.vector_load %arg15[%swap3A_1061, %swap3A_1062] {strides = array<i32>} : memref<3x128xf32, #tpu.memory_space<vmem>>, vector<16xf32>,
      tpu.vector_store %arg15[%swap3A_1061, %swap3A_1062], %broadcast_in_dim3A_1057 {strides = array<i32>} : memref<3x128xf32, #tpu.memory_space<vmem>>, vector<16xf32>,
      %scan3A_1064 = arith.constant 0 : i32
      scf.yield %scan3A_1064 : i32
    }
    %scan3A_34 = arith.constant 8 : i32
    %mul3A = arith.constant 640 : i32
    %mul3A_35 = arith.muli %arg1, %mul3A : i32
    %add3A = arith.constant 0 : i32
    %add3A_36 = arith.addi %mul3A_35, %add3A : i32
    "tpu.region"() ({
      %run_scoped3A_1039 = tpu.sem_alloc : memref<!tpu.dma_semaphore, #tpu.memory_space<semaphore_mem>>
      %dma_start3A_1040 = arith.constant 0 : i32
      %dma_start3A_1041 = tpu.memref_slice %arg20[%add3A_36, %dma_start3A_1040] : memref<10240x64xf32, #tpu.memory_space<vmem_shared>> -> memref<32x64xf32, #tpu.memory_space<vmem_shared>>
      %dma_start3A_1042 = arith.constant 0 : i32
      %dma_start3A_1043 = tpu.memref_slice %arg20[%add3A_36, %dma_start3A_1042] : memref<10240x64xf32, #tpu.memory_space<vmem_shared>> -> memref<32x64xf32, #tpu.memory_space<vmem_shared>>
      tpu.enqueue_dma source(%arg13 : memref<32x64xf32, #tpu.memory_space<vmem>>) target(%dma_start3A_1043 : memref<32x64xf32, #tpu.memory_space<vmem_shared>>) target_semaphore(%run_scoped3A_1039 : memref<!tpu.dma_semaphore, #tpu.memory_space<semaphore_mem>>)
      %dma_wait3A_1044 = arith.constant 0 : i32
      %dma_wait3A_1045 = tpu.memref_slice %arg20[%add3A_36, %dma_wait3A_1044] : memref<10240x64xf32, #tpu.memory_space<vmem_shared>> -> memref<32x64xf32, #tpu.memory_space<vmem_shared>>
      %dma_wait3A_1046 = arith.constant 0 : i32
      %dma_wait3A_1047 = tpu.memref_slice %arg20[%add3A_36, %dma_wait3A_1046] : memref<10240x64xf32, #tpu.memory_space<vmem_shared>> -> memref<32x64xf32, #tpu.memory_space<vmem_shared>>
      tpu.wait_dma2 semaphore(%run_scoped3A_1039 : memref<!tpu.dma_semaphore, #tpu.memory_space<semaphore_mem>>) src(%arg13 : memref<32x64xf32, #tpu.memory_space<vmem>>) dst(%dma_wait3A_1047 : memref<32x64xf32, #tpu.memory_space<vmem_shared>>)
      tpu.yield
    }) : () -> ()
    %mul3A_37 = arith.constant 640 : i32
    %mul3A_38 = arith.muli %arg1, %mul3A_37 : i32
    %add3A_39 = arith.constant 32 : i32
    %add3A_40 = arith.addi %mul3A_38, %add3A_39 : i32
    "tpu.region"() ({
      %run_scoped3A_1039 = tpu.sem_alloc : memref<!tpu.dma_semaphore, #tpu.memory_space<semaphore_mem>>
      %dma_start3A_1040 = arith.constant 0 : i32
      %dma_start3A_1041 = tpu.memref_slice %arg20[%add3A_40, %dma_start3A_1040] : memref<10240x64xf32, #tpu.memory_space<vmem_shared>> -> memref<32x64xf32, #tpu.memory_space<vmem_shared>>
      %dma_start3A_1042 = arith.constant 0 : i32
      %dma_start3A_1043 = tpu.memref_slice %arg20[%add3A_40, %dma_start3A_1042] : memref<10240x64xf32, #tpu.memory_space<vmem_shared>> -> memref<32x64xf32, #tpu.memory_space<vmem_shared>>
      tpu.enqueue_dma source(%arg13 : memref<32x64xf32, #tpu.memory_space<vmem>>) target(%dma_start3A_1043 : memref<32x64xf32, #tpu.memory_space<vmem_shared>>) target_semaphore(%run_scoped3A_1039 : memref<!tpu.dma_semaphore, #tpu.memory_space<semaphore_mem>>)
      %dma_wait3A_1044 = arith.constant 0 : i32
      %dma_wait3A_1045 = tpu.memref_slice %arg20[%add3A_40, %dma_wait3A_1044] : memref<10240x64xf32, #tpu.memory_space<vmem_shared>> -> memref<32x64xf32, #tpu.memory_space<vmem_shared>>
      %dma_wait3A_1046 = arith.constant 0 : i32
      %dma_wait3A_1047 = tpu.memref_slice %arg20[%add3A_40, %dma_wait3A_1046] : memref<10240x64xf32, #tpu.memory_space<vmem_shared>> -> memref<32x64xf32, #tpu.memory_space<vmem_shared>>
      tpu.wait_dma2 semaphore(%run_scoped3A_1039 : memref<!tpu.dma_semaphore, #tpu.memory_space<semaphore_mem>>) src(%arg13 : memref<32x64xf32, #tpu.memory_space<vmem>>) dst(%dma_wait3A_1047 : memref<32x64xf32, #tpu.memory_space<vmem_shared>>)
      tpu.yield
    }) : () -> ()
    %mul3A_41 = arith.constant 640 : i32
    %mul3A_42 = arith.muli %arg1, %mul3A_41 : i32
    %add3A_43 = arith.constant 64 : i32
    %add3A_44 = arith.addi %mul3A_42, %add3A_43 : i32
    "tpu.region"() ({
      %run_scoped3A_1039 = tpu.sem_alloc : memref<!tpu.dma_semaphore, #tpu.memory_space<semaphore_mem>>
      %dma_start3A_1040 = arith.constant 0 : i32
      %dma_start3A_1041 = tpu.memref_slice %arg20[%add3A_44, %dma_start3A_1040] : memref<10240x64xf32, #tpu.memory_space<vmem_shared>> -> memref<32x64xf32, #tpu.memory_space<vmem_shared>>
      %dma_start3A_1042 = arith.constant 0 : i32
      %dma_start3A_1043 = tpu.memref_slice %arg20[%add3A_44, %dma_start3A_1042] : memref<10240x64xf32, #tpu.memory_space<vmem_shared>> -> memref<32x64xf32, #tpu.memory_space<vmem_shared>>
      tpu.enqueue_dma source(%arg13 : memref<32x64xf32, #tpu.memory_space<vmem>>) target(%dma_start3A_1043 : memref<32x64xf32, #tpu.memory_space<vmem_shared>>) target_semaphore(%run_scoped3A_1039 : memref<!tpu.dma_semaphore, #tpu.memory_space<semaphore_mem>>)
      %dma_wait3A_1044 = arith.constant 0 : i32
      %dma_wait3A_1045 = tpu.memref_slice %arg20[%add3A_44, %dma_wait3A_1044] : memref<10240x64xf32, #tpu.memory_space<vmem_shared>> -> memref<32x64xf32, #tpu.memory_space<vmem_shared>>
      %dma_wait3A_1046 = arith.constant 0 : i32
      %dma_wait3A_1047 = tpu.memref_slice %arg20[%add3A_44, %dma_wait3A_1046] : memref<10240x64xf32, #tpu.memory_space<vmem_shared>> -> memref<32x64xf32, #tpu.memory_space<vmem_shared>>
      tpu.wait_dma2 semaphore(%run_scoped3A_1039 : memref<!tpu.dma_semaphore, #tpu.memory_space<semaphore_mem>>) src(%arg13 : memref<32x64xf32, #tpu.memory_space<vmem>>) dst(%dma_wait3A_1047 : memref<32x64xf32, #tpu.memory_space<vmem_shared>>)
      tpu.yield
    }) : () -> ()
    %mul3A_45 = arith.constant 640 : i32
    %mul3A_46 = arith.muli %arg1, %mul3A_45 : i32
    %add3A_47 = arith.constant 96 : i32
    %add3A_48 = arith.addi %mul3A_46, %add3A_47 : i32
    "tpu.region"() ({
      %run_scoped3A_1039 = tpu.sem_alloc : memref<!tpu.dma_semaphore, #tpu.memory_space<semaphore_mem>>
      %dma_start3A_1040 = arith.constant 0 : i32
      %dma_start3A_1041 = tpu.memref_slice %arg20[%add3A_48, %dma_start3A_1040] : memref<10240x64xf32, #tpu.memory_space<vmem_shared>> -> memref<32x64xf32, #tpu.memory_space<vmem_shared>>
      %dma_start3A_1042 = arith.constant 0 : i32
      %dma_start3A_1043 = tpu.memref_slice %arg20[%add3A_48, %dma_start3A_1042] : memref<10240x64xf32, #tpu.memory_space<vmem_shared>> -> memref<32x64xf32, #tpu.memory_space<vmem_shared>>
      tpu.enqueue_dma source(%arg13 : memref<32x64xf32, #tpu.memory_space<vmem>>) target(%dma_start3A_1043 : memref<32x64xf32, #tpu.memory_space<vmem_shared>>) target_semaphore(%run_scoped3A_1039 : memref<!tpu.dma_semaphore, #tpu.memory_space<semaphore_mem>>)
      %dma_wait3A_1044 = arith.constant 0 : i32
      %dma_wait3A_1045 = tpu.memref_slice %arg20[%add3A_48, %dma_wait3A_1044] : memref<10240x64xf32, #tpu.memory_space<vmem_shared>> -> memref<32x64xf32, #tpu.memory_space<vmem_shared>>
      %dma_wait3A_1046 = arith.constant 0 : i32
      %dma_wait3A_1047 = tpu.memref_slice %arg20[%add3A_48, %dma_wait3A_1046] : memref<10240x64xf32, #tpu.memory_space<vmem_shared>> -> memref<32x64xf32, #tpu.memory_space<vmem_shared>>
      tpu.wait_dma2 semaphore(%run_scoped3A_1039 : memref<!tpu.dma_semaphore, #tpu.memory_space<semaphore_mem>>) src(%arg13 : memref<32x64xf32, #tpu.memory_space<vmem>>) dst(%dma_wait3A_1047 : memref<32x64xf32, #tpu.memory_space<vmem_shared>>)
      tpu.yield
    }) : () -> ()
    %mul3A_49 = arith.constant 640 : i32
    %mul3A_50 = arith.muli %arg1, %mul3A_49 : i32
    %add3A_51 = arith.constant 128 : i32
    %add3A_52 = arith.addi %mul3A_50, %add3A_51 : i32
    "tpu.region"() ({
      %run_scoped3A_1039 = tpu.sem_alloc : memref<!tpu.dma_semaphore, #tpu.memory_space<semaphore_mem>>
      %dma_start3A_1040 = arith.constant 0 : i32
      %dma_start3A_1041 = tpu.memref_slice %arg20[%add3A_52, %dma_start3A_1040] : memref<10240x64xf32, #tpu.memory_space<vmem_shared>> -> memref<32x64xf32, #tpu.memory_space<vmem_shared>>
      %dma_start3A_1042 = arith.constant 0 : i32
      %dma_start3A_1043 = tpu.memref_slice %arg20[%add3A_52, %dma_start3A_1042] : memref<10240x64xf32, #tpu.memory_space<vmem_shared>> -> memref<32x64xf32, #tpu.memory_space<vmem_shared>>
      tpu.enqueue_dma source(%arg13 : memref<32x64xf32, #tpu.memory_space<vmem>>) target(%dma_start3A_1043 : memref<32x64xf32, #tpu.memory_space<vmem_shared>>) target_semaphore(%run_scoped3A_1039 : memref<!tpu.dma_semaphore, #tpu.memory_space<semaphore_mem>>)
      %dma_wait3A_1044 = arith.constant 0 : i32
      %dma_wait3A_1045 = tpu.memref_slice %arg20[%add3A_52, %dma_wait3A_1044] : memref<10240x64xf32, #tpu.memory_space<vmem_shared>> -> memref<32x64xf32, #tpu.memory_space<vmem_shared>>
      %dma_wait3A_1046 = arith.constant 0 : i32
      %dma_wait3A_1047 = tpu.memref_slice %arg20[%add3A_52, %dma_wait3A_1046] : memref<10240x64xf32, #tpu.memory_space<vmem_shared>> -> memref<32x64xf32, #tpu.memory_space<vmem_shared>>
      tpu.wait_dma2 semaphore(%run_scoped3A_1039 : memref<!tpu.dma_semaphore, #tpu.memory_space<semaphore_mem>>) src(%arg13 : memref<32x64xf32, #tpu.memory_space<vmem>>) dst(%dma_wait3A_1047 : memref<32x64xf32, #tpu.memory_space<vmem_shared>>)
      tpu.yield
    }) : () -> ()
    %mul3A_53 = arith.constant 640 : i32
    %mul3A_54 = arith.muli %arg1, %mul3A_53 : i32
    %add3A_55 = arith.constant 160 : i32
    %add3A_56 = arith.addi %mul3A_54, %add3A_55 : i32
    "tpu.region"() ({
      %run_scoped3A_1039 = tpu.sem_alloc : memref<!tpu.dma_semaphore, #tpu.memory_space<semaphore_mem>>
      %dma_start3A_1040 = arith.constant 0 : i32
      %dma_start3A_1041 = tpu.memref_slice %arg20[%add3A_56, %dma_start3A_1040] : memref<10240x64xf32, #tpu.memory_space<vmem_shared>> -> memref<32x64xf32, #tpu.memory_space<vmem_shared>>
      %dma_start3A_1042 = arith.constant 0 : i32
      %dma_start3A_1043 = tpu.memref_slice %arg20[%add3A_56, %dma_start3A_1042] : memref<10240x64xf32, #tpu.memory_space<vmem_shared>> -> memref<32x64xf32, #tpu.memory_space<vmem_shared>>
      tpu.enqueue_dma source(%arg13 : memref<32x64xf32, #tpu.memory_space<vmem>>) target(%dma_start3A_1043 : memref<32x64xf32, #tpu.memory_space<vmem_shared>>) target_semaphore(%run_scoped3A_1039 : memref<!tpu.dma_semaphore, #tpu.memory_space<semaphore_mem>>)
      %dma_wait3A_1044 = arith.constant 0 : i32
      %dma_wait3A_1045 = tpu.memref_slice %arg20[%add3A_56, %dma_wait3A_1044] : memref<10240x64xf32, #tpu.memory_space<vmem_shared>> -> memref<32x64xf32, #tpu.memory_space<vmem_shared>>
      %dma_wait3A_1046 = arith.constant 0 : i32
      %dma_wait3A_1047 = tpu.memref_slice %arg20[%add3A_56, %dma_wait3A_1046] : memref<10240x64xf32, #tpu.memory_space<vmem_shared>> -> memref<32x64xf32, #tpu.memory_space<vmem_shared>>
      tpu.wait_dma2 semaphore(%run_scoped3A_1039 : memref<!tpu.dma_semaphore, #tpu.memory_space<semaphore_mem>>) src(%arg13 : memref<32x64xf32, #tpu.memory_space<vmem>>) dst(%dma_wait3A_1047 : memref<32x64xf32, #tpu.memory_space<vmem_shared>>)
      tpu.yield
    }) : () -> ()
    %mul3A_57 = arith.constant 640 : i32
    %mul3A_58 = arith.muli %arg1, %mul3A_57 : i32
    %add3A_59 = arith.constant 192 : i32
    %add3A_60 = arith.addi %mul3A_58, %add3A_59 : i32
    "tpu.region"() ({
      %run_scoped3A_1039 = tpu.sem_alloc : memref<!tpu.dma_semaphore, #tpu.memory_space<semaphore_mem>>
      %dma_start3A_1040 = arith.constant 0 : i32
      %dma_start3A_1041 = tpu.memref_slice %arg20[%add3A_60, %dma_start3A_1040] : memref<10240x64xf32, #tpu.memory_space<vmem_shared>> -> memref<32x64xf32, #tpu.memory_space<vmem_shared>>
      %dma_start3A_1042 = arith.constant 0 : i32
      %dma_start3A_1043 = tpu.memref_slice %arg20[%add3A_60, %dma_start3A_1042] : memref<10240x64xf32, #tpu.memory_space<vmem_shared>> -> memref<32x64xf32, #tpu.memory_space<vmem_shared>>
      tpu.enqueue_dma source(%arg13 : memref<32x64xf32, #tpu.memory_space<vmem>>) target(%dma_start3A_1043 : memref<32x64xf32, #tpu.memory_space<vmem_shared>>) target_semaphore(%run_scoped3A_1039 : memref<!tpu.dma_semaphore, #tpu.memory_space<semaphore_mem>>)
      %dma_wait3A_1044 = arith.constant 0 : i32
      %dma_wait3A_1045 = tpu.memref_slice %arg20[%add3A_60, %dma_wait3A_1044] : memref<10240x64xf32, #tpu.memory_space<vmem_shared>> -> memref<32x64xf32, #tpu.memory_space<vmem_shared>>
      %dma_wait3A_1046 = arith.constant 0 : i32
      %dma_wait3A_1047 = tpu.memref_slice %arg20[%add3A_60, %dma_wait3A_1046] : memref<10240x64xf32, #tpu.memory_space<vmem_shared>> -> memref<32x64xf32, #tpu.memory_space<vmem_shared>>
      tpu.wait_dma2 semaphore(%run_scoped3A_1039 : memref<!tpu.dma_semaphore, #tpu.memory_space<semaphore_mem>>) src(%arg13 : memref<32x64xf32, #tpu.memory_space<vmem>>) dst(%dma_wait3A_1047 : memref<32x64xf32, #tpu.memory_space<vmem_shared>>)
      tpu.yield
    }) : () -> ()
    %mul3A_61 = arith.constant 640 : i32
    %mul3A_62 = arith.muli %arg1, %mul3A_61 : i32
    %add3A_63 = arith.constant 224 : i32
    %add3A_64 = arith.addi %mul3A_62, %add3A_63 : i32
    "tpu.region"() ({
      %run_scoped3A_1039 = tpu.sem_alloc : memref<!tpu.dma_semaphore, #tpu.memory_space<semaphore_mem>>
      %dma_start3A_1040 = arith.constant 0 : i32
      %dma_start3A_1041 = tpu.memref_slice %arg20[%add3A_64, %dma_start3A_1040] : memref<10240x64xf32, #tpu.memory_space<vmem_shared>> -> memref<32x64xf32, #tpu.memory_space<vmem_shared>>
      %dma_start3A_1042 = arith.constant 0 : i32
      %dma_start3A_1043 = tpu.memref_slice %arg20[%add3A_64, %dma_start3A_1042] : memref<10240x64xf32, #tpu.memory_space<vmem_shared>> -> memref<32x64xf32, #tpu.memory_space<vmem_shared>>
      tpu.enqueue_dma source(%arg13 : memref<32x64xf32, #tpu.memory_space<vmem>>) target(%dma_start3A_1043 : memref<32x64xf32, #tpu.memory_space<vmem_shared>>) target_semaphore(%run_scoped3A_1039 : memref<!tpu.dma_semaphore, #tpu.memory_space<semaphore_mem>>)
      %dma_wait3A_1044 = arith.constant 0 : i32
      %dma_wait3A_1045 = tpu.memref_slice %arg20[%add3A_64, %dma_wait3A_1044] : memref<10240x64xf32, #tpu.memory_space<vmem_shared>> -> memref<32x64xf32, #tpu.memory_space<vmem_shared>>
      %dma_wait3A_1046 = arith.constant 0 : i32
      %dma_wait3A_1047 = tpu.memref_slice %arg20[%add3A_64, %dma_wait3A_1046] : memref<10240x64xf32, #tpu.memory_space<vmem_shared>> -> memref<32x64xf32, #tpu.memory_space<vmem_shared>>
      tpu.wait_dma2 semaphore(%run_scoped3A_1039 : memref<!tpu.dma_semaphore, #tpu.memory_space<semaphore_mem>>) src(%arg13 : memref<32x64xf32, #tpu.memory_space<vmem>>) dst(%dma_wait3A_1047 : memref<32x64xf32, #tpu.memory_space<vmem_shared>>)
      tpu.yield
    }) : () -> ()
    %mul3A_65 = arith.constant 640 : i32
    %mul3A_66 = arith.muli %arg1, %mul3A_65 : i32
    %add3A_67 = arith.constant 256 : i32
    %add3A_68 = arith.addi %mul3A_66, %add3A_67 : i32
    "tpu.region"() ({
      %run_scoped3A_1039 = tpu.sem_alloc : memref<!tpu.dma_semaphore, #tpu.memory_space<semaphore_mem>>
      %dma_start3A_1040 = arith.constant 0 : i32
      %dma_start3A_1041 = tpu.memref_slice %arg20[%add3A_68, %dma_start3A_1040] : memref<10240x64xf32, #tpu.memory_space<vmem_shared>> -> memref<32x64xf32, #tpu.memory_space<vmem_shared>>
      %dma_start3A_1042 = arith.constant 0 : i32
      %dma_start3A_1043 = tpu.memref_slice %arg20[%add3A_68, %dma_start3A_1042] : memref<10240x64xf32, #tpu.memory_space<vmem_shared>> -> memref<32x64xf32, #tpu.memory_space<vmem_shared>>
      tpu.enqueue_dma source(%arg13 : memref<32x64xf32, #tpu.memory_space<vmem>>) target(%dma_start3A_1043 : memref<32x64xf32, #tpu.memory_space<vmem_shared>>) target_semaphore(%run_scoped3A_1039 : memref<!tpu.dma_semaphore, #tpu.memory_space<semaphore_mem>>)
      %dma_wait3A_1044 = arith.constant 0 : i32
      %dma_wait3A_1045 = tpu.memref_slice %arg20[%add3A_68, %dma_wait3A_1044] : memref<10240x64xf32, #tpu.memory_space<vmem_shared>> -> memref<32x64xf32, #tpu.memory_space<vmem_shared>>
      %dma_wait3A_1046 = arith.constant 0 : i32
      %dma_wait3A_1047 = tpu.memref_slice %arg20[%add3A_68, %dma_wait3A_1046] : memref<10240x64xf32, #tpu.memory_space<vmem_shared>> -> memref<32x64xf32, #tpu.memory_space<vmem_shared>>
      tpu.wait_dma2 semaphore(%run_scoped3A_1039 : memref<!tpu.dma_semaphore, #tpu.memory_space<semaphore_mem>>) src(%arg13 : memref<32x64xf32, #tpu.memory_space<vmem>>) dst(%dma_wait3A_1047 : memref<32x64xf32, #tpu.memory_space<vmem_shared>>)
      tpu.yield
    }) : () -> ()
    %mul3A_69 = arith.constant 640 : i32
    %mul3A_70 = arith.muli %arg1, %mul3A_69 : i32
    %add3A_71 = arith.constant 288 : i32
    %add3A_72 = arith.addi %mul3A_70, %add3A_71 : i32
    "tpu.region"() ({
      %run_scoped3A_1039 = tpu.sem_alloc : memref<!tpu.dma_semaphore, #tpu.memory_space<semaphore_mem>>
      %dma_start3A_1040 = arith.constant 0 : i32
      %dma_start3A_1041 = tpu.memref_slice %arg20[%add3A_72, %dma_start3A_1040] : memref<10240x64xf32, #tpu.memory_space<vmem_shared>> -> memref<32x64xf32, #tpu.memory_space<vmem_shared>>
      %dma_start3A_1042 = arith.constant 0 : i32
      %dma_start3A_1043 = tpu.memref_slice %arg20[%add3A_72, %dma_start3A_1042] : memref<10240x64xf32, #tpu.memory_space<vmem_shared>> -> memref<32x64xf32, #tpu.memory_space<vmem_shared>>
      tpu.enqueue_dma source(%arg13 : memref<32x64xf32, #tpu.memory_space<vmem>>) target(%dma_start3A_1043 : memref<32x64xf32, #tpu.memory_space<vmem_shared>>) target_semaphore(%run_scoped3A_1039 : memref<!tpu.dma_semaphore, #tpu.memory_space<semaphore_mem>>)
      %dma_wait3A_1044 = arith.constant 0 : i32
      %dma_wait3A_1045 = tpu.memref_slice %arg20[%add3A_72, %dma_wait3A_1044] : memref<10240x64xf32, #tpu.memory_space<vmem_shared>> -> memref<32x64xf32, #tpu.memory_space<vmem_shared>>
      %dma_wait3A_1046 = arith.constant 0 : i32
      %dma_wait3A_1047 = tpu.memref_slice %arg20[%add3A_72, %dma_wait3A_1046] : memref<10240x64xf32, #tpu.memory_space<vmem_shared>> -> memref<32x64xf32, #tpu.memory_space<vmem_shared>>
      tpu.wait_dma2 semaphore(%run_scoped3A_1039 : memref<!tpu.dma_semaphore, #tpu.memory_space<semaphore_mem>>) src(%arg13 : memref<32x64xf32, #tpu.memory_space<vmem>>) dst(%dma_wait3A_1047 : memref<32x64xf32, #tpu.memory_space<vmem_shared>>)
      tpu.yield
    }) : () -> ()
    %mul3A_73 = arith.constant 640 : i32
    %mul3A_74 = arith.muli %arg1, %mul3A_73 : i32
    %add3A_75 = arith.constant 320 : i32
    %add3A_76 = arith.addi %mul3A_74, %add3A_75 : i32
    "tpu.region"() ({
      %run_scoped3A_1039 = tpu.sem_alloc : memref<!tpu.dma_semaphore, #tpu.memory_space<semaphore_mem>>
      %dma_start3A_1040 = arith.constant 0 : i32
      %dma_start3A_1041 = tpu.memref_slice %arg20[%add3A_76, %dma_start3A_1040] : memref<10240x64xf32, #tpu.memory_space<vmem_shared>> -> memref<32x64xf32, #tpu.memory_space<vmem_shared>>
      %dma_start3A_1042 = arith.constant 0 : i32
      %dma_start3A_1043 = tpu.memref_slice %arg20[%add3A_76, %dma_start3A_1042] : memref<10240x64xf32, #tpu.memory_space<vmem_shared>> -> memref<32x64xf32, #tpu.memory_space<vmem_shared>>
      tpu.enqueue_dma source(%arg13 : memref<32x64xf32, #tpu.memory_space<vmem>>) target(%dma_start3A_1043 : memref<32x64xf32, #tpu.memory_space<vmem_shared>>) target_semaphore(%run_scoped3A_1039 : memref<!tpu.dma_semaphore, #tpu.memory_space<semaphore_mem>>)
      %dma_wait3A_1044 = arith.constant 0 : i32
      %dma_wait3A_1045 = tpu.memref_slice %arg20[%add3A_76, %dma_wait3A_1044] : memref<10240x64xf32, #tpu.memory_space<vmem_shared>> -> memref<32x64xf32, #tpu.memory_space<vmem_shared>>
      %dma_wait3A_1046 = arith.constant 0 : i32
      %dma_wait3A_1047 = tpu.memref_slice %arg20[%add3A_76, %dma_wait3A_1046] : memref<10240x64xf32, #tpu.memory_space<vmem_shared>> -> memref<32x64xf32, #tpu.memory_space<vmem_shared>>
      tpu.wait_dma2 semaphore(%run_scoped3A_1039 : memref<!tpu.dma_semaphore, #tpu.memory_space<semaphore_mem>>) src(%arg13 : memref<32x64xf32, #tpu.memory_space<vmem>>) dst(%dma_wait3A_1047 : memref<32x64xf32, #tpu.memory_space<vmem_shared>>)
      tpu.yield
    }) : () -> ()
    %mul3A_77 = arith.constant 640 : i32
    %mul3A_78 = arith.muli %arg1, %mul3A_77 : i32
    %add3A_79 = arith.constant 352 : i32
    %add3A_80 = arith.addi %mul3A_78, %add3A_79 : i32
    "tpu.region"() ({
      %run_scoped3A_1039 = tpu.sem_alloc : memref<!tpu.dma_semaphore, #tpu.memory_space<semaphore_mem>>
      %dma_start3A_1040 = arith.constant 0 : i32
      %dma_start3A_1041 = tpu.memref_slice %arg20[%add3A_80, %dma_start3A_1040] : memref<10240x64xf32, #tpu.memory_space<vmem_shared>> -> memref<32x64xf32, #tpu.memory_space<vmem_shared>>
      %dma_start3A_1042 = arith.constant 0 : i32
      %dma_start3A_1043 = tpu.memref_slice %arg20[%add3A_80, %dma_start3A_1042] : memref<10240x64xf32, #tpu.memory_space<vmem_shared>> -> memref<32x64xf32, #tpu.memory_space<vmem_shared>>
      tpu.enqueue_dma source(%arg13 : memref<32x64xf32, #tpu.memory_space<vmem>>) target(%dma_start3A_1043 : memref<32x64xf32, #tpu.memory_space<vmem_shared>>) target_semaphore(%run_scoped3A_1039 : memref<!tpu.dma_semaphore, #tpu.memory_space<semaphore_mem>>)
      %dma_wait3A_1044 = arith.constant 0 : i32
      %dma_wait3A_1045 = tpu.memref_slice %arg20[%add3A_80, %dma_wait3A_1044] : memref<10240x64xf32, #tpu.memory_space<vmem_shared>> -> memref<32x64xf32, #tpu.memory_space<vmem_shared>>
      %dma_wait3A_1046 = arith.constant 0 : i32
      %dma_wait3A_1047 = tpu.memref_slice %arg20[%add3A_80, %dma_wait3A_1046] : memref<10240x64xf32, #tpu.memory_space<vmem_shared>> -> memref<32x64xf32, #tpu.memory_space<vmem_shared>>
      tpu.wait_dma2 semaphore(%run_scoped3A_1039 : memref<!tpu.dma_semaphore, #tpu.memory_space<semaphore_mem>>) src(%arg13 : memref<32x64xf32, #tpu.memory_space<vmem>>) dst(%dma_wait3A_1047 : memref<32x64xf32, #tpu.memory_space<vmem_shared>>)
      tpu.yield
    }) : () -> ()
    %mul3A_81 = arith.constant 640 : i32
    %mul3A_82 = arith.muli %arg1, %mul3A_81 : i32
    %add3A_83 = arith.constant 384 : i32
    %add3A_84 = arith.addi %mul3A_82, %add3A_83 : i32
    "tpu.region"() ({
      %run_scoped3A_1039 = tpu.sem_alloc : memref<!tpu.dma_semaphore, #tpu.memory_space<semaphore_mem>>
      %dma_start3A_1040 = arith.constant 0 : i32
      %dma_start3A_1041 = tpu.memref_slice %arg20[%add3A_84, %dma_start3A_1040] : memref<10240x64xf32, #tpu.memory_space<vmem_shared>> -> memref<32x64xf32, #tpu.memory_space<vmem_shared>>
      %dma_start3A_1042 = arith.constant 0 : i32
      %dma_start3A_1043 = tpu.memref_slice %arg20[%add3A_84, %dma_start3A_1042] : memref<10240x64xf32, #tpu.memory_space<vmem_shared>> -> memref<32x64xf32, #tpu.memory_space<vmem_shared>>
      tpu.enqueue_dma source(%arg13 : memref<32x64xf32, #tpu.memory_space<vmem>>) target(%dma_start3A_1043 : memref<32x64xf32, #tpu.memory_space<vmem_shared>>) target_semaphore(%run_scoped3A_1039 : memref<!tpu.dma_semaphore, #tpu.memory_space<semaphore_mem>>)
      %dma_wait3A_1044 = arith.constant 0 : i32
      %dma_wait3A_1045 = tpu.memref_slice %arg20[%add3A_84, %dma_wait3A_1044] : memref<10240x64xf32, #tpu.memory_space<vmem_shared>> -> memref<32x64xf32, #tpu.memory_space<vmem_shared>>
      %dma_wait3A_1046 = arith.constant 0 : i32
      %dma_wait3A_1047 = tpu.memref_slice %arg20[%add3A_84, %dma_wait3A_1046] : memref<10240x64xf32, #tpu.memory_space<vmem_shared>> -> memref<32x64xf32, #tpu.memory_space<vmem_shared>>
      tpu.wait_dma2 semaphore(%run_scoped3A_1039 : memref<!tpu.dma_semaphore, #tpu.memory_space<semaphore_mem>>) src(%arg13 : memref<32x64xf32, #tpu.memory_space<vmem>>) dst(%dma_wait3A_1047 : memref<32x64xf32, #tpu.memory_space<vmem_shared>>)
      tpu.yield
    }) : () -> ()
    %mul3A_85 = arith.constant 640 : i32
    %mul3A_86 = arith.muli %arg1, %mul3A_85 : i32
    %add3A_87 = arith.constant 416 : i32
    %add3A_88 = arith.addi %mul3A_86, %add3A_87 : i32
    "tpu.region"() ({
      %run_scoped3A_1039 = tpu.sem_alloc : memref<!tpu.dma_semaphore, #tpu.memory_space<semaphore_mem>>
      %dma_start3A_1040 = arith.constant 0 : i32
      %dma_start3A_1041 = tpu.memref_slice %arg20[%add3A_88, %dma_start3A_1040] : memref<10240x64xf32, #tpu.memory_space<vmem_shared>> -> memref<32x64xf32, #tpu.memory_space<vmem_shared>>
      %dma_start3A_1042 = arith.constant 0 : i32
      %dma_start3A_1043 = tpu.memref_slice %arg20[%add3A_88, %dma_start3A_1042] : memref<10240x64xf32, #tpu.memory_space<vmem_shared>> -> memref<32x64xf32, #tpu.memory_space<vmem_shared>>
      tpu.enqueue_dma source(%arg13 : memref<32x64xf32, #tpu.memory_space<vmem>>) target(%dma_start3A_1043 : memref<32x64xf32, #tpu.memory_space<vmem_shared>>) target_semaphore(%run_scoped3A_1039 : memref<!tpu.dma_semaphore, #tpu.memory_space<semaphore_mem>>)
      %dma_wait3A_1044 = arith.constant 0 : i32
      %dma_wait3A_1045 = tpu.memref_slice %arg20[%add3A_88, %dma_wait3A_1044] : memref<10240x64xf32, #tpu.memory_space<vmem_shared>> -> memref<32x64xf32, #tpu.memory_space<vmem_shared>>
      %dma_wait3A_1046 = arith.constant 0 : i32
      %dma_wait3A_1047 = tpu.memref_slice %arg20[%add3A_88, %dma_wait3A_1046] : memref<10240x64xf32, #tpu.memory_space<vmem_shared>> -> memref<32x64xf32, #tpu.memory_space<vmem_shared>>
      tpu.wait_dma2 semaphore(%run_scoped3A_1039 : memref<!tpu.dma_semaphore, #tpu.memory_space<semaphore_mem>>) src(%arg13 : memref<32x64xf32, #tpu.memory_space<vmem>>) dst(%dma_wait3A_1047 : memref<32x64xf32, #tpu.memory_space<vmem_shared>>)
      tpu.yield
    }) : () -> ()
    %mul3A_89 = arith.constant 640 : i32
    %mul3A_90 = arith.muli %arg1, %mul3A_89 : i32
    %add3A_91 = arith.constant 448 : i32
    %add3A_92 = arith.addi %mul3A_90, %add3A_91 : i32
    "tpu.region"() ({
      %run_scoped3A_1039 = tpu.sem_alloc : memref<!tpu.dma_semaphore, #tpu.memory_space<semaphore_mem>>
      %dma_start3A_1040 = arith.constant 0 : i32
      %dma_start3A_1041 = tpu.memref_slice %arg20[%add3A_92, %dma_start3A_1040] : memref<10240x64xf32, #tpu.memory_space<vmem_shared>> -> memref<32x64xf32, #tpu.memory_space<vmem_shared>>
      %dma_start3A_1042 = arith.constant 0 : i32
      %dma_start3A_1043 = tpu.memref_slice %arg20[%add3A_92, %dma_start3A_1042] : memref<10240x64xf32, #tpu.memory_space<vmem_shared>> -> memref<32x64xf32, #tpu.memory_space<vmem_shared>>
      tpu.enqueue_dma source(%arg13 : memref<32x64xf32, #tpu.memory_space<vmem>>) target(%dma_start3A_1043 : memref<32x64xf32, #tpu.memory_space<vmem_shared>>) target_semaphore(%run_scoped3A_1039 : memref<!tpu.dma_semaphore, #tpu.memory_space<semaphore_mem>>)
      %dma_wait3A_1044 = arith.constant 0 : i32
      %dma_wait3A_1045 = tpu.memref_slice %arg20[%add3A_92, %dma_wait3A_1044] : memref<10240x64xf32, #tpu.memory_space<vmem_shared>> -> memref<32x64xf32, #tpu.memory_space<vmem_shared>>
      %dma_wait3A_1046 = arith.constant 0 : i32
      %dma_wait3A_1047 = tpu.memref_slice %arg20[%add3A_92, %dma_wait3A_1046] : memref<10240x64xf32, #tpu.memory_space<vmem_shared>> -> memref<32x64xf32, #tpu.memory_space<vmem_shared>>
      tpu.wait_dma2 semaphore(%run_scoped3A_1039 : memref<!tpu.dma_semaphore, #tpu.memory_space<semaphore_mem>>) src(%arg13 : memref<32x64xf32, #tpu.memory_space<vmem>>) dst(%dma_wait3A_1047 : memref<32x64xf32, #tpu.memory_space<vmem_shared>>)
      tpu.yield
    }) : () -> ()
    %mul3A_93 = arith.constant 640 : i32
    %mul3A_94 = arith.muli %arg1, %mul3A_93 : i32
    %add3A_95 = arith.constant 480 : i32
    %add3A_96 = arith.addi %mul3A_94, %add3A_95 : i32
    "tpu.region"() ({
      %run_scoped3A_1039 = tpu.sem_alloc : memref<!tpu.dma_semaphore, #tpu.memory_space<semaphore_mem>>
      %dma_start3A_1040 = arith.constant 0 : i32
      %dma_start3A_1041 = tpu.memref_slice %arg20[%add3A_96, %dma_start3A_1040] : memref<10240x64xf32, #tpu.memory_space<vmem_shared>> -> memref<32x64xf32, #tpu.memory_space<vmem_shared>>
      %dma_start3A_1042 = arith.constant 0 : i32
      %dma_start3A_1043 = tpu.memref_slice %arg20[%add3A_96, %dma_start3A_1042] : memref<10240x64xf32, #tpu.memory_space<vmem_shared>> -> memref<32x64xf32, #tpu.memory_space<vmem_shared>>
      tpu.enqueue_dma source(%arg13 : memref<32x64xf32, #tpu.memory_space<vmem>>) target(%dma_start3A_1043 : memref<32x64xf32, #tpu.memory_space<vmem_shared>>) target_semaphore(%run_scoped3A_1039 : memref<!tpu.dma_semaphore, #tpu.memory_space<semaphore_mem>>)
      %dma_wait3A_1044 = arith.constant 0 : i32
      %dma_wait3A_1045 = tpu.memref_slice %arg20[%add3A_96, %dma_wait3A_1044] : memref<10240x64xf32, #tpu.memory_space<vmem_shared>> -> memref<32x64xf32, #tpu.memory_space<vmem_shared>>
      %dma_wait3A_1046 = arith.constant 0 : i32
      %dma_wait3A_1047 = tpu.memref_slice %arg20[%add3A_96, %dma_wait3A_1046] : memref<10240x64xf32, #tpu.memory_space<vmem_shared>> -> memref<32x64xf32, #tpu.memory_space<vmem_shared>>
      tpu.wait_dma2 semaphore(%run_scoped3A_1039 : memref<!tpu.dma_semaphore, #tpu.memory_space<semaphore_mem>>) src(%arg13 : memref<32x64xf32, #tpu.memory_space<vmem>>) dst(%dma_wait3A_1047 : memref<32x64xf32, #tpu.memory_space<vmem_shared>>)
      tpu.yield
    }) : () -> ()
    %mul3A_97 = arith.constant 640 : i32
    %mul3A_98 = arith.muli %arg1, %mul3A_97 : i32
    %add3A_99 = arith.constant 512 : i32
    %add3A_100 = arith.addi %mul3A_98, %add3A_99 : i32
    "tpu.region"() ({
      %run_scoped3A_1039 = tpu.sem_alloc : memref<!tpu.dma_semaphore, #tpu.memory_space<semaphore_mem>>
      %dma_start3A_1040 = arith.constant 0 : i32
      %dma_start3A_1041 = tpu.memref_slice %arg20[%add3A_100, %dma_start3A_1040] : memref<10240x64xf32, #tpu.memory_space<vmem_shared>> -> memref<32x64xf32, #tpu.memory_space<vmem_shared>>
      %dma_start3A_1042 = arith.constant 0 : i32
      %dma_start3A_1043 = tpu.memref_slice %arg20[%add3A_100, %dma_start3A_1042] : memref<10240x64xf32, #tpu.memory_space<vmem_shared>> -> memref<32x64xf32, #tpu.memory_space<vmem_shared>>
      tpu.enqueue_dma source(%arg13 : memref<32x64xf32, #tpu.memory_space<vmem>>) target(%dma_start3A_1043 : memref<32x64xf32, #tpu.memory_space<vmem_shared>>) target_semaphore(%run_scoped3A_1039 : memref<!tpu.dma_semaphore, #tpu.memory_space<semaphore_mem>>)
      %dma_wait3A_1044 = arith.constant 0 : i32
      %dma_wait3A_1045 = tpu.memref_slice %arg20[%add3A_100, %dma_wait3A_1044] : memref<10240x64xf32, #tpu.memory_space<vmem_shared>> -> memref<32x64xf32, #tpu.memory_space<vmem_shared>>
      %dma_wait3A_1046 = arith.constant 0 : i32
      %dma_wait3A_1047 = tpu.memref_slice %arg20[%add3A_100, %dma_wait3A_1046] : memref<10240x64xf32, #tpu.memory_space<vmem_shared>> -> memref<32x64xf32, #tpu.memory_space<vmem_shared>>
      tpu.wait_dma2 semaphore(%run_scoped3A_1039 : memref<!tpu.dma_semaphore, #tpu.memory_space<semaphore_mem>>) src(%arg13 : memref<32x64xf32, #tpu.memory_space<vmem>>) dst(%dma_wait3A_1047 : memref<32x64xf32, #tpu.memory_space<vmem_shared>>)
      tpu.yield
    }) : () -> ()
    %mul3A_101 = arith.constant 640 : i32
    %mul3A_102 = arith.muli %arg1, %mul3A_101 : i32
    %add3A_103 = arith.constant 544 : i32
    %add3A_104 = arith.addi %mul3A_102, %add3A_103 : i32
    "tpu.region"() ({
      %run_scoped3A_1039 = tpu.sem_alloc : memref<!tpu.dma_semaphore, #tpu.memory_space<semaphore_mem>>
      %dma_start3A_1040 = arith.constant 0 : i32
      %dma_start3A_1041 = tpu.memref_slice %arg20[%add3A_104, %dma_start3A_1040] : memref<10240x64xf32, #tpu.memory_space<vmem_shared>> -> memref<32x64xf32, #tpu.memory_space<vmem_shared>>
      %dma_start3A_1042 = arith.constant 0 : i32
      %dma_start3A_1043 = tpu.memref_slice %arg20[%add3A_104, %dma_start3A_1042] : memref<10240x64xf32, #tpu.memory_space<vmem_shared>> -> memref<32x64xf32, #tpu.memory_space<vmem_shared>>
      tpu.enqueue_dma source(%arg13 : memref<32x64xf32, #tpu.memory_space<vmem>>) target(%dma_start3A_1043 : memref<32x64xf32, #tpu.memory_space<vmem_shared>>) target_semaphore(%run_scoped3A_1039 : memref<!tpu.dma_semaphore, #tpu.memory_space<semaphore_mem>>)
      %dma_wait3A_1044 = arith.constant 0 : i32
      %dma_wait3A_1045 = tpu.memref_slice %arg20[%add3A_104, %dma_wait3A_1044] : memref<10240x64xf32, #tpu.memory_space<vmem_shared>> -> memref<32x64xf32, #tpu.memory_space<vmem_shared>>
      %dma_wait3A_1046 = arith.constant 0 : i32
      %dma_wait3A_1047 = tpu.memref_slice %arg20[%add3A_104, %dma_wait3A_1046] : memref<10240x64xf32, #tpu.memory_space<vmem_shared>> -> memref<32x64xf32, #tpu.memory_space<vmem_shared>>
      tpu.wait_dma2 semaphore(%run_scoped3A_1039 : memref<!tpu.dma_semaphore, #tpu.memory_space<semaphore_mem>>) src(%arg13 : memref<32x64xf32, #tpu.memory_space<vmem>>) dst(%dma_wait3A_1047 : memref<32x64xf32, #tpu.memory_space<vmem_shared>>)
      tpu.yield
    }) : () -> ()
    %mul3A_105 = arith.constant 640 : i32
    %mul3A_106 = arith.muli %arg1, %mul3A_105 : i32
    %add3A_107 = arith.constant 576 : i32
    %add3A_108 = arith.addi %mul3A_106, %add3A_107 : i32
    "tpu.region"() ({
      %run_scoped3A_1039 = tpu.sem_alloc : memref<!tpu.dma_semaphore, #tpu.memory_space<semaphore_mem>>
      %dma_start3A_1040 = arith.constant 0 : i32
      %dma_start3A_1041 = tpu.memref_slice %arg20[%add3A_108, %dma_start3A_1040] : memref<10240x64xf32, #tpu.memory_space<vmem_shared>> -> memref<32x64xf32, #tpu.memory_space<vmem_shared>>
      %dma_start3A_1042 = arith.constant 0 : i32
      %dma_start3A_1043 = tpu.memref_slice %arg20[%add3A_108, %dma_start3A_1042] : memref<10240x64xf32, #tpu.memory_space<vmem_shared>> -> memref<32x64xf32, #tpu.memory_space<vmem_shared>>
      tpu.enqueue_dma source(%arg13 : memref<32x64xf32, #tpu.memory_space<vmem>>) target(%dma_start3A_1043 : memref<32x64xf32, #tpu.memory_space<vmem_shared>>) target_semaphore(%run_scoped3A_1039 : memref<!tpu.dma_semaphore, #tpu.memory_space<semaphore_mem>>)
      %dma_wait3A_1044 = arith.constant 0 : i32
      %dma_wait3A_1045 = tpu.memref_slice %arg20[%add3A_108, %dma_wait3A_1044] : memref<10240x64xf32, #tpu.memory_space<vmem_shared>> -> memref<32x64xf32, #tpu.memory_space<vmem_shared>>
      %dma_wait3A_1046 = arith.constant 0 : i32
      %dma_wait3A_1047 = tpu.memref_slice %arg20[%add3A_108, %dma_wait3A_1046] : memref<10240x64xf32, #tpu.memory_space<vmem_shared>> -> memref<32x64xf32, #tpu.memory_space<vmem_shared>>
      tpu.wait_dma2 semaphore(%run_scoped3A_1039 : memref<!tpu.dma_semaphore, #tpu.memory_space<semaphore_mem>>) src(%arg13 : memref<32x64xf32, #tpu.memory_space<vmem>>) dst(%dma_wait3A_1047 : memref<32x64xf32, #tpu.memory_space<vmem_shared>>)
      tpu.yield
    }) : () -> ()
    %mul3A_109 = arith.constant 640 : i32
    %mul3A_110 = arith.muli %arg1, %mul3A_109 : i32
    %add3A_111 = arith.constant 608 : i32
    %add3A_112 = arith.addi %mul3A_110, %add3A_111 : i32
    "tpu.region"() ({
      %run_scoped3A_1039 = tpu.sem_alloc : memref<!tpu.dma_semaphore, #tpu.memory_space<semaphore_mem>>
      %dma_start3A_1040 = arith.constant 0 : i32
      %dma_start3A_1041 = tpu.memref_slice %arg20[%add3A_112, %dma_start3A_1040] : memref<10240x64xf32, #tpu.memory_space<vmem_shared>> -> memref<32x64xf32, #tpu.memory_space<vmem_shared>>
      %dma_start3A_1042 = arith.constant 0 : i32
      %dma_start3A_1043 = tpu.memref_slice %arg20[%add3A_112, %dma_start3A_1042] : memref<10240x64xf32, #tpu.memory_space<vmem_shared>> -> memref<32x64xf32, #tpu.memory_space<vmem_shared>>
      tpu.enqueue_dma source(%arg13 : memref<32x64xf32, #tpu.memory_space<vmem>>) target(%dma_start3A_1043 : memref<32x64xf32, #tpu.memory_space<vmem_shared>>) target_semaphore(%run_scoped3A_1039 : memref<!tpu.dma_semaphore, #tpu.memory_space<semaphore_mem>>)
      %dma_wait3A_1044 = arith.constant 0 : i32
      %dma_wait3A_1045 = tpu.memref_slice %arg20[%add3A_112, %dma_wait3A_1044] : memref<10240x64xf32, #tpu.memory_space<vmem_shared>> -> memref<32x64xf32, #tpu.memory_space<vmem_shared>>
      %dma_wait3A_1046 = arith.constant 0 : i32
      %dma_wait3A_1047 = tpu.memref_slice %arg20[%add3A_112, %dma_wait3A_1046] : memref<10240x64xf32, #tpu.memory_space<vmem_shared>> -> memref<32x64xf32, #tpu.memory_space<vmem_shared>>
      tpu.wait_dma2 semaphore(%run_scoped3A_1039 : memref<!tpu.dma_semaphore, #tpu.memory_space<semaphore_mem>>) src(%arg13 : memref<32x64xf32, #tpu.memory_space<vmem>>) dst(%dma_wait3A_1047 : memref<32x64xf32, #tpu.memory_space<vmem_shared>>)
      tpu.yield
    }) : () -> ()
    %eq3A = arith.constant 0 : i32
    %eq3A_113 = arith.cmpi eq, %arg1, %eq3A : i32
    %convert_element_type3A = arith.extui %eq3A_113 : i1 to i32
    %cond3A = arith.constant 0 : i32
    %cond3A_114 = arith.cmpi ne, %convert_element_type3A, %cond3A : i32
    scf.if %cond3A_114 {
      "tpu.region"() ({
        %run_scoped3A_1039 = tpu.sem_alloc : memref<!tpu.dma_semaphore, #tpu.memory_space<semaphore_mem>>
        tpu.enqueue_dma source(%arg12 : memref<10240xf32, #tpu.memory_space<vmem>>) target(%arg21 : memref<10240xf32, #tpu.memory_space<vmem_shared>>) target_semaphore(%run_scoped3A_1039 : memref<!tpu.dma_semaphore, #tpu.memory_space<semaphore_mem>>)
        tpu.wait_dma2 semaphore(%run_scoped3A_1039 : memref<!tpu.dma_semaphore, #tpu.memory_space<semaphore_mem>>) src(%arg12 : memref<10240xf32, #tpu.memory_space<vmem>>) dst(%arg21 : memref<10240xf32, #tpu.memory_space<vmem_shared>>)
        tpu.yield
      }) : () -> ()
      "tpu.region"() ({
        %run_scoped3A_1039 = tpu.sem_alloc : memref<!tpu.dma_semaphore, #tpu.memory_space<semaphore_mem>>
        tpu.enqueue_dma source(%arg12 : memref<10240xf32, #tpu.memory_space<vmem>>) target(%arg22 : memref<10240xf32, #tpu.memory_space<vmem_shared>>) target_semaphore(%run_scoped3A_1039 : memref<!tpu.dma_semaphore, #tpu.memory_space<semaphore_mem>>)
        tpu.wait_dma2 semaphore(%run_scoped3A_1039 : memref<!tpu.dma_semaphore, #tpu.memory_space<semaphore_mem>>) src(%arg12 : memref<10240xf32, #tpu.memory_space<vmem>>) dst(%arg22 : memref<10240xf32, #tpu.memory_space<vmem_shared>>)
        tpu.yield
      }) : () -> ()
    } else {
    }
    %barrier3A = arith.constant 0 : index
    tpu.barrier barrier_id(%barrier3A)
    %add3A_115 = arith.constant 16 : i32
    %add3A_116 = arith.addi %add3A_115, %arg1 : i32
    %dma_wait3A = arith.constant 0 : i32
    %dma_wait3A_117 = arith.constant 0 : i32
    %dma_wait3A_118 = tpu.memref_slice %arg3[%arg1, %dma_wait3A, %dma_wait3A_117] : memref<32x81x128xi32, #tpu.memory_space<hbm>> -> memref<1x81x128xi32, #tpu.memory_space<hbm>>
    %dma_wait3A_119 = tpu.memref_squeeze %dma_wait3A_118 : memref<1x81x128xi32, #tpu.memory_space<hbm>> -> memref<81x128xi32, #tpu.memory_space<hbm>>
    %dma_wait3A_120 = arith.constant 0 : i32
    %dma_wait3A_121 = arith.constant 0 : i32
    %dma_wait3A_122 = tpu.memref_slice %arg3[%arg1, %dma_wait3A_120, %dma_wait3A_121] : memref<32x81x128xi32, #tpu.memory_space<hbm>> -> memref<1x81x128xi32, #tpu.memory_space<hbm>>
    %dma_wait3A_123 = tpu.memref_squeeze %dma_wait3A_122 : memref<1x81x128xi32, #tpu.memory_space<hbm>> -> memref<81x128xi32, #tpu.memory_space<hbm>>
    tpu.wait_dma2 semaphore(%arg19 : memref<!tpu.dma_semaphore, #tpu.memory_space<semaphore_mem>>) src(%dma_wait3A_123 : memref<81x128xi32, #tpu.memory_space<hbm>>) dst(%arg9 : memref<81x128xi32, #tpu.memory_space<vmem>>)
    %dma_wait3A_124 = arith.constant 0 : i32
    %dma_wait3A_125 = arith.constant 0 : i32
    %dma_wait3A_126 = tpu.memref_slice %arg4[%arg1, %dma_wait3A_124, %dma_wait3A_125] : memref<32x81x128xf32, #tpu.memory_space<hbm>> -> memref<1x81x128xf32, #tpu.memory_space<hbm>>
    %dma_wait3A_127 = tpu.memref_squeeze %dma_wait3A_126 : memref<1x81x128xf32, #tpu.memory_space<hbm>> -> memref<81x128xf32, #tpu.memory_space<hbm>>
    %dma_wait3A_128 = arith.constant 0 : i32
    %dma_wait3A_129 = arith.constant 0 : i32
    %dma_wait3A_130 = tpu.memref_slice %arg4[%arg1, %dma_wait3A_128, %dma_wait3A_129] : memref<32x81x128xf32, #tpu.memory_space<hbm>> -> memref<1x81x128xf32, #tpu.memory_space<hbm>>
    %dma_wait3A_131 = tpu.memref_squeeze %dma_wait3A_130 : memref<1x81x128xf32, #tpu.memory_space<hbm>> -> memref<81x128xf32, #tpu.memory_space<hbm>>
    tpu.wait_dma2 semaphore(%arg19 : memref<!tpu.dma_semaphore, #tpu.memory_space<semaphore_mem>>) src(%dma_wait3A_131 : memref<81x128xf32, #tpu.memory_space<hbm>>) dst(%arg10 : memref<81x128xf32, #tpu.memory_space<vmem>>)
    %scan3A_132 = arith.constant 0 : i32
    %scan3A_133 = arith.constant 0 : i32
    %scan3A_134 = arith.constant 81 : i32
    %scan3A_135 = arith.addi %scan3A_133, %scan3A_134 : i32
    %scan3A_136 = arith.constant 1 : i32
    %scan3A_137 = scf.for %scan3A_1039 = %scan3A_133 to %scan3A_135 step %scan3A_136 iter_args(%scan3A_1040 = %scan3A_132) -> (i32)  : i32 {
      %dma_start3A_1041 = arith.constant 0 : i32
      %dma_start3A_1042 = tpu.memref_slice %arg10[%scan3A_1039, %dma_start3A_1041] : memref<81x128xf32, #tpu.memory_space<vmem>> -> memref<1x128xf32, #tpu.memory_space<vmem>>
      %dma_start3A_1043 = tpu.memref_squeeze %dma_start3A_1042 : memref<1x128xf32, #tpu.memory_space<vmem>> -> memref<128xf32, #tpu.memory_space<vmem>>
      %dma_start3A_1044 = arith.constant 0 : i32
      %dma_start3A_1045 = tpu.memref_slice %arg9[%scan3A_1039, %dma_start3A_1044] : memref<81x128xi32, #tpu.memory_space<vmem>> -> memref<1x128xi32, #tpu.memory_space<vmem>>
      %dma_start3A_1046 = tpu.memref_squeeze %dma_start3A_1045 : memref<1x128xi32, #tpu.memory_space<vmem>> -> memref<128xi32, #tpu.memory_space<vmem>>
      %dma_start3A_1047 = arith.constant 0 : i32
      %dma_start3A_1048 = tpu.memref_slice %arg21[%dma_start3A_1047] : memref<10240xf32, #tpu.memory_space<vmem_shared>> -> memref<10240xf32, #tpu.memory_space<vmem_shared>>
      tpu.enqueue_indirect_dma source(%dma_start3A_1043 : memref<128xf32, #tpu.memory_space<vmem>>) target(%dma_start3A_1048 : memref<10240xf32, #tpu.memory_space<vmem_shared>>) offsets(%dma_start3A_1046 : memref<128xi32, #tpu.memory_space<vmem>>) semaphore(%arg19 : memref<!tpu.dma_semaphore, #tpu.memory_space<semaphore_mem>>) {add = true}
      %scan3A_1049 = arith.constant 0 : i32
      scf.yield %scan3A_1049 : i32
    }
    %scan3A_138 = arith.constant 81 : i32
    %dma_wait3A_139 = arith.constant 0 : i32
    %dma_wait3A_140 = arith.constant 0 : i32
    %dma_wait3A_141 = tpu.memref_slice %arg4[%arg1, %dma_wait3A_139, %dma_wait3A_140] : memref<32x81x128xf32, #tpu.memory_space<hbm>> -> memref<1x81x128xf32, #tpu.memory_space<hbm>>
    %dma_wait3A_142 = tpu.memref_squeeze %dma_wait3A_141 : memref<1x81x128xf32, #tpu.memory_space<hbm>> -> memref<81x128xf32, #tpu.memory_space<hbm>>
    %dma_wait3A_143 = arith.constant 0 : i32
    %dma_wait3A_144 = arith.constant 0 : i32
    %dma_wait3A_145 = tpu.memref_slice %arg4[%arg1, %dma_wait3A_143, %dma_wait3A_144] : memref<32x81x128xf32, #tpu.memory_space<hbm>> -> memref<1x81x128xf32, #tpu.memory_space<hbm>>
    %dma_wait3A_146 = tpu.memref_squeeze %dma_wait3A_145 : memref<1x81x128xf32, #tpu.memory_space<hbm>> -> memref<81x128xf32, #tpu.memory_space<hbm>>
    tpu.wait_dma2 semaphore(%arg19 : memref<!tpu.dma_semaphore, #tpu.memory_space<semaphore_mem>>) src(%dma_wait3A_146 : memref<81x128xf32, #tpu.memory_space<hbm>>) dst(%arg10 : memref<81x128xf32, #tpu.memory_space<vmem>>)
    "tpu.region"() ({
      %run_scoped3A_1039 = tpu.sem_alloc : memref<!tpu.dma_semaphore, #tpu.memory_space<semaphore_mem>>
      %dma_start3A_1040 = arith.constant 0 : i32
      %dma_start3A_1041 = arith.constant 0 : i32
      %dma_start3A_1042 = tpu.memref_slice %arg3[%add3A_116, %dma_start3A_1040, %dma_start3A_1041] : memref<32x81x128xi32, #tpu.memory_space<hbm>> -> memref<1x81x128xi32, #tpu.memory_space<hbm>>
      %dma_start3A_1043 = tpu.memref_squeeze %dma_start3A_1042 : memref<1x81x128xi32, #tpu.memory_space<hbm>> -> memref<81x128xi32, #tpu.memory_space<hbm>>
      %dma_start3A_1044 = arith.constant 0 : i32
      %dma_start3A_1045 = arith.constant 0 : i32
      %dma_start3A_1046 = tpu.memref_slice %arg3[%add3A_116, %dma_start3A_1044, %dma_start3A_1045] : memref<32x81x128xi32, #tpu.memory_space<hbm>> -> memref<1x81x128xi32, #tpu.memory_space<hbm>>
      %dma_start3A_1047 = tpu.memref_squeeze %dma_start3A_1046 : memref<1x81x128xi32, #tpu.memory_space<hbm>> -> memref<81x128xi32, #tpu.memory_space<hbm>>
      tpu.enqueue_dma source(%dma_start3A_1047 : memref<81x128xi32, #tpu.memory_space<hbm>>) target(%arg9 : memref<81x128xi32, #tpu.memory_space<vmem>>) target_semaphore(%run_scoped3A_1039 : memref<!tpu.dma_semaphore, #tpu.memory_space<semaphore_mem>>)
      %dma_wait3A_1048 = arith.constant 0 : i32
      %dma_wait3A_1049 = arith.constant 0 : i32
      %dma_wait3A_1050 = tpu.memref_slice %arg3[%add3A_116, %dma_wait3A_1048, %dma_wait3A_1049] : memref<32x81x128xi32, #tpu.memory_space<hbm>> -> memref<1x81x128xi32, #tpu.memory_space<hbm>>
      %dma_wait3A_1051 = tpu.memref_squeeze %dma_wait3A_1050 : memref<1x81x128xi32, #tpu.memory_space<hbm>> -> memref<81x128xi32, #tpu.memory_space<hbm>>
      %dma_wait3A_1052 = arith.constant 0 : i32
      %dma_wait3A_1053 = arith.constant 0 : i32
      %dma_wait3A_1054 = tpu.memref_slice %arg3[%add3A_116, %dma_wait3A_1052, %dma_wait3A_1053] : memref<32x81x128xi32, #tpu.memory_space<hbm>> -> memref<1x81x128xi32, #tpu.memory_space<hbm>>
      %dma_wait3A_1055 = tpu.memref_squeeze %dma_wait3A_1054 : memref<1x81x128xi32, #tpu.memory_space<hbm>> -> memref<81x128xi32, #tpu.memory_space<hbm>>
      tpu.wait_dma2 semaphore(%run_scoped3A_1039 : memref<!tpu.dma_semaphore, #tpu.memory_space<semaphore_mem>>) src(%dma_wait3A_1055 : memref<81x128xi32, #tpu.memory_space<hbm>>) dst(%arg9 : memref<81x128xi32, #tpu.memory_space<vmem>>)
      tpu.yield
    }) : () -> ()
    "tpu.region"() ({
      %run_scoped3A_1039 = tpu.sem_alloc : memref<!tpu.dma_semaphore, #tpu.memory_space<semaphore_mem>>
      %dma_start3A_1040 = arith.constant 0 : i32
      %dma_start3A_1041 = arith.constant 0 : i32
      %dma_start3A_1042 = tpu.memref_slice %arg4[%add3A_116, %dma_start3A_1040, %dma_start3A_1041] : memref<32x81x128xf32, #tpu.memory_space<hbm>> -> memref<1x81x128xf32, #tpu.memory_space<hbm>>
      %dma_start3A_1043 = tpu.memref_squeeze %dma_start3A_1042 : memref<1x81x128xf32, #tpu.memory_space<hbm>> -> memref<81x128xf32, #tpu.memory_space<hbm>>
      %dma_start3A_1044 = arith.constant 0 : i32
      %dma_start3A_1045 = arith.constant 0 : i32
      %dma_start3A_1046 = tpu.memref_slice %arg4[%add3A_116, %dma_start3A_1044, %dma_start3A_1045] : memref<32x81x128xf32, #tpu.memory_space<hbm>> -> memref<1x81x128xf32, #tpu.memory_space<hbm>>
      %dma_start3A_1047 = tpu.memref_squeeze %dma_start3A_1046 : memref<1x81x128xf32, #tpu.memory_space<hbm>> -> memref<81x128xf32, #tpu.memory_space<hbm>>
      tpu.enqueue_dma source(%dma_start3A_1047 : memref<81x128xf32, #tpu.memory_space<hbm>>) target(%arg10 : memref<81x128xf32, #tpu.memory_space<vmem>>) target_semaphore(%run_scoped3A_1039 : memref<!tpu.dma_semaphore, #tpu.memory_space<semaphore_mem>>)
      %dma_wait3A_1048 = arith.constant 0 : i32
      %dma_wait3A_1049 = arith.constant 0 : i32
      %dma_wait3A_1050 = tpu.memref_slice %arg4[%add3A_116, %dma_wait3A_1048, %dma_wait3A_1049] : memref<32x81x128xf32, #tpu.memory_space<hbm>> -> memref<1x81x128xf32, #tpu.memory_space<hbm>>
      %dma_wait3A_1051 = tpu.memref_squeeze %dma_wait3A_1050 : memref<1x81x128xf32, #tpu.memory_space<hbm>> -> memref<81x128xf32, #tpu.memory_space<hbm>>
      %dma_wait3A_1052 = arith.constant 0 : i32
      %dma_wait3A_1053 = arith.constant 0 : i32
      %dma_wait3A_1054 = tpu.memref_slice %arg4[%add3A_116, %dma_wait3A_1052, %dma_wait3A_1053] : memref<32x81x128xf32, #tpu.memory_space<hbm>> -> memref<1x81x128xf32, #tpu.memory_space<hbm>>
      %dma_wait3A_1055 = tpu.memref_squeeze %dma_wait3A_1054 : memref<1x81x128xf32, #tpu.memory_space<hbm>> -> memref<81x128xf32, #tpu.memory_space<hbm>>
      tpu.wait_dma2 semaphore(%run_scoped3A_1039 : memref<!tpu.dma_semaphore, #tpu.memory_space<semaphore_mem>>) src(%dma_wait3A_1055 : memref<81x128xf32, #tpu.memory_space<hbm>>) dst(%arg10 : memref<81x128xf32, #tpu.memory_space<vmem>>)
      tpu.yield
    }) : () -> ()
    %scan3A_147 = arith.constant 0 : i32
    %scan3A_148 = arith.constant 0 : i32
    %scan3A_149 = arith.constant 81 : i32
    %scan3A_150 = arith.addi %scan3A_148, %scan3A_149 : i32
    %scan3A_151 = arith.constant 1 : i32
    %scan3A_152 = scf.for %scan3A_1039 = %scan3A_148 to %scan3A_150 step %scan3A_151 iter_args(%scan3A_1040 = %scan3A_147) -> (i32)  : i32 {
      %dma_start3A_1041 = arith.constant 0 : i32
      %dma_start3A_1042 = tpu.memref_slice %arg10[%scan3A_1039, %dma_start3A_1041] : memref<81x128xf32, #tpu.memory_space<vmem>> -> memref<1x128xf32, #tpu.memory_space<vmem>>
      %dma_start3A_1043 = tpu.memref_squeeze %dma_start3A_1042 : memref<1x128xf32, #tpu.memory_space<vmem>> -> memref<128xf32, #tpu.memory_space<vmem>>
      %dma_start3A_1044 = arith.constant 0 : i32
      %dma_start3A_1045 = tpu.memref_slice %arg9[%scan3A_1039, %dma_start3A_1044] : memref<81x128xi32, #tpu.memory_space<vmem>> -> memref<1x128xi32, #tpu.memory_space<vmem>>
      %dma_start3A_1046 = tpu.memref_squeeze %dma_start3A_1045 : memref<1x128xi32, #tpu.memory_space<vmem>> -> memref<128xi32, #tpu.memory_space<vmem>>
      %dma_start3A_1047 = arith.constant 0 : i32
      %dma_start3A_1048 = tpu.memref_slice %arg21[%dma_start3A_1047] : memref<10240xf32, #tpu.memory_space<vmem_shared>> -> memref<10240xf32, #tpu.memory_space<vmem_shared>>
      tpu.enqueue_indirect_dma source(%dma_start3A_1043 : memref<128xf32, #tpu.memory_space<vmem>>) target(%dma_start3A_1048 : memref<10240xf32, #tpu.memory_space<vmem_shared>>) offsets(%dma_start3A_1046 : memref<128xi32, #tpu.memory_space<vmem>>) semaphore(%arg19 : memref<!tpu.dma_semaphore, #tpu.memory_space<semaphore_mem>>) {add = true}
      %scan3A_1049 = arith.constant 0 : i32
      scf.yield %scan3A_1049 : i32
    }
    %scan3A_153 = arith.constant 81 : i32
    %dma_wait3A_154 = arith.constant 0 : i32
    %dma_wait3A_155 = arith.constant 0 : i32
    %dma_wait3A_156 = tpu.memref_slice %arg4[%add3A_116, %dma_wait3A_154, %dma_wait3A_155] : memref<32x81x128xf32, #tpu.memory_space<hbm>> -> memref<1x81x128xf32, #tpu.memory_space<hbm>>
    %dma_wait3A_157 = tpu.memref_squeeze %dma_wait3A_156 : memref<1x81x128xf32, #tpu.memory_space<hbm>> -> memref<81x128xf32, #tpu.memory_space<hbm>>
    %dma_wait3A_158 = arith.constant 0 : i32
    %dma_wait3A_159 = arith.constant 0 : i32
    %dma_wait3A_160 = tpu.memref_slice %arg4[%add3A_116, %dma_wait3A_158, %dma_wait3A_159] : memref<32x81x128xf32, #tpu.memory_space<hbm>> -> memref<1x81x128xf32, #tpu.memory_space<hbm>>
    %dma_wait3A_161 = tpu.memref_squeeze %dma_wait3A_160 : memref<1x81x128xf32, #tpu.memory_space<hbm>> -> memref<81x128xf32, #tpu.memory_space<hbm>>
    tpu.wait_dma2 semaphore(%arg19 : memref<!tpu.dma_semaphore, #tpu.memory_space<semaphore_mem>>) src(%dma_wait3A_161 : memref<81x128xf32, #tpu.memory_space<hbm>>) dst(%arg10 : memref<81x128xf32, #tpu.memory_space<vmem>>)
    %barrier3A_162 = arith.constant 0 : index
    tpu.barrier barrier_id(%barrier3A_162)
    %mul3A_163 = arith.constant 640 : i32
    %mul3A_164 = arith.muli %arg1, %mul3A_163 : i32
    "tpu.region"() ({
      %run_scoped3A_1039 = tpu.sem_alloc : memref<!tpu.dma_semaphore, #tpu.memory_space<semaphore_mem>>
      %dma_start3A_1040 = arith.constant 0 : i32
      %dma_start3A_1041 = tpu.memref_slice %arg12[%dma_start3A_1040] : memref<10240xf32, #tpu.memory_space<vmem>> -> memref<640xf32, #tpu.memory_space<vmem>>
      %dma_start3A_1042 = tpu.memref_slice %arg21[%mul3A_164] : memref<10240xf32, #tpu.memory_space<vmem_shared>> -> memref<640xf32, #tpu.memory_space<vmem_shared>>
      %dma_start3A_1043 = arith.constant 0 : i32
      %dma_start3A_1044 = tpu.memref_slice %arg12[%dma_start3A_1043] : memref<10240xf32, #tpu.memory_space<vmem>> -> memref<640xf32, #tpu.memory_space<vmem>>
      %dma_start3A_1045 = tpu.memref_slice %arg21[%mul3A_164] : memref<10240xf32, #tpu.memory_space<vmem_shared>> -> memref<640xf32, #tpu.memory_space<vmem_shared>>
      tpu.enqueue_dma source(%dma_start3A_1045 : memref<640xf32, #tpu.memory_space<vmem_shared>>) target(%dma_start3A_1044 : memref<640xf32, #tpu.memory_space<vmem>>) target_semaphore(%run_scoped3A_1039 : memref<!tpu.dma_semaphore, #tpu.memory_space<semaphore_mem>>)
      %dma_wait3A_1046 = arith.constant 0 : i32
      %dma_wait3A_1047 = tpu.memref_slice %arg12[%dma_wait3A_1046] : memref<10240xf32, #tpu.memory_space<vmem>> -> memref<640xf32, #tpu.memory_space<vmem>>
      %dma_wait3A_1048 = tpu.memref_slice %arg21[%mul3A_164] : memref<10240xf32, #tpu.memory_space<vmem_shared>> -> memref<640xf32, #tpu.memory_space<vmem_shared>>
      %dma_wait3A_1049 = arith.constant 0 : i32
      %dma_wait3A_1050 = tpu.memref_slice %arg12[%dma_wait3A_1049] : memref<10240xf32, #tpu.memory_space<vmem>> -> memref<640xf32, #tpu.memory_space<vmem>>
      %dma_wait3A_1051 = tpu.memref_slice %arg21[%mul3A_164] : memref<10240xf32, #tpu.memory_space<vmem_shared>> -> memref<640xf32, #tpu.memory_space<vmem_shared>>
      tpu.wait_dma2 semaphore(%run_scoped3A_1039 : memref<!tpu.dma_semaphore, #tpu.memory_space<semaphore_mem>>) src(%dma_wait3A_1051 : memref<640xf32, #tpu.memory_space<vmem_shared>>) dst(%dma_wait3A_1050 : memref<640xf32, #tpu.memory_space<vmem>>)
      tpu.yield
    }) : () -> ()
    %scan3A_165 = arith.constant 0 : i32
    %scan3A_166 = arith.constant 0 : i32
    %scan3A_167 = arith.constant 40 : i32
    %scan3A_168 = arith.addi %scan3A_166, %scan3A_167 : i32
    %scan3A_169 = arith.constant 1 : i32
    %scan3A_170 = scf.for %scan3A_1039 = %scan3A_166 to %scan3A_168 step %scan3A_169 iter_args(%scan3A_1040 = %scan3A_165) -> (i32)  : i32 {
      %mul3A_1041 = arith.constant 16 : i32
      %mul3A_1042 = arith.muli %scan3A_1039, %mul3A_1041 : i32
      %get3A_1043 = arith.index_cast %mul3A_1042 : i32 to index
      %get3A_1044 = tpu.vector_load %arg12[%get3A_1043] {strides = array<i32>} : memref<10240xf32, #tpu.memory_space<vmem>>, vector<16xf32>,
      %max3A = arith.constant 1.000000e+00 : f32
      %max3A_1045 = vector.broadcast %max3A : f32 to vector<16xf32>
      %max3A_1046 = arith.maximumf %get3A_1044, %max3A_1045 : vector<16xf32>
      %bitcast3A = vector.bitcast %max3A_1046 : vector<16xf32> to vector<16xi32>
      %shift_right_logical3A = arith.constant 1 : i32
      %shift_right_logical3A_1047 = vector.broadcast %shift_right_logical3A : i32 to vector<16xi32>
      %shift_right_logical3A_1048 = arith.shrui %bitcast3A, %shift_right_logical3A_1047 : vector<16xi32>
      %sub3A = arith.constant 1597463007 : i32
      %sub3A_1049 = vector.broadcast %sub3A : i32 to vector<16xi32>
      %sub3A_1050 = arith.subi %sub3A_1049, %shift_right_logical3A_1048 : vector<16xi32>
      %bitcast3A_1051 = vector.bitcast %sub3A_1050 : vector<16xi32> to vector<16xf32>
      %mul3A_1052 = arith.constant 5.000000e-01 : f32
      %mul3A_1053 = vector.broadcast %mul3A_1052 : f32 to vector<16xf32>
      %mul3A_1054 = arith.mulf %mul3A_1053, %max3A_1046 : vector<16xf32>
      %mul3A_1055 = arith.mulf %mul3A_1054, %bitcast3A_1051 : vector<16xf32>
      %mul3A_1056 = arith.mulf %mul3A_1055, %bitcast3A_1051 : vector<16xf32>
      %sub3A_1057 = arith.constant 1.500000e+00 : f32
      %sub3A_1058 = vector.broadcast %sub3A_1057 : f32 to vector<16xf32>
      %sub3A_1059 = arith.subf %sub3A_1058, %mul3A_1056 : vector<16xf32>
      %mul3A_1060 = arith.mulf %bitcast3A_1051, %sub3A_1059 : vector<16xf32>
      %mul3A_1061 = arith.constant 5.000000e-01 : f32
      %mul3A_1062 = vector.broadcast %mul3A_1061 : f32 to vector<16xf32>
      %mul3A_1063 = arith.mulf %mul3A_1062, %max3A_1046 : vector<16xf32>
      %mul3A_1064 = arith.mulf %mul3A_1063, %mul3A_1060 : vector<16xf32>
      %mul3A_1065 = arith.mulf %mul3A_1064, %mul3A_1060 : vector<16xf32>
      %sub3A_1066 = arith.constant 1.500000e+00 : f32
      %sub3A_1067 = vector.broadcast %sub3A_1066 : f32 to vector<16xf32>
      %sub3A_1068 = arith.subf %sub3A_1067, %mul3A_1065 : vector<16xf32>
      %mul3A_1069 = arith.mulf %mul3A_1060, %sub3A_1068 : vector<16xf32>
      %mul3A_1070 = arith.constant 5.000000e-01 : f32
      %mul3A_1071 = vector.broadcast %mul3A_1070 : f32 to vector<16xf32>
      %mul3A_1072 = arith.mulf %mul3A_1071, %max3A_1046 : vector<16xf32>
      %mul3A_1073 = arith.mulf %mul3A_1072, %mul3A_1069 : vector<16xf32>
      %mul3A_1074 = arith.mulf %mul3A_1073, %mul3A_1069 : vector<16xf32>
      %sub3A_1075 = arith.constant 1.500000e+00 : f32
      %sub3A_1076 = vector.broadcast %sub3A_1075 : f32 to vector<16xf32>
      %sub3A_1077 = arith.subf %sub3A_1076, %mul3A_1074 : vector<16xf32>
      %mul3A_1078 = arith.mulf %mul3A_1069, %sub3A_1077 : vector<16xf32>
      %mul3A_1079 = arith.constant 16 : i32
      %mul3A_1080 = arith.muli %scan3A_1039, %mul3A_1079 : i32
      %swap3A_1081 = arith.index_cast %mul3A_1080 : i32 to index
      %swap3A_1082 = tpu.vector_load %arg12[%swap3A_1081] {strides = array<i32>} : memref<10240xf32, #tpu.memory_space<vmem>>, vector<16xf32>,
      tpu.vector_store %arg12[%swap3A_1081], %mul3A_1078 {strides = array<i32>} : memref<10240xf32, #tpu.memory_space<vmem>>, vector<16xf32>,
      %scan3A_1083 = arith.constant 0 : i32
      scf.yield %scan3A_1083 : i32
    }
    %scan3A_171 = arith.constant 40 : i32
    %mul3A_172 = arith.constant 640 : i32
    %mul3A_173 = arith.muli %arg1, %mul3A_172 : i32
    "tpu.region"() ({
      %run_scoped3A_1039 = tpu.sem_alloc : memref<!tpu.dma_semaphore, #tpu.memory_space<semaphore_mem>>
      %dma_start3A_1040 = arith.constant 0 : i32
      %dma_start3A_1041 = tpu.memref_slice %arg12[%dma_start3A_1040] : memref<10240xf32, #tpu.memory_space<vmem>> -> memref<640xf32, #tpu.memory_space<vmem>>
      %dma_start3A_1042 = tpu.memref_slice %arg23[%mul3A_173] : memref<10240xf32, #tpu.memory_space<vmem_shared>> -> memref<640xf32, #tpu.memory_space<vmem_shared>>
      %dma_start3A_1043 = tpu.memref_slice %arg23[%mul3A_173] : memref<10240xf32, #tpu.memory_space<vmem_shared>> -> memref<640xf32, #tpu.memory_space<vmem_shared>>
      %dma_start3A_1044 = arith.constant 0 : i32
      %dma_start3A_1045 = tpu.memref_slice %arg12[%dma_start3A_1044] : memref<10240xf32, #tpu.memory_space<vmem>> -> memref<640xf32, #tpu.memory_space<vmem>>
      tpu.enqueue_dma source(%dma_start3A_1045 : memref<640xf32, #tpu.memory_space<vmem>>) target(%dma_start3A_1043 : memref<640xf32, #tpu.memory_space<vmem_shared>>) target_semaphore(%run_scoped3A_1039 : memref<!tpu.dma_semaphore, #tpu.memory_space<semaphore_mem>>)
      %dma_wait3A_1046 = arith.constant 0 : i32
      %dma_wait3A_1047 = tpu.memref_slice %arg12[%dma_wait3A_1046] : memref<10240xf32, #tpu.memory_space<vmem>> -> memref<640xf32, #tpu.memory_space<vmem>>
      %dma_wait3A_1048 = tpu.memref_slice %arg23[%mul3A_173] : memref<10240xf32, #tpu.memory_space<vmem_shared>> -> memref<640xf32, #tpu.memory_space<vmem_shared>>
      %dma_wait3A_1049 = tpu.memref_slice %arg23[%mul3A_173] : memref<10240xf32, #tpu.memory_space<vmem_shared>> -> memref<640xf32, #tpu.memory_space<vmem_shared>>
      %dma_wait3A_1050 = arith.constant 0 : i32
      %dma_wait3A_1051 = tpu.memref_slice %arg12[%dma_wait3A_1050] : memref<10240xf32, #tpu.memory_space<vmem>> -> memref<640xf32, #tpu.memory_space<vmem>>
      tpu.wait_dma2 semaphore(%run_scoped3A_1039 : memref<!tpu.dma_semaphore, #tpu.memory_space<semaphore_mem>>) src(%dma_wait3A_1051 : memref<640xf32, #tpu.memory_space<vmem>>) dst(%dma_wait3A_1049 : memref<640xf32, #tpu.memory_space<vmem_shared>>)
      tpu.yield
    }) : () -> ()
    %barrier3A_174 = arith.constant 0 : index
    tpu.barrier barrier_id(%barrier3A_174)
    "tpu.region"() ({
      %run_scoped3A_1039 = tpu.sem_alloc : memref<!tpu.dma_semaphore, #tpu.memory_space<semaphore_mem>>
      tpu.enqueue_dma source(%arg23 : memref<10240xf32, #tpu.memory_space<vmem_shared>>) target(%arg12 : memref<10240xf32, #tpu.memory_space<vmem>>) target_semaphore(%run_scoped3A_1039 : memref<!tpu.dma_semaphore, #tpu.memory_space<semaphore_mem>>)
      tpu.wait_dma2 semaphore(%run_scoped3A_1039 : memref<!tpu.dma_semaphore, #tpu.memory_space<semaphore_mem>>) src(%arg23 : memref<10240xf32, #tpu.memory_space<vmem_shared>>) dst(%arg12 : memref<10240xf32, #tpu.memory_space<vmem>>)
      tpu.yield
    }) : () -> ()
    "tpu.region"() ({
      %run_scoped3A_1039 = tpu.sem_alloc : memref<!tpu.dma_semaphore, #tpu.memory_space<semaphore_mem>>
      %dma_start3A_1040 = arith.constant 0 : i32
      %dma_start3A_1041 = arith.constant 0 : i32
      %dma_start3A_1042 = tpu.memref_slice %arg5[%arg1, %dma_start3A_1040, %dma_start3A_1041] : memref<16x3x128xi32, #tpu.memory_space<hbm>> -> memref<1x3x128xi32, #tpu.memory_space<hbm>>
      %dma_start3A_1043 = tpu.memref_squeeze %dma_start3A_1042 : memref<1x3x128xi32, #tpu.memory_space<hbm>> -> memref<3x128xi32, #tpu.memory_space<hbm>>
      %dma_start3A_1044 = arith.constant 0 : i32
      %dma_start3A_1045 = arith.constant 0 : i32
      %dma_start3A_1046 = tpu.memref_slice %arg5[%arg1, %dma_start3A_1044, %dma_start3A_1045] : memref<16x3x128xi32, #tpu.memory_space<hbm>> -> memref<1x3x128xi32, #tpu.memory_space<hbm>>
      %dma_start3A_1047 = tpu.memref_squeeze %dma_start3A_1046 : memref<1x3x128xi32, #tpu.memory_space<hbm>> -> memref<3x128xi32, #tpu.memory_space<hbm>>
      tpu.enqueue_dma source(%dma_start3A_1047 : memref<3x128xi32, #tpu.memory_space<hbm>>) target(%arg14 : memref<3x128xi32, #tpu.memory_space<vmem>>) target_semaphore(%run_scoped3A_1039 : memref<!tpu.dma_semaphore, #tpu.memory_space<semaphore_mem>>)
      %dma_wait3A_1048 = arith.constant 0 : i32
      %dma_wait3A_1049 = arith.constant 0 : i32
      %dma_wait3A_1050 = tpu.memref_slice %arg5[%arg1, %dma_wait3A_1048, %dma_wait3A_1049] : memref<16x3x128xi32, #tpu.memory_space<hbm>> -> memref<1x3x128xi32, #tpu.memory_space<hbm>>
      %dma_wait3A_1051 = tpu.memref_squeeze %dma_wait3A_1050 : memref<1x3x128xi32, #tpu.memory_space<hbm>> -> memref<3x128xi32, #tpu.memory_space<hbm>>
      %dma_wait3A_1052 = arith.constant 0 : i32
      %dma_wait3A_1053 = arith.constant 0 : i32
      %dma_wait3A_1054 = tpu.memref_slice %arg5[%arg1, %dma_wait3A_1052, %dma_wait3A_1053] : memref<16x3x128xi32, #tpu.memory_space<hbm>> -> memref<1x3x128xi32, #tpu.memory_space<hbm>>
      %dma_wait3A_1055 = tpu.memref_squeeze %dma_wait3A_1054 : memref<1x3x128xi32, #tpu.memory_space<hbm>> -> memref<3x128xi32, #tpu.memory_space<hbm>>
      tpu.wait_dma2 semaphore(%run_scoped3A_1039 : memref<!tpu.dma_semaphore, #tpu.memory_space<semaphore_mem>>) src(%dma_wait3A_1055 : memref<3x128xi32, #tpu.memory_space<hbm>>) dst(%arg14 : memref<3x128xi32, #tpu.memory_space<vmem>>)
      tpu.yield
    }) : () -> ()
    %run_scoped3A = arith.constant 0 : i32
    %run_scoped3A_175 = arith.constant 0 : i32
    "tpu.region"() ({
      %run_scoped3A_1039 = tpu.sem_alloc : memref<!tpu.dma_semaphore, #tpu.memory_space<semaphore_mem>>
      %dma_start3A_1040 = arith.constant 0 : i32
      %dma_start3A_1041 = tpu.memref_slice %arg15[%run_scoped3A, %dma_start3A_1040] : memref<3x128xf32, #tpu.memory_space<vmem>> -> memref<1x128xf32, #tpu.memory_space<vmem>>
      %dma_start3A_1042 = tpu.memref_squeeze %dma_start3A_1041 : memref<1x128xf32, #tpu.memory_space<vmem>> -> memref<128xf32, #tpu.memory_space<vmem>>
      %dma_start3A_1043 = arith.constant 0 : i32
      %dma_start3A_1044 = tpu.memref_slice %arg14[%run_scoped3A_175, %dma_start3A_1043] : memref<3x128xi32, #tpu.memory_space<vmem>> -> memref<1x128xi32, #tpu.memory_space<vmem>>
      %dma_start3A_1045 = tpu.memref_squeeze %dma_start3A_1044 : memref<1x128xi32, #tpu.memory_space<vmem>> -> memref<128xi32, #tpu.memory_space<vmem>>
      %dma_start3A_1046 = arith.constant 0 : i32
      %dma_start3A_1047 = tpu.memref_slice %arg22[%dma_start3A_1046] : memref<10240xf32, #tpu.memory_space<vmem_shared>> -> memref<10240xf32, #tpu.memory_space<vmem_shared>>
      tpu.enqueue_indirect_dma source(%dma_start3A_1042 : memref<128xf32, #tpu.memory_space<vmem>>) target(%dma_start3A_1047 : memref<10240xf32, #tpu.memory_space<vmem_shared>>) offsets(%dma_start3A_1045 : memref<128xi32, #tpu.memory_space<vmem>>) semaphore(%run_scoped3A_1039 : memref<!tpu.dma_semaphore, #tpu.memory_space<semaphore_mem>>) {add = true}
      %dma_wait3A_1048 = arith.constant 0 : i32
      %dma_wait3A_1049 = tpu.memref_slice %arg15[%run_scoped3A, %dma_wait3A_1048] : memref<3x128xf32, #tpu.memory_space<vmem>> -> memref<1x128xf32, #tpu.memory_space<vmem>>
      %dma_wait3A_1050 = tpu.memref_squeeze %dma_wait3A_1049 : memref<1x128xf32, #tpu.memory_space<vmem>> -> memref<128xf32, #tpu.memory_space<vmem>>
      %dma_wait3A_1051 = arith.constant 0 : i32
      %dma_wait3A_1052 = tpu.memref_slice %arg14[%run_scoped3A_175, %dma_wait3A_1051] : memref<3x128xi32, #tpu.memory_space<vmem>> -> memref<1x128xi32, #tpu.memory_space<vmem>>
      %dma_wait3A_1053 = tpu.memref_squeeze %dma_wait3A_1052 : memref<1x128xi32, #tpu.memory_space<vmem>> -> memref<128xi32, #tpu.memory_space<vmem>>
      %dma_wait3A_1054 = arith.constant 0 : i32
      %dma_wait3A_1055 = tpu.memref_slice %arg22[%dma_wait3A_1054] : memref<10240xf32, #tpu.memory_space<vmem_shared>> -> memref<10240xf32, #tpu.memory_space<vmem_shared>>
      tpu.wait_indirect_dma semaphore(%run_scoped3A_1039 : memref<!tpu.dma_semaphore, #tpu.memory_space<semaphore_mem>>) src(%dma_wait3A_1050 : memref<128xf32, #tpu.memory_space<vmem>>) dst(%dma_wait3A_1055 : memref<10240xf32, #tpu.memory_space<vmem_shared>>)
      tpu.yield
    }) : () -> ()
    %run_scoped3A_176 = arith.constant 1 : i32
    %run_scoped3A_177 = arith.constant 1 : i32
    "tpu.region"() ({
      %run_scoped3A_1039 = tpu.sem_alloc : memref<!tpu.dma_semaphore, #tpu.memory_space<semaphore_mem>>
      %dma_start3A_1040 = arith.constant 0 : i32
      %dma_start3A_1041 = tpu.memref_slice %arg15[%run_scoped3A_176, %dma_start3A_1040] : memref<3x128xf32, #tpu.memory_space<vmem>> -> memref<1x128xf32, #tpu.memory_space<vmem>>
      %dma_start3A_1042 = tpu.memref_squeeze %dma_start3A_1041 : memref<1x128xf32, #tpu.memory_space<vmem>> -> memref<128xf32, #tpu.memory_space<vmem>>
      %dma_start3A_1043 = arith.constant 0 : i32
      %dma_start3A_1044 = tpu.memref_slice %arg14[%run_scoped3A_177, %dma_start3A_1043] : memref<3x128xi32, #tpu.memory_space<vmem>> -> memref<1x128xi32, #tpu.memory_space<vmem>>
      %dma_start3A_1045 = tpu.memref_squeeze %dma_start3A_1044 : memref<1x128xi32, #tpu.memory_space<vmem>> -> memref<128xi32, #tpu.memory_space<vmem>>
      %dma_start3A_1046 = arith.constant 0 : i32
      %dma_start3A_1047 = tpu.memref_slice %arg22[%dma_start3A_1046] : memref<10240xf32, #tpu.memory_space<vmem_shared>> -> memref<10240xf32, #tpu.memory_space<vmem_shared>>
      tpu.enqueue_indirect_dma source(%dma_start3A_1042 : memref<128xf32, #tpu.memory_space<vmem>>) target(%dma_start3A_1047 : memref<10240xf32, #tpu.memory_space<vmem_shared>>) offsets(%dma_start3A_1045 : memref<128xi32, #tpu.memory_space<vmem>>) semaphore(%run_scoped3A_1039 : memref<!tpu.dma_semaphore, #tpu.memory_space<semaphore_mem>>) {add = true}
      %dma_wait3A_1048 = arith.constant 0 : i32
      %dma_wait3A_1049 = tpu.memref_slice %arg15[%run_scoped3A_176, %dma_wait3A_1048] : memref<3x128xf32, #tpu.memory_space<vmem>> -> memref<1x128xf32, #tpu.memory_space<vmem>>
      %dma_wait3A_1050 = tpu.memref_squeeze %dma_wait3A_1049 : memref<1x128xf32, #tpu.memory_space<vmem>> -> memref<128xf32, #tpu.memory_space<vmem>>
      %dma_wait3A_1051 = arith.constant 0 : i32
      %dma_wait3A_1052 = tpu.memref_slice %arg14[%run_scoped3A_177, %dma_wait3A_1051] : memref<3x128xi32, #tpu.memory_space<vmem>> -> memref<1x128xi32, #tpu.memory_space<vmem>>
      %dma_wait3A_1053 = tpu.memref_squeeze %dma_wait3A_1052 : memref<1x128xi32, #tpu.memory_space<vmem>> -> memref<128xi32, #tpu.memory_space<vmem>>
      %dma_wait3A_1054 = arith.constant 0 : i32
      %dma_wait3A_1055 = tpu.memref_slice %arg22[%dma_wait3A_1054] : memref<10240xf32, #tpu.memory_space<vmem_shared>> -> memref<10240xf32, #tpu.memory_space<vmem_shared>>
      tpu.wait_indirect_dma semaphore(%run_scoped3A_1039 : memref<!tpu.dma_semaphore, #tpu.memory_space<semaphore_mem>>) src(%dma_wait3A_1050 : memref<128xf32, #tpu.memory_space<vmem>>) dst(%dma_wait3A_1055 : memref<10240xf32, #tpu.memory_space<vmem_shared>>)
      tpu.yield
    }) : () -> ()
    %run_scoped3A_178 = arith.constant 2 : i32
    %run_scoped3A_179 = arith.constant 2 : i32
    "tpu.region"() ({
      %run_scoped3A_1039 = tpu.sem_alloc : memref<!tpu.dma_semaphore, #tpu.memory_space<semaphore_mem>>
      %dma_start3A_1040 = arith.constant 0 : i32
      %dma_start3A_1041 = tpu.memref_slice %arg15[%run_scoped3A_178, %dma_start3A_1040] : memref<3x128xf32, #tpu.memory_space<vmem>> -> memref<1x128xf32, #tpu.memory_space<vmem>>
      %dma_start3A_1042 = tpu.memref_squeeze %dma_start3A_1041 : memref<1x128xf32, #tpu.memory_space<vmem>> -> memref<128xf32, #tpu.memory_space<vmem>>
      %dma_start3A_1043 = arith.constant 0 : i32
      %dma_start3A_1044 = tpu.memref_slice %arg14[%run_scoped3A_179, %dma_start3A_1043] : memref<3x128xi32, #tpu.memory_space<vmem>> -> memref<1x128xi32, #tpu.memory_space<vmem>>
      %dma_start3A_1045 = tpu.memref_squeeze %dma_start3A_1044 : memref<1x128xi32, #tpu.memory_space<vmem>> -> memref<128xi32, #tpu.memory_space<vmem>>
      %dma_start3A_1046 = arith.constant 0 : i32
      %dma_start3A_1047 = tpu.memref_slice %arg22[%dma_start3A_1046] : memref<10240xf32, #tpu.memory_space<vmem_shared>> -> memref<10240xf32, #tpu.memory_space<vmem_shared>>
      tpu.enqueue_indirect_dma source(%dma_start3A_1042 : memref<128xf32, #tpu.memory_space<vmem>>) target(%dma_start3A_1047 : memref<10240xf32, #tpu.memory_space<vmem_shared>>) offsets(%dma_start3A_1045 : memref<128xi32, #tpu.memory_space<vmem>>) semaphore(%run_scoped3A_1039 : memref<!tpu.dma_semaphore, #tpu.memory_space<semaphore_mem>>) {add = true}
      %dma_wait3A_1048 = arith.constant 0 : i32
      %dma_wait3A_1049 = tpu.memref_slice %arg15[%run_scoped3A_178, %dma_wait3A_1048] : memref<3x128xf32, #tpu.memory_space<vmem>> -> memref<1x128xf32, #tpu.memory_space<vmem>>
      %dma_wait3A_1050 = tpu.memref_squeeze %dma_wait3A_1049 : memref<1x128xf32, #tpu.memory_space<vmem>> -> memref<128xf32, #tpu.memory_space<vmem>>
      %dma_wait3A_1051 = arith.constant 0 : i32
      %dma_wait3A_1052 = tpu.memref_slice %arg14[%run_scoped3A_179, %dma_wait3A_1051] : memref<3x128xi32, #tpu.memory_space<vmem>> -> memref<1x128xi32, #tpu.memory_space<vmem>>
      %dma_wait3A_1053 = tpu.memref_squeeze %dma_wait3A_1052 : memref<1x128xi32, #tpu.memory_space<vmem>> -> memref<128xi32, #tpu.memory_space<vmem>>
      %dma_wait3A_1054 = arith.constant 0 : i32
      %dma_wait3A_1055 = tpu.memref_slice %arg22[%dma_wait3A_1054] : memref<10240xf32, #tpu.memory_space<vmem_shared>> -> memref<10240xf32, #tpu.memory_space<vmem_shared>>
      tpu.wait_indirect_dma semaphore(%run_scoped3A_1039 : memref<!tpu.dma_semaphore, #tpu.memory_space<semaphore_mem>>) src(%dma_wait3A_1050 : memref<128xf32, #tpu.memory_space<vmem>>) dst(%dma_wait3A_1055 : memref<10240xf32, #tpu.memory_space<vmem_shared>>)
      tpu.yield
    }) : () -> ()
    %add3A_180 = arith.constant 16 : i32
    %add3A_181 = arith.addi %add3A_180, %arg1 : i32
    "tpu.region"() ({
      %run_scoped3A_1039 = tpu.sem_alloc : memref<!tpu.dma_semaphore, #tpu.memory_space<semaphore_mem>>
      %dma_start3A_1040 = arith.constant 0 : i32
      %dma_start3A_1041 = arith.constant 0 : i32
      %dma_start3A_1042 = tpu.memref_slice %arg2[%arg1, %dma_start3A_1040, %dma_start3A_1041] : memref<32x81x128xi32, #tpu.memory_space<hbm>> -> memref<1x81x128xi32, #tpu.memory_space<hbm>>
      %dma_start3A_1043 = tpu.memref_squeeze %dma_start3A_1042 : memref<1x81x128xi32, #tpu.memory_space<hbm>> -> memref<81x128xi32, #tpu.memory_space<hbm>>
      %dma_start3A_1044 = arith.constant 0 : i32
      %dma_start3A_1045 = arith.constant 0 : i32
      %dma_start3A_1046 = tpu.memref_slice %arg2[%arg1, %dma_start3A_1044, %dma_start3A_1045] : memref<32x81x128xi32, #tpu.memory_space<hbm>> -> memref<1x81x128xi32, #tpu.memory_space<hbm>>
      %dma_start3A_1047 = tpu.memref_squeeze %dma_start3A_1046 : memref<1x81x128xi32, #tpu.memory_space<hbm>> -> memref<81x128xi32, #tpu.memory_space<hbm>>
      tpu.enqueue_dma source(%dma_start3A_1047 : memref<81x128xi32, #tpu.memory_space<hbm>>) target(%arg11 : memref<81x128xi32, #tpu.memory_space<vmem>>) target_semaphore(%run_scoped3A_1039 : memref<!tpu.dma_semaphore, #tpu.memory_space<semaphore_mem>>)
      %dma_wait3A_1048 = arith.constant 0 : i32
      %dma_wait3A_1049 = arith.constant 0 : i32
      %dma_wait3A_1050 = tpu.memref_slice %arg2[%arg1, %dma_wait3A_1048, %dma_wait3A_1049] : memref<32x81x128xi32, #tpu.memory_space<hbm>> -> memref<1x81x128xi32, #tpu.memory_space<hbm>>
      %dma_wait3A_1051 = tpu.memref_squeeze %dma_wait3A_1050 : memref<1x81x128xi32, #tpu.memory_space<hbm>> -> memref<81x128xi32, #tpu.memory_space<hbm>>
      %dma_wait3A_1052 = arith.constant 0 : i32
      %dma_wait3A_1053 = arith.constant 0 : i32
      %dma_wait3A_1054 = tpu.memref_slice %arg2[%arg1, %dma_wait3A_1052, %dma_wait3A_1053] : memref<32x81x128xi32, #tpu.memory_space<hbm>> -> memref<1x81x128xi32, #tpu.memory_space<hbm>>
      %dma_wait3A_1055 = tpu.memref_squeeze %dma_wait3A_1054 : memref<1x81x128xi32, #tpu.memory_space<hbm>> -> memref<81x128xi32, #tpu.memory_space<hbm>>
      tpu.wait_dma2 semaphore(%run_scoped3A_1039 : memref<!tpu.dma_semaphore, #tpu.memory_space<semaphore_mem>>) src(%dma_wait3A_1055 : memref<81x128xi32, #tpu.memory_space<hbm>>) dst(%arg11 : memref<81x128xi32, #tpu.memory_space<vmem>>)
      tpu.yield
    }) : () -> ()
    "tpu.region"() ({
      %run_scoped3A_1039 = tpu.sem_alloc : memref<!tpu.dma_semaphore, #tpu.memory_space<semaphore_mem>>
      %dma_start3A_1040 = arith.constant 0 : i32
      %dma_start3A_1041 = arith.constant 0 : i32
      %dma_start3A_1042 = tpu.memref_slice %arg3[%arg1, %dma_start3A_1040, %dma_start3A_1041] : memref<32x81x128xi32, #tpu.memory_space<hbm>> -> memref<1x81x128xi32, #tpu.memory_space<hbm>>
      %dma_start3A_1043 = tpu.memref_squeeze %dma_start3A_1042 : memref<1x81x128xi32, #tpu.memory_space<hbm>> -> memref<81x128xi32, #tpu.memory_space<hbm>>
      %dma_start3A_1044 = arith.constant 0 : i32
      %dma_start3A_1045 = arith.constant 0 : i32
      %dma_start3A_1046 = tpu.memref_slice %arg3[%arg1, %dma_start3A_1044, %dma_start3A_1045] : memref<32x81x128xi32, #tpu.memory_space<hbm>> -> memref<1x81x128xi32, #tpu.memory_space<hbm>>
      %dma_start3A_1047 = tpu.memref_squeeze %dma_start3A_1046 : memref<1x81x128xi32, #tpu.memory_space<hbm>> -> memref<81x128xi32, #tpu.memory_space<hbm>>
      tpu.enqueue_dma source(%dma_start3A_1047 : memref<81x128xi32, #tpu.memory_space<hbm>>) target(%arg9 : memref<81x128xi32, #tpu.memory_space<vmem>>) target_semaphore(%run_scoped3A_1039 : memref<!tpu.dma_semaphore, #tpu.memory_space<semaphore_mem>>)
      %dma_wait3A_1048 = arith.constant 0 : i32
      %dma_wait3A_1049 = arith.constant 0 : i32
      %dma_wait3A_1050 = tpu.memref_slice %arg3[%arg1, %dma_wait3A_1048, %dma_wait3A_1049] : memref<32x81x128xi32, #tpu.memory_space<hbm>> -> memref<1x81x128xi32, #tpu.memory_space<hbm>>
      %dma_wait3A_1051 = tpu.memref_squeeze %dma_wait3A_1050 : memref<1x81x128xi32, #tpu.memory_space<hbm>> -> memref<81x128xi32, #tpu.memory_space<hbm>>
      %dma_wait3A_1052 = arith.constant 0 : i32
      %dma_wait3A_1053 = arith.constant 0 : i32
      %dma_wait3A_1054 = tpu.memref_slice %arg3[%arg1, %dma_wait3A_1052, %dma_wait3A_1053] : memref<32x81x128xi32, #tpu.memory_space<hbm>> -> memref<1x81x128xi32, #tpu.memory_space<hbm>>
      %dma_wait3A_1055 = tpu.memref_squeeze %dma_wait3A_1054 : memref<1x81x128xi32, #tpu.memory_space<hbm>> -> memref<81x128xi32, #tpu.memory_space<hbm>>
      tpu.wait_dma2 semaphore(%run_scoped3A_1039 : memref<!tpu.dma_semaphore, #tpu.memory_space<semaphore_mem>>) src(%dma_wait3A_1055 : memref<81x128xi32, #tpu.memory_space<hbm>>) dst(%arg9 : memref<81x128xi32, #tpu.memory_space<vmem>>)
      tpu.yield
    }) : () -> ()
    "tpu.region"() ({
      %run_scoped3A_1039 = tpu.sem_alloc : memref<!tpu.dma_semaphore, #tpu.memory_space<semaphore_mem>>
      %dma_start3A_1040 = arith.constant 0 : i32
      %dma_start3A_1041 = arith.constant 0 : i32
      %dma_start3A_1042 = tpu.memref_slice %arg4[%arg1, %dma_start3A_1040, %dma_start3A_1041] : memref<32x81x128xf32, #tpu.memory_space<hbm>> -> memref<1x81x128xf32, #tpu.memory_space<hbm>>
      %dma_start3A_1043 = tpu.memref_squeeze %dma_start3A_1042 : memref<1x81x128xf32, #tpu.memory_space<hbm>> -> memref<81x128xf32, #tpu.memory_space<hbm>>
      %dma_start3A_1044 = arith.constant 0 : i32
      %dma_start3A_1045 = arith.constant 0 : i32
      %dma_start3A_1046 = tpu.memref_slice %arg4[%arg1, %dma_start3A_1044, %dma_start3A_1045] : memref<32x81x128xf32, #tpu.memory_space<hbm>> -> memref<1x81x128xf32, #tpu.memory_space<hbm>>
      %dma_start3A_1047 = tpu.memref_squeeze %dma_start3A_1046 : memref<1x81x128xf32, #tpu.memory_space<hbm>> -> memref<81x128xf32, #tpu.memory_space<hbm>>
      tpu.enqueue_dma source(%dma_start3A_1047 : memref<81x128xf32, #tpu.memory_space<hbm>>) target(%arg10 : memref<81x128xf32, #tpu.memory_space<vmem>>) target_semaphore(%run_scoped3A_1039 : memref<!tpu.dma_semaphore, #tpu.memory_space<semaphore_mem>>)
      %dma_wait3A_1048 = arith.constant 0 : i32
      %dma_wait3A_1049 = arith.constant 0 : i32
      %dma_wait3A_1050 = tpu.memref_slice %arg4[%arg1, %dma_wait3A_1048, %dma_wait3A_1049] : memref<32x81x128xf32, #tpu.memory_space<hbm>> -> memref<1x81x128xf32, #tpu.memory_space<hbm>>
      %dma_wait3A_1051 = tpu.memref_squeeze %dma_wait3A_1050 : memref<1x81x128xf32, #tpu.memory_space<hbm>> -> memref<81x128xf32, #tpu.memory_space<hbm>>
      %dma_wait3A_1052 = arith.constant 0 : i32
      %dma_wait3A_1053 = arith.constant 0 : i32
      %dma_wait3A_1054 = tpu.memref_slice %arg4[%arg1, %dma_wait3A_1052, %dma_wait3A_1053] : memref<32x81x128xf32, #tpu.memory_space<hbm>> -> memref<1x81x128xf32, #tpu.memory_space<hbm>>
      %dma_wait3A_1055 = tpu.memref_squeeze %dma_wait3A_1054 : memref<1x81x128xf32, #tpu.memory_space<hbm>> -> memref<81x128xf32, #tpu.memory_space<hbm>>
      tpu.wait_dma2 semaphore(%run_scoped3A_1039 : memref<!tpu.dma_semaphore, #tpu.memory_space<semaphore_mem>>) src(%dma_wait3A_1055 : memref<81x128xf32, #tpu.memory_space<hbm>>) dst(%arg10 : memref<81x128xf32, #tpu.memory_space<vmem>>)
      tpu.yield
    }) : () -> ()
    %dma_start3A_182 = arith.constant 0 : i32
    %dma_start3A_183 = arith.constant 0 : i32
    %dma_start3A_184 = arith.constant 0 : i32
    %dma_start3A_185 = arith.constant 0 : i32
    %dma_start3A_186 = arith.constant 0 : i32
    %dma_start3A_187 = tpu.memref_slice %arg16[%dma_start3A_183, %dma_start3A_185, %dma_start3A_186] : memref<4x128x64xf32, #tpu.memory_space<vmem>> -> memref<1x128x64xf32, #tpu.memory_space<vmem>>
    %dma_start3A_188 = tpu.memref_squeeze %dma_start3A_187 : memref<1x128x64xf32, #tpu.memory_space<vmem>> -> memref<128x64xf32, #tpu.memory_space<vmem>>
    %dma_start3A_189 = arith.constant 0 : i32
    %dma_start3A_190 = tpu.memref_slice %arg11[%dma_start3A_182, %dma_start3A_189] : memref<81x128xi32, #tpu.memory_space<vmem>> -> memref<1x128xi32, #tpu.memory_space<vmem>>
    %dma_start3A_191 = tpu.memref_squeeze %dma_start3A_190 : memref<1x128xi32, #tpu.memory_space<vmem>> -> memref<128xi32, #tpu.memory_space<vmem>>
    %dma_start3A_192 = arith.constant 0 : i32
    %dma_start3A_193 = arith.constant 0 : i32
    %dma_start3A_194 = tpu.memref_slice %arg6[%arg0, %dma_start3A_192, %dma_start3A_193] : memref<2x10240x64xf32, #tpu.memory_space<hbm>> -> memref<1x10240x64xf32, #tpu.memory_space<hbm>>
    %dma_start3A_195 = tpu.memref_squeeze %dma_start3A_194 : memref<1x10240x64xf32, #tpu.memory_space<hbm>> -> memref<10240x64xf32, #tpu.memory_space<hbm>>
    %dma_start3A_196 = arith.constant 0 : i32
    %dma_start3A_197 = arith.constant 0 : i32
    %dma_start3A_198 = tpu.memref_slice %dma_start3A_195[%dma_start3A_196, %dma_start3A_197] : memref<10240x64xf32, #tpu.memory_space<hbm>> -> memref<10240x64xf32, #tpu.memory_space<hbm>>
    %dma_start3A_199 = tpu.memref_slice %arg17[%dma_start3A_184] : memref<4x!tpu.dma_semaphore, #tpu.memory_space<semaphore_mem>> -> memref<1x!tpu.dma_semaphore, #tpu.memory_space<semaphore_mem>>
    %dma_start3A_200 = tpu.memref_squeeze %dma_start3A_199 : memref<1x!tpu.dma_semaphore, #tpu.memory_space<semaphore_mem>> -> memref<!tpu.dma_semaphore, #tpu.memory_space<semaphore_mem>>
    tpu.enqueue_indirect_dma source(%dma_start3A_198 : memref<10240x64xf32, #tpu.memory_space<hbm>>) target(%dma_start3A_188 : memref<128x64xf32, #tpu.memory_space<vmem>>) offsets(%dma_start3A_191 : memref<128xi32, #tpu.memory_space<vmem>>) semaphore(%dma_start3A_200 : memref<!tpu.dma_semaphore, #tpu.memory_space<semaphore_mem>>)
    %dma_start3A_201 = arith.constant 1 : i32
    %dma_start3A_202 = arith.constant 1 : i32
    %dma_start3A_203 = arith.constant 1 : i32
    %dma_start3A_204 = arith.constant 0 : i32
    %dma_start3A_205 = arith.constant 0 : i32
    %dma_start3A_206 = tpu.memref_slice %arg16[%dma_start3A_202, %dma_start3A_204, %dma_start3A_205] : memref<4x128x64xf32, #tpu.memory_space<vmem>> -> memref<1x128x64xf32, #tpu.memory_space<vmem>>
    %dma_start3A_207 = tpu.memref_squeeze %dma_start3A_206 : memref<1x128x64xf32, #tpu.memory_space<vmem>> -> memref<128x64xf32, #tpu.memory_space<vmem>>
    %dma_start3A_208 = arith.constant 0 : i32
    %dma_start3A_209 = tpu.memref_slice %arg11[%dma_start3A_201, %dma_start3A_208] : memref<81x128xi32, #tpu.memory_space<vmem>> -> memref<1x128xi32, #tpu.memory_space<vmem>>
    %dma_start3A_210 = tpu.memref_squeeze %dma_start3A_209 : memref<1x128xi32, #tpu.memory_space<vmem>> -> memref<128xi32, #tpu.memory_space<vmem>>
    %dma_start3A_211 = arith.constant 0 : i32
    %dma_start3A_212 = arith.constant 0 : i32
    %dma_start3A_213 = tpu.memref_slice %arg6[%arg0, %dma_start3A_211, %dma_start3A_212] : memref<2x10240x64xf32, #tpu.memory_space<hbm>> -> memref<1x10240x64xf32, #tpu.memory_space<hbm>>
    %dma_start3A_214 = tpu.memref_squeeze %dma_start3A_213 : memref<1x10240x64xf32, #tpu.memory_space<hbm>> -> memref<10240x64xf32, #tpu.memory_space<hbm>>
    %dma_start3A_215 = arith.constant 0 : i32
    %dma_start3A_216 = arith.constant 0 : i32
    %dma_start3A_217 = tpu.memref_slice %dma_start3A_214[%dma_start3A_215, %dma_start3A_216] : memref<10240x64xf32, #tpu.memory_space<hbm>> -> memref<10240x64xf32, #tpu.memory_space<hbm>>
    %dma_start3A_218 = tpu.memref_slice %arg17[%dma_start3A_203] : memref<4x!tpu.dma_semaphore, #tpu.memory_space<semaphore_mem>> -> memref<1x!tpu.dma_semaphore, #tpu.memory_space<semaphore_mem>>
    %dma_start3A_219 = tpu.memref_squeeze %dma_start3A_218 : memref<1x!tpu.dma_semaphore, #tpu.memory_space<semaphore_mem>> -> memref<!tpu.dma_semaphore, #tpu.memory_space<semaphore_mem>>
    tpu.enqueue_indirect_dma source(%dma_start3A_217 : memref<10240x64xf32, #tpu.memory_space<hbm>>) target(%dma_start3A_207 : memref<128x64xf32, #tpu.memory_space<vmem>>) offsets(%dma_start3A_210 : memref<128xi32, #tpu.memory_space<vmem>>) semaphore(%dma_start3A_219 : memref<!tpu.dma_semaphore, #tpu.memory_space<semaphore_mem>>)
    %get3A = arith.constant 0 : i32
    %get3A_220 = arith.index_cast %get3A : i32 to index
    %get3A_221 = arith.constant 0 : index
    %get3A_222 = tpu.vector_load %arg11[%get3A_220, %get3A_221] {strides = array<i32>} : memref<81x128xi32, #tpu.memory_space<vmem>>, vector<16xi32>,
    %get3A_223 = arith.constant 0 : i32
    %get3A_224 = arith.index_cast %get3A_223 : i32 to index
    %get3A_225 = arith.constant 0 : index
    %get3A_226 = tpu.vector_load %arg9[%get3A_224, %get3A_225] {strides = array<i32>} : memref<81x128xi32, #tpu.memory_space<vmem>>, vector<16xi32>,
    %get3A_227 = arith.constant 0 : i32
    %get3A_228 = arith.index_cast %get3A_227 : i32 to index
    %get3A_229 = arith.constant 0 : index
    %get3A_230 = tpu.vector_load %arg10[%get3A_228, %get3A_229] {strides = array<i32>} : memref<81x128xf32, #tpu.memory_space<vmem>>, vector<16xf32>,
    %gather3A = tpu.vector_load_idx %arg12[%get3A_222] : memref<10240xf32, #tpu.memory_space<vmem>>[vector<16xi32>], vector<16xf32>,
    %mul3A_231 = arith.mulf %gather3A, %get3A_230 : vector<16xf32>
    %gather3A_232 = tpu.vector_load_idx %arg12[%get3A_226] : memref<10240xf32, #tpu.memory_space<vmem>>[vector<16xi32>], vector<16xf32>,
    %mul3A_233 = arith.mulf %mul3A_231, %gather3A_232 : vector<16xf32>
    %swap3A = arith.constant 0 : i32
    %swap3A_234 = arith.index_cast %swap3A : i32 to index
    %swap3A_235 = arith.constant 0 : index
    %swap3A_236 = tpu.vector_load %arg10[%swap3A_234, %swap3A_235] {strides = array<i32>} : memref<81x128xf32, #tpu.memory_space<vmem>>, vector<16xf32>,
    tpu.vector_store %arg10[%swap3A_234, %swap3A_235], %mul3A_233 {strides = array<i32>} : memref<81x128xf32, #tpu.memory_space<vmem>>, vector<16xf32>,
    %get3A_237 = arith.constant 0 : i32
    %get3A_238 = arith.index_cast %get3A_237 : i32 to index
    %get3A_239 = arith.constant 16 : index
    %get3A_240 = tpu.vector_load %arg11[%get3A_238, %get3A_239] {strides = array<i32>} : memref<81x128xi32, #tpu.memory_space<vmem>>, vector<16xi32>,
    %get3A_241 = arith.constant 0 : i32
    %get3A_242 = arith.index_cast %get3A_241 : i32 to index
    %get3A_243 = arith.constant 16 : index
    %get3A_244 = tpu.vector_load %arg9[%get3A_242, %get3A_243] {strides = array<i32>} : memref<81x128xi32, #tpu.memory_space<vmem>>, vector<16xi32>,
    %get3A_245 = arith.constant 0 : i32
    %get3A_246 = arith.index_cast %get3A_245 : i32 to index
    %get3A_247 = arith.constant 16 : index
    %get3A_248 = tpu.vector_load %arg10[%get3A_246, %get3A_247] {strides = array<i32>} : memref<81x128xf32, #tpu.memory_space<vmem>>, vector<16xf32>,
    %gather3A_249 = tpu.vector_load_idx %arg12[%get3A_240] : memref<10240xf32, #tpu.memory_space<vmem>>[vector<16xi32>], vector<16xf32>,
    %mul3A_250 = arith.mulf %gather3A_249, %get3A_248 : vector<16xf32>
    %gather3A_251 = tpu.vector_load_idx %arg12[%get3A_244] : memref<10240xf32, #tpu.memory_space<vmem>>[vector<16xi32>], vector<16xf32>,
    %mul3A_252 = arith.mulf %mul3A_250, %gather3A_251 : vector<16xf32>
    %swap3A_253 = arith.constant 0 : i32
    %swap3A_254 = arith.index_cast %swap3A_253 : i32 to index
    %swap3A_255 = arith.constant 16 : index
    %swap3A_256 = tpu.vector_load %arg10[%swap3A_254, %swap3A_255] {strides = array<i32>} : memref<81x128xf32, #tpu.memory_space<vmem>>, vector<16xf32>,
    tpu.vector_store %arg10[%swap3A_254, %swap3A_255], %mul3A_252 {strides = array<i32>} : memref<81x128xf32, #tpu.memory_space<vmem>>, vector<16xf32>,
    %get3A_257 = arith.constant 0 : i32
    %get3A_258 = arith.index_cast %get3A_257 : i32 to index
    %get3A_259 = arith.constant 32 : index
    %get3A_260 = tpu.vector_load %arg11[%get3A_258, %get3A_259] {strides = array<i32>} : memref<81x128xi32, #tpu.memory_space<vmem>>, vector<16xi32>,
    %get3A_261 = arith.constant 0 : i32
    %get3A_262 = arith.index_cast %get3A_261 : i32 to index
    %get3A_263 = arith.constant 32 : index
    %get3A_264 = tpu.vector_load %arg9[%get3A_262, %get3A_263] {strides = array<i32>} : memref<81x128xi32, #tpu.memory_space<vmem>>, vector<16xi32>,
    %get3A_265 = arith.constant 0 : i32
    %get3A_266 = arith.index_cast %get3A_265 : i32 to index
    %get3A_267 = arith.constant 32 : index
    %get3A_268 = tpu.vector_load %arg10[%get3A_266, %get3A_267] {strides = array<i32>} : memref<81x128xf32, #tpu.memory_space<vmem>>, vector<16xf32>,
    %gather3A_269 = tpu.vector_load_idx %arg12[%get3A_260] : memref<10240xf32, #tpu.memory_space<vmem>>[vector<16xi32>], vector<16xf32>,
    %mul3A_270 = arith.mulf %gather3A_269, %get3A_268 : vector<16xf32>
    %gather3A_271 = tpu.vector_load_idx %arg12[%get3A_264] : memref<10240xf32, #tpu.memory_space<vmem>>[vector<16xi32>], vector<16xf32>,
    %mul3A_272 = arith.mulf %mul3A_270, %gather3A_271 : vector<16xf32>
    %swap3A_273 = arith.constant 0 : i32
    %swap3A_274 = arith.index_cast %swap3A_273 : i32 to index
    %swap3A_275 = arith.constant 32 : index
    %swap3A_276 = tpu.vector_load %arg10[%swap3A_274, %swap3A_275] {strides = array<i32>} : memref<81x128xf32, #tpu.memory_space<vmem>>, vector<16xf32>,
    tpu.vector_store %arg10[%swap3A_274, %swap3A_275], %mul3A_272 {strides = array<i32>} : memref<81x128xf32, #tpu.memory_space<vmem>>, vector<16xf32>,
    %get3A_277 = arith.constant 0 : i32
    %get3A_278 = arith.index_cast %get3A_277 : i32 to index
    %get3A_279 = arith.constant 48 : index
    %get3A_280 = tpu.vector_load %arg11[%get3A_278, %get3A_279] {strides = array<i32>} : memref<81x128xi32, #tpu.memory_space<vmem>>, vector<16xi32>,
    %get3A_281 = arith.constant 0 : i32
    %get3A_282 = arith.index_cast %get3A_281 : i32 to index
    %get3A_283 = arith.constant 48 : index
    %get3A_284 = tpu.vector_load %arg9[%get3A_282, %get3A_283] {strides = array<i32>} : memref<81x128xi32, #tpu.memory_space<vmem>>, vector<16xi32>,
    %get3A_285 = arith.constant 0 : i32
    %get3A_286 = arith.index_cast %get3A_285 : i32 to index
    %get3A_287 = arith.constant 48 : index
    %get3A_288 = tpu.vector_load %arg10[%get3A_286, %get3A_287] {strides = array<i32>} : memref<81x128xf32, #tpu.memory_space<vmem>>, vector<16xf32>,
    %gather3A_289 = tpu.vector_load_idx %arg12[%get3A_280] : memref<10240xf32, #tpu.memory_space<vmem>>[vector<16xi32>], vector<16xf32>,
    %mul3A_290 = arith.mulf %gather3A_289, %get3A_288 : vector<16xf32>
    %gather3A_291 = tpu.vector_load_idx %arg12[%get3A_284] : memref<10240xf32, #tpu.memory_space<vmem>>[vector<16xi32>], vector<16xf32>,
    %mul3A_292 = arith.mulf %mul3A_290, %gather3A_291 : vector<16xf32>
    %swap3A_293 = arith.constant 0 : i32
    %swap3A_294 = arith.index_cast %swap3A_293 : i32 to index
    %swap3A_295 = arith.constant 48 : index
    %swap3A_296 = tpu.vector_load %arg10[%swap3A_294, %swap3A_295] {strides = array<i32>} : memref<81x128xf32, #tpu.memory_space<vmem>>, vector<16xf32>,
    tpu.vector_store %arg10[%swap3A_294, %swap3A_295], %mul3A_292 {strides = array<i32>} : memref<81x128xf32, #tpu.memory_space<vmem>>, vector<16xf32>,
    %get3A_297 = arith.constant 0 : i32
    %get3A_298 = arith.index_cast %get3A_297 : i32 to index
    %get3A_299 = arith.constant 64 : index
    %get3A_300 = tpu.vector_load %arg11[%get3A_298, %get3A_299] {strides = array<i32>} : memref<81x128xi32, #tpu.memory_space<vmem>>, vector<16xi32>,
    %get3A_301 = arith.constant 0 : i32
    %get3A_302 = arith.index_cast %get3A_301 : i32 to index
    %get3A_303 = arith.constant 64 : index
    %get3A_304 = tpu.vector_load %arg9[%get3A_302, %get3A_303] {strides = array<i32>} : memref<81x128xi32, #tpu.memory_space<vmem>>, vector<16xi32>,
    %get3A_305 = arith.constant 0 : i32
    %get3A_306 = arith.index_cast %get3A_305 : i32 to index
    %get3A_307 = arith.constant 64 : index
    %get3A_308 = tpu.vector_load %arg10[%get3A_306, %get3A_307] {strides = array<i32>} : memref<81x128xf32, #tpu.memory_space<vmem>>, vector<16xf32>,
    %gather3A_309 = tpu.vector_load_idx %arg12[%get3A_300] : memref<10240xf32, #tpu.memory_space<vmem>>[vector<16xi32>], vector<16xf32>,
    %mul3A_310 = arith.mulf %gather3A_309, %get3A_308 : vector<16xf32>
    %gather3A_311 = tpu.vector_load_idx %arg12[%get3A_304] : memref<10240xf32, #tpu.memory_space<vmem>>[vector<16xi32>], vector<16xf32>,
    %mul3A_312 = arith.mulf %mul3A_310, %gather3A_311 : vector<16xf32>
    %swap3A_313 = arith.constant 0 : i32
    %swap3A_314 = arith.index_cast %swap3A_313 : i32 to index
    %swap3A_315 = arith.constant 64 : index
    %swap3A_316 = tpu.vector_load %arg10[%swap3A_314, %swap3A_315] {strides = array<i32>} : memref<81x128xf32, #tpu.memory_space<vmem>>, vector<16xf32>,
    tpu.vector_store %arg10[%swap3A_314, %swap3A_315], %mul3A_312 {strides = array<i32>} : memref<81x128xf32, #tpu.memory_space<vmem>>, vector<16xf32>,
    %get3A_317 = arith.constant 0 : i32
    %get3A_318 = arith.index_cast %get3A_317 : i32 to index
    %get3A_319 = arith.constant 80 : index
    %get3A_320 = tpu.vector_load %arg11[%get3A_318, %get3A_319] {strides = array<i32>} : memref<81x128xi32, #tpu.memory_space<vmem>>, vector<16xi32>,
    %get3A_321 = arith.constant 0 : i32
    %get3A_322 = arith.index_cast %get3A_321 : i32 to index
    %get3A_323 = arith.constant 80 : index
    %get3A_324 = tpu.vector_load %arg9[%get3A_322, %get3A_323] {strides = array<i32>} : memref<81x128xi32, #tpu.memory_space<vmem>>, vector<16xi32>,
    %get3A_325 = arith.constant 0 : i32
    %get3A_326 = arith.index_cast %get3A_325 : i32 to index
    %get3A_327 = arith.constant 80 : index
    %get3A_328 = tpu.vector_load %arg10[%get3A_326, %get3A_327] {strides = array<i32>} : memref<81x128xf32, #tpu.memory_space<vmem>>, vector<16xf32>,
    %gather3A_329 = tpu.vector_load_idx %arg12[%get3A_320] : memref<10240xf32, #tpu.memory_space<vmem>>[vector<16xi32>], vector<16xf32>,
    %mul3A_330 = arith.mulf %gather3A_329, %get3A_328 : vector<16xf32>
    %gather3A_331 = tpu.vector_load_idx %arg12[%get3A_324] : memref<10240xf32, #tpu.memory_space<vmem>>[vector<16xi32>], vector<16xf32>,
    %mul3A_332 = arith.mulf %mul3A_330, %gather3A_331 : vector<16xf32>
    %swap3A_333 = arith.constant 0 : i32
    %swap3A_334 = arith.index_cast %swap3A_333 : i32 to index
    %swap3A_335 = arith.constant 80 : index
    %swap3A_336 = tpu.vector_load %arg10[%swap3A_334, %swap3A_335] {strides = array<i32>} : memref<81x128xf32, #tpu.memory_space<vmem>>, vector<16xf32>,
    tpu.vector_store %arg10[%swap3A_334, %swap3A_335], %mul3A_332 {strides = array<i32>} : memref<81x128xf32, #tpu.memory_space<vmem>>, vector<16xf32>,
    %get3A_337 = arith.constant 0 : i32
    %get3A_338 = arith.index_cast %get3A_337 : i32 to index
    %get3A_339 = arith.constant 96 : index
    %get3A_340 = tpu.vector_load %arg11[%get3A_338, %get3A_339] {strides = array<i32>} : memref<81x128xi32, #tpu.memory_space<vmem>>, vector<16xi32>,
    %get3A_341 = arith.constant 0 : i32
    %get3A_342 = arith.index_cast %get3A_341 : i32 to index
    %get3A_343 = arith.constant 96 : index
    %get3A_344 = tpu.vector_load %arg9[%get3A_342, %get3A_343] {strides = array<i32>} : memref<81x128xi32, #tpu.memory_space<vmem>>, vector<16xi32>,
    %get3A_345 = arith.constant 0 : i32
    %get3A_346 = arith.index_cast %get3A_345 : i32 to index
    %get3A_347 = arith.constant 96 : index
    %get3A_348 = tpu.vector_load %arg10[%get3A_346, %get3A_347] {strides = array<i32>} : memref<81x128xf32, #tpu.memory_space<vmem>>, vector<16xf32>,
    %gather3A_349 = tpu.vector_load_idx %arg12[%get3A_340] : memref<10240xf32, #tpu.memory_space<vmem>>[vector<16xi32>], vector<16xf32>,
    %mul3A_350 = arith.mulf %gather3A_349, %get3A_348 : vector<16xf32>
    %gather3A_351 = tpu.vector_load_idx %arg12[%get3A_344] : memref<10240xf32, #tpu.memory_space<vmem>>[vector<16xi32>], vector<16xf32>,
    %mul3A_352 = arith.mulf %mul3A_350, %gather3A_351 : vector<16xf32>
    %swap3A_353 = arith.constant 0 : i32
    %swap3A_354 = arith.index_cast %swap3A_353 : i32 to index
    %swap3A_355 = arith.constant 96 : index
    %swap3A_356 = tpu.vector_load %arg10[%swap3A_354, %swap3A_355] {strides = array<i32>} : memref<81x128xf32, #tpu.memory_space<vmem>>, vector<16xf32>,
    tpu.vector_store %arg10[%swap3A_354, %swap3A_355], %mul3A_352 {strides = array<i32>} : memref<81x128xf32, #tpu.memory_space<vmem>>, vector<16xf32>,
    %get3A_357 = arith.constant 0 : i32
    %get3A_358 = arith.index_cast %get3A_357 : i32 to index
    %get3A_359 = arith.constant 112 : index
    %get3A_360 = tpu.vector_load %arg11[%get3A_358, %get3A_359] {strides = array<i32>} : memref<81x128xi32, #tpu.memory_space<vmem>>, vector<16xi32>,
    %get3A_361 = arith.constant 0 : i32
    %get3A_362 = arith.index_cast %get3A_361 : i32 to index
    %get3A_363 = arith.constant 112 : index
    %get3A_364 = tpu.vector_load %arg9[%get3A_362, %get3A_363] {strides = array<i32>} : memref<81x128xi32, #tpu.memory_space<vmem>>, vector<16xi32>,
    %get3A_365 = arith.constant 0 : i32
    %get3A_366 = arith.index_cast %get3A_365 : i32 to index
    %get3A_367 = arith.constant 112 : index
    %get3A_368 = tpu.vector_load %arg10[%get3A_366, %get3A_367] {strides = array<i32>} : memref<81x128xf32, #tpu.memory_space<vmem>>, vector<16xf32>,
    %gather3A_369 = tpu.vector_load_idx %arg12[%get3A_360] : memref<10240xf32, #tpu.memory_space<vmem>>[vector<16xi32>], vector<16xf32>,
    %mul3A_370 = arith.mulf %gather3A_369, %get3A_368 : vector<16xf32>
    %gather3A_371 = tpu.vector_load_idx %arg12[%get3A_364] : memref<10240xf32, #tpu.memory_space<vmem>>[vector<16xi32>], vector<16xf32>,
    %mul3A_372 = arith.mulf %mul3A_370, %gather3A_371 : vector<16xf32>
    %swap3A_373 = arith.constant 0 : i32
    %swap3A_374 = arith.index_cast %swap3A_373 : i32 to index
    %swap3A_375 = arith.constant 112 : index
    %swap3A_376 = tpu.vector_load %arg10[%swap3A_374, %swap3A_375] {strides = array<i32>} : memref<81x128xf32, #tpu.memory_space<vmem>>, vector<16xf32>,
    tpu.vector_store %arg10[%swap3A_374, %swap3A_375], %mul3A_372 {strides = array<i32>} : memref<81x128xf32, #tpu.memory_space<vmem>>, vector<16xf32>,
    %get3A_377 = arith.constant 1 : i32
    %get3A_378 = arith.index_cast %get3A_377 : i32 to index
    %get3A_379 = arith.constant 0 : index
    %get3A_380 = tpu.vector_load %arg11[%get3A_378, %get3A_379] {strides = array<i32>} : memref<81x128xi32, #tpu.memory_space<vmem>>, vector<16xi32>,
    %get3A_381 = arith.constant 1 : i32
    %get3A_382 = arith.index_cast %get3A_381 : i32 to index
    %get3A_383 = arith.constant 0 : index
    %get3A_384 = tpu.vector_load %arg9[%get3A_382, %get3A_383] {strides = array<i32>} : memref<81x128xi32, #tpu.memory_space<vmem>>, vector<16xi32>,
    %get3A_385 = arith.constant 1 : i32
    %get3A_386 = arith.index_cast %get3A_385 : i32 to index
    %get3A_387 = arith.constant 0 : index
    %get3A_388 = tpu.vector_load %arg10[%get3A_386, %get3A_387] {strides = array<i32>} : memref<81x128xf32, #tpu.memory_space<vmem>>, vector<16xf32>,
    %gather3A_389 = tpu.vector_load_idx %arg12[%get3A_380] : memref<10240xf32, #tpu.memory_space<vmem>>[vector<16xi32>], vector<16xf32>,
    %mul3A_390 = arith.mulf %gather3A_389, %get3A_388 : vector<16xf32>
    %gather3A_391 = tpu.vector_load_idx %arg12[%get3A_384] : memref<10240xf32, #tpu.memory_space<vmem>>[vector<16xi32>], vector<16xf32>,
    %mul3A_392 = arith.mulf %mul3A_390, %gather3A_391 : vector<16xf32>
    %swap3A_393 = arith.constant 1 : i32
    %swap3A_394 = arith.index_cast %swap3A_393 : i32 to index
    %swap3A_395 = arith.constant 0 : index
    %swap3A_396 = tpu.vector_load %arg10[%swap3A_394, %swap3A_395] {strides = array<i32>} : memref<81x128xf32, #tpu.memory_space<vmem>>, vector<16xf32>,
    tpu.vector_store %arg10[%swap3A_394, %swap3A_395], %mul3A_392 {strides = array<i32>} : memref<81x128xf32, #tpu.memory_space<vmem>>, vector<16xf32>,
    %get3A_397 = arith.constant 1 : i32
    %get3A_398 = arith.index_cast %get3A_397 : i32 to index
    %get3A_399 = arith.constant 16 : index
    %get3A_400 = tpu.vector_load %arg11[%get3A_398, %get3A_399] {strides = array<i32>} : memref<81x128xi32, #tpu.memory_space<vmem>>, vector<16xi32>,
    %get3A_401 = arith.constant 1 : i32
    %get3A_402 = arith.index_cast %get3A_401 : i32 to index
    %get3A_403 = arith.constant 16 : index
    %get3A_404 = tpu.vector_load %arg9[%get3A_402, %get3A_403] {strides = array<i32>} : memref<81x128xi32, #tpu.memory_space<vmem>>, vector<16xi32>,
    %get3A_405 = arith.constant 1 : i32
    %get3A_406 = arith.index_cast %get3A_405 : i32 to index
    %get3A_407 = arith.constant 16 : index
    %get3A_408 = tpu.vector_load %arg10[%get3A_406, %get3A_407] {strides = array<i32>} : memref<81x128xf32, #tpu.memory_space<vmem>>, vector<16xf32>,
    %gather3A_409 = tpu.vector_load_idx %arg12[%get3A_400] : memref<10240xf32, #tpu.memory_space<vmem>>[vector<16xi32>], vector<16xf32>,
    %mul3A_410 = arith.mulf %gather3A_409, %get3A_408 : vector<16xf32>
    %gather3A_411 = tpu.vector_load_idx %arg12[%get3A_404] : memref<10240xf32, #tpu.memory_space<vmem>>[vector<16xi32>], vector<16xf32>,
    %mul3A_412 = arith.mulf %mul3A_410, %gather3A_411 : vector<16xf32>
    %swap3A_413 = arith.constant 1 : i32
    %swap3A_414 = arith.index_cast %swap3A_413 : i32 to index
    %swap3A_415 = arith.constant 16 : index
    %swap3A_416 = tpu.vector_load %arg10[%swap3A_414, %swap3A_415] {strides = array<i32>} : memref<81x128xf32, #tpu.memory_space<vmem>>, vector<16xf32>,
    tpu.vector_store %arg10[%swap3A_414, %swap3A_415], %mul3A_412 {strides = array<i32>} : memref<81x128xf32, #tpu.memory_space<vmem>>, vector<16xf32>,
    %get3A_417 = arith.constant 1 : i32
    %get3A_418 = arith.index_cast %get3A_417 : i32 to index
    %get3A_419 = arith.constant 32 : index
    %get3A_420 = tpu.vector_load %arg11[%get3A_418, %get3A_419] {strides = array<i32>} : memref<81x128xi32, #tpu.memory_space<vmem>>, vector<16xi32>,
    %get3A_421 = arith.constant 1 : i32
    %get3A_422 = arith.index_cast %get3A_421 : i32 to index
    %get3A_423 = arith.constant 32 : index
    %get3A_424 = tpu.vector_load %arg9[%get3A_422, %get3A_423] {strides = array<i32>} : memref<81x128xi32, #tpu.memory_space<vmem>>, vector<16xi32>,
    %get3A_425 = arith.constant 1 : i32
    %get3A_426 = arith.index_cast %get3A_425 : i32 to index
    %get3A_427 = arith.constant 32 : index
    %get3A_428 = tpu.vector_load %arg10[%get3A_426, %get3A_427] {strides = array<i32>} : memref<81x128xf32, #tpu.memory_space<vmem>>, vector<16xf32>,
    %gather3A_429 = tpu.vector_load_idx %arg12[%get3A_420] : memref<10240xf32, #tpu.memory_space<vmem>>[vector<16xi32>], vector<16xf32>,
    %mul3A_430 = arith.mulf %gather3A_429, %get3A_428 : vector<16xf32>
    %gather3A_431 = tpu.vector_load_idx %arg12[%get3A_424] : memref<10240xf32, #tpu.memory_space<vmem>>[vector<16xi32>], vector<16xf32>,
    %mul3A_432 = arith.mulf %mul3A_430, %gather3A_431 : vector<16xf32>
    %swap3A_433 = arith.constant 1 : i32
    %swap3A_434 = arith.index_cast %swap3A_433 : i32 to index
    %swap3A_435 = arith.constant 32 : index
    %swap3A_436 = tpu.vector_load %arg10[%swap3A_434, %swap3A_435] {strides = array<i32>} : memref<81x128xf32, #tpu.memory_space<vmem>>, vector<16xf32>,
    tpu.vector_store %arg10[%swap3A_434, %swap3A_435], %mul3A_432 {strides = array<i32>} : memref<81x128xf32, #tpu.memory_space<vmem>>, vector<16xf32>,
    %get3A_437 = arith.constant 1 : i32
    %get3A_438 = arith.index_cast %get3A_437 : i32 to index
    %get3A_439 = arith.constant 48 : index
    %get3A_440 = tpu.vector_load %arg11[%get3A_438, %get3A_439] {strides = array<i32>} : memref<81x128xi32, #tpu.memory_space<vmem>>, vector<16xi32>,
    %get3A_441 = arith.constant 1 : i32
    %get3A_442 = arith.index_cast %get3A_441 : i32 to index
    %get3A_443 = arith.constant 48 : index
    %get3A_444 = tpu.vector_load %arg9[%get3A_442, %get3A_443] {strides = array<i32>} : memref<81x128xi32, #tpu.memory_space<vmem>>, vector<16xi32>,
    %get3A_445 = arith.constant 1 : i32
    %get3A_446 = arith.index_cast %get3A_445 : i32 to index
    %get3A_447 = arith.constant 48 : index
    %get3A_448 = tpu.vector_load %arg10[%get3A_446, %get3A_447] {strides = array<i32>} : memref<81x128xf32, #tpu.memory_space<vmem>>, vector<16xf32>,
    %gather3A_449 = tpu.vector_load_idx %arg12[%get3A_440] : memref<10240xf32, #tpu.memory_space<vmem>>[vector<16xi32>], vector<16xf32>,
    %mul3A_450 = arith.mulf %gather3A_449, %get3A_448 : vector<16xf32>
    %gather3A_451 = tpu.vector_load_idx %arg12[%get3A_444] : memref<10240xf32, #tpu.memory_space<vmem>>[vector<16xi32>], vector<16xf32>,
    %mul3A_452 = arith.mulf %mul3A_450, %gather3A_451 : vector<16xf32>
    %swap3A_453 = arith.constant 1 : i32
    %swap3A_454 = arith.index_cast %swap3A_453 : i32 to index
    %swap3A_455 = arith.constant 48 : index
    %swap3A_456 = tpu.vector_load %arg10[%swap3A_454, %swap3A_455] {strides = array<i32>} : memref<81x128xf32, #tpu.memory_space<vmem>>, vector<16xf32>,
    tpu.vector_store %arg10[%swap3A_454, %swap3A_455], %mul3A_452 {strides = array<i32>} : memref<81x128xf32, #tpu.memory_space<vmem>>, vector<16xf32>,
    %get3A_457 = arith.constant 1 : i32
    %get3A_458 = arith.index_cast %get3A_457 : i32 to index
    %get3A_459 = arith.constant 64 : index
    %get3A_460 = tpu.vector_load %arg11[%get3A_458, %get3A_459] {strides = array<i32>} : memref<81x128xi32, #tpu.memory_space<vmem>>, vector<16xi32>,
    %get3A_461 = arith.constant 1 : i32
    %get3A_462 = arith.index_cast %get3A_461 : i32 to index
    %get3A_463 = arith.constant 64 : index
    %get3A_464 = tpu.vector_load %arg9[%get3A_462, %get3A_463] {strides = array<i32>} : memref<81x128xi32, #tpu.memory_space<vmem>>, vector<16xi32>,
    %get3A_465 = arith.constant 1 : i32
    %get3A_466 = arith.index_cast %get3A_465 : i32 to index
    %get3A_467 = arith.constant 64 : index
    %get3A_468 = tpu.vector_load %arg10[%get3A_466, %get3A_467] {strides = array<i32>} : memref<81x128xf32, #tpu.memory_space<vmem>>, vector<16xf32>,
    %gather3A_469 = tpu.vector_load_idx %arg12[%get3A_460] : memref<10240xf32, #tpu.memory_space<vmem>>[vector<16xi32>], vector<16xf32>,
    %mul3A_470 = arith.mulf %gather3A_469, %get3A_468 : vector<16xf32>
    %gather3A_471 = tpu.vector_load_idx %arg12[%get3A_464] : memref<10240xf32, #tpu.memory_space<vmem>>[vector<16xi32>], vector<16xf32>,
    %mul3A_472 = arith.mulf %mul3A_470, %gather3A_471 : vector<16xf32>
    %swap3A_473 = arith.constant 1 : i32
    %swap3A_474 = arith.index_cast %swap3A_473 : i32 to index
    %swap3A_475 = arith.constant 64 : index
    %swap3A_476 = tpu.vector_load %arg10[%swap3A_474, %swap3A_475] {strides = array<i32>} : memref<81x128xf32, #tpu.memory_space<vmem>>, vector<16xf32>,
    tpu.vector_store %arg10[%swap3A_474, %swap3A_475], %mul3A_472 {strides = array<i32>} : memref<81x128xf32, #tpu.memory_space<vmem>>, vector<16xf32>,
    %get3A_477 = arith.constant 1 : i32
    %get3A_478 = arith.index_cast %get3A_477 : i32 to index
    %get3A_479 = arith.constant 80 : index
    %get3A_480 = tpu.vector_load %arg11[%get3A_478, %get3A_479] {strides = array<i32>} : memref<81x128xi32, #tpu.memory_space<vmem>>, vector<16xi32>,
    %get3A_481 = arith.constant 1 : i32
    %get3A_482 = arith.index_cast %get3A_481 : i32 to index
    %get3A_483 = arith.constant 80 : index
    %get3A_484 = tpu.vector_load %arg9[%get3A_482, %get3A_483] {strides = array<i32>} : memref<81x128xi32, #tpu.memory_space<vmem>>, vector<16xi32>,
    %get3A_485 = arith.constant 1 : i32
    %get3A_486 = arith.index_cast %get3A_485 : i32 to index
    %get3A_487 = arith.constant 80 : index
    %get3A_488 = tpu.vector_load %arg10[%get3A_486, %get3A_487] {strides = array<i32>} : memref<81x128xf32, #tpu.memory_space<vmem>>, vector<16xf32>,
    %gather3A_489 = tpu.vector_load_idx %arg12[%get3A_480] : memref<10240xf32, #tpu.memory_space<vmem>>[vector<16xi32>], vector<16xf32>,
    %mul3A_490 = arith.mulf %gather3A_489, %get3A_488 : vector<16xf32>
    %gather3A_491 = tpu.vector_load_idx %arg12[%get3A_484] : memref<10240xf32, #tpu.memory_space<vmem>>[vector<16xi32>], vector<16xf32>,
    %mul3A_492 = arith.mulf %mul3A_490, %gather3A_491 : vector<16xf32>
    %swap3A_493 = arith.constant 1 : i32
    %swap3A_494 = arith.index_cast %swap3A_493 : i32 to index
    %swap3A_495 = arith.constant 80 : index
    %swap3A_496 = tpu.vector_load %arg10[%swap3A_494, %swap3A_495] {strides = array<i32>} : memref<81x128xf32, #tpu.memory_space<vmem>>, vector<16xf32>,
    tpu.vector_store %arg10[%swap3A_494, %swap3A_495], %mul3A_492 {strides = array<i32>} : memref<81x128xf32, #tpu.memory_space<vmem>>, vector<16xf32>,
    %get3A_497 = arith.constant 1 : i32
    %get3A_498 = arith.index_cast %get3A_497 : i32 to index
    %get3A_499 = arith.constant 96 : index
    %get3A_500 = tpu.vector_load %arg11[%get3A_498, %get3A_499] {strides = array<i32>} : memref<81x128xi32, #tpu.memory_space<vmem>>, vector<16xi32>,
    %get3A_501 = arith.constant 1 : i32
    %get3A_502 = arith.index_cast %get3A_501 : i32 to index
    %get3A_503 = arith.constant 96 : index
    %get3A_504 = tpu.vector_load %arg9[%get3A_502, %get3A_503] {strides = array<i32>} : memref<81x128xi32, #tpu.memory_space<vmem>>, vector<16xi32>,
    %get3A_505 = arith.constant 1 : i32
    %get3A_506 = arith.index_cast %get3A_505 : i32 to index
    %get3A_507 = arith.constant 96 : index
    %get3A_508 = tpu.vector_load %arg10[%get3A_506, %get3A_507] {strides = array<i32>} : memref<81x128xf32, #tpu.memory_space<vmem>>, vector<16xf32>,
    %gather3A_509 = tpu.vector_load_idx %arg12[%get3A_500] : memref<10240xf32, #tpu.memory_space<vmem>>[vector<16xi32>], vector<16xf32>,
    %mul3A_510 = arith.mulf %gather3A_509, %get3A_508 : vector<16xf32>
    %gather3A_511 = tpu.vector_load_idx %arg12[%get3A_504] : memref<10240xf32, #tpu.memory_space<vmem>>[vector<16xi32>], vector<16xf32>,
    %mul3A_512 = arith.mulf %mul3A_510, %gather3A_511 : vector<16xf32>
    %swap3A_513 = arith.constant 1 : i32
    %swap3A_514 = arith.index_cast %swap3A_513 : i32 to index
    %swap3A_515 = arith.constant 96 : index
    %swap3A_516 = tpu.vector_load %arg10[%swap3A_514, %swap3A_515] {strides = array<i32>} : memref<81x128xf32, #tpu.memory_space<vmem>>, vector<16xf32>,
    tpu.vector_store %arg10[%swap3A_514, %swap3A_515], %mul3A_512 {strides = array<i32>} : memref<81x128xf32, #tpu.memory_space<vmem>>, vector<16xf32>,
    %get3A_517 = arith.constant 1 : i32
    %get3A_518 = arith.index_cast %get3A_517 : i32 to index
    %get3A_519 = arith.constant 112 : index
    %get3A_520 = tpu.vector_load %arg11[%get3A_518, %get3A_519] {strides = array<i32>} : memref<81x128xi32, #tpu.memory_space<vmem>>, vector<16xi32>,
    %get3A_521 = arith.constant 1 : i32
    %get3A_522 = arith.index_cast %get3A_521 : i32 to index
    %get3A_523 = arith.constant 112 : index
    %get3A_524 = tpu.vector_load %arg9[%get3A_522, %get3A_523] {strides = array<i32>} : memref<81x128xi32, #tpu.memory_space<vmem>>, vector<16xi32>,
    %get3A_525 = arith.constant 1 : i32
    %get3A_526 = arith.index_cast %get3A_525 : i32 to index
    %get3A_527 = arith.constant 112 : index
    %get3A_528 = tpu.vector_load %arg10[%get3A_526, %get3A_527] {strides = array<i32>} : memref<81x128xf32, #tpu.memory_space<vmem>>, vector<16xf32>,
    %gather3A_529 = tpu.vector_load_idx %arg12[%get3A_520] : memref<10240xf32, #tpu.memory_space<vmem>>[vector<16xi32>], vector<16xf32>,
    %mul3A_530 = arith.mulf %gather3A_529, %get3A_528 : vector<16xf32>
    %gather3A_531 = tpu.vector_load_idx %arg12[%get3A_524] : memref<10240xf32, #tpu.memory_space<vmem>>[vector<16xi32>], vector<16xf32>,
    %mul3A_532 = arith.mulf %mul3A_530, %gather3A_531 : vector<16xf32>
    %swap3A_533 = arith.constant 1 : i32
    %swap3A_534 = arith.index_cast %swap3A_533 : i32 to index
    %swap3A_535 = arith.constant 112 : index
    %swap3A_536 = tpu.vector_load %arg10[%swap3A_534, %swap3A_535] {strides = array<i32>} : memref<81x128xf32, #tpu.memory_space<vmem>>, vector<16xf32>,
    tpu.vector_store %arg10[%swap3A_534, %swap3A_535], %mul3A_532 {strides = array<i32>} : memref<81x128xf32, #tpu.memory_space<vmem>>, vector<16xf32>,
    %scan3A_537 = arith.constant 0 : i32
    %scan3A_538 = arith.constant 0 : i32
    %scan3A_539 = arith.constant 81 : i32
    %scan3A_540 = arith.addi %scan3A_538, %scan3A_539 : i32
    %scan3A_541 = arith.constant 1 : i32
    %scan3A_542 = scf.for %scan3A_1039 = %scan3A_538 to %scan3A_540 step %scan3A_541 iter_args(%scan3A_1040 = %scan3A_537) -> (i32)  : i32 {
      %jit3A = arith.constant 4 : i32
      %eq3A_1041 = arith.constant 0 : i32
      %eq3A_1042 = arith.cmpi eq, %jit3A, %eq3A_1041 : i32
      %jit3A_1043 = arith.constant 1 : i32
      %select_n3A = arith.select %eq3A_1042, %jit3A_1043, %jit3A : i32
      %rem3A = arith.remsi %scan3A_1039, %select_n3A : i32
      %ne3A = arith.constant 0 : i32
      %ne3A_1044 = arith.cmpi ne, %rem3A, %ne3A : i32
      %lt3A = arith.constant 0 : i32
      %lt3A_1045 = arith.cmpi slt, %rem3A, %lt3A : i32
      %lt3A_1046 = arith.constant 0 : i32
      %lt3A_1047 = arith.cmpi slt, %select_n3A, %lt3A_1046 : i32
      %ne3A_1048 = arith.xori %lt3A_1045, %lt3A_1047 : i1
      %and3A = arith.andi %ne3A_1048, %ne3A_1044 : i1
      %add3A_1049 = arith.addi %rem3A, %select_n3A : i32
      %select_n3A_1050 = arith.select %and3A, %add3A_1049, %rem3A : i32
      %ge3A = arith.constant 4 : i32
      %ge3A_1051 = arith.cmpi sge, %scan3A_1039, %ge3A : i32
      %convert_element_type3A_1052 = arith.extui %ge3A_1051 : i1 to i32
      %cond3A_1053 = arith.constant 0 : i32
      %cond3A_1054 = arith.cmpi ne, %convert_element_type3A_1052, %cond3A_1053 : i32
      scf.if %cond3A_1054 {
        %sub3A = arith.constant 4 : i32
        %sub3A_1098 = arith.subi %scan3A_1039, %sub3A : i32
        %dma_wait3A_1099 = arith.constant 0 : i32
        %dma_wait3A_1100 = arith.constant 0 : i32
        %dma_wait3A_1101 = tpu.memref_slice %arg16[%select_n3A_1050, %dma_wait3A_1099, %dma_wait3A_1100] : memref<4x128x64xf32, #tpu.memory_space<vmem>> -> memref<1x128x64xf32, #tpu.memory_space<vmem>>
        %dma_wait3A_1102 = tpu.memref_squeeze %dma_wait3A_1101 : memref<1x128x64xf32, #tpu.memory_space<vmem>> -> memref<128x64xf32, #tpu.memory_space<vmem>>
        %dma_wait3A_1103 = arith.constant 0 : i32
        %dma_wait3A_1104 = tpu.memref_slice %arg9[%sub3A_1098, %dma_wait3A_1103] : memref<81x128xi32, #tpu.memory_space<vmem>> -> memref<1x128xi32, #tpu.memory_space<vmem>>
        %dma_wait3A_1105 = tpu.memref_squeeze %dma_wait3A_1104 : memref<1x128xi32, #tpu.memory_space<vmem>> -> memref<128xi32, #tpu.memory_space<vmem>>
        %dma_wait3A_1106 = arith.constant 0 : i32
        %dma_wait3A_1107 = arith.constant 0 : i32
        %dma_wait3A_1108 = tpu.memref_slice %arg20[%dma_wait3A_1106, %dma_wait3A_1107] : memref<10240x64xf32, #tpu.memory_space<vmem_shared>> -> memref<10240x64xf32, #tpu.memory_space<vmem_shared>>
        %dma_wait3A_1109 = tpu.memref_slice %arg18[%select_n3A_1050] : memref<4x!tpu.dma_semaphore, #tpu.memory_space<semaphore_mem>> -> memref<1x!tpu.dma_semaphore, #tpu.memory_space<semaphore_mem>>
        %dma_wait3A_1110 = tpu.memref_squeeze %dma_wait3A_1109 : memref<1x!tpu.dma_semaphore, #tpu.memory_space<semaphore_mem>> -> memref<!tpu.dma_semaphore, #tpu.memory_space<semaphore_mem>>
        tpu.wait_indirect_dma semaphore(%dma_wait3A_1110 : memref<!tpu.dma_semaphore, #tpu.memory_space<semaphore_mem>>) src(%dma_wait3A_1102 : memref<128x64xf32, #tpu.memory_space<vmem>>) dst(%dma_wait3A_1108 : memref<10240x64xf32, #tpu.memory_space<vmem_shared>>)
      } else {
      }
      %dma_wait3A_1055 = arith.constant 0 : i32
      %dma_wait3A_1056 = arith.constant 0 : i32
      %dma_wait3A_1057 = tpu.memref_slice %arg16[%select_n3A_1050, %dma_wait3A_1055, %dma_wait3A_1056] : memref<4x128x64xf32, #tpu.memory_space<vmem>> -> memref<1x128x64xf32, #tpu.memory_space<vmem>>
      %dma_wait3A_1058 = tpu.memref_squeeze %dma_wait3A_1057 : memref<1x128x64xf32, #tpu.memory_space<vmem>> -> memref<128x64xf32, #tpu.memory_space<vmem>>
      %dma_wait3A_1059 = arith.constant 0 : i32
      %dma_wait3A_1060 = tpu.memref_slice %arg11[%scan3A_1039, %dma_wait3A_1059] : memref<81x128xi32, #tpu.memory_space<vmem>> -> memref<1x128xi32, #tpu.memory_space<vmem>>
      %dma_wait3A_1061 = tpu.memref_squeeze %dma_wait3A_1060 : memref<1x128xi32, #tpu.memory_space<vmem>> -> memref<128xi32, #tpu.memory_space<vmem>>
      %dma_wait3A_1062 = arith.constant 0 : i32
      %dma_wait3A_1063 = arith.constant 0 : i32
      %dma_wait3A_1064 = tpu.memref_slice %arg6[%arg0, %dma_wait3A_1062, %dma_wait3A_1063] : memref<2x10240x64xf32, #tpu.memory_space<hbm>> -> memref<1x10240x64xf32, #tpu.memory_space<hbm>>
      %dma_wait3A_1065 = tpu.memref_squeeze %dma_wait3A_1064 : memref<1x10240x64xf32, #tpu.memory_space<hbm>> -> memref<10240x64xf32, #tpu.memory_space<hbm>>
      %dma_wait3A_1066 = arith.constant 0 : i32
      %dma_wait3A_1067 = arith.constant 0 : i32
      %dma_wait3A_1068 = tpu.memref_slice %dma_wait3A_1065[%dma_wait3A_1066, %dma_wait3A_1067] : memref<10240x64xf32, #tpu.memory_space<hbm>> -> memref<10240x64xf32, #tpu.memory_space<hbm>>
      %dma_wait3A_1069 = tpu.memref_slice %arg17[%select_n3A_1050] : memref<4x!tpu.dma_semaphore, #tpu.memory_space<semaphore_mem>> -> memref<1x!tpu.dma_semaphore, #tpu.memory_space<semaphore_mem>>
      %dma_wait3A_1070 = tpu.memref_squeeze %dma_wait3A_1069 : memref<1x!tpu.dma_semaphore, #tpu.memory_space<semaphore_mem>> -> memref<!tpu.dma_semaphore, #tpu.memory_space<semaphore_mem>>
      tpu.wait_indirect_dma semaphore(%dma_wait3A_1070 : memref<!tpu.dma_semaphore, #tpu.memory_space<semaphore_mem>>) src(%dma_wait3A_1068 : memref<10240x64xf32, #tpu.memory_space<hbm>>) dst(%dma_wait3A_1058 : memref<128x64xf32, #tpu.memory_space<vmem>>)
      %broadcast_in_dim3A = vector.broadcast %scan3A_1039 : i32 to vector<16xi32>
      %scan3A_1071 = arith.constant 0 : i32
      %scan3A_1072 = arith.constant 0 : i32
      %scan3A_1073 = arith.constant 16 : i32
      %scan3A_1074 = arith.addi %scan3A_1072, %scan3A_1073 : i32
      %scan3A_1075 = arith.constant 1 : i32
      %scan3A_1076 = scf.for %scan3A_1098 = %scan3A_1072 to %scan3A_1074 step %scan3A_1075 iter_args(%scan3A_1099 = %scan3A_1071) -> (i32)  : i32 {
        %mul3A_1100 = arith.constant 8 : i32
        %mul3A_1101 = arith.muli %scan3A_1098, %mul3A_1100 : i32
        %add3A_1102 = arith.constant 0 : i32
        %add3A_1103 = arith.addi %mul3A_1101, %add3A_1102 : i32
        %broadcast_in_dim3A_1104 = vector.broadcast %add3A_1103 : i32 to vector<16xi32>
        %gather3A_1105 = tpu.vector_load_idx %arg10[%broadcast_in_dim3A, %broadcast_in_dim3A_1104] : memref<81x128xf32, #tpu.memory_space<vmem>>[vector<16xi32>, vector<16xi32>], vector<16xf32>,
        %get3A_1106 = arith.index_cast %select_n3A_1050 : i32 to index
        %get3A_1107 = arith.index_cast %add3A_1103 : i32 to index
        %get3A_1108 = arith.constant 0 : index
        %get3A_1109 = tpu.vector_load %arg16[%get3A_1106, %get3A_1107, %get3A_1108] {strides = array<i32>} : memref<4x128x64xf32, #tpu.memory_space<vmem>>, vector<16xf32>,
        %mul3A_1110 = arith.mulf %get3A_1109, %gather3A_1105 : vector<16xf32>
        %swap3A_1111 = arith.index_cast %select_n3A_1050 : i32 to index
        %swap3A_1112 = arith.index_cast %add3A_1103 : i32 to index
        %swap3A_1113 = arith.constant 0 : index
        %swap3A_1114 = tpu.vector_load %arg16[%swap3A_1111, %swap3A_1112, %swap3A_1113] {strides = array<i32>} : memref<4x128x64xf32, #tpu.memory_space<vmem>>, vector<16xf32>,
        tpu.vector_store %arg16[%swap3A_1111, %swap3A_1112, %swap3A_1113], %mul3A_1110 {strides = array<i32>} : memref<4x128x64xf32, #tpu.memory_space<vmem>>, vector<16xf32>,
        %get3A_1115 = arith.index_cast %select_n3A_1050 : i32 to index
        %get3A_1116 = arith.index_cast %add3A_1103 : i32 to index
        %get3A_1117 = arith.constant 16 : index
        %get3A_1118 = tpu.vector_load %arg16[%get3A_1115, %get3A_1116, %get3A_1117] {strides = array<i32>} : memref<4x128x64xf32, #tpu.memory_space<vmem>>, vector<16xf32>,
        %mul3A_1119 = arith.mulf %get3A_1118, %gather3A_1105 : vector<16xf32>
        %swap3A_1120 = arith.index_cast %select_n3A_1050 : i32 to index
        %swap3A_1121 = arith.index_cast %add3A_1103 : i32 to index
        %swap3A_1122 = arith.constant 16 : index
        %swap3A_1123 = tpu.vector_load %arg16[%swap3A_1120, %swap3A_1121, %swap3A_1122] {strides = array<i32>} : memref<4x128x64xf32, #tpu.memory_space<vmem>>, vector<16xf32>,
        tpu.vector_store %arg16[%swap3A_1120, %swap3A_1121, %swap3A_1122], %mul3A_1119 {strides = array<i32>} : memref<4x128x64xf32, #tpu.memory_space<vmem>>, vector<16xf32>,
        %get3A_1124 = arith.index_cast %select_n3A_1050 : i32 to index
        %get3A_1125 = arith.index_cast %add3A_1103 : i32 to index
        %get3A_1126 = arith.constant 32 : index
        %get3A_1127 = tpu.vector_load %arg16[%get3A_1124, %get3A_1125, %get3A_1126] {strides = array<i32>} : memref<4x128x64xf32, #tpu.memory_space<vmem>>, vector<16xf32>,
        %mul3A_1128 = arith.mulf %get3A_1127, %gather3A_1105 : vector<16xf32>
        %swap3A_1129 = arith.index_cast %select_n3A_1050 : i32 to index
        %swap3A_1130 = arith.index_cast %add3A_1103 : i32 to index
        %swap3A_1131 = arith.constant 32 : index
        %swap3A_1132 = tpu.vector_load %arg16[%swap3A_1129, %swap3A_1130, %swap3A_1131] {strides = array<i32>} : memref<4x128x64xf32, #tpu.memory_space<vmem>>, vector<16xf32>,
        tpu.vector_store %arg16[%swap3A_1129, %swap3A_1130, %swap3A_1131], %mul3A_1128 {strides = array<i32>} : memref<4x128x64xf32, #tpu.memory_space<vmem>>, vector<16xf32>,
        %get3A_1133 = arith.index_cast %select_n3A_1050 : i32 to index
        %get3A_1134 = arith.index_cast %add3A_1103 : i32 to index
        %get3A_1135 = arith.constant 48 : index
        %get3A_1136 = tpu.vector_load %arg16[%get3A_1133, %get3A_1134, %get3A_1135] {strides = array<i32>} : memref<4x128x64xf32, #tpu.memory_space<vmem>>, vector<16xf32>,
        %mul3A_1137 = arith.mulf %get3A_1136, %gather3A_1105 : vector<16xf32>
        %swap3A_1138 = arith.index_cast %select_n3A_1050 : i32 to index
        %swap3A_1139 = arith.index_cast %add3A_1103 : i32 to index
        %swap3A_1140 = arith.constant 48 : index
        %swap3A_1141 = tpu.vector_load %arg16[%swap3A_1138, %swap3A_1139, %swap3A_1140] {strides = array<i32>} : memref<4x128x64xf32, #tpu.memory_space<vmem>>, vector<16xf32>,
        tpu.vector_store %arg16[%swap3A_1138, %swap3A_1139, %swap3A_1140], %mul3A_1137 {strides = array<i32>} : memref<4x128x64xf32, #tpu.memory_space<vmem>>, vector<16xf32>,
        %mul3A_1142 = arith.constant 8 : i32
        %mul3A_1143 = arith.muli %scan3A_1098, %mul3A_1142 : i32
        %add3A_1144 = arith.constant 1 : i32
        %add3A_1145 = arith.addi %mul3A_1143, %add3A_1144 : i32
        %broadcast_in_dim3A_1146 = vector.broadcast %add3A_1145 : i32 to vector<16xi32>
        %gather3A_1147 = tpu.vector_load_idx %arg10[%broadcast_in_dim3A, %broadcast_in_dim3A_1146] : memref<81x128xf32, #tpu.memory_space<vmem>>[vector<16xi32>, vector<16xi32>], vector<16xf32>,
        %get3A_1148 = arith.index_cast %select_n3A_1050 : i32 to index
        %get3A_1149 = arith.index_cast %add3A_1145 : i32 to index
        %get3A_1150 = arith.constant 0 : index
        %get3A_1151 = tpu.vector_load %arg16[%get3A_1148, %get3A_1149, %get3A_1150] {strides = array<i32>} : memref<4x128x64xf32, #tpu.memory_space<vmem>>, vector<16xf32>,
        %mul3A_1152 = arith.mulf %get3A_1151, %gather3A_1147 : vector<16xf32>
        %swap3A_1153 = arith.index_cast %select_n3A_1050 : i32 to index
        %swap3A_1154 = arith.index_cast %add3A_1145 : i32 to index
        %swap3A_1155 = arith.constant 0 : index
        %swap3A_1156 = tpu.vector_load %arg16[%swap3A_1153, %swap3A_1154, %swap3A_1155] {strides = array<i32>} : memref<4x128x64xf32, #tpu.memory_space<vmem>>, vector<16xf32>,
        tpu.vector_store %arg16[%swap3A_1153, %swap3A_1154, %swap3A_1155], %mul3A_1152 {strides = array<i32>} : memref<4x128x64xf32, #tpu.memory_space<vmem>>, vector<16xf32>,
        %get3A_1157 = arith.index_cast %select_n3A_1050 : i32 to index
        %get3A_1158 = arith.index_cast %add3A_1145 : i32 to index
        %get3A_1159 = arith.constant 16 : index
        %get3A_1160 = tpu.vector_load %arg16[%get3A_1157, %get3A_1158, %get3A_1159] {strides = array<i32>} : memref<4x128x64xf32, #tpu.memory_space<vmem>>, vector<16xf32>,
        %mul3A_1161 = arith.mulf %get3A_1160, %gather3A_1147 : vector<16xf32>
        %swap3A_1162 = arith.index_cast %select_n3A_1050 : i32 to index
        %swap3A_1163 = arith.index_cast %add3A_1145 : i32 to index
        %swap3A_1164 = arith.constant 16 : index
        %swap3A_1165 = tpu.vector_load %arg16[%swap3A_1162, %swap3A_1163, %swap3A_1164] {strides = array<i32>} : memref<4x128x64xf32, #tpu.memory_space<vmem>>, vector<16xf32>,
        tpu.vector_store %arg16[%swap3A_1162, %swap3A_1163, %swap3A_1164], %mul3A_1161 {strides = array<i32>} : memref<4x128x64xf32, #tpu.memory_space<vmem>>, vector<16xf32>,
        %get3A_1166 = arith.index_cast %select_n3A_1050 : i32 to index
        %get3A_1167 = arith.index_cast %add3A_1145 : i32 to index
        %get3A_1168 = arith.constant 32 : index
        %get3A_1169 = tpu.vector_load %arg16[%get3A_1166, %get3A_1167, %get3A_1168] {strides = array<i32>} : memref<4x128x64xf32, #tpu.memory_space<vmem>>, vector<16xf32>,
        %mul3A_1170 = arith.mulf %get3A_1169, %gather3A_1147 : vector<16xf32>
        %swap3A_1171 = arith.index_cast %select_n3A_1050 : i32 to index
        %swap3A_1172 = arith.index_cast %add3A_1145 : i32 to index
        %swap3A_1173 = arith.constant 32 : index
        %swap3A_1174 = tpu.vector_load %arg16[%swap3A_1171, %swap3A_1172, %swap3A_1173] {strides = array<i32>} : memref<4x128x64xf32, #tpu.memory_space<vmem>>, vector<16xf32>,
        tpu.vector_store %arg16[%swap3A_1171, %swap3A_1172, %swap3A_1173], %mul3A_1170 {strides = array<i32>} : memref<4x128x64xf32, #tpu.memory_space<vmem>>, vector<16xf32>,
        %get3A_1175 = arith.index_cast %select_n3A_1050 : i32 to index
        %get3A_1176 = arith.index_cast %add3A_1145 : i32 to index
        %get3A_1177 = arith.constant 48 : index
        %get3A_1178 = tpu.vector_load %arg16[%get3A_1175, %get3A_1176, %get3A_1177] {strides = array<i32>} : memref<4x128x64xf32, #tpu.memory_space<vmem>>, vector<16xf32>,
        %mul3A_1179 = arith.mulf %get3A_1178, %gather3A_1147 : vector<16xf32>
        %swap3A_1180 = arith.index_cast %select_n3A_1050 : i32 to index
        %swap3A_1181 = arith.index_cast %add3A_1145 : i32 to index
        %swap3A_1182 = arith.constant 48 : index
        %swap3A_1183 = tpu.vector_load %arg16[%swap3A_1180, %swap3A_1181, %swap3A_1182] {strides = array<i32>} : memref<4x128x64xf32, #tpu.memory_space<vmem>>, vector<16xf32>,
        tpu.vector_store %arg16[%swap3A_1180, %swap3A_1181, %swap3A_1182], %mul3A_1179 {strides = array<i32>} : memref<4x128x64xf32, #tpu.memory_space<vmem>>, vector<16xf32>,
        %mul3A_1184 = arith.constant 8 : i32
        %mul3A_1185 = arith.muli %scan3A_1098, %mul3A_1184 : i32
        %add3A_1186 = arith.constant 2 : i32
        %add3A_1187 = arith.addi %mul3A_1185, %add3A_1186 : i32
        %broadcast_in_dim3A_1188 = vector.broadcast %add3A_1187 : i32 to vector<16xi32>
        %gather3A_1189 = tpu.vector_load_idx %arg10[%broadcast_in_dim3A, %broadcast_in_dim3A_1188] : memref<81x128xf32, #tpu.memory_space<vmem>>[vector<16xi32>, vector<16xi32>], vector<16xf32>,
        %get3A_1190 = arith.index_cast %select_n3A_1050 : i32 to index
        %get3A_1191 = arith.index_cast %add3A_1187 : i32 to index
        %get3A_1192 = arith.constant 0 : index
        %get3A_1193 = tpu.vector_load %arg16[%get3A_1190, %get3A_1191, %get3A_1192] {strides = array<i32>} : memref<4x128x64xf32, #tpu.memory_space<vmem>>, vector<16xf32>,
        %mul3A_1194 = arith.mulf %get3A_1193, %gather3A_1189 : vector<16xf32>
        %swap3A_1195 = arith.index_cast %select_n3A_1050 : i32 to index
        %swap3A_1196 = arith.index_cast %add3A_1187 : i32 to index
        %swap3A_1197 = arith.constant 0 : index
        %swap3A_1198 = tpu.vector_load %arg16[%swap3A_1195, %swap3A_1196, %swap3A_1197] {strides = array<i32>} : memref<4x128x64xf32, #tpu.memory_space<vmem>>, vector<16xf32>,
        tpu.vector_store %arg16[%swap3A_1195, %swap3A_1196, %swap3A_1197], %mul3A_1194 {strides = array<i32>} : memref<4x128x64xf32, #tpu.memory_space<vmem>>, vector<16xf32>,
        %get3A_1199 = arith.index_cast %select_n3A_1050 : i32 to index
        %get3A_1200 = arith.index_cast %add3A_1187 : i32 to index
        %get3A_1201 = arith.constant 16 : index
        %get3A_1202 = tpu.vector_load %arg16[%get3A_1199, %get3A_1200, %get3A_1201] {strides = array<i32>} : memref<4x128x64xf32, #tpu.memory_space<vmem>>, vector<16xf32>,
        %mul3A_1203 = arith.mulf %get3A_1202, %gather3A_1189 : vector<16xf32>
        %swap3A_1204 = arith.index_cast %select_n3A_1050 : i32 to index
        %swap3A_1205 = arith.index_cast %add3A_1187 : i32 to index
        %swap3A_1206 = arith.constant 16 : index
        %swap3A_1207 = tpu.vector_load %arg16[%swap3A_1204, %swap3A_1205, %swap3A_1206] {strides = array<i32>} : memref<4x128x64xf32, #tpu.memory_space<vmem>>, vector<16xf32>,
        tpu.vector_store %arg16[%swap3A_1204, %swap3A_1205, %swap3A_1206], %mul3A_1203 {strides = array<i32>} : memref<4x128x64xf32, #tpu.memory_space<vmem>>, vector<16xf32>,
        %get3A_1208 = arith.index_cast %select_n3A_1050 : i32 to index
        %get3A_1209 = arith.index_cast %add3A_1187 : i32 to index
        %get3A_1210 = arith.constant 32 : index
        %get3A_1211 = tpu.vector_load %arg16[%get3A_1208, %get3A_1209, %get3A_1210] {strides = array<i32>} : memref<4x128x64xf32, #tpu.memory_space<vmem>>, vector<16xf32>,
        %mul3A_1212 = arith.mulf %get3A_1211, %gather3A_1189 : vector<16xf32>
        %swap3A_1213 = arith.index_cast %select_n3A_1050 : i32 to index
        %swap3A_1214 = arith.index_cast %add3A_1187 : i32 to index
        %swap3A_1215 = arith.constant 32 : index
        %swap3A_1216 = tpu.vector_load %arg16[%swap3A_1213, %swap3A_1214, %swap3A_1215] {strides = array<i32>} : memref<4x128x64xf32, #tpu.memory_space<vmem>>, vector<16xf32>,
        tpu.vector_store %arg16[%swap3A_1213, %swap3A_1214, %swap3A_1215], %mul3A_1212 {strides = array<i32>} : memref<4x128x64xf32, #tpu.memory_space<vmem>>, vector<16xf32>,
        %get3A_1217 = arith.index_cast %select_n3A_1050 : i32 to index
        %get3A_1218 = arith.index_cast %add3A_1187 : i32 to index
        %get3A_1219 = arith.constant 48 : index
        %get3A_1220 = tpu.vector_load %arg16[%get3A_1217, %get3A_1218, %get3A_1219] {strides = array<i32>} : memref<4x128x64xf32, #tpu.memory_space<vmem>>, vector<16xf32>,
        %mul3A_1221 = arith.mulf %get3A_1220, %gather3A_1189 : vector<16xf32>
        %swap3A_1222 = arith.index_cast %select_n3A_1050 : i32 to index
        %swap3A_1223 = arith.index_cast %add3A_1187 : i32 to index
        %swap3A_1224 = arith.constant 48 : index
        %swap3A_1225 = tpu.vector_load %arg16[%swap3A_1222, %swap3A_1223, %swap3A_1224] {strides = array<i32>} : memref<4x128x64xf32, #tpu.memory_space<vmem>>, vector<16xf32>,
        tpu.vector_store %arg16[%swap3A_1222, %swap3A_1223, %swap3A_1224], %mul3A_1221 {strides = array<i32>} : memref<4x128x64xf32, #tpu.memory_space<vmem>>, vector<16xf32>,
        %mul3A_1226 = arith.constant 8 : i32
        %mul3A_1227 = arith.muli %scan3A_1098, %mul3A_1226 : i32
        %add3A_1228 = arith.constant 3 : i32
        %add3A_1229 = arith.addi %mul3A_1227, %add3A_1228 : i32
        %broadcast_in_dim3A_1230 = vector.broadcast %add3A_1229 : i32 to vector<16xi32>
        %gather3A_1231 = tpu.vector_load_idx %arg10[%broadcast_in_dim3A, %broadcast_in_dim3A_1230] : memref<81x128xf32, #tpu.memory_space<vmem>>[vector<16xi32>, vector<16xi32>], vector<16xf32>,
        %get3A_1232 = arith.index_cast %select_n3A_1050 : i32 to index
        %get3A_1233 = arith.index_cast %add3A_1229 : i32 to index
        %get3A_1234 = arith.constant 0 : index
        %get3A_1235 = tpu.vector_load %arg16[%get3A_1232, %get3A_1233, %get3A_1234] {strides = array<i32>} : memref<4x128x64xf32, #tpu.memory_space<vmem>>, vector<16xf32>,
        %mul3A_1236 = arith.mulf %get3A_1235, %gather3A_1231 : vector<16xf32>
        %swap3A_1237 = arith.index_cast %select_n3A_1050 : i32 to index
        %swap3A_1238 = arith.index_cast %add3A_1229 : i32 to index
        %swap3A_1239 = arith.constant 0 : index
        %swap3A_1240 = tpu.vector_load %arg16[%swap3A_1237, %swap3A_1238, %swap3A_1239] {strides = array<i32>} : memref<4x128x64xf32, #tpu.memory_space<vmem>>, vector<16xf32>,
        tpu.vector_store %arg16[%swap3A_1237, %swap3A_1238, %swap3A_1239], %mul3A_1236 {strides = array<i32>} : memref<4x128x64xf32, #tpu.memory_space<vmem>>, vector<16xf32>,
        %get3A_1241 = arith.index_cast %select_n3A_1050 : i32 to index
        %get3A_1242 = arith.index_cast %add3A_1229 : i32 to index
        %get3A_1243 = arith.constant 16 : index
        %get3A_1244 = tpu.vector_load %arg16[%get3A_1241, %get3A_1242, %get3A_1243] {strides = array<i32>} : memref<4x128x64xf32, #tpu.memory_space<vmem>>, vector<16xf32>,
        %mul3A_1245 = arith.mulf %get3A_1244, %gather3A_1231 : vector<16xf32>
        %swap3A_1246 = arith.index_cast %select_n3A_1050 : i32 to index
        %swap3A_1247 = arith.index_cast %add3A_1229 : i32 to index
        %swap3A_1248 = arith.constant 16 : index
        %swap3A_1249 = tpu.vector_load %arg16[%swap3A_1246, %swap3A_1247, %swap3A_1248] {strides = array<i32>} : memref<4x128x64xf32, #tpu.memory_space<vmem>>, vector<16xf32>,
        tpu.vector_store %arg16[%swap3A_1246, %swap3A_1247, %swap3A_1248], %mul3A_1245 {strides = array<i32>} : memref<4x128x64xf32, #tpu.memory_space<vmem>>, vector<16xf32>,
        %get3A_1250 = arith.index_cast %select_n3A_1050 : i32 to index
        %get3A_1251 = arith.index_cast %add3A_1229 : i32 to index
        %get3A_1252 = arith.constant 32 : index
        %get3A_1253 = tpu.vector_load %arg16[%get3A_1250, %get3A_1251, %get3A_1252] {strides = array<i32>} : memref<4x128x64xf32, #tpu.memory_space<vmem>>, vector<16xf32>,
        %mul3A_1254 = arith.mulf %get3A_1253, %gather3A_1231 : vector<16xf32>
        %swap3A_1255 = arith.index_cast %select_n3A_1050 : i32 to index
        %swap3A_1256 = arith.index_cast %add3A_1229 : i32 to index
        %swap3A_1257 = arith.constant 32 : index
        %swap3A_1258 = tpu.vector_load %arg16[%swap3A_1255, %swap3A_1256, %swap3A_1257] {strides = array<i32>} : memref<4x128x64xf32, #tpu.memory_space<vmem>>, vector<16xf32>,
        tpu.vector_store %arg16[%swap3A_1255, %swap3A_1256, %swap3A_1257], %mul3A_1254 {strides = array<i32>} : memref<4x128x64xf32, #tpu.memory_space<vmem>>, vector<16xf32>,
        %get3A_1259 = arith.index_cast %select_n3A_1050 : i32 to index
        %get3A_1260 = arith.index_cast %add3A_1229 : i32 to index
        %get3A_1261 = arith.constant 48 : index
        %get3A_1262 = tpu.vector_load %arg16[%get3A_1259, %get3A_1260, %get3A_1261] {strides = array<i32>} : memref<4x128x64xf32, #tpu.memory_space<vmem>>, vector<16xf32>,
        %mul3A_1263 = arith.mulf %get3A_1262, %gather3A_1231 : vector<16xf32>
        %swap3A_1264 = arith.index_cast %select_n3A_1050 : i32 to index
        %swap3A_1265 = arith.index_cast %add3A_1229 : i32 to index
        %swap3A_1266 = arith.constant 48 : index
        %swap3A_1267 = tpu.vector_load %arg16[%swap3A_1264, %swap3A_1265, %swap3A_1266] {strides = array<i32>} : memref<4x128x64xf32, #tpu.memory_space<vmem>>, vector<16xf32>,
        tpu.vector_store %arg16[%swap3A_1264, %swap3A_1265, %swap3A_1266], %mul3A_1263 {strides = array<i32>} : memref<4x128x64xf32, #tpu.memory_space<vmem>>, vector<16xf32>,
        %mul3A_1268 = arith.constant 8 : i32
        %mul3A_1269 = arith.muli %scan3A_1098, %mul3A_1268 : i32
        %add3A_1270 = arith.constant 4 : i32
        %add3A_1271 = arith.addi %mul3A_1269, %add3A_1270 : i32
        %broadcast_in_dim3A_1272 = vector.broadcast %add3A_1271 : i32 to vector<16xi32>
        %gather3A_1273 = tpu.vector_load_idx %arg10[%broadcast_in_dim3A, %broadcast_in_dim3A_1272] : memref<81x128xf32, #tpu.memory_space<vmem>>[vector<16xi32>, vector<16xi32>], vector<16xf32>,
        %get3A_1274 = arith.index_cast %select_n3A_1050 : i32 to index
        %get3A_1275 = arith.index_cast %add3A_1271 : i32 to index
        %get3A_1276 = arith.constant 0 : index
        %get3A_1277 = tpu.vector_load %arg16[%get3A_1274, %get3A_1275, %get3A_1276] {strides = array<i32>} : memref<4x128x64xf32, #tpu.memory_space<vmem>>, vector<16xf32>,
        %mul3A_1278 = arith.mulf %get3A_1277, %gather3A_1273 : vector<16xf32>
        %swap3A_1279 = arith.index_cast %select_n3A_1050 : i32 to index
        %swap3A_1280 = arith.index_cast %add3A_1271 : i32 to index
        %swap3A_1281 = arith.constant 0 : index
        %swap3A_1282 = tpu.vector_load %arg16[%swap3A_1279, %swap3A_1280, %swap3A_1281] {strides = array<i32>} : memref<4x128x64xf32, #tpu.memory_space<vmem>>, vector<16xf32>,
        tpu.vector_store %arg16[%swap3A_1279, %swap3A_1280, %swap3A_1281], %mul3A_1278 {strides = array<i32>} : memref<4x128x64xf32, #tpu.memory_space<vmem>>, vector<16xf32>,
        %get3A_1283 = arith.index_cast %select_n3A_1050 : i32 to index
        %get3A_1284 = arith.index_cast %add3A_1271 : i32 to index
        %get3A_1285 = arith.constant 16 : index
        %get3A_1286 = tpu.vector_load %arg16[%get3A_1283, %get3A_1284, %get3A_1285] {strides = array<i32>} : memref<4x128x64xf32, #tpu.memory_space<vmem>>, vector<16xf32>,
        %mul3A_1287 = arith.mulf %get3A_1286, %gather3A_1273 : vector<16xf32>
        %swap3A_1288 = arith.index_cast %select_n3A_1050 : i32 to index
        %swap3A_1289 = arith.index_cast %add3A_1271 : i32 to index
        %swap3A_1290 = arith.constant 16 : index
        %swap3A_1291 = tpu.vector_load %arg16[%swap3A_1288, %swap3A_1289, %swap3A_1290] {strides = array<i32>} : memref<4x128x64xf32, #tpu.memory_space<vmem>>, vector<16xf32>,
        tpu.vector_store %arg16[%swap3A_1288, %swap3A_1289, %swap3A_1290], %mul3A_1287 {strides = array<i32>} : memref<4x128x64xf32, #tpu.memory_space<vmem>>, vector<16xf32>,
        %get3A_1292 = arith.index_cast %select_n3A_1050 : i32 to index
        %get3A_1293 = arith.index_cast %add3A_1271 : i32 to index
        %get3A_1294 = arith.constant 32 : index
        %get3A_1295 = tpu.vector_load %arg16[%get3A_1292, %get3A_1293, %get3A_1294] {strides = array<i32>} : memref<4x128x64xf32, #tpu.memory_space<vmem>>, vector<16xf32>,
        %mul3A_1296 = arith.mulf %get3A_1295, %gather3A_1273 : vector<16xf32>
        %swap3A_1297 = arith.index_cast %select_n3A_1050 : i32 to index
        %swap3A_1298 = arith.index_cast %add3A_1271 : i32 to index
        %swap3A_1299 = arith.constant 32 : index
        %swap3A_1300 = tpu.vector_load %arg16[%swap3A_1297, %swap3A_1298, %swap3A_1299] {strides = array<i32>} : memref<4x128x64xf32, #tpu.memory_space<vmem>>, vector<16xf32>,
        tpu.vector_store %arg16[%swap3A_1297, %swap3A_1298, %swap3A_1299], %mul3A_1296 {strides = array<i32>} : memref<4x128x64xf32, #tpu.memory_space<vmem>>, vector<16xf32>,
        %get3A_1301 = arith.index_cast %select_n3A_1050 : i32 to index
        %get3A_1302 = arith.index_cast %add3A_1271 : i32 to index
        %get3A_1303 = arith.constant 48 : index
        %get3A_1304 = tpu.vector_load %arg16[%get3A_1301, %get3A_1302, %get3A_1303] {strides = array<i32>} : memref<4x128x64xf32, #tpu.memory_space<vmem>>, vector<16xf32>,
        %mul3A_1305 = arith.mulf %get3A_1304, %gather3A_1273 : vector<16xf32>
        %swap3A_1306 = arith.index_cast %select_n3A_1050 : i32 to index
        %swap3A_1307 = arith.index_cast %add3A_1271 : i32 to index
        %swap3A_1308 = arith.constant 48 : index
        %swap3A_1309 = tpu.vector_load %arg16[%swap3A_1306, %swap3A_1307, %swap3A_1308] {strides = array<i32>} : memref<4x128x64xf32, #tpu.memory_space<vmem>>, vector<16xf32>,
        tpu.vector_store %arg16[%swap3A_1306, %swap3A_1307, %swap3A_1308], %mul3A_1305 {strides = array<i32>} : memref<4x128x64xf32, #tpu.memory_space<vmem>>, vector<16xf32>,
        %mul3A_1310 = arith.constant 8 : i32
        %mul3A_1311 = arith.muli %scan3A_1098, %mul3A_1310 : i32
        %add3A_1312 = arith.constant 5 : i32
        %add3A_1313 = arith.addi %mul3A_1311, %add3A_1312 : i32
        %broadcast_in_dim3A_1314 = vector.broadcast %add3A_1313 : i32 to vector<16xi32>
        %gather3A_1315 = tpu.vector_load_idx %arg10[%broadcast_in_dim3A, %broadcast_in_dim3A_1314] : memref<81x128xf32, #tpu.memory_space<vmem>>[vector<16xi32>, vector<16xi32>], vector<16xf32>,
        %get3A_1316 = arith.index_cast %select_n3A_1050 : i32 to index
        %get3A_1317 = arith.index_cast %add3A_1313 : i32 to index
        %get3A_1318 = arith.constant 0 : index
        %get3A_1319 = tpu.vector_load %arg16[%get3A_1316, %get3A_1317, %get3A_1318] {strides = array<i32>} : memref<4x128x64xf32, #tpu.memory_space<vmem>>, vector<16xf32>,
        %mul3A_1320 = arith.mulf %get3A_1319, %gather3A_1315 : vector<16xf32>
        %swap3A_1321 = arith.index_cast %select_n3A_1050 : i32 to index
        %swap3A_1322 = arith.index_cast %add3A_1313 : i32 to index
        %swap3A_1323 = arith.constant 0 : index
        %swap3A_1324 = tpu.vector_load %arg16[%swap3A_1321, %swap3A_1322, %swap3A_1323] {strides = array<i32>} : memref<4x128x64xf32, #tpu.memory_space<vmem>>, vector<16xf32>,
        tpu.vector_store %arg16[%swap3A_1321, %swap3A_1322, %swap3A_1323], %mul3A_1320 {strides = array<i32>} : memref<4x128x64xf32, #tpu.memory_space<vmem>>, vector<16xf32>,
        %get3A_1325 = arith.index_cast %select_n3A_1050 : i32 to index
        %get3A_1326 = arith.index_cast %add3A_1313 : i32 to index
        %get3A_1327 = arith.constant 16 : index
        %get3A_1328 = tpu.vector_load %arg16[%get3A_1325, %get3A_1326, %get3A_1327] {strides = array<i32>} : memref<4x128x64xf32, #tpu.memory_space<vmem>>, vector<16xf32>,
        %mul3A_1329 = arith.mulf %get3A_1328, %gather3A_1315 : vector<16xf32>
        %swap3A_1330 = arith.index_cast %select_n3A_1050 : i32 to index
        %swap3A_1331 = arith.index_cast %add3A_1313 : i32 to index
        %swap3A_1332 = arith.constant 16 : index
        %swap3A_1333 = tpu.vector_load %arg16[%swap3A_1330, %swap3A_1331, %swap3A_1332] {strides = array<i32>} : memref<4x128x64xf32, #tpu.memory_space<vmem>>, vector<16xf32>,
        tpu.vector_store %arg16[%swap3A_1330, %swap3A_1331, %swap3A_1332], %mul3A_1329 {strides = array<i32>} : memref<4x128x64xf32, #tpu.memory_space<vmem>>, vector<16xf32>,
        %get3A_1334 = arith.index_cast %select_n3A_1050 : i32 to index
        %get3A_1335 = arith.index_cast %add3A_1313 : i32 to index
        %get3A_1336 = arith.constant 32 : index
        %get3A_1337 = tpu.vector_load %arg16[%get3A_1334, %get3A_1335, %get3A_1336] {strides = array<i32>} : memref<4x128x64xf32, #tpu.memory_space<vmem>>, vector<16xf32>,
        %mul3A_1338 = arith.mulf %get3A_1337, %gather3A_1315 : vector<16xf32>
        %swap3A_1339 = arith.index_cast %select_n3A_1050 : i32 to index
        %swap3A_1340 = arith.index_cast %add3A_1313 : i32 to index
        %swap3A_1341 = arith.constant 32 : index
        %swap3A_1342 = tpu.vector_load %arg16[%swap3A_1339, %swap3A_1340, %swap3A_1341] {strides = array<i32>} : memref<4x128x64xf32, #tpu.memory_space<vmem>>, vector<16xf32>,
        tpu.vector_store %arg16[%swap3A_1339, %swap3A_1340, %swap3A_1341], %mul3A_1338 {strides = array<i32>} : memref<4x128x64xf32, #tpu.memory_space<vmem>>, vector<16xf32>,
        %get3A_1343 = arith.index_cast %select_n3A_1050 : i32 to index
        %get3A_1344 = arith.index_cast %add3A_1313 : i32 to index
        %get3A_1345 = arith.constant 48 : index
        %get3A_1346 = tpu.vector_load %arg16[%get3A_1343, %get3A_1344, %get3A_1345] {strides = array<i32>} : memref<4x128x64xf32, #tpu.memory_space<vmem>>, vector<16xf32>,
        %mul3A_1347 = arith.mulf %get3A_1346, %gather3A_1315 : vector<16xf32>
        %swap3A_1348 = arith.index_cast %select_n3A_1050 : i32 to index
        %swap3A_1349 = arith.index_cast %add3A_1313 : i32 to index
        %swap3A_1350 = arith.constant 48 : index
        %swap3A_1351 = tpu.vector_load %arg16[%swap3A_1348, %swap3A_1349, %swap3A_1350] {strides = array<i32>} : memref<4x128x64xf32, #tpu.memory_space<vmem>>, vector<16xf32>,
        tpu.vector_store %arg16[%swap3A_1348, %swap3A_1349, %swap3A_1350], %mul3A_1347 {strides = array<i32>} : memref<4x128x64xf32, #tpu.memory_space<vmem>>, vector<16xf32>,
        %mul3A_1352 = arith.constant 8 : i32
        %mul3A_1353 = arith.muli %scan3A_1098, %mul3A_1352 : i32
        %add3A_1354 = arith.constant 6 : i32
        %add3A_1355 = arith.addi %mul3A_1353, %add3A_1354 : i32
        %broadcast_in_dim3A_1356 = vector.broadcast %add3A_1355 : i32 to vector<16xi32>
        %gather3A_1357 = tpu.vector_load_idx %arg10[%broadcast_in_dim3A, %broadcast_in_dim3A_1356] : memref<81x128xf32, #tpu.memory_space<vmem>>[vector<16xi32>, vector<16xi32>], vector<16xf32>,
        %get3A_1358 = arith.index_cast %select_n3A_1050 : i32 to index
        %get3A_1359 = arith.index_cast %add3A_1355 : i32 to index
        %get3A_1360 = arith.constant 0 : index
        %get3A_1361 = tpu.vector_load %arg16[%get3A_1358, %get3A_1359, %get3A_1360] {strides = array<i32>} : memref<4x128x64xf32, #tpu.memory_space<vmem>>, vector<16xf32>,
        %mul3A_1362 = arith.mulf %get3A_1361, %gather3A_1357 : vector<16xf32>
        %swap3A_1363 = arith.index_cast %select_n3A_1050 : i32 to index
        %swap3A_1364 = arith.index_cast %add3A_1355 : i32 to index
        %swap3A_1365 = arith.constant 0 : index
        %swap3A_1366 = tpu.vector_load %arg16[%swap3A_1363, %swap3A_1364, %swap3A_1365] {strides = array<i32>} : memref<4x128x64xf32, #tpu.memory_space<vmem>>, vector<16xf32>,
        tpu.vector_store %arg16[%swap3A_1363, %swap3A_1364, %swap3A_1365], %mul3A_1362 {strides = array<i32>} : memref<4x128x64xf32, #tpu.memory_space<vmem>>, vector<16xf32>,
        %get3A_1367 = arith.index_cast %select_n3A_1050 : i32 to index
        %get3A_1368 = arith.index_cast %add3A_1355 : i32 to index
        %get3A_1369 = arith.constant 16 : index
        %get3A_1370 = tpu.vector_load %arg16[%get3A_1367, %get3A_1368, %get3A_1369] {strides = array<i32>} : memref<4x128x64xf32, #tpu.memory_space<vmem>>, vector<16xf32>,
        %mul3A_1371 = arith.mulf %get3A_1370, %gather3A_1357 : vector<16xf32>
        %swap3A_1372 = arith.index_cast %select_n3A_1050 : i32 to index
        %swap3A_1373 = arith.index_cast %add3A_1355 : i32 to index
        %swap3A_1374 = arith.constant 16 : index
        %swap3A_1375 = tpu.vector_load %arg16[%swap3A_1372, %swap3A_1373, %swap3A_1374] {strides = array<i32>} : memref<4x128x64xf32, #tpu.memory_space<vmem>>, vector<16xf32>,
        tpu.vector_store %arg16[%swap3A_1372, %swap3A_1373, %swap3A_1374], %mul3A_1371 {strides = array<i32>} : memref<4x128x64xf32, #tpu.memory_space<vmem>>, vector<16xf32>,
        %get3A_1376 = arith.index_cast %select_n3A_1050 : i32 to index
        %get3A_1377 = arith.index_cast %add3A_1355 : i32 to index
        %get3A_1378 = arith.constant 32 : index
        %get3A_1379 = tpu.vector_load %arg16[%get3A_1376, %get3A_1377, %get3A_1378] {strides = array<i32>} : memref<4x128x64xf32, #tpu.memory_space<vmem>>, vector<16xf32>,
        %mul3A_1380 = arith.mulf %get3A_1379, %gather3A_1357 : vector<16xf32>
        %swap3A_1381 = arith.index_cast %select_n3A_1050 : i32 to index
        %swap3A_1382 = arith.index_cast %add3A_1355 : i32 to index
        %swap3A_1383 = arith.constant 32 : index
        %swap3A_1384 = tpu.vector_load %arg16[%swap3A_1381, %swap3A_1382, %swap3A_1383] {strides = array<i32>} : memref<4x128x64xf32, #tpu.memory_space<vmem>>, vector<16xf32>,
        tpu.vector_store %arg16[%swap3A_1381, %swap3A_1382, %swap3A_1383], %mul3A_1380 {strides = array<i32>} : memref<4x128x64xf32, #tpu.memory_space<vmem>>, vector<16xf32>,
        %get3A_1385 = arith.index_cast %select_n3A_1050 : i32 to index
        %get3A_1386 = arith.index_cast %add3A_1355 : i32 to index
        %get3A_1387 = arith.constant 48 : index
        %get3A_1388 = tpu.vector_load %arg16[%get3A_1385, %get3A_1386, %get3A_1387] {strides = array<i32>} : memref<4x128x64xf32, #tpu.memory_space<vmem>>, vector<16xf32>,
        %mul3A_1389 = arith.mulf %get3A_1388, %gather3A_1357 : vector<16xf32>
        %swap3A_1390 = arith.index_cast %select_n3A_1050 : i32 to index
        %swap3A_1391 = arith.index_cast %add3A_1355 : i32 to index
        %swap3A_1392 = arith.constant 48 : index
        %swap3A_1393 = tpu.vector_load %arg16[%swap3A_1390, %swap3A_1391, %swap3A_1392] {strides = array<i32>} : memref<4x128x64xf32, #tpu.memory_space<vmem>>, vector<16xf32>,
        tpu.vector_store %arg16[%swap3A_1390, %swap3A_1391, %swap3A_1392], %mul3A_1389 {strides = array<i32>} : memref<4x128x64xf32, #tpu.memory_space<vmem>>, vector<16xf32>,
        %mul3A_1394 = arith.constant 8 : i32
        %mul3A_1395 = arith.muli %scan3A_1098, %mul3A_1394 : i32
        %add3A_1396 = arith.constant 7 : i32
        %add3A_1397 = arith.addi %mul3A_1395, %add3A_1396 : i32
        %broadcast_in_dim3A_1398 = vector.broadcast %add3A_1397 : i32 to vector<16xi32>
        %gather3A_1399 = tpu.vector_load_idx %arg10[%broadcast_in_dim3A, %broadcast_in_dim3A_1398] : memref<81x128xf32, #tpu.memory_space<vmem>>[vector<16xi32>, vector<16xi32>], vector<16xf32>,
        %get3A_1400 = arith.index_cast %select_n3A_1050 : i32 to index
        %get3A_1401 = arith.index_cast %add3A_1397 : i32 to index
        %get3A_1402 = arith.constant 0 : index
        %get3A_1403 = tpu.vector_load %arg16[%get3A_1400, %get3A_1401, %get3A_1402] {strides = array<i32>} : memref<4x128x64xf32, #tpu.memory_space<vmem>>, vector<16xf32>,
        %mul3A_1404 = arith.mulf %get3A_1403, %gather3A_1399 : vector<16xf32>
        %swap3A_1405 = arith.index_cast %select_n3A_1050 : i32 to index
        %swap3A_1406 = arith.index_cast %add3A_1397 : i32 to index
        %swap3A_1407 = arith.constant 0 : index
        %swap3A_1408 = tpu.vector_load %arg16[%swap3A_1405, %swap3A_1406, %swap3A_1407] {strides = array<i32>} : memref<4x128x64xf32, #tpu.memory_space<vmem>>, vector<16xf32>,
        tpu.vector_store %arg16[%swap3A_1405, %swap3A_1406, %swap3A_1407], %mul3A_1404 {strides = array<i32>} : memref<4x128x64xf32, #tpu.memory_space<vmem>>, vector<16xf32>,
        %get3A_1409 = arith.index_cast %select_n3A_1050 : i32 to index
        %get3A_1410 = arith.index_cast %add3A_1397 : i32 to index
        %get3A_1411 = arith.constant 16 : index
        %get3A_1412 = tpu.vector_load %arg16[%get3A_1409, %get3A_1410, %get3A_1411] {strides = array<i32>} : memref<4x128x64xf32, #tpu.memory_space<vmem>>, vector<16xf32>,
        %mul3A_1413 = arith.mulf %get3A_1412, %gather3A_1399 : vector<16xf32>
        %swap3A_1414 = arith.index_cast %select_n3A_1050 : i32 to index
        %swap3A_1415 = arith.index_cast %add3A_1397 : i32 to index
        %swap3A_1416 = arith.constant 16 : index
        %swap3A_1417 = tpu.vector_load %arg16[%swap3A_1414, %swap3A_1415, %swap3A_1416] {strides = array<i32>} : memref<4x128x64xf32, #tpu.memory_space<vmem>>, vector<16xf32>,
        tpu.vector_store %arg16[%swap3A_1414, %swap3A_1415, %swap3A_1416], %mul3A_1413 {strides = array<i32>} : memref<4x128x64xf32, #tpu.memory_space<vmem>>, vector<16xf32>,
        %get3A_1418 = arith.index_cast %select_n3A_1050 : i32 to index
        %get3A_1419 = arith.index_cast %add3A_1397 : i32 to index
        %get3A_1420 = arith.constant 32 : index
        %get3A_1421 = tpu.vector_load %arg16[%get3A_1418, %get3A_1419, %get3A_1420] {strides = array<i32>} : memref<4x128x64xf32, #tpu.memory_space<vmem>>, vector<16xf32>,
        %mul3A_1422 = arith.mulf %get3A_1421, %gather3A_1399 : vector<16xf32>
        %swap3A_1423 = arith.index_cast %select_n3A_1050 : i32 to index
        %swap3A_1424 = arith.index_cast %add3A_1397 : i32 to index
        %swap3A_1425 = arith.constant 32 : index
        %swap3A_1426 = tpu.vector_load %arg16[%swap3A_1423, %swap3A_1424, %swap3A_1425] {strides = array<i32>} : memref<4x128x64xf32, #tpu.memory_space<vmem>>, vector<16xf32>,
        tpu.vector_store %arg16[%swap3A_1423, %swap3A_1424, %swap3A_1425], %mul3A_1422 {strides = array<i32>} : memref<4x128x64xf32, #tpu.memory_space<vmem>>, vector<16xf32>,
        %get3A_1427 = arith.index_cast %select_n3A_1050 : i32 to index
        %get3A_1428 = arith.index_cast %add3A_1397 : i32 to index
        %get3A_1429 = arith.constant 48 : index
        %get3A_1430 = tpu.vector_load %arg16[%get3A_1427, %get3A_1428, %get3A_1429] {strides = array<i32>} : memref<4x128x64xf32, #tpu.memory_space<vmem>>, vector<16xf32>,
        %mul3A_1431 = arith.mulf %get3A_1430, %gather3A_1399 : vector<16xf32>
        %swap3A_1432 = arith.index_cast %select_n3A_1050 : i32 to index
        %swap3A_1433 = arith.index_cast %add3A_1397 : i32 to index
        %swap3A_1434 = arith.constant 48 : index
        %swap3A_1435 = tpu.vector_load %arg16[%swap3A_1432, %swap3A_1433, %swap3A_1434] {strides = array<i32>} : memref<4x128x64xf32, #tpu.memory_space<vmem>>, vector<16xf32>,
        tpu.vector_store %arg16[%swap3A_1432, %swap3A_1433, %swap3A_1434], %mul3A_1431 {strides = array<i32>} : memref<4x128x64xf32, #tpu.memory_space<vmem>>, vector<16xf32>,
        %scan3A_1436 = arith.constant 0 : i32
        scf.yield %scan3A_1436 : i32
      }
      %scan3A_1077 = arith.constant 16 : i32
      %dma_start3A_1078 = arith.constant 0 : i32
      %dma_start3A_1079 = arith.constant 0 : i32
      %dma_start3A_1080 = tpu.memref_slice %arg16[%select_n3A_1050, %dma_start3A_1078, %dma_start3A_1079] : memref<4x128x64xf32, #tpu.memory_space<vmem>> -> memref<1x128x64xf32, #tpu.memory_space<vmem>>
      %dma_start3A_1081 = tpu.memref_squeeze %dma_start3A_1080 : memref<1x128x64xf32, #tpu.memory_space<vmem>> -> memref<128x64xf32, #tpu.memory_space<vmem>>
      %dma_start3A_1082 = arith.constant 0 : i32
      %dma_start3A_1083 = tpu.memref_slice %arg9[%scan3A_1039, %dma_start3A_1082] : memref<81x128xi32, #tpu.memory_space<vmem>> -> memref<1x128xi32, #tpu.memory_space<vmem>>
      %dma_start3A_1084 = tpu.memref_squeeze %dma_start3A_1083 : memref<1x128xi32, #tpu.memory_space<vmem>> -> memref<128xi32, #tpu.memory_space<vmem>>
      %dma_start3A_1085 = arith.constant 0 : i32
      %dma_start3A_1086 = arith.constant 0 : i32
      %dma_start3A_1087 = tpu.memref_slice %arg20[%dma_start3A_1085, %dma_start3A_1086] : memref<10240x64xf32, #tpu.memory_space<vmem_shared>> -> memref<10240x64xf32, #tpu.memory_space<vmem_shared>>
      %dma_start3A_1088 = tpu.memref_slice %arg18[%select_n3A_1050] : memref<4x!tpu.dma_semaphore, #tpu.memory_space<semaphore_mem>> -> memref<1x!tpu.dma_semaphore, #tpu.memory_space<semaphore_mem>>
      %dma_start3A_1089 = tpu.memref_squeeze %dma_start3A_1088 : memref<1x!tpu.dma_semaphore, #tpu.memory_space<semaphore_mem>> -> memref<!tpu.dma_semaphore, #tpu.memory_space<semaphore_mem>>
      tpu.enqueue_indirect_dma source(%dma_start3A_1081 : memref<128x64xf32, #tpu.memory_space<vmem>>) target(%dma_start3A_1087 : memref<10240x64xf32, #tpu.memory_space<vmem_shared>>) offsets(%dma_start3A_1084 : memref<128xi32, #tpu.memory_space<vmem>>) semaphore(%dma_start3A_1089 : memref<!tpu.dma_semaphore, #tpu.memory_space<semaphore_mem>>) {add = true}
      %add3A_1090 = arith.constant 2 : i32
      %add3A_1091 = arith.addi %scan3A_1039, %add3A_1090 : i32
      %lt3A_1092 = arith.constant 81 : i32
      %lt3A_1093 = arith.cmpi slt, %add3A_1091, %lt3A_1092 : i32
      %convert_element_type3A_1094 = arith.extui %lt3A_1093 : i1 to i32
      %cond3A_1095 = arith.constant 0 : i32
      %cond3A_1096 = arith.cmpi ne, %convert_element_type3A_1094, %cond3A_1095 : i32
      scf.if %cond3A_1096 {
        %jit3A_1098 = arith.constant 4 : i32
        %eq3A_1099 = arith.constant 0 : i32
        %eq3A_1100 = arith.cmpi eq, %jit3A_1098, %eq3A_1099 : i32
        %jit3A_1101 = arith.constant 1 : i32
        %select_n3A_1102 = arith.select %eq3A_1100, %jit3A_1101, %jit3A_1098 : i32
        %rem3A_1103 = arith.remsi %add3A_1091, %select_n3A_1102 : i32
        %ne3A_1104 = arith.constant 0 : i32
        %ne3A_1105 = arith.cmpi ne, %rem3A_1103, %ne3A_1104 : i32
        %lt3A_1106 = arith.constant 0 : i32
        %lt3A_1107 = arith.cmpi slt, %rem3A_1103, %lt3A_1106 : i32
        %lt3A_1108 = arith.constant 0 : i32
        %lt3A_1109 = arith.cmpi slt, %select_n3A_1102, %lt3A_1108 : i32
        %ne3A_1110 = arith.xori %lt3A_1107, %lt3A_1109 : i1
        %and3A_1111 = arith.andi %ne3A_1110, %ne3A_1105 : i1
        %add3A_1112 = arith.addi %rem3A_1103, %select_n3A_1102 : i32
        %select_n3A_1113 = arith.select %and3A_1111, %add3A_1112, %rem3A_1103 : i32
        %jit3A_1114 = arith.constant 4 : i32
        %eq3A_1115 = arith.constant 0 : i32
        %eq3A_1116 = arith.cmpi eq, %jit3A_1114, %eq3A_1115 : i32
        %jit3A_1117 = arith.constant 1 : i32
        %select_n3A_1118 = arith.select %eq3A_1116, %jit3A_1117, %jit3A_1114 : i32
        %rem3A_1119 = arith.remsi %add3A_1091, %select_n3A_1118 : i32
        %ne3A_1120 = arith.constant 0 : i32
        %ne3A_1121 = arith.cmpi ne, %rem3A_1119, %ne3A_1120 : i32
        %lt3A_1122 = arith.constant 0 : i32
        %lt3A_1123 = arith.cmpi slt, %rem3A_1119, %lt3A_1122 : i32
        %lt3A_1124 = arith.constant 0 : i32
        %lt3A_1125 = arith.cmpi slt, %select_n3A_1118, %lt3A_1124 : i32
        %ne3A_1126 = arith.xori %lt3A_1123, %lt3A_1125 : i1
        %and3A_1127 = arith.andi %ne3A_1126, %ne3A_1121 : i1
        %add3A_1128 = arith.addi %rem3A_1119, %select_n3A_1118 : i32
        %select_n3A_1129 = arith.select %and3A_1127, %add3A_1128, %rem3A_1119 : i32
        %dma_start3A_1130 = arith.constant 0 : i32
        %dma_start3A_1131 = arith.constant 0 : i32
        %dma_start3A_1132 = tpu.memref_slice %arg16[%select_n3A_1113, %dma_start3A_1130, %dma_start3A_1131] : memref<4x128x64xf32, #tpu.memory_space<vmem>> -> memref<1x128x64xf32, #tpu.memory_space<vmem>>
        %dma_start3A_1133 = tpu.memref_squeeze %dma_start3A_1132 : memref<1x128x64xf32, #tpu.memory_space<vmem>> -> memref<128x64xf32, #tpu.memory_space<vmem>>
        %dma_start3A_1134 = arith.constant 0 : i32
        %dma_start3A_1135 = tpu.memref_slice %arg11[%add3A_1091, %dma_start3A_1134] : memref<81x128xi32, #tpu.memory_space<vmem>> -> memref<1x128xi32, #tpu.memory_space<vmem>>
        %dma_start3A_1136 = tpu.memref_squeeze %dma_start3A_1135 : memref<1x128xi32, #tpu.memory_space<vmem>> -> memref<128xi32, #tpu.memory_space<vmem>>
        %dma_start3A_1137 = arith.constant 0 : i32
        %dma_start3A_1138 = arith.constant 0 : i32
        %dma_start3A_1139 = tpu.memref_slice %arg6[%arg0, %dma_start3A_1137, %dma_start3A_1138] : memref<2x10240x64xf32, #tpu.memory_space<hbm>> -> memref<1x10240x64xf32, #tpu.memory_space<hbm>>
        %dma_start3A_1140 = tpu.memref_squeeze %dma_start3A_1139 : memref<1x10240x64xf32, #tpu.memory_space<hbm>> -> memref<10240x64xf32, #tpu.memory_space<hbm>>
        %dma_start3A_1141 = arith.constant 0 : i32
        %dma_start3A_1142 = arith.constant 0 : i32
        %dma_start3A_1143 = tpu.memref_slice %dma_start3A_1140[%dma_start3A_1141, %dma_start3A_1142] : memref<10240x64xf32, #tpu.memory_space<hbm>> -> memref<10240x64xf32, #tpu.memory_space<hbm>>
        %dma_start3A_1144 = tpu.memref_slice %arg17[%select_n3A_1129] : memref<4x!tpu.dma_semaphore, #tpu.memory_space<semaphore_mem>> -> memref<1x!tpu.dma_semaphore, #tpu.memory_space<semaphore_mem>>
        %dma_start3A_1145 = tpu.memref_squeeze %dma_start3A_1144 : memref<1x!tpu.dma_semaphore, #tpu.memory_space<semaphore_mem>> -> memref<!tpu.dma_semaphore, #tpu.memory_space<semaphore_mem>>
        tpu.enqueue_indirect_dma source(%dma_start3A_1143 : memref<10240x64xf32, #tpu.memory_space<hbm>>) target(%dma_start3A_1133 : memref<128x64xf32, #tpu.memory_space<vmem>>) offsets(%dma_start3A_1136 : memref<128xi32, #tpu.memory_space<vmem>>) semaphore(%dma_start3A_1145 : memref<!tpu.dma_semaphore, #tpu.memory_space<semaphore_mem>>)
        %get3A_1146 = arith.index_cast %add3A_1091 : i32 to index
        %get3A_1147 = arith.constant 0 : index
        %get3A_1148 = tpu.vector_load %arg11[%get3A_1146, %get3A_1147] {strides = array<i32>} : memref<81x128xi32, #tpu.memory_space<vmem>>, vector<16xi32>,
        %get3A_1149 = arith.index_cast %add3A_1091 : i32 to index
        %get3A_1150 = arith.constant 0 : index
        %get3A_1151 = tpu.vector_load %arg9[%get3A_1149, %get3A_1150] {strides = array<i32>} : memref<81x128xi32, #tpu.memory_space<vmem>>, vector<16xi32>,
        %get3A_1152 = arith.index_cast %add3A_1091 : i32 to index
        %get3A_1153 = arith.constant 0 : index
        %get3A_1154 = tpu.vector_load %arg10[%get3A_1152, %get3A_1153] {strides = array<i32>} : memref<81x128xf32, #tpu.memory_space<vmem>>, vector<16xf32>,
        %gather3A_1155 = tpu.vector_load_idx %arg12[%get3A_1148] : memref<10240xf32, #tpu.memory_space<vmem>>[vector<16xi32>], vector<16xf32>,
        %mul3A_1156 = arith.mulf %gather3A_1155, %get3A_1154 : vector<16xf32>
        %gather3A_1157 = tpu.vector_load_idx %arg12[%get3A_1151] : memref<10240xf32, #tpu.memory_space<vmem>>[vector<16xi32>], vector<16xf32>,
        %mul3A_1158 = arith.mulf %mul3A_1156, %gather3A_1157 : vector<16xf32>
        %swap3A_1159 = arith.index_cast %add3A_1091 : i32 to index
        %swap3A_1160 = arith.constant 0 : index
        %swap3A_1161 = tpu.vector_load %arg10[%swap3A_1159, %swap3A_1160] {strides = array<i32>} : memref<81x128xf32, #tpu.memory_space<vmem>>, vector<16xf32>,
        tpu.vector_store %arg10[%swap3A_1159, %swap3A_1160], %mul3A_1158 {strides = array<i32>} : memref<81x128xf32, #tpu.memory_space<vmem>>, vector<16xf32>,
        %get3A_1162 = arith.index_cast %add3A_1091 : i32 to index
        %get3A_1163 = arith.constant 16 : index
        %get3A_1164 = tpu.vector_load %arg11[%get3A_1162, %get3A_1163] {strides = array<i32>} : memref<81x128xi32, #tpu.memory_space<vmem>>, vector<16xi32>,
        %get3A_1165 = arith.index_cast %add3A_1091 : i32 to index
        %get3A_1166 = arith.constant 16 : index
        %get3A_1167 = tpu.vector_load %arg9[%get3A_1165, %get3A_1166] {strides = array<i32>} : memref<81x128xi32, #tpu.memory_space<vmem>>, vector<16xi32>,
        %get3A_1168 = arith.index_cast %add3A_1091 : i32 to index
        %get3A_1169 = arith.constant 16 : index
        %get3A_1170 = tpu.vector_load %arg10[%get3A_1168, %get3A_1169] {strides = array<i32>} : memref<81x128xf32, #tpu.memory_space<vmem>>, vector<16xf32>,
        %gather3A_1171 = tpu.vector_load_idx %arg12[%get3A_1164] : memref<10240xf32, #tpu.memory_space<vmem>>[vector<16xi32>], vector<16xf32>,
        %mul3A_1172 = arith.mulf %gather3A_1171, %get3A_1170 : vector<16xf32>
        %gather3A_1173 = tpu.vector_load_idx %arg12[%get3A_1167] : memref<10240xf32, #tpu.memory_space<vmem>>[vector<16xi32>], vector<16xf32>,
        %mul3A_1174 = arith.mulf %mul3A_1172, %gather3A_1173 : vector<16xf32>
        %swap3A_1175 = arith.index_cast %add3A_1091 : i32 to index
        %swap3A_1176 = arith.constant 16 : index
        %swap3A_1177 = tpu.vector_load %arg10[%swap3A_1175, %swap3A_1176] {strides = array<i32>} : memref<81x128xf32, #tpu.memory_space<vmem>>, vector<16xf32>,
        tpu.vector_store %arg10[%swap3A_1175, %swap3A_1176], %mul3A_1174 {strides = array<i32>} : memref<81x128xf32, #tpu.memory_space<vmem>>, vector<16xf32>,
        %get3A_1178 = arith.index_cast %add3A_1091 : i32 to index
        %get3A_1179 = arith.constant 32 : index
        %get3A_1180 = tpu.vector_load %arg11[%get3A_1178, %get3A_1179] {strides = array<i32>} : memref<81x128xi32, #tpu.memory_space<vmem>>, vector<16xi32>,
        %get3A_1181 = arith.index_cast %add3A_1091 : i32 to index
        %get3A_1182 = arith.constant 32 : index
        %get3A_1183 = tpu.vector_load %arg9[%get3A_1181, %get3A_1182] {strides = array<i32>} : memref<81x128xi32, #tpu.memory_space<vmem>>, vector<16xi32>,
        %get3A_1184 = arith.index_cast %add3A_1091 : i32 to index
        %get3A_1185 = arith.constant 32 : index
        %get3A_1186 = tpu.vector_load %arg10[%get3A_1184, %get3A_1185] {strides = array<i32>} : memref<81x128xf32, #tpu.memory_space<vmem>>, vector<16xf32>,
        %gather3A_1187 = tpu.vector_load_idx %arg12[%get3A_1180] : memref<10240xf32, #tpu.memory_space<vmem>>[vector<16xi32>], vector<16xf32>,
        %mul3A_1188 = arith.mulf %gather3A_1187, %get3A_1186 : vector<16xf32>
        %gather3A_1189 = tpu.vector_load_idx %arg12[%get3A_1183] : memref<10240xf32, #tpu.memory_space<vmem>>[vector<16xi32>], vector<16xf32>,
        %mul3A_1190 = arith.mulf %mul3A_1188, %gather3A_1189 : vector<16xf32>
        %swap3A_1191 = arith.index_cast %add3A_1091 : i32 to index
        %swap3A_1192 = arith.constant 32 : index
        %swap3A_1193 = tpu.vector_load %arg10[%swap3A_1191, %swap3A_1192] {strides = array<i32>} : memref<81x128xf32, #tpu.memory_space<vmem>>, vector<16xf32>,
        tpu.vector_store %arg10[%swap3A_1191, %swap3A_1192], %mul3A_1190 {strides = array<i32>} : memref<81x128xf32, #tpu.memory_space<vmem>>, vector<16xf32>,
        %get3A_1194 = arith.index_cast %add3A_1091 : i32 to index
        %get3A_1195 = arith.constant 48 : index
        %get3A_1196 = tpu.vector_load %arg11[%get3A_1194, %get3A_1195] {strides = array<i32>} : memref<81x128xi32, #tpu.memory_space<vmem>>, vector<16xi32>,
        %get3A_1197 = arith.index_cast %add3A_1091 : i32 to index
        %get3A_1198 = arith.constant 48 : index
        %get3A_1199 = tpu.vector_load %arg9[%get3A_1197, %get3A_1198] {strides = array<i32>} : memref<81x128xi32, #tpu.memory_space<vmem>>, vector<16xi32>,
        %get3A_1200 = arith.index_cast %add3A_1091 : i32 to index
        %get3A_1201 = arith.constant 48 : index
        %get3A_1202 = tpu.vector_load %arg10[%get3A_1200, %get3A_1201] {strides = array<i32>} : memref<81x128xf32, #tpu.memory_space<vmem>>, vector<16xf32>,
        %gather3A_1203 = tpu.vector_load_idx %arg12[%get3A_1196] : memref<10240xf32, #tpu.memory_space<vmem>>[vector<16xi32>], vector<16xf32>,
        %mul3A_1204 = arith.mulf %gather3A_1203, %get3A_1202 : vector<16xf32>
        %gather3A_1205 = tpu.vector_load_idx %arg12[%get3A_1199] : memref<10240xf32, #tpu.memory_space<vmem>>[vector<16xi32>], vector<16xf32>,
        %mul3A_1206 = arith.mulf %mul3A_1204, %gather3A_1205 : vector<16xf32>
        %swap3A_1207 = arith.index_cast %add3A_1091 : i32 to index
        %swap3A_1208 = arith.constant 48 : index
        %swap3A_1209 = tpu.vector_load %arg10[%swap3A_1207, %swap3A_1208] {strides = array<i32>} : memref<81x128xf32, #tpu.memory_space<vmem>>, vector<16xf32>,
        tpu.vector_store %arg10[%swap3A_1207, %swap3A_1208], %mul3A_1206 {strides = array<i32>} : memref<81x128xf32, #tpu.memory_space<vmem>>, vector<16xf32>,
        %get3A_1210 = arith.index_cast %add3A_1091 : i32 to index
        %get3A_1211 = arith.constant 64 : index
        %get3A_1212 = tpu.vector_load %arg11[%get3A_1210, %get3A_1211] {strides = array<i32>} : memref<81x128xi32, #tpu.memory_space<vmem>>, vector<16xi32>,
        %get3A_1213 = arith.index_cast %add3A_1091 : i32 to index
        %get3A_1214 = arith.constant 64 : index
        %get3A_1215 = tpu.vector_load %arg9[%get3A_1213, %get3A_1214] {strides = array<i32>} : memref<81x128xi32, #tpu.memory_space<vmem>>, vector<16xi32>,
        %get3A_1216 = arith.index_cast %add3A_1091 : i32 to index
        %get3A_1217 = arith.constant 64 : index
        %get3A_1218 = tpu.vector_load %arg10[%get3A_1216, %get3A_1217] {strides = array<i32>} : memref<81x128xf32, #tpu.memory_space<vmem>>, vector<16xf32>,
        %gather3A_1219 = tpu.vector_load_idx %arg12[%get3A_1212] : memref<10240xf32, #tpu.memory_space<vmem>>[vector<16xi32>], vector<16xf32>,
        %mul3A_1220 = arith.mulf %gather3A_1219, %get3A_1218 : vector<16xf32>
        %gather3A_1221 = tpu.vector_load_idx %arg12[%get3A_1215] : memref<10240xf32, #tpu.memory_space<vmem>>[vector<16xi32>], vector<16xf32>,
        %mul3A_1222 = arith.mulf %mul3A_1220, %gather3A_1221 : vector<16xf32>
        %swap3A_1223 = arith.index_cast %add3A_1091 : i32 to index
        %swap3A_1224 = arith.constant 64 : index
        %swap3A_1225 = tpu.vector_load %arg10[%swap3A_1223, %swap3A_1224] {strides = array<i32>} : memref<81x128xf32, #tpu.memory_space<vmem>>, vector<16xf32>,
        tpu.vector_store %arg10[%swap3A_1223, %swap3A_1224], %mul3A_1222 {strides = array<i32>} : memref<81x128xf32, #tpu.memory_space<vmem>>, vector<16xf32>,
        %get3A_1226 = arith.index_cast %add3A_1091 : i32 to index
        %get3A_1227 = arith.constant 80 : index
        %get3A_1228 = tpu.vector_load %arg11[%get3A_1226, %get3A_1227] {strides = array<i32>} : memref<81x128xi32, #tpu.memory_space<vmem>>, vector<16xi32>,
        %get3A_1229 = arith.index_cast %add3A_1091 : i32 to index
        %get3A_1230 = arith.constant 80 : index
        %get3A_1231 = tpu.vector_load %arg9[%get3A_1229, %get3A_1230] {strides = array<i32>} : memref<81x128xi32, #tpu.memory_space<vmem>>, vector<16xi32>,
        %get3A_1232 = arith.index_cast %add3A_1091 : i32 to index
        %get3A_1233 = arith.constant 80 : index
        %get3A_1234 = tpu.vector_load %arg10[%get3A_1232, %get3A_1233] {strides = array<i32>} : memref<81x128xf32, #tpu.memory_space<vmem>>, vector<16xf32>,
        %gather3A_1235 = tpu.vector_load_idx %arg12[%get3A_1228] : memref<10240xf32, #tpu.memory_space<vmem>>[vector<16xi32>], vector<16xf32>,
        %mul3A_1236 = arith.mulf %gather3A_1235, %get3A_1234 : vector<16xf32>
        %gather3A_1237 = tpu.vector_load_idx %arg12[%get3A_1231] : memref<10240xf32, #tpu.memory_space<vmem>>[vector<16xi32>], vector<16xf32>,
        %mul3A_1238 = arith.mulf %mul3A_1236, %gather3A_1237 : vector<16xf32>
        %swap3A_1239 = arith.index_cast %add3A_1091 : i32 to index
        %swap3A_1240 = arith.constant 80 : index
        %swap3A_1241 = tpu.vector_load %arg10[%swap3A_1239, %swap3A_1240] {strides = array<i32>} : memref<81x128xf32, #tpu.memory_space<vmem>>, vector<16xf32>,
        tpu.vector_store %arg10[%swap3A_1239, %swap3A_1240], %mul3A_1238 {strides = array<i32>} : memref<81x128xf32, #tpu.memory_space<vmem>>, vector<16xf32>,
        %get3A_1242 = arith.index_cast %add3A_1091 : i32 to index
        %get3A_1243 = arith.constant 96 : index
        %get3A_1244 = tpu.vector_load %arg11[%get3A_1242, %get3A_1243] {strides = array<i32>} : memref<81x128xi32, #tpu.memory_space<vmem>>, vector<16xi32>,
        %get3A_1245 = arith.index_cast %add3A_1091 : i32 to index
        %get3A_1246 = arith.constant 96 : index
        %get3A_1247 = tpu.vector_load %arg9[%get3A_1245, %get3A_1246] {strides = array<i32>} : memref<81x128xi32, #tpu.memory_space<vmem>>, vector<16xi32>,
        %get3A_1248 = arith.index_cast %add3A_1091 : i32 to index
        %get3A_1249 = arith.constant 96 : index
        %get3A_1250 = tpu.vector_load %arg10[%get3A_1248, %get3A_1249] {strides = array<i32>} : memref<81x128xf32, #tpu.memory_space<vmem>>, vector<16xf32>,
        %gather3A_1251 = tpu.vector_load_idx %arg12[%get3A_1244] : memref<10240xf32, #tpu.memory_space<vmem>>[vector<16xi32>], vector<16xf32>,
        %mul3A_1252 = arith.mulf %gather3A_1251, %get3A_1250 : vector<16xf32>
        %gather3A_1253 = tpu.vector_load_idx %arg12[%get3A_1247] : memref<10240xf32, #tpu.memory_space<vmem>>[vector<16xi32>], vector<16xf32>,
        %mul3A_1254 = arith.mulf %mul3A_1252, %gather3A_1253 : vector<16xf32>
        %swap3A_1255 = arith.index_cast %add3A_1091 : i32 to index
        %swap3A_1256 = arith.constant 96 : index
        %swap3A_1257 = tpu.vector_load %arg10[%swap3A_1255, %swap3A_1256] {strides = array<i32>} : memref<81x128xf32, #tpu.memory_space<vmem>>, vector<16xf32>,
        tpu.vector_store %arg10[%swap3A_1255, %swap3A_1256], %mul3A_1254 {strides = array<i32>} : memref<81x128xf32, #tpu.memory_space<vmem>>, vector<16xf32>,
        %get3A_1258 = arith.index_cast %add3A_1091 : i32 to index
        %get3A_1259 = arith.constant 112 : index
        %get3A_1260 = tpu.vector_load %arg11[%get3A_1258, %get3A_1259] {strides = array<i32>} : memref<81x128xi32, #tpu.memory_space<vmem>>, vector<16xi32>,
        %get3A_1261 = arith.index_cast %add3A_1091 : i32 to index
        %get3A_1262 = arith.constant 112 : index
        %get3A_1263 = tpu.vector_load %arg9[%get3A_1261, %get3A_1262] {strides = array<i32>} : memref<81x128xi32, #tpu.memory_space<vmem>>, vector<16xi32>,
        %get3A_1264 = arith.index_cast %add3A_1091 : i32 to index
        %get3A_1265 = arith.constant 112 : index
        %get3A_1266 = tpu.vector_load %arg10[%get3A_1264, %get3A_1265] {strides = array<i32>} : memref<81x128xf32, #tpu.memory_space<vmem>>, vector<16xf32>,
        %gather3A_1267 = tpu.vector_load_idx %arg12[%get3A_1260] : memref<10240xf32, #tpu.memory_space<vmem>>[vector<16xi32>], vector<16xf32>,
        %mul3A_1268 = arith.mulf %gather3A_1267, %get3A_1266 : vector<16xf32>
        %gather3A_1269 = tpu.vector_load_idx %arg12[%get3A_1263] : memref<10240xf32, #tpu.memory_space<vmem>>[vector<16xi32>], vector<16xf32>,
        %mul3A_1270 = arith.mulf %mul3A_1268, %gather3A_1269 : vector<16xf32>
        %swap3A_1271 = arith.index_cast %add3A_1091 : i32 to index
        %swap3A_1272 = arith.constant 112 : index
        %swap3A_1273 = tpu.vector_load %arg10[%swap3A_1271, %swap3A_1272] {strides = array<i32>} : memref<81x128xf32, #tpu.memory_space<vmem>>, vector<16xf32>,
        tpu.vector_store %arg10[%swap3A_1271, %swap3A_1272], %mul3A_1270 {strides = array<i32>} : memref<81x128xf32, #tpu.memory_space<vmem>>, vector<16xf32>,
      } else {
      }
      %scan3A_1097 = arith.constant 0 : i32
      scf.yield %scan3A_1097 : i32
    }
    %scan3A_543 = arith.constant 81 : i32
    %dma_wait3A_544 = arith.constant 1 : i32
    %dma_wait3A_545 = arith.constant 77 : i32
    %dma_wait3A_546 = arith.constant 1 : i32
    %dma_wait3A_547 = arith.constant 0 : i32
    %dma_wait3A_548 = arith.constant 0 : i32
    %dma_wait3A_549 = tpu.memref_slice %arg16[%dma_wait3A_544, %dma_wait3A_547, %dma_wait3A_548] : memref<4x128x64xf32, #tpu.memory_space<vmem>> -> memref<1x128x64xf32, #tpu.memory_space<vmem>>
    %dma_wait3A_550 = tpu.memref_squeeze %dma_wait3A_549 : memref<1x128x64xf32, #tpu.memory_space<vmem>> -> memref<128x64xf32, #tpu.memory_space<vmem>>
    %dma_wait3A_551 = arith.constant 0 : i32
    %dma_wait3A_552 = tpu.memref_slice %arg9[%dma_wait3A_545, %dma_wait3A_551] : memref<81x128xi32, #tpu.memory_space<vmem>> -> memref<1x128xi32, #tpu.memory_space<vmem>>
    %dma_wait3A_553 = tpu.memref_squeeze %dma_wait3A_552 : memref<1x128xi32, #tpu.memory_space<vmem>> -> memref<128xi32, #tpu.memory_space<vmem>>
    %dma_wait3A_554 = arith.constant 0 : i32
    %dma_wait3A_555 = arith.constant 0 : i32
    %dma_wait3A_556 = tpu.memref_slice %arg20[%dma_wait3A_554, %dma_wait3A_555] : memref<10240x64xf32, #tpu.memory_space<vmem_shared>> -> memref<10240x64xf32, #tpu.memory_space<vmem_shared>>
    %dma_wait3A_557 = tpu.memref_slice %arg18[%dma_wait3A_546] : memref<4x!tpu.dma_semaphore, #tpu.memory_space<semaphore_mem>> -> memref<1x!tpu.dma_semaphore, #tpu.memory_space<semaphore_mem>>
    %dma_wait3A_558 = tpu.memref_squeeze %dma_wait3A_557 : memref<1x!tpu.dma_semaphore, #tpu.memory_space<semaphore_mem>> -> memref<!tpu.dma_semaphore, #tpu.memory_space<semaphore_mem>>
    tpu.wait_indirect_dma semaphore(%dma_wait3A_558 : memref<!tpu.dma_semaphore, #tpu.memory_space<semaphore_mem>>) src(%dma_wait3A_550 : memref<128x64xf32, #tpu.memory_space<vmem>>) dst(%dma_wait3A_556 : memref<10240x64xf32, #tpu.memory_space<vmem_shared>>)
    %dma_wait3A_559 = arith.constant 2 : i32
    %dma_wait3A_560 = arith.constant 78 : i32
    %dma_wait3A_561 = arith.constant 2 : i32
    %dma_wait3A_562 = arith.constant 0 : i32
    %dma_wait3A_563 = arith.constant 0 : i32
    %dma_wait3A_564 = tpu.memref_slice %arg16[%dma_wait3A_559, %dma_wait3A_562, %dma_wait3A_563] : memref<4x128x64xf32, #tpu.memory_space<vmem>> -> memref<1x128x64xf32, #tpu.memory_space<vmem>>
    %dma_wait3A_565 = tpu.memref_squeeze %dma_wait3A_564 : memref<1x128x64xf32, #tpu.memory_space<vmem>> -> memref<128x64xf32, #tpu.memory_space<vmem>>
    %dma_wait3A_566 = arith.constant 0 : i32
    %dma_wait3A_567 = tpu.memref_slice %arg9[%dma_wait3A_560, %dma_wait3A_566] : memref<81x128xi32, #tpu.memory_space<vmem>> -> memref<1x128xi32, #tpu.memory_space<vmem>>
    %dma_wait3A_568 = tpu.memref_squeeze %dma_wait3A_567 : memref<1x128xi32, #tpu.memory_space<vmem>> -> memref<128xi32, #tpu.memory_space<vmem>>
    %dma_wait3A_569 = arith.constant 0 : i32
    %dma_wait3A_570 = arith.constant 0 : i32
    %dma_wait3A_571 = tpu.memref_slice %arg20[%dma_wait3A_569, %dma_wait3A_570] : memref<10240x64xf32, #tpu.memory_space<vmem_shared>> -> memref<10240x64xf32, #tpu.memory_space<vmem_shared>>
    %dma_wait3A_572 = tpu.memref_slice %arg18[%dma_wait3A_561] : memref<4x!tpu.dma_semaphore, #tpu.memory_space<semaphore_mem>> -> memref<1x!tpu.dma_semaphore, #tpu.memory_space<semaphore_mem>>
    %dma_wait3A_573 = tpu.memref_squeeze %dma_wait3A_572 : memref<1x!tpu.dma_semaphore, #tpu.memory_space<semaphore_mem>> -> memref<!tpu.dma_semaphore, #tpu.memory_space<semaphore_mem>>
    tpu.wait_indirect_dma semaphore(%dma_wait3A_573 : memref<!tpu.dma_semaphore, #tpu.memory_space<semaphore_mem>>) src(%dma_wait3A_565 : memref<128x64xf32, #tpu.memory_space<vmem>>) dst(%dma_wait3A_571 : memref<10240x64xf32, #tpu.memory_space<vmem_shared>>)
    %dma_wait3A_574 = arith.constant 3 : i32
    %dma_wait3A_575 = arith.constant 79 : i32
    %dma_wait3A_576 = arith.constant 3 : i32
    %dma_wait3A_577 = arith.constant 0 : i32
    %dma_wait3A_578 = arith.constant 0 : i32
    %dma_wait3A_579 = tpu.memref_slice %arg16[%dma_wait3A_574, %dma_wait3A_577, %dma_wait3A_578] : memref<4x128x64xf32, #tpu.memory_space<vmem>> -> memref<1x128x64xf32, #tpu.memory_space<vmem>>
    %dma_wait3A_580 = tpu.memref_squeeze %dma_wait3A_579 : memref<1x128x64xf32, #tpu.memory_space<vmem>> -> memref<128x64xf32, #tpu.memory_space<vmem>>
    %dma_wait3A_581 = arith.constant 0 : i32
    %dma_wait3A_582 = tpu.memref_slice %arg9[%dma_wait3A_575, %dma_wait3A_581] : memref<81x128xi32, #tpu.memory_space<vmem>> -> memref<1x128xi32, #tpu.memory_space<vmem>>
    %dma_wait3A_583 = tpu.memref_squeeze %dma_wait3A_582 : memref<1x128xi32, #tpu.memory_space<vmem>> -> memref<128xi32, #tpu.memory_space<vmem>>
    %dma_wait3A_584 = arith.constant 0 : i32
    %dma_wait3A_585 = arith.constant 0 : i32
    %dma_wait3A_586 = tpu.memref_slice %arg20[%dma_wait3A_584, %dma_wait3A_585] : memref<10240x64xf32, #tpu.memory_space<vmem_shared>> -> memref<10240x64xf32, #tpu.memory_space<vmem_shared>>
    %dma_wait3A_587 = tpu.memref_slice %arg18[%dma_wait3A_576] : memref<4x!tpu.dma_semaphore, #tpu.memory_space<semaphore_mem>> -> memref<1x!tpu.dma_semaphore, #tpu.memory_space<semaphore_mem>>
    %dma_wait3A_588 = tpu.memref_squeeze %dma_wait3A_587 : memref<1x!tpu.dma_semaphore, #tpu.memory_space<semaphore_mem>> -> memref<!tpu.dma_semaphore, #tpu.memory_space<semaphore_mem>>
    tpu.wait_indirect_dma semaphore(%dma_wait3A_588 : memref<!tpu.dma_semaphore, #tpu.memory_space<semaphore_mem>>) src(%dma_wait3A_580 : memref<128x64xf32, #tpu.memory_space<vmem>>) dst(%dma_wait3A_586 : memref<10240x64xf32, #tpu.memory_space<vmem_shared>>)
    %dma_wait3A_589 = arith.constant 0 : i32
    %dma_wait3A_590 = arith.constant 80 : i32
    %dma_wait3A_591 = arith.constant 0 : i32
    %dma_wait3A_592 = arith.constant 0 : i32
    %dma_wait3A_593 = arith.constant 0 : i32
    %dma_wait3A_594 = tpu.memref_slice %arg16[%dma_wait3A_589, %dma_wait3A_592, %dma_wait3A_593] : memref<4x128x64xf32, #tpu.memory_space<vmem>> -> memref<1x128x64xf32, #tpu.memory_space<vmem>>
    %dma_wait3A_595 = tpu.memref_squeeze %dma_wait3A_594 : memref<1x128x64xf32, #tpu.memory_space<vmem>> -> memref<128x64xf32, #tpu.memory_space<vmem>>
    %dma_wait3A_596 = arith.constant 0 : i32
    %dma_wait3A_597 = tpu.memref_slice %arg9[%dma_wait3A_590, %dma_wait3A_596] : memref<81x128xi32, #tpu.memory_space<vmem>> -> memref<1x128xi32, #tpu.memory_space<vmem>>
    %dma_wait3A_598 = tpu.memref_squeeze %dma_wait3A_597 : memref<1x128xi32, #tpu.memory_space<vmem>> -> memref<128xi32, #tpu.memory_space<vmem>>
    %dma_wait3A_599 = arith.constant 0 : i32
    %dma_wait3A_600 = arith.constant 0 : i32
    %dma_wait3A_601 = tpu.memref_slice %arg20[%dma_wait3A_599, %dma_wait3A_600] : memref<10240x64xf32, #tpu.memory_space<vmem_shared>> -> memref<10240x64xf32, #tpu.memory_space<vmem_shared>>
    %dma_wait3A_602 = tpu.memref_slice %arg18[%dma_wait3A_591] : memref<4x!tpu.dma_semaphore, #tpu.memory_space<semaphore_mem>> -> memref<1x!tpu.dma_semaphore, #tpu.memory_space<semaphore_mem>>
    %dma_wait3A_603 = tpu.memref_squeeze %dma_wait3A_602 : memref<1x!tpu.dma_semaphore, #tpu.memory_space<semaphore_mem>> -> memref<!tpu.dma_semaphore, #tpu.memory_space<semaphore_mem>>
    tpu.wait_indirect_dma semaphore(%dma_wait3A_603 : memref<!tpu.dma_semaphore, #tpu.memory_space<semaphore_mem>>) src(%dma_wait3A_595 : memref<128x64xf32, #tpu.memory_space<vmem>>) dst(%dma_wait3A_601 : memref<10240x64xf32, #tpu.memory_space<vmem_shared>>)
    "tpu.region"() ({
      %run_scoped3A_1039 = tpu.sem_alloc : memref<!tpu.dma_semaphore, #tpu.memory_space<semaphore_mem>>
      %dma_start3A_1040 = arith.constant 0 : i32
      %dma_start3A_1041 = arith.constant 0 : i32
      %dma_start3A_1042 = tpu.memref_slice %arg2[%add3A_181, %dma_start3A_1040, %dma_start3A_1041] : memref<32x81x128xi32, #tpu.memory_space<hbm>> -> memref<1x81x128xi32, #tpu.memory_space<hbm>>
      %dma_start3A_1043 = tpu.memref_squeeze %dma_start3A_1042 : memref<1x81x128xi32, #tpu.memory_space<hbm>> -> memref<81x128xi32, #tpu.memory_space<hbm>>
      %dma_start3A_1044 = arith.constant 0 : i32
      %dma_start3A_1045 = arith.constant 0 : i32
      %dma_start3A_1046 = tpu.memref_slice %arg2[%add3A_181, %dma_start3A_1044, %dma_start3A_1045] : memref<32x81x128xi32, #tpu.memory_space<hbm>> -> memref<1x81x128xi32, #tpu.memory_space<hbm>>
      %dma_start3A_1047 = tpu.memref_squeeze %dma_start3A_1046 : memref<1x81x128xi32, #tpu.memory_space<hbm>> -> memref<81x128xi32, #tpu.memory_space<hbm>>
      tpu.enqueue_dma source(%dma_start3A_1047 : memref<81x128xi32, #tpu.memory_space<hbm>>) target(%arg11 : memref<81x128xi32, #tpu.memory_space<vmem>>) target_semaphore(%run_scoped3A_1039 : memref<!tpu.dma_semaphore, #tpu.memory_space<semaphore_mem>>)
      %dma_wait3A_1048 = arith.constant 0 : i32
      %dma_wait3A_1049 = arith.constant 0 : i32
      %dma_wait3A_1050 = tpu.memref_slice %arg2[%add3A_181, %dma_wait3A_1048, %dma_wait3A_1049] : memref<32x81x128xi32, #tpu.memory_space<hbm>> -> memref<1x81x128xi32, #tpu.memory_space<hbm>>
      %dma_wait3A_1051 = tpu.memref_squeeze %dma_wait3A_1050 : memref<1x81x128xi32, #tpu.memory_space<hbm>> -> memref<81x128xi32, #tpu.memory_space<hbm>>
      %dma_wait3A_1052 = arith.constant 0 : i32
      %dma_wait3A_1053 = arith.constant 0 : i32
      %dma_wait3A_1054 = tpu.memref_slice %arg2[%add3A_181, %dma_wait3A_1052, %dma_wait3A_1053] : memref<32x81x128xi32, #tpu.memory_space<hbm>> -> memref<1x81x128xi32, #tpu.memory_space<hbm>>
      %dma_wait3A_1055 = tpu.memref_squeeze %dma_wait3A_1054 : memref<1x81x128xi32, #tpu.memory_space<hbm>> -> memref<81x128xi32, #tpu.memory_space<hbm>>
      tpu.wait_dma2 semaphore(%run_scoped3A_1039 : memref<!tpu.dma_semaphore, #tpu.memory_space<semaphore_mem>>) src(%dma_wait3A_1055 : memref<81x128xi32, #tpu.memory_space<hbm>>) dst(%arg11 : memref<81x128xi32, #tpu.memory_space<vmem>>)
      tpu.yield
    }) : () -> ()
    "tpu.region"() ({
      %run_scoped3A_1039 = tpu.sem_alloc : memref<!tpu.dma_semaphore, #tpu.memory_space<semaphore_mem>>
      %dma_start3A_1040 = arith.constant 0 : i32
      %dma_start3A_1041 = arith.constant 0 : i32
      %dma_start3A_1042 = tpu.memref_slice %arg3[%add3A_181, %dma_start3A_1040, %dma_start3A_1041] : memref<32x81x128xi32, #tpu.memory_space<hbm>> -> memref<1x81x128xi32, #tpu.memory_space<hbm>>
      %dma_start3A_1043 = tpu.memref_squeeze %dma_start3A_1042 : memref<1x81x128xi32, #tpu.memory_space<hbm>> -> memref<81x128xi32, #tpu.memory_space<hbm>>
      %dma_start3A_1044 = arith.constant 0 : i32
      %dma_start3A_1045 = arith.constant 0 : i32
      %dma_start3A_1046 = tpu.memref_slice %arg3[%add3A_181, %dma_start3A_1044, %dma_start3A_1045] : memref<32x81x128xi32, #tpu.memory_space<hbm>> -> memref<1x81x128xi32, #tpu.memory_space<hbm>>
      %dma_start3A_1047 = tpu.memref_squeeze %dma_start3A_1046 : memref<1x81x128xi32, #tpu.memory_space<hbm>> -> memref<81x128xi32, #tpu.memory_space<hbm>>
      tpu.enqueue_dma source(%dma_start3A_1047 : memref<81x128xi32, #tpu.memory_space<hbm>>) target(%arg9 : memref<81x128xi32, #tpu.memory_space<vmem>>) target_semaphore(%run_scoped3A_1039 : memref<!tpu.dma_semaphore, #tpu.memory_space<semaphore_mem>>)
      %dma_wait3A_1048 = arith.constant 0 : i32
      %dma_wait3A_1049 = arith.constant 0 : i32
      %dma_wait3A_1050 = tpu.memref_slice %arg3[%add3A_181, %dma_wait3A_1048, %dma_wait3A_1049] : memref<32x81x128xi32, #tpu.memory_space<hbm>> -> memref<1x81x128xi32, #tpu.memory_space<hbm>>
      %dma_wait3A_1051 = tpu.memref_squeeze %dma_wait3A_1050 : memref<1x81x128xi32, #tpu.memory_space<hbm>> -> memref<81x128xi32, #tpu.memory_space<hbm>>
      %dma_wait3A_1052 = arith.constant 0 : i32
      %dma_wait3A_1053 = arith.constant 0 : i32
      %dma_wait3A_1054 = tpu.memref_slice %arg3[%add3A_181, %dma_wait3A_1052, %dma_wait3A_1053] : memref<32x81x128xi32, #tpu.memory_space<hbm>> -> memref<1x81x128xi32, #tpu.memory_space<hbm>>
      %dma_wait3A_1055 = tpu.memref_squeeze %dma_wait3A_1054 : memref<1x81x128xi32, #tpu.memory_space<hbm>> -> memref<81x128xi32, #tpu.memory_space<hbm>>
      tpu.wait_dma2 semaphore(%run_scoped3A_1039 : memref<!tpu.dma_semaphore, #tpu.memory_space<semaphore_mem>>) src(%dma_wait3A_1055 : memref<81x128xi32, #tpu.memory_space<hbm>>) dst(%arg9 : memref<81x128xi32, #tpu.memory_space<vmem>>)
      tpu.yield
    }) : () -> ()
    "tpu.region"() ({
      %run_scoped3A_1039 = tpu.sem_alloc : memref<!tpu.dma_semaphore, #tpu.memory_space<semaphore_mem>>
      %dma_start3A_1040 = arith.constant 0 : i32
      %dma_start3A_1041 = arith.constant 0 : i32
      %dma_start3A_1042 = tpu.memref_slice %arg4[%add3A_181, %dma_start3A_1040, %dma_start3A_1041] : memref<32x81x128xf32, #tpu.memory_space<hbm>> -> memref<1x81x128xf32, #tpu.memory_space<hbm>>
      %dma_start3A_1043 = tpu.memref_squeeze %dma_start3A_1042 : memref<1x81x128xf32, #tpu.memory_space<hbm>> -> memref<81x128xf32, #tpu.memory_space<hbm>>
      %dma_start3A_1044 = arith.constant 0 : i32
      %dma_start3A_1045 = arith.constant 0 : i32
      %dma_start3A_1046 = tpu.memref_slice %arg4[%add3A_181, %dma_start3A_1044, %dma_start3A_1045] : memref<32x81x128xf32, #tpu.memory_space<hbm>> -> memref<1x81x128xf32, #tpu.memory_space<hbm>>
      %dma_start3A_1047 = tpu.memref_squeeze %dma_start3A_1046 : memref<1x81x128xf32, #tpu.memory_space<hbm>> -> memref<81x128xf32, #tpu.memory_space<hbm>>
      tpu.enqueue_dma source(%dma_start3A_1047 : memref<81x128xf32, #tpu.memory_space<hbm>>) target(%arg10 : memref<81x128xf32, #tpu.memory_space<vmem>>) target_semaphore(%run_scoped3A_1039 : memref<!tpu.dma_semaphore, #tpu.memory_space<semaphore_mem>>)
      %dma_wait3A_1048 = arith.constant 0 : i32
      %dma_wait3A_1049 = arith.constant 0 : i32
      %dma_wait3A_1050 = tpu.memref_slice %arg4[%add3A_181, %dma_wait3A_1048, %dma_wait3A_1049] : memref<32x81x128xf32, #tpu.memory_space<hbm>> -> memref<1x81x128xf32, #tpu.memory_space<hbm>>
      %dma_wait3A_1051 = tpu.memref_squeeze %dma_wait3A_1050 : memref<1x81x128xf32, #tpu.memory_space<hbm>> -> memref<81x128xf32, #tpu.memory_space<hbm>>
      %dma_wait3A_1052 = arith.constant 0 : i32
      %dma_wait3A_1053 = arith.constant 0 : i32
      %dma_wait3A_1054 = tpu.memref_slice %arg4[%add3A_181, %dma_wait3A_1052, %dma_wait3A_1053] : memref<32x81x128xf32, #tpu.memory_space<hbm>> -> memref<1x81x128xf32, #tpu.memory_space<hbm>>
      %dma_wait3A_1055 = tpu.memref_squeeze %dma_wait3A_1054 : memref<1x81x128xf32, #tpu.memory_space<hbm>> -> memref<81x128xf32, #tpu.memory_space<hbm>>
      tpu.wait_dma2 semaphore(%run_scoped3A_1039 : memref<!tpu.dma_semaphore, #tpu.memory_space<semaphore_mem>>) src(%dma_wait3A_1055 : memref<81x128xf32, #tpu.memory_space<hbm>>) dst(%arg10 : memref<81x128xf32, #tpu.memory_space<vmem>>)
      tpu.yield
    }) : () -> ()
    %dma_start3A_604 = arith.constant 0 : i32
    %dma_start3A_605 = arith.constant 0 : i32
    %dma_start3A_606 = arith.constant 0 : i32
    %dma_start3A_607 = arith.constant 0 : i32
    %dma_start3A_608 = arith.constant 0 : i32
    %dma_start3A_609 = tpu.memref_slice %arg16[%dma_start3A_605, %dma_start3A_607, %dma_start3A_608] : memref<4x128x64xf32, #tpu.memory_space<vmem>> -> memref<1x128x64xf32, #tpu.memory_space<vmem>>
    %dma_start3A_610 = tpu.memref_squeeze %dma_start3A_609 : memref<1x128x64xf32, #tpu.memory_space<vmem>> -> memref<128x64xf32, #tpu.memory_space<vmem>>
    %dma_start3A_611 = arith.constant 0 : i32
    %dma_start3A_612 = tpu.memref_slice %arg11[%dma_start3A_604, %dma_start3A_611] : memref<81x128xi32, #tpu.memory_space<vmem>> -> memref<1x128xi32, #tpu.memory_space<vmem>>
    %dma_start3A_613 = tpu.memref_squeeze %dma_start3A_612 : memref<1x128xi32, #tpu.memory_space<vmem>> -> memref<128xi32, #tpu.memory_space<vmem>>
    %dma_start3A_614 = arith.constant 0 : i32
    %dma_start3A_615 = arith.constant 0 : i32
    %dma_start3A_616 = tpu.memref_slice %arg6[%arg0, %dma_start3A_614, %dma_start3A_615] : memref<2x10240x64xf32, #tpu.memory_space<hbm>> -> memref<1x10240x64xf32, #tpu.memory_space<hbm>>
    %dma_start3A_617 = tpu.memref_squeeze %dma_start3A_616 : memref<1x10240x64xf32, #tpu.memory_space<hbm>> -> memref<10240x64xf32, #tpu.memory_space<hbm>>
    %dma_start3A_618 = arith.constant 0 : i32
    %dma_start3A_619 = arith.constant 0 : i32
    %dma_start3A_620 = tpu.memref_slice %dma_start3A_617[%dma_start3A_618, %dma_start3A_619] : memref<10240x64xf32, #tpu.memory_space<hbm>> -> memref<10240x64xf32, #tpu.memory_space<hbm>>
    %dma_start3A_621 = tpu.memref_slice %arg17[%dma_start3A_606] : memref<4x!tpu.dma_semaphore, #tpu.memory_space<semaphore_mem>> -> memref<1x!tpu.dma_semaphore, #tpu.memory_space<semaphore_mem>>
    %dma_start3A_622 = tpu.memref_squeeze %dma_start3A_621 : memref<1x!tpu.dma_semaphore, #tpu.memory_space<semaphore_mem>> -> memref<!tpu.dma_semaphore, #tpu.memory_space<semaphore_mem>>
    tpu.enqueue_indirect_dma source(%dma_start3A_620 : memref<10240x64xf32, #tpu.memory_space<hbm>>) target(%dma_start3A_610 : memref<128x64xf32, #tpu.memory_space<vmem>>) offsets(%dma_start3A_613 : memref<128xi32, #tpu.memory_space<vmem>>) semaphore(%dma_start3A_622 : memref<!tpu.dma_semaphore, #tpu.memory_space<semaphore_mem>>)
    %dma_start3A_623 = arith.constant 1 : i32
    %dma_start3A_624 = arith.constant 1 : i32
    %dma_start3A_625 = arith.constant 1 : i32
    %dma_start3A_626 = arith.constant 0 : i32
    %dma_start3A_627 = arith.constant 0 : i32
    %dma_start3A_628 = tpu.memref_slice %arg16[%dma_start3A_624, %dma_start3A_626, %dma_start3A_627] : memref<4x128x64xf32, #tpu.memory_space<vmem>> -> memref<1x128x64xf32, #tpu.memory_space<vmem>>
    %dma_start3A_629 = tpu.memref_squeeze %dma_start3A_628 : memref<1x128x64xf32, #tpu.memory_space<vmem>> -> memref<128x64xf32, #tpu.memory_space<vmem>>
    %dma_start3A_630 = arith.constant 0 : i32
    %dma_start3A_631 = tpu.memref_slice %arg11[%dma_start3A_623, %dma_start3A_630] : memref<81x128xi32, #tpu.memory_space<vmem>> -> memref<1x128xi32, #tpu.memory_space<vmem>>
    %dma_start3A_632 = tpu.memref_squeeze %dma_start3A_631 : memref<1x128xi32, #tpu.memory_space<vmem>> -> memref<128xi32, #tpu.memory_space<vmem>>
    %dma_start3A_633 = arith.constant 0 : i32
    %dma_start3A_634 = arith.constant 0 : i32
    %dma_start3A_635 = tpu.memref_slice %arg6[%arg0, %dma_start3A_633, %dma_start3A_634] : memref<2x10240x64xf32, #tpu.memory_space<hbm>> -> memref<1x10240x64xf32, #tpu.memory_space<hbm>>
    %dma_start3A_636 = tpu.memref_squeeze %dma_start3A_635 : memref<1x10240x64xf32, #tpu.memory_space<hbm>> -> memref<10240x64xf32, #tpu.memory_space<hbm>>
    %dma_start3A_637 = arith.constant 0 : i32
    %dma_start3A_638 = arith.constant 0 : i32
    %dma_start3A_639 = tpu.memref_slice %dma_start3A_636[%dma_start3A_637, %dma_start3A_638] : memref<10240x64xf32, #tpu.memory_space<hbm>> -> memref<10240x64xf32, #tpu.memory_space<hbm>>
    %dma_start3A_640 = tpu.memref_slice %arg17[%dma_start3A_625] : memref<4x!tpu.dma_semaphore, #tpu.memory_space<semaphore_mem>> -> memref<1x!tpu.dma_semaphore, #tpu.memory_space<semaphore_mem>>
    %dma_start3A_641 = tpu.memref_squeeze %dma_start3A_640 : memref<1x!tpu.dma_semaphore, #tpu.memory_space<semaphore_mem>> -> memref<!tpu.dma_semaphore, #tpu.memory_space<semaphore_mem>>
    tpu.enqueue_indirect_dma source(%dma_start3A_639 : memref<10240x64xf32, #tpu.memory_space<hbm>>) target(%dma_start3A_629 : memref<128x64xf32, #tpu.memory_space<vmem>>) offsets(%dma_start3A_632 : memref<128xi32, #tpu.memory_space<vmem>>) semaphore(%dma_start3A_641 : memref<!tpu.dma_semaphore, #tpu.memory_space<semaphore_mem>>)
    %get3A_642 = arith.constant 0 : i32
    %get3A_643 = arith.index_cast %get3A_642 : i32 to index
    %get3A_644 = arith.constant 0 : index
    %get3A_645 = tpu.vector_load %arg11[%get3A_643, %get3A_644] {strides = array<i32>} : memref<81x128xi32, #tpu.memory_space<vmem>>, vector<16xi32>,
    %get3A_646 = arith.constant 0 : i32
    %get3A_647 = arith.index_cast %get3A_646 : i32 to index
    %get3A_648 = arith.constant 0 : index
    %get3A_649 = tpu.vector_load %arg9[%get3A_647, %get3A_648] {strides = array<i32>} : memref<81x128xi32, #tpu.memory_space<vmem>>, vector<16xi32>,
    %get3A_650 = arith.constant 0 : i32
    %get3A_651 = arith.index_cast %get3A_650 : i32 to index
    %get3A_652 = arith.constant 0 : index
    %get3A_653 = tpu.vector_load %arg10[%get3A_651, %get3A_652] {strides = array<i32>} : memref<81x128xf32, #tpu.memory_space<vmem>>, vector<16xf32>,
    %gather3A_654 = tpu.vector_load_idx %arg12[%get3A_645] : memref<10240xf32, #tpu.memory_space<vmem>>[vector<16xi32>], vector<16xf32>,
    %mul3A_655 = arith.mulf %gather3A_654, %get3A_653 : vector<16xf32>
    %gather3A_656 = tpu.vector_load_idx %arg12[%get3A_649] : memref<10240xf32, #tpu.memory_space<vmem>>[vector<16xi32>], vector<16xf32>,
    %mul3A_657 = arith.mulf %mul3A_655, %gather3A_656 : vector<16xf32>
    %swap3A_658 = arith.constant 0 : i32
    %swap3A_659 = arith.index_cast %swap3A_658 : i32 to index
    %swap3A_660 = arith.constant 0 : index
    %swap3A_661 = tpu.vector_load %arg10[%swap3A_659, %swap3A_660] {strides = array<i32>} : memref<81x128xf32, #tpu.memory_space<vmem>>, vector<16xf32>,
    tpu.vector_store %arg10[%swap3A_659, %swap3A_660], %mul3A_657 {strides = array<i32>} : memref<81x128xf32, #tpu.memory_space<vmem>>, vector<16xf32>,
    %get3A_662 = arith.constant 0 : i32
    %get3A_663 = arith.index_cast %get3A_662 : i32 to index
    %get3A_664 = arith.constant 16 : index
    %get3A_665 = tpu.vector_load %arg11[%get3A_663, %get3A_664] {strides = array<i32>} : memref<81x128xi32, #tpu.memory_space<vmem>>, vector<16xi32>,
    %get3A_666 = arith.constant 0 : i32
    %get3A_667 = arith.index_cast %get3A_666 : i32 to index
    %get3A_668 = arith.constant 16 : index
    %get3A_669 = tpu.vector_load %arg9[%get3A_667, %get3A_668] {strides = array<i32>} : memref<81x128xi32, #tpu.memory_space<vmem>>, vector<16xi32>,
    %get3A_670 = arith.constant 0 : i32
    %get3A_671 = arith.index_cast %get3A_670 : i32 to index
    %get3A_672 = arith.constant 16 : index
    %get3A_673 = tpu.vector_load %arg10[%get3A_671, %get3A_672] {strides = array<i32>} : memref<81x128xf32, #tpu.memory_space<vmem>>, vector<16xf32>,
    %gather3A_674 = tpu.vector_load_idx %arg12[%get3A_665] : memref<10240xf32, #tpu.memory_space<vmem>>[vector<16xi32>], vector<16xf32>,
    %mul3A_675 = arith.mulf %gather3A_674, %get3A_673 : vector<16xf32>
    %gather3A_676 = tpu.vector_load_idx %arg12[%get3A_669] : memref<10240xf32, #tpu.memory_space<vmem>>[vector<16xi32>], vector<16xf32>,
    %mul3A_677 = arith.mulf %mul3A_675, %gather3A_676 : vector<16xf32>
    %swap3A_678 = arith.constant 0 : i32
    %swap3A_679 = arith.index_cast %swap3A_678 : i32 to index
    %swap3A_680 = arith.constant 16 : index
    %swap3A_681 = tpu.vector_load %arg10[%swap3A_679, %swap3A_680] {strides = array<i32>} : memref<81x128xf32, #tpu.memory_space<vmem>>, vector<16xf32>,
    tpu.vector_store %arg10[%swap3A_679, %swap3A_680], %mul3A_677 {strides = array<i32>} : memref<81x128xf32, #tpu.memory_space<vmem>>, vector<16xf32>,
    %get3A_682 = arith.constant 0 : i32
    %get3A_683 = arith.index_cast %get3A_682 : i32 to index
    %get3A_684 = arith.constant 32 : index
    %get3A_685 = tpu.vector_load %arg11[%get3A_683, %get3A_684] {strides = array<i32>} : memref<81x128xi32, #tpu.memory_space<vmem>>, vector<16xi32>,
    %get3A_686 = arith.constant 0 : i32
    %get3A_687 = arith.index_cast %get3A_686 : i32 to index
    %get3A_688 = arith.constant 32 : index
    %get3A_689 = tpu.vector_load %arg9[%get3A_687, %get3A_688] {strides = array<i32>} : memref<81x128xi32, #tpu.memory_space<vmem>>, vector<16xi32>,
    %get3A_690 = arith.constant 0 : i32
    %get3A_691 = arith.index_cast %get3A_690 : i32 to index
    %get3A_692 = arith.constant 32 : index
    %get3A_693 = tpu.vector_load %arg10[%get3A_691, %get3A_692] {strides = array<i32>} : memref<81x128xf32, #tpu.memory_space<vmem>>, vector<16xf32>,
    %gather3A_694 = tpu.vector_load_idx %arg12[%get3A_685] : memref<10240xf32, #tpu.memory_space<vmem>>[vector<16xi32>], vector<16xf32>,
    %mul3A_695 = arith.mulf %gather3A_694, %get3A_693 : vector<16xf32>
    %gather3A_696 = tpu.vector_load_idx %arg12[%get3A_689] : memref<10240xf32, #tpu.memory_space<vmem>>[vector<16xi32>], vector<16xf32>,
    %mul3A_697 = arith.mulf %mul3A_695, %gather3A_696 : vector<16xf32>
    %swap3A_698 = arith.constant 0 : i32
    %swap3A_699 = arith.index_cast %swap3A_698 : i32 to index
    %swap3A_700 = arith.constant 32 : index
    %swap3A_701 = tpu.vector_load %arg10[%swap3A_699, %swap3A_700] {strides = array<i32>} : memref<81x128xf32, #tpu.memory_space<vmem>>, vector<16xf32>,
    tpu.vector_store %arg10[%swap3A_699, %swap3A_700], %mul3A_697 {strides = array<i32>} : memref<81x128xf32, #tpu.memory_space<vmem>>, vector<16xf32>,
    %get3A_702 = arith.constant 0 : i32
    %get3A_703 = arith.index_cast %get3A_702 : i32 to index
    %get3A_704 = arith.constant 48 : index
    %get3A_705 = tpu.vector_load %arg11[%get3A_703, %get3A_704] {strides = array<i32>} : memref<81x128xi32, #tpu.memory_space<vmem>>, vector<16xi32>,
    %get3A_706 = arith.constant 0 : i32
    %get3A_707 = arith.index_cast %get3A_706 : i32 to index
    %get3A_708 = arith.constant 48 : index
    %get3A_709 = tpu.vector_load %arg9[%get3A_707, %get3A_708] {strides = array<i32>} : memref<81x128xi32, #tpu.memory_space<vmem>>, vector<16xi32>,
    %get3A_710 = arith.constant 0 : i32
    %get3A_711 = arith.index_cast %get3A_710 : i32 to index
    %get3A_712 = arith.constant 48 : index
    %get3A_713 = tpu.vector_load %arg10[%get3A_711, %get3A_712] {strides = array<i32>} : memref<81x128xf32, #tpu.memory_space<vmem>>, vector<16xf32>,
    %gather3A_714 = tpu.vector_load_idx %arg12[%get3A_705] : memref<10240xf32, #tpu.memory_space<vmem>>[vector<16xi32>], vector<16xf32>,
    %mul3A_715 = arith.mulf %gather3A_714, %get3A_713 : vector<16xf32>
    %gather3A_716 = tpu.vector_load_idx %arg12[%get3A_709] : memref<10240xf32, #tpu.memory_space<vmem>>[vector<16xi32>], vector<16xf32>,
    %mul3A_717 = arith.mulf %mul3A_715, %gather3A_716 : vector<16xf32>
    %swap3A_718 = arith.constant 0 : i32
    %swap3A_719 = arith.index_cast %swap3A_718 : i32 to index
    %swap3A_720 = arith.constant 48 : index
    %swap3A_721 = tpu.vector_load %arg10[%swap3A_719, %swap3A_720] {strides = array<i32>} : memref<81x128xf32, #tpu.memory_space<vmem>>, vector<16xf32>,
    tpu.vector_store %arg10[%swap3A_719, %swap3A_720], %mul3A_717 {strides = array<i32>} : memref<81x128xf32, #tpu.memory_space<vmem>>, vector<16xf32>,
    %get3A_722 = arith.constant 0 : i32
    %get3A_723 = arith.index_cast %get3A_722 : i32 to index
    %get3A_724 = arith.constant 64 : index
    %get3A_725 = tpu.vector_load %arg11[%get3A_723, %get3A_724] {strides = array<i32>} : memref<81x128xi32, #tpu.memory_space<vmem>>, vector<16xi32>,
    %get3A_726 = arith.constant 0 : i32
    %get3A_727 = arith.index_cast %get3A_726 : i32 to index
    %get3A_728 = arith.constant 64 : index
    %get3A_729 = tpu.vector_load %arg9[%get3A_727, %get3A_728] {strides = array<i32>} : memref<81x128xi32, #tpu.memory_space<vmem>>, vector<16xi32>,
    %get3A_730 = arith.constant 0 : i32
    %get3A_731 = arith.index_cast %get3A_730 : i32 to index
    %get3A_732 = arith.constant 64 : index
    %get3A_733 = tpu.vector_load %arg10[%get3A_731, %get3A_732] {strides = array<i32>} : memref<81x128xf32, #tpu.memory_space<vmem>>, vector<16xf32>,
    %gather3A_734 = tpu.vector_load_idx %arg12[%get3A_725] : memref<10240xf32, #tpu.memory_space<vmem>>[vector<16xi32>], vector<16xf32>,
    %mul3A_735 = arith.mulf %gather3A_734, %get3A_733 : vector<16xf32>
    %gather3A_736 = tpu.vector_load_idx %arg12[%get3A_729] : memref<10240xf32, #tpu.memory_space<vmem>>[vector<16xi32>], vector<16xf32>,
    %mul3A_737 = arith.mulf %mul3A_735, %gather3A_736 : vector<16xf32>
    %swap3A_738 = arith.constant 0 : i32
    %swap3A_739 = arith.index_cast %swap3A_738 : i32 to index
    %swap3A_740 = arith.constant 64 : index
    %swap3A_741 = tpu.vector_load %arg10[%swap3A_739, %swap3A_740] {strides = array<i32>} : memref<81x128xf32, #tpu.memory_space<vmem>>, vector<16xf32>,
    tpu.vector_store %arg10[%swap3A_739, %swap3A_740], %mul3A_737 {strides = array<i32>} : memref<81x128xf32, #tpu.memory_space<vmem>>, vector<16xf32>,
    %get3A_742 = arith.constant 0 : i32
    %get3A_743 = arith.index_cast %get3A_742 : i32 to index
    %get3A_744 = arith.constant 80 : index
    %get3A_745 = tpu.vector_load %arg11[%get3A_743, %get3A_744] {strides = array<i32>} : memref<81x128xi32, #tpu.memory_space<vmem>>, vector<16xi32>,
    %get3A_746 = arith.constant 0 : i32
    %get3A_747 = arith.index_cast %get3A_746 : i32 to index
    %get3A_748 = arith.constant 80 : index
    %get3A_749 = tpu.vector_load %arg9[%get3A_747, %get3A_748] {strides = array<i32>} : memref<81x128xi32, #tpu.memory_space<vmem>>, vector<16xi32>,
    %get3A_750 = arith.constant 0 : i32
    %get3A_751 = arith.index_cast %get3A_750 : i32 to index
    %get3A_752 = arith.constant 80 : index
    %get3A_753 = tpu.vector_load %arg10[%get3A_751, %get3A_752] {strides = array<i32>} : memref<81x128xf32, #tpu.memory_space<vmem>>, vector<16xf32>,
    %gather3A_754 = tpu.vector_load_idx %arg12[%get3A_745] : memref<10240xf32, #tpu.memory_space<vmem>>[vector<16xi32>], vector<16xf32>,
    %mul3A_755 = arith.mulf %gather3A_754, %get3A_753 : vector<16xf32>
    %gather3A_756 = tpu.vector_load_idx %arg12[%get3A_749] : memref<10240xf32, #tpu.memory_space<vmem>>[vector<16xi32>], vector<16xf32>,
    %mul3A_757 = arith.mulf %mul3A_755, %gather3A_756 : vector<16xf32>
    %swap3A_758 = arith.constant 0 : i32
    %swap3A_759 = arith.index_cast %swap3A_758 : i32 to index
    %swap3A_760 = arith.constant 80 : index
    %swap3A_761 = tpu.vector_load %arg10[%swap3A_759, %swap3A_760] {strides = array<i32>} : memref<81x128xf32, #tpu.memory_space<vmem>>, vector<16xf32>,
    tpu.vector_store %arg10[%swap3A_759, %swap3A_760], %mul3A_757 {strides = array<i32>} : memref<81x128xf32, #tpu.memory_space<vmem>>, vector<16xf32>,
    %get3A_762 = arith.constant 0 : i32
    %get3A_763 = arith.index_cast %get3A_762 : i32 to index
    %get3A_764 = arith.constant 96 : index
    %get3A_765 = tpu.vector_load %arg11[%get3A_763, %get3A_764] {strides = array<i32>} : memref<81x128xi32, #tpu.memory_space<vmem>>, vector<16xi32>,
    %get3A_766 = arith.constant 0 : i32
    %get3A_767 = arith.index_cast %get3A_766 : i32 to index
    %get3A_768 = arith.constant 96 : index
    %get3A_769 = tpu.vector_load %arg9[%get3A_767, %get3A_768] {strides = array<i32>} : memref<81x128xi32, #tpu.memory_space<vmem>>, vector<16xi32>,
    %get3A_770 = arith.constant 0 : i32
    %get3A_771 = arith.index_cast %get3A_770 : i32 to index
    %get3A_772 = arith.constant 96 : index
    %get3A_773 = tpu.vector_load %arg10[%get3A_771, %get3A_772] {strides = array<i32>} : memref<81x128xf32, #tpu.memory_space<vmem>>, vector<16xf32>,
    %gather3A_774 = tpu.vector_load_idx %arg12[%get3A_765] : memref<10240xf32, #tpu.memory_space<vmem>>[vector<16xi32>], vector<16xf32>,
    %mul3A_775 = arith.mulf %gather3A_774, %get3A_773 : vector<16xf32>
    %gather3A_776 = tpu.vector_load_idx %arg12[%get3A_769] : memref<10240xf32, #tpu.memory_space<vmem>>[vector<16xi32>], vector<16xf32>,
    %mul3A_777 = arith.mulf %mul3A_775, %gather3A_776 : vector<16xf32>
    %swap3A_778 = arith.constant 0 : i32
    %swap3A_779 = arith.index_cast %swap3A_778 : i32 to index
    %swap3A_780 = arith.constant 96 : index
    %swap3A_781 = tpu.vector_load %arg10[%swap3A_779, %swap3A_780] {strides = array<i32>} : memref<81x128xf32, #tpu.memory_space<vmem>>, vector<16xf32>,
    tpu.vector_store %arg10[%swap3A_779, %swap3A_780], %mul3A_777 {strides = array<i32>} : memref<81x128xf32, #tpu.memory_space<vmem>>, vector<16xf32>,
    %get3A_782 = arith.constant 0 : i32
    %get3A_783 = arith.index_cast %get3A_782 : i32 to index
    %get3A_784 = arith.constant 112 : index
    %get3A_785 = tpu.vector_load %arg11[%get3A_783, %get3A_784] {strides = array<i32>} : memref<81x128xi32, #tpu.memory_space<vmem>>, vector<16xi32>,
    %get3A_786 = arith.constant 0 : i32
    %get3A_787 = arith.index_cast %get3A_786 : i32 to index
    %get3A_788 = arith.constant 112 : index
    %get3A_789 = tpu.vector_load %arg9[%get3A_787, %get3A_788] {strides = array<i32>} : memref<81x128xi32, #tpu.memory_space<vmem>>, vector<16xi32>,
    %get3A_790 = arith.constant 0 : i32
    %get3A_791 = arith.index_cast %get3A_790 : i32 to index
    %get3A_792 = arith.constant 112 : index
    %get3A_793 = tpu.vector_load %arg10[%get3A_791, %get3A_792] {strides = array<i32>} : memref<81x128xf32, #tpu.memory_space<vmem>>, vector<16xf32>,
    %gather3A_794 = tpu.vector_load_idx %arg12[%get3A_785] : memref<10240xf32, #tpu.memory_space<vmem>>[vector<16xi32>], vector<16xf32>,
    %mul3A_795 = arith.mulf %gather3A_794, %get3A_793 : vector<16xf32>
    %gather3A_796 = tpu.vector_load_idx %arg12[%get3A_789] : memref<10240xf32, #tpu.memory_space<vmem>>[vector<16xi32>], vector<16xf32>,
    %mul3A_797 = arith.mulf %mul3A_795, %gather3A_796 : vector<16xf32>
    %swap3A_798 = arith.constant 0 : i32
    %swap3A_799 = arith.index_cast %swap3A_798 : i32 to index
    %swap3A_800 = arith.constant 112 : index
    %swap3A_801 = tpu.vector_load %arg10[%swap3A_799, %swap3A_800] {strides = array<i32>} : memref<81x128xf32, #tpu.memory_space<vmem>>, vector<16xf32>,
    tpu.vector_store %arg10[%swap3A_799, %swap3A_800], %mul3A_797 {strides = array<i32>} : memref<81x128xf32, #tpu.memory_space<vmem>>, vector<16xf32>,
    %get3A_802 = arith.constant 1 : i32
    %get3A_803 = arith.index_cast %get3A_802 : i32 to index
    %get3A_804 = arith.constant 0 : index
    %get3A_805 = tpu.vector_load %arg11[%get3A_803, %get3A_804] {strides = array<i32>} : memref<81x128xi32, #tpu.memory_space<vmem>>, vector<16xi32>,
    %get3A_806 = arith.constant 1 : i32
    %get3A_807 = arith.index_cast %get3A_806 : i32 to index
    %get3A_808 = arith.constant 0 : index
    %get3A_809 = tpu.vector_load %arg9[%get3A_807, %get3A_808] {strides = array<i32>} : memref<81x128xi32, #tpu.memory_space<vmem>>, vector<16xi32>,
    %get3A_810 = arith.constant 1 : i32
    %get3A_811 = arith.index_cast %get3A_810 : i32 to index
    %get3A_812 = arith.constant 0 : index
    %get3A_813 = tpu.vector_load %arg10[%get3A_811, %get3A_812] {strides = array<i32>} : memref<81x128xf32, #tpu.memory_space<vmem>>, vector<16xf32>,
    %gather3A_814 = tpu.vector_load_idx %arg12[%get3A_805] : memref<10240xf32, #tpu.memory_space<vmem>>[vector<16xi32>], vector<16xf32>,
    %mul3A_815 = arith.mulf %gather3A_814, %get3A_813 : vector<16xf32>
    %gather3A_816 = tpu.vector_load_idx %arg12[%get3A_809] : memref<10240xf32, #tpu.memory_space<vmem>>[vector<16xi32>], vector<16xf32>,
    %mul3A_817 = arith.mulf %mul3A_815, %gather3A_816 : vector<16xf32>
    %swap3A_818 = arith.constant 1 : i32
    %swap3A_819 = arith.index_cast %swap3A_818 : i32 to index
    %swap3A_820 = arith.constant 0 : index
    %swap3A_821 = tpu.vector_load %arg10[%swap3A_819, %swap3A_820] {strides = array<i32>} : memref<81x128xf32, #tpu.memory_space<vmem>>, vector<16xf32>,
    tpu.vector_store %arg10[%swap3A_819, %swap3A_820], %mul3A_817 {strides = array<i32>} : memref<81x128xf32, #tpu.memory_space<vmem>>, vector<16xf32>,
    %get3A_822 = arith.constant 1 : i32
    %get3A_823 = arith.index_cast %get3A_822 : i32 to index
    %get3A_824 = arith.constant 16 : index
    %get3A_825 = tpu.vector_load %arg11[%get3A_823, %get3A_824] {strides = array<i32>} : memref<81x128xi32, #tpu.memory_space<vmem>>, vector<16xi32>,
    %get3A_826 = arith.constant 1 : i32
    %get3A_827 = arith.index_cast %get3A_826 : i32 to index
    %get3A_828 = arith.constant 16 : index
    %get3A_829 = tpu.vector_load %arg9[%get3A_827, %get3A_828] {strides = array<i32>} : memref<81x128xi32, #tpu.memory_space<vmem>>, vector<16xi32>,
    %get3A_830 = arith.constant 1 : i32
    %get3A_831 = arith.index_cast %get3A_830 : i32 to index
    %get3A_832 = arith.constant 16 : index
    %get3A_833 = tpu.vector_load %arg10[%get3A_831, %get3A_832] {strides = array<i32>} : memref<81x128xf32, #tpu.memory_space<vmem>>, vector<16xf32>,
    %gather3A_834 = tpu.vector_load_idx %arg12[%get3A_825] : memref<10240xf32, #tpu.memory_space<vmem>>[vector<16xi32>], vector<16xf32>,
    %mul3A_835 = arith.mulf %gather3A_834, %get3A_833 : vector<16xf32>
    %gather3A_836 = tpu.vector_load_idx %arg12[%get3A_829] : memref<10240xf32, #tpu.memory_space<vmem>>[vector<16xi32>], vector<16xf32>,
    %mul3A_837 = arith.mulf %mul3A_835, %gather3A_836 : vector<16xf32>
    %swap3A_838 = arith.constant 1 : i32
    %swap3A_839 = arith.index_cast %swap3A_838 : i32 to index
    %swap3A_840 = arith.constant 16 : index
    %swap3A_841 = tpu.vector_load %arg10[%swap3A_839, %swap3A_840] {strides = array<i32>} : memref<81x128xf32, #tpu.memory_space<vmem>>, vector<16xf32>,
    tpu.vector_store %arg10[%swap3A_839, %swap3A_840], %mul3A_837 {strides = array<i32>} : memref<81x128xf32, #tpu.memory_space<vmem>>, vector<16xf32>,
    %get3A_842 = arith.constant 1 : i32
    %get3A_843 = arith.index_cast %get3A_842 : i32 to index
    %get3A_844 = arith.constant 32 : index
    %get3A_845 = tpu.vector_load %arg11[%get3A_843, %get3A_844] {strides = array<i32>} : memref<81x128xi32, #tpu.memory_space<vmem>>, vector<16xi32>,
    %get3A_846 = arith.constant 1 : i32
    %get3A_847 = arith.index_cast %get3A_846 : i32 to index
    %get3A_848 = arith.constant 32 : index
    %get3A_849 = tpu.vector_load %arg9[%get3A_847, %get3A_848] {strides = array<i32>} : memref<81x128xi32, #tpu.memory_space<vmem>>, vector<16xi32>,
    %get3A_850 = arith.constant 1 : i32
    %get3A_851 = arith.index_cast %get3A_850 : i32 to index
    %get3A_852 = arith.constant 32 : index
    %get3A_853 = tpu.vector_load %arg10[%get3A_851, %get3A_852] {strides = array<i32>} : memref<81x128xf32, #tpu.memory_space<vmem>>, vector<16xf32>,
    %gather3A_854 = tpu.vector_load_idx %arg12[%get3A_845] : memref<10240xf32, #tpu.memory_space<vmem>>[vector<16xi32>], vector<16xf32>,
    %mul3A_855 = arith.mulf %gather3A_854, %get3A_853 : vector<16xf32>
    %gather3A_856 = tpu.vector_load_idx %arg12[%get3A_849] : memref<10240xf32, #tpu.memory_space<vmem>>[vector<16xi32>], vector<16xf32>,
    %mul3A_857 = arith.mulf %mul3A_855, %gather3A_856 : vector<16xf32>
    %swap3A_858 = arith.constant 1 : i32
    %swap3A_859 = arith.index_cast %swap3A_858 : i32 to index
    %swap3A_860 = arith.constant 32 : index
    %swap3A_861 = tpu.vector_load %arg10[%swap3A_859, %swap3A_860] {strides = array<i32>} : memref<81x128xf32, #tpu.memory_space<vmem>>, vector<16xf32>,
    tpu.vector_store %arg10[%swap3A_859, %swap3A_860], %mul3A_857 {strides = array<i32>} : memref<81x128xf32, #tpu.memory_space<vmem>>, vector<16xf32>,
    %get3A_862 = arith.constant 1 : i32
    %get3A_863 = arith.index_cast %get3A_862 : i32 to index
    %get3A_864 = arith.constant 48 : index
    %get3A_865 = tpu.vector_load %arg11[%get3A_863, %get3A_864] {strides = array<i32>} : memref<81x128xi32, #tpu.memory_space<vmem>>, vector<16xi32>,
    %get3A_866 = arith.constant 1 : i32
    %get3A_867 = arith.index_cast %get3A_866 : i32 to index
    %get3A_868 = arith.constant 48 : index
    %get3A_869 = tpu.vector_load %arg9[%get3A_867, %get3A_868] {strides = array<i32>} : memref<81x128xi32, #tpu.memory_space<vmem>>, vector<16xi32>,
    %get3A_870 = arith.constant 1 : i32
    %get3A_871 = arith.index_cast %get3A_870 : i32 to index
    %get3A_872 = arith.constant 48 : index
    %get3A_873 = tpu.vector_load %arg10[%get3A_871, %get3A_872] {strides = array<i32>} : memref<81x128xf32, #tpu.memory_space<vmem>>, vector<16xf32>,
    %gather3A_874 = tpu.vector_load_idx %arg12[%get3A_865] : memref<10240xf32, #tpu.memory_space<vmem>>[vector<16xi32>], vector<16xf32>,
    %mul3A_875 = arith.mulf %gather3A_874, %get3A_873 : vector<16xf32>
    %gather3A_876 = tpu.vector_load_idx %arg12[%get3A_869] : memref<10240xf32, #tpu.memory_space<vmem>>[vector<16xi32>], vector<16xf32>,
    %mul3A_877 = arith.mulf %mul3A_875, %gather3A_876 : vector<16xf32>
    %swap3A_878 = arith.constant 1 : i32
    %swap3A_879 = arith.index_cast %swap3A_878 : i32 to index
    %swap3A_880 = arith.constant 48 : index
    %swap3A_881 = tpu.vector_load %arg10[%swap3A_879, %swap3A_880] {strides = array<i32>} : memref<81x128xf32, #tpu.memory_space<vmem>>, vector<16xf32>,
    tpu.vector_store %arg10[%swap3A_879, %swap3A_880], %mul3A_877 {strides = array<i32>} : memref<81x128xf32, #tpu.memory_space<vmem>>, vector<16xf32>,
    %get3A_882 = arith.constant 1 : i32
    %get3A_883 = arith.index_cast %get3A_882 : i32 to index
    %get3A_884 = arith.constant 64 : index
    %get3A_885 = tpu.vector_load %arg11[%get3A_883, %get3A_884] {strides = array<i32>} : memref<81x128xi32, #tpu.memory_space<vmem>>, vector<16xi32>,
    %get3A_886 = arith.constant 1 : i32
    %get3A_887 = arith.index_cast %get3A_886 : i32 to index
    %get3A_888 = arith.constant 64 : index
    %get3A_889 = tpu.vector_load %arg9[%get3A_887, %get3A_888] {strides = array<i32>} : memref<81x128xi32, #tpu.memory_space<vmem>>, vector<16xi32>,
    %get3A_890 = arith.constant 1 : i32
    %get3A_891 = arith.index_cast %get3A_890 : i32 to index
    %get3A_892 = arith.constant 64 : index
    %get3A_893 = tpu.vector_load %arg10[%get3A_891, %get3A_892] {strides = array<i32>} : memref<81x128xf32, #tpu.memory_space<vmem>>, vector<16xf32>,
    %gather3A_894 = tpu.vector_load_idx %arg12[%get3A_885] : memref<10240xf32, #tpu.memory_space<vmem>>[vector<16xi32>], vector<16xf32>,
    %mul3A_895 = arith.mulf %gather3A_894, %get3A_893 : vector<16xf32>
    %gather3A_896 = tpu.vector_load_idx %arg12[%get3A_889] : memref<10240xf32, #tpu.memory_space<vmem>>[vector<16xi32>], vector<16xf32>,
    %mul3A_897 = arith.mulf %mul3A_895, %gather3A_896 : vector<16xf32>
    %swap3A_898 = arith.constant 1 : i32
    %swap3A_899 = arith.index_cast %swap3A_898 : i32 to index
    %swap3A_900 = arith.constant 64 : index
    %swap3A_901 = tpu.vector_load %arg10[%swap3A_899, %swap3A_900] {strides = array<i32>} : memref<81x128xf32, #tpu.memory_space<vmem>>, vector<16xf32>,
    tpu.vector_store %arg10[%swap3A_899, %swap3A_900], %mul3A_897 {strides = array<i32>} : memref<81x128xf32, #tpu.memory_space<vmem>>, vector<16xf32>,
    %get3A_902 = arith.constant 1 : i32
    %get3A_903 = arith.index_cast %get3A_902 : i32 to index
    %get3A_904 = arith.constant 80 : index
    %get3A_905 = tpu.vector_load %arg11[%get3A_903, %get3A_904] {strides = array<i32>} : memref<81x128xi32, #tpu.memory_space<vmem>>, vector<16xi32>,
    %get3A_906 = arith.constant 1 : i32
    %get3A_907 = arith.index_cast %get3A_906 : i32 to index
    %get3A_908 = arith.constant 80 : index
    %get3A_909 = tpu.vector_load %arg9[%get3A_907, %get3A_908] {strides = array<i32>} : memref<81x128xi32, #tpu.memory_space<vmem>>, vector<16xi32>,
    %get3A_910 = arith.constant 1 : i32
    %get3A_911 = arith.index_cast %get3A_910 : i32 to index
    %get3A_912 = arith.constant 80 : index
    %get3A_913 = tpu.vector_load %arg10[%get3A_911, %get3A_912] {strides = array<i32>} : memref<81x128xf32, #tpu.memory_space<vmem>>, vector<16xf32>,
    %gather3A_914 = tpu.vector_load_idx %arg12[%get3A_905] : memref<10240xf32, #tpu.memory_space<vmem>>[vector<16xi32>], vector<16xf32>,
    %mul3A_915 = arith.mulf %gather3A_914, %get3A_913 : vector<16xf32>
    %gather3A_916 = tpu.vector_load_idx %arg12[%get3A_909] : memref<10240xf32, #tpu.memory_space<vmem>>[vector<16xi32>], vector<16xf32>,
    %mul3A_917 = arith.mulf %mul3A_915, %gather3A_916 : vector<16xf32>
    %swap3A_918 = arith.constant 1 : i32
    %swap3A_919 = arith.index_cast %swap3A_918 : i32 to index
    %swap3A_920 = arith.constant 80 : index
    %swap3A_921 = tpu.vector_load %arg10[%swap3A_919, %swap3A_920] {strides = array<i32>} : memref<81x128xf32, #tpu.memory_space<vmem>>, vector<16xf32>,
    tpu.vector_store %arg10[%swap3A_919, %swap3A_920], %mul3A_917 {strides = array<i32>} : memref<81x128xf32, #tpu.memory_space<vmem>>, vector<16xf32>,
    %get3A_922 = arith.constant 1 : i32
    %get3A_923 = arith.index_cast %get3A_922 : i32 to index
    %get3A_924 = arith.constant 96 : index
    %get3A_925 = tpu.vector_load %arg11[%get3A_923, %get3A_924] {strides = array<i32>} : memref<81x128xi32, #tpu.memory_space<vmem>>, vector<16xi32>,
    %get3A_926 = arith.constant 1 : i32
    %get3A_927 = arith.index_cast %get3A_926 : i32 to index
    %get3A_928 = arith.constant 96 : index
    %get3A_929 = tpu.vector_load %arg9[%get3A_927, %get3A_928] {strides = array<i32>} : memref<81x128xi32, #tpu.memory_space<vmem>>, vector<16xi32>,
    %get3A_930 = arith.constant 1 : i32
    %get3A_931 = arith.index_cast %get3A_930 : i32 to index
    %get3A_932 = arith.constant 96 : index
    %get3A_933 = tpu.vector_load %arg10[%get3A_931, %get3A_932] {strides = array<i32>} : memref<81x128xf32, #tpu.memory_space<vmem>>, vector<16xf32>,
    %gather3A_934 = tpu.vector_load_idx %arg12[%get3A_925] : memref<10240xf32, #tpu.memory_space<vmem>>[vector<16xi32>], vector<16xf32>,
    %mul3A_935 = arith.mulf %gather3A_934, %get3A_933 : vector<16xf32>
    %gather3A_936 = tpu.vector_load_idx %arg12[%get3A_929] : memref<10240xf32, #tpu.memory_space<vmem>>[vector<16xi32>], vector<16xf32>,
    %mul3A_937 = arith.mulf %mul3A_935, %gather3A_936 : vector<16xf32>
    %swap3A_938 = arith.constant 1 : i32
    %swap3A_939 = arith.index_cast %swap3A_938 : i32 to index
    %swap3A_940 = arith.constant 96 : index
    %swap3A_941 = tpu.vector_load %arg10[%swap3A_939, %swap3A_940] {strides = array<i32>} : memref<81x128xf32, #tpu.memory_space<vmem>>, vector<16xf32>,
    tpu.vector_store %arg10[%swap3A_939, %swap3A_940], %mul3A_937 {strides = array<i32>} : memref<81x128xf32, #tpu.memory_space<vmem>>, vector<16xf32>,
    %get3A_942 = arith.constant 1 : i32
    %get3A_943 = arith.index_cast %get3A_942 : i32 to index
    %get3A_944 = arith.constant 112 : index
    %get3A_945 = tpu.vector_load %arg11[%get3A_943, %get3A_944] {strides = array<i32>} : memref<81x128xi32, #tpu.memory_space<vmem>>, vector<16xi32>,
    %get3A_946 = arith.constant 1 : i32
    %get3A_947 = arith.index_cast %get3A_946 : i32 to index
    %get3A_948 = arith.constant 112 : index
    %get3A_949 = tpu.vector_load %arg9[%get3A_947, %get3A_948] {strides = array<i32>} : memref<81x128xi32, #tpu.memory_space<vmem>>, vector<16xi32>,
    %get3A_950 = arith.constant 1 : i32
    %get3A_951 = arith.index_cast %get3A_950 : i32 to index
    %get3A_952 = arith.constant 112 : index
    %get3A_953 = tpu.vector_load %arg10[%get3A_951, %get3A_952] {strides = array<i32>} : memref<81x128xf32, #tpu.memory_space<vmem>>, vector<16xf32>,
    %gather3A_954 = tpu.vector_load_idx %arg12[%get3A_945] : memref<10240xf32, #tpu.memory_space<vmem>>[vector<16xi32>], vector<16xf32>,
    %mul3A_955 = arith.mulf %gather3A_954, %get3A_953 : vector<16xf32>
    %gather3A_956 = tpu.vector_load_idx %arg12[%get3A_949] : memref<10240xf32, #tpu.memory_space<vmem>>[vector<16xi32>], vector<16xf32>,
    %mul3A_957 = arith.mulf %mul3A_955, %gather3A_956 : vector<16xf32>
    %swap3A_958 = arith.constant 1 : i32
    %swap3A_959 = arith.index_cast %swap3A_958 : i32 to index
    %swap3A_960 = arith.constant 112 : index
    %swap3A_961 = tpu.vector_load %arg10[%swap3A_959, %swap3A_960] {strides = array<i32>} : memref<81x128xf32, #tpu.memory_space<vmem>>, vector<16xf32>,
    tpu.vector_store %arg10[%swap3A_959, %swap3A_960], %mul3A_957 {strides = array<i32>} : memref<81x128xf32, #tpu.memory_space<vmem>>, vector<16xf32>,
    %scan3A_962 = arith.constant 0 : i32
    %scan3A_963 = arith.constant 0 : i32
    %scan3A_964 = arith.constant 81 : i32
    %scan3A_965 = arith.addi %scan3A_963, %scan3A_964 : i32
    %scan3A_966 = arith.constant 1 : i32
    %scan3A_967 = scf.for %scan3A_1039 = %scan3A_963 to %scan3A_965 step %scan3A_966 iter_args(%scan3A_1040 = %scan3A_962) -> (i32)  : i32 {
      %jit3A = arith.constant 4 : i32
      %eq3A_1041 = arith.constant 0 : i32
      %eq3A_1042 = arith.cmpi eq, %jit3A, %eq3A_1041 : i32
      %jit3A_1043 = arith.constant 1 : i32
      %select_n3A = arith.select %eq3A_1042, %jit3A_1043, %jit3A : i32
      %rem3A = arith.remsi %scan3A_1039, %select_n3A : i32
      %ne3A = arith.constant 0 : i32
      %ne3A_1044 = arith.cmpi ne, %rem3A, %ne3A : i32
      %lt3A = arith.constant 0 : i32
      %lt3A_1045 = arith.cmpi slt, %rem3A, %lt3A : i32
      %lt3A_1046 = arith.constant 0 : i32
      %lt3A_1047 = arith.cmpi slt, %select_n3A, %lt3A_1046 : i32
      %ne3A_1048 = arith.xori %lt3A_1045, %lt3A_1047 : i1
      %and3A = arith.andi %ne3A_1048, %ne3A_1044 : i1
      %add3A_1049 = arith.addi %rem3A, %select_n3A : i32
      %select_n3A_1050 = arith.select %and3A, %add3A_1049, %rem3A : i32
      %ge3A = arith.constant 4 : i32
      %ge3A_1051 = arith.cmpi sge, %scan3A_1039, %ge3A : i32
      %convert_element_type3A_1052 = arith.extui %ge3A_1051 : i1 to i32
      %cond3A_1053 = arith.constant 0 : i32
      %cond3A_1054 = arith.cmpi ne, %convert_element_type3A_1052, %cond3A_1053 : i32
      scf.if %cond3A_1054 {
        %sub3A = arith.constant 4 : i32
        %sub3A_1098 = arith.subi %scan3A_1039, %sub3A : i32
        %dma_wait3A_1099 = arith.constant 0 : i32
        %dma_wait3A_1100 = arith.constant 0 : i32
        %dma_wait3A_1101 = tpu.memref_slice %arg16[%select_n3A_1050, %dma_wait3A_1099, %dma_wait3A_1100] : memref<4x128x64xf32, #tpu.memory_space<vmem>> -> memref<1x128x64xf32, #tpu.memory_space<vmem>>
        %dma_wait3A_1102 = tpu.memref_squeeze %dma_wait3A_1101 : memref<1x128x64xf32, #tpu.memory_space<vmem>> -> memref<128x64xf32, #tpu.memory_space<vmem>>
        %dma_wait3A_1103 = arith.constant 0 : i32
        %dma_wait3A_1104 = tpu.memref_slice %arg9[%sub3A_1098, %dma_wait3A_1103] : memref<81x128xi32, #tpu.memory_space<vmem>> -> memref<1x128xi32, #tpu.memory_space<vmem>>
        %dma_wait3A_1105 = tpu.memref_squeeze %dma_wait3A_1104 : memref<1x128xi32, #tpu.memory_space<vmem>> -> memref<128xi32, #tpu.memory_space<vmem>>
        %dma_wait3A_1106 = arith.constant 0 : i32
        %dma_wait3A_1107 = arith.constant 0 : i32
        %dma_wait3A_1108 = tpu.memref_slice %arg20[%dma_wait3A_1106, %dma_wait3A_1107] : memref<10240x64xf32, #tpu.memory_space<vmem_shared>> -> memref<10240x64xf32, #tpu.memory_space<vmem_shared>>
        %dma_wait3A_1109 = tpu.memref_slice %arg18[%select_n3A_1050] : memref<4x!tpu.dma_semaphore, #tpu.memory_space<semaphore_mem>> -> memref<1x!tpu.dma_semaphore, #tpu.memory_space<semaphore_mem>>
        %dma_wait3A_1110 = tpu.memref_squeeze %dma_wait3A_1109 : memref<1x!tpu.dma_semaphore, #tpu.memory_space<semaphore_mem>> -> memref<!tpu.dma_semaphore, #tpu.memory_space<semaphore_mem>>
        tpu.wait_indirect_dma semaphore(%dma_wait3A_1110 : memref<!tpu.dma_semaphore, #tpu.memory_space<semaphore_mem>>) src(%dma_wait3A_1102 : memref<128x64xf32, #tpu.memory_space<vmem>>) dst(%dma_wait3A_1108 : memref<10240x64xf32, #tpu.memory_space<vmem_shared>>)
      } else {
      }
      %dma_wait3A_1055 = arith.constant 0 : i32
      %dma_wait3A_1056 = arith.constant 0 : i32
      %dma_wait3A_1057 = tpu.memref_slice %arg16[%select_n3A_1050, %dma_wait3A_1055, %dma_wait3A_1056] : memref<4x128x64xf32, #tpu.memory_space<vmem>> -> memref<1x128x64xf32, #tpu.memory_space<vmem>>
      %dma_wait3A_1058 = tpu.memref_squeeze %dma_wait3A_1057 : memref<1x128x64xf32, #tpu.memory_space<vmem>> -> memref<128x64xf32, #tpu.memory_space<vmem>>
      %dma_wait3A_1059 = arith.constant 0 : i32
      %dma_wait3A_1060 = tpu.memref_slice %arg11[%scan3A_1039, %dma_wait3A_1059] : memref<81x128xi32, #tpu.memory_space<vmem>> -> memref<1x128xi32, #tpu.memory_space<vmem>>
      %dma_wait3A_1061 = tpu.memref_squeeze %dma_wait3A_1060 : memref<1x128xi32, #tpu.memory_space<vmem>> -> memref<128xi32, #tpu.memory_space<vmem>>
      %dma_wait3A_1062 = arith.constant 0 : i32
      %dma_wait3A_1063 = arith.constant 0 : i32
      %dma_wait3A_1064 = tpu.memref_slice %arg6[%arg0, %dma_wait3A_1062, %dma_wait3A_1063] : memref<2x10240x64xf32, #tpu.memory_space<hbm>> -> memref<1x10240x64xf32, #tpu.memory_space<hbm>>
      %dma_wait3A_1065 = tpu.memref_squeeze %dma_wait3A_1064 : memref<1x10240x64xf32, #tpu.memory_space<hbm>> -> memref<10240x64xf32, #tpu.memory_space<hbm>>
      %dma_wait3A_1066 = arith.constant 0 : i32
      %dma_wait3A_1067 = arith.constant 0 : i32
      %dma_wait3A_1068 = tpu.memref_slice %dma_wait3A_1065[%dma_wait3A_1066, %dma_wait3A_1067] : memref<10240x64xf32, #tpu.memory_space<hbm>> -> memref<10240x64xf32, #tpu.memory_space<hbm>>
      %dma_wait3A_1069 = tpu.memref_slice %arg17[%select_n3A_1050] : memref<4x!tpu.dma_semaphore, #tpu.memory_space<semaphore_mem>> -> memref<1x!tpu.dma_semaphore, #tpu.memory_space<semaphore_mem>>
      %dma_wait3A_1070 = tpu.memref_squeeze %dma_wait3A_1069 : memref<1x!tpu.dma_semaphore, #tpu.memory_space<semaphore_mem>> -> memref<!tpu.dma_semaphore, #tpu.memory_space<semaphore_mem>>
      tpu.wait_indirect_dma semaphore(%dma_wait3A_1070 : memref<!tpu.dma_semaphore, #tpu.memory_space<semaphore_mem>>) src(%dma_wait3A_1068 : memref<10240x64xf32, #tpu.memory_space<hbm>>) dst(%dma_wait3A_1058 : memref<128x64xf32, #tpu.memory_space<vmem>>)
      %broadcast_in_dim3A = vector.broadcast %scan3A_1039 : i32 to vector<16xi32>
      %scan3A_1071 = arith.constant 0 : i32
      %scan3A_1072 = arith.constant 0 : i32
      %scan3A_1073 = arith.constant 16 : i32
      %scan3A_1074 = arith.addi %scan3A_1072, %scan3A_1073 : i32
      %scan3A_1075 = arith.constant 1 : i32
      %scan3A_1076 = scf.for %scan3A_1098 = %scan3A_1072 to %scan3A_1074 step %scan3A_1075 iter_args(%scan3A_1099 = %scan3A_1071) -> (i32)  : i32 {
        %mul3A_1100 = arith.constant 8 : i32
        %mul3A_1101 = arith.muli %scan3A_1098, %mul3A_1100 : i32
        %add3A_1102 = arith.constant 0 : i32
        %add3A_1103 = arith.addi %mul3A_1101, %add3A_1102 : i32
        %broadcast_in_dim3A_1104 = vector.broadcast %add3A_1103 : i32 to vector<16xi32>
        %gather3A_1105 = tpu.vector_load_idx %arg10[%broadcast_in_dim3A, %broadcast_in_dim3A_1104] : memref<81x128xf32, #tpu.memory_space<vmem>>[vector<16xi32>, vector<16xi32>], vector<16xf32>,
        %get3A_1106 = arith.index_cast %select_n3A_1050 : i32 to index
        %get3A_1107 = arith.index_cast %add3A_1103 : i32 to index
        %get3A_1108 = arith.constant 0 : index
        %get3A_1109 = tpu.vector_load %arg16[%get3A_1106, %get3A_1107, %get3A_1108] {strides = array<i32>} : memref<4x128x64xf32, #tpu.memory_space<vmem>>, vector<16xf32>,
        %mul3A_1110 = arith.mulf %get3A_1109, %gather3A_1105 : vector<16xf32>
        %swap3A_1111 = arith.index_cast %select_n3A_1050 : i32 to index
        %swap3A_1112 = arith.index_cast %add3A_1103 : i32 to index
        %swap3A_1113 = arith.constant 0 : index
        %swap3A_1114 = tpu.vector_load %arg16[%swap3A_1111, %swap3A_1112, %swap3A_1113] {strides = array<i32>} : memref<4x128x64xf32, #tpu.memory_space<vmem>>, vector<16xf32>,
        tpu.vector_store %arg16[%swap3A_1111, %swap3A_1112, %swap3A_1113], %mul3A_1110 {strides = array<i32>} : memref<4x128x64xf32, #tpu.memory_space<vmem>>, vector<16xf32>,
        %get3A_1115 = arith.index_cast %select_n3A_1050 : i32 to index
        %get3A_1116 = arith.index_cast %add3A_1103 : i32 to index
        %get3A_1117 = arith.constant 16 : index
        %get3A_1118 = tpu.vector_load %arg16[%get3A_1115, %get3A_1116, %get3A_1117] {strides = array<i32>} : memref<4x128x64xf32, #tpu.memory_space<vmem>>, vector<16xf32>,
        %mul3A_1119 = arith.mulf %get3A_1118, %gather3A_1105 : vector<16xf32>
        %swap3A_1120 = arith.index_cast %select_n3A_1050 : i32 to index
        %swap3A_1121 = arith.index_cast %add3A_1103 : i32 to index
        %swap3A_1122 = arith.constant 16 : index
        %swap3A_1123 = tpu.vector_load %arg16[%swap3A_1120, %swap3A_1121, %swap3A_1122] {strides = array<i32>} : memref<4x128x64xf32, #tpu.memory_space<vmem>>, vector<16xf32>,
        tpu.vector_store %arg16[%swap3A_1120, %swap3A_1121, %swap3A_1122], %mul3A_1119 {strides = array<i32>} : memref<4x128x64xf32, #tpu.memory_space<vmem>>, vector<16xf32>,
        %get3A_1124 = arith.index_cast %select_n3A_1050 : i32 to index
        %get3A_1125 = arith.index_cast %add3A_1103 : i32 to index
        %get3A_1126 = arith.constant 32 : index
        %get3A_1127 = tpu.vector_load %arg16[%get3A_1124, %get3A_1125, %get3A_1126] {strides = array<i32>} : memref<4x128x64xf32, #tpu.memory_space<vmem>>, vector<16xf32>,
        %mul3A_1128 = arith.mulf %get3A_1127, %gather3A_1105 : vector<16xf32>
        %swap3A_1129 = arith.index_cast %select_n3A_1050 : i32 to index
        %swap3A_1130 = arith.index_cast %add3A_1103 : i32 to index
        %swap3A_1131 = arith.constant 32 : index
        %swap3A_1132 = tpu.vector_load %arg16[%swap3A_1129, %swap3A_1130, %swap3A_1131] {strides = array<i32>} : memref<4x128x64xf32, #tpu.memory_space<vmem>>, vector<16xf32>,
        tpu.vector_store %arg16[%swap3A_1129, %swap3A_1130, %swap3A_1131], %mul3A_1128 {strides = array<i32>} : memref<4x128x64xf32, #tpu.memory_space<vmem>>, vector<16xf32>,
        %get3A_1133 = arith.index_cast %select_n3A_1050 : i32 to index
        %get3A_1134 = arith.index_cast %add3A_1103 : i32 to index
        %get3A_1135 = arith.constant 48 : index
        %get3A_1136 = tpu.vector_load %arg16[%get3A_1133, %get3A_1134, %get3A_1135] {strides = array<i32>} : memref<4x128x64xf32, #tpu.memory_space<vmem>>, vector<16xf32>,
        %mul3A_1137 = arith.mulf %get3A_1136, %gather3A_1105 : vector<16xf32>
        %swap3A_1138 = arith.index_cast %select_n3A_1050 : i32 to index
        %swap3A_1139 = arith.index_cast %add3A_1103 : i32 to index
        %swap3A_1140 = arith.constant 48 : index
        %swap3A_1141 = tpu.vector_load %arg16[%swap3A_1138, %swap3A_1139, %swap3A_1140] {strides = array<i32>} : memref<4x128x64xf32, #tpu.memory_space<vmem>>, vector<16xf32>,
        tpu.vector_store %arg16[%swap3A_1138, %swap3A_1139, %swap3A_1140], %mul3A_1137 {strides = array<i32>} : memref<4x128x64xf32, #tpu.memory_space<vmem>>, vector<16xf32>,
        %mul3A_1142 = arith.constant 8 : i32
        %mul3A_1143 = arith.muli %scan3A_1098, %mul3A_1142 : i32
        %add3A_1144 = arith.constant 1 : i32
        %add3A_1145 = arith.addi %mul3A_1143, %add3A_1144 : i32
        %broadcast_in_dim3A_1146 = vector.broadcast %add3A_1145 : i32 to vector<16xi32>
        %gather3A_1147 = tpu.vector_load_idx %arg10[%broadcast_in_dim3A, %broadcast_in_dim3A_1146] : memref<81x128xf32, #tpu.memory_space<vmem>>[vector<16xi32>, vector<16xi32>], vector<16xf32>,
        %get3A_1148 = arith.index_cast %select_n3A_1050 : i32 to index
        %get3A_1149 = arith.index_cast %add3A_1145 : i32 to index
        %get3A_1150 = arith.constant 0 : index
        %get3A_1151 = tpu.vector_load %arg16[%get3A_1148, %get3A_1149, %get3A_1150] {strides = array<i32>} : memref<4x128x64xf32, #tpu.memory_space<vmem>>, vector<16xf32>,
        %mul3A_1152 = arith.mulf %get3A_1151, %gather3A_1147 : vector<16xf32>
        %swap3A_1153 = arith.index_cast %select_n3A_1050 : i32 to index
        %swap3A_1154 = arith.index_cast %add3A_1145 : i32 to index
        %swap3A_1155 = arith.constant 0 : index
        %swap3A_1156 = tpu.vector_load %arg16[%swap3A_1153, %swap3A_1154, %swap3A_1155] {strides = array<i32>} : memref<4x128x64xf32, #tpu.memory_space<vmem>>, vector<16xf32>,
        tpu.vector_store %arg16[%swap3A_1153, %swap3A_1154, %swap3A_1155], %mul3A_1152 {strides = array<i32>} : memref<4x128x64xf32, #tpu.memory_space<vmem>>, vector<16xf32>,
        %get3A_1157 = arith.index_cast %select_n3A_1050 : i32 to index
        %get3A_1158 = arith.index_cast %add3A_1145 : i32 to index
        %get3A_1159 = arith.constant 16 : index
        %get3A_1160 = tpu.vector_load %arg16[%get3A_1157, %get3A_1158, %get3A_1159] {strides = array<i32>} : memref<4x128x64xf32, #tpu.memory_space<vmem>>, vector<16xf32>,
        %mul3A_1161 = arith.mulf %get3A_1160, %gather3A_1147 : vector<16xf32>
        %swap3A_1162 = arith.index_cast %select_n3A_1050 : i32 to index
        %swap3A_1163 = arith.index_cast %add3A_1145 : i32 to index
        %swap3A_1164 = arith.constant 16 : index
        %swap3A_1165 = tpu.vector_load %arg16[%swap3A_1162, %swap3A_1163, %swap3A_1164] {strides = array<i32>} : memref<4x128x64xf32, #tpu.memory_space<vmem>>, vector<16xf32>,
        tpu.vector_store %arg16[%swap3A_1162, %swap3A_1163, %swap3A_1164], %mul3A_1161 {strides = array<i32>} : memref<4x128x64xf32, #tpu.memory_space<vmem>>, vector<16xf32>,
        %get3A_1166 = arith.index_cast %select_n3A_1050 : i32 to index
        %get3A_1167 = arith.index_cast %add3A_1145 : i32 to index
        %get3A_1168 = arith.constant 32 : index
        %get3A_1169 = tpu.vector_load %arg16[%get3A_1166, %get3A_1167, %get3A_1168] {strides = array<i32>} : memref<4x128x64xf32, #tpu.memory_space<vmem>>, vector<16xf32>,
        %mul3A_1170 = arith.mulf %get3A_1169, %gather3A_1147 : vector<16xf32>
        %swap3A_1171 = arith.index_cast %select_n3A_1050 : i32 to index
        %swap3A_1172 = arith.index_cast %add3A_1145 : i32 to index
        %swap3A_1173 = arith.constant 32 : index
        %swap3A_1174 = tpu.vector_load %arg16[%swap3A_1171, %swap3A_1172, %swap3A_1173] {strides = array<i32>} : memref<4x128x64xf32, #tpu.memory_space<vmem>>, vector<16xf32>,
        tpu.vector_store %arg16[%swap3A_1171, %swap3A_1172, %swap3A_1173], %mul3A_1170 {strides = array<i32>} : memref<4x128x64xf32, #tpu.memory_space<vmem>>, vector<16xf32>,
        %get3A_1175 = arith.index_cast %select_n3A_1050 : i32 to index
        %get3A_1176 = arith.index_cast %add3A_1145 : i32 to index
        %get3A_1177 = arith.constant 48 : index
        %get3A_1178 = tpu.vector_load %arg16[%get3A_1175, %get3A_1176, %get3A_1177] {strides = array<i32>} : memref<4x128x64xf32, #tpu.memory_space<vmem>>, vector<16xf32>,
        %mul3A_1179 = arith.mulf %get3A_1178, %gather3A_1147 : vector<16xf32>
        %swap3A_1180 = arith.index_cast %select_n3A_1050 : i32 to index
        %swap3A_1181 = arith.index_cast %add3A_1145 : i32 to index
        %swap3A_1182 = arith.constant 48 : index
        %swap3A_1183 = tpu.vector_load %arg16[%swap3A_1180, %swap3A_1181, %swap3A_1182] {strides = array<i32>} : memref<4x128x64xf32, #tpu.memory_space<vmem>>, vector<16xf32>,
        tpu.vector_store %arg16[%swap3A_1180, %swap3A_1181, %swap3A_1182], %mul3A_1179 {strides = array<i32>} : memref<4x128x64xf32, #tpu.memory_space<vmem>>, vector<16xf32>,
        %mul3A_1184 = arith.constant 8 : i32
        %mul3A_1185 = arith.muli %scan3A_1098, %mul3A_1184 : i32
        %add3A_1186 = arith.constant 2 : i32
        %add3A_1187 = arith.addi %mul3A_1185, %add3A_1186 : i32
        %broadcast_in_dim3A_1188 = vector.broadcast %add3A_1187 : i32 to vector<16xi32>
        %gather3A_1189 = tpu.vector_load_idx %arg10[%broadcast_in_dim3A, %broadcast_in_dim3A_1188] : memref<81x128xf32, #tpu.memory_space<vmem>>[vector<16xi32>, vector<16xi32>], vector<16xf32>,
        %get3A_1190 = arith.index_cast %select_n3A_1050 : i32 to index
        %get3A_1191 = arith.index_cast %add3A_1187 : i32 to index
        %get3A_1192 = arith.constant 0 : index
        %get3A_1193 = tpu.vector_load %arg16[%get3A_1190, %get3A_1191, %get3A_1192] {strides = array<i32>} : memref<4x128x64xf32, #tpu.memory_space<vmem>>, vector<16xf32>,
        %mul3A_1194 = arith.mulf %get3A_1193, %gather3A_1189 : vector<16xf32>
        %swap3A_1195 = arith.index_cast %select_n3A_1050 : i32 to index
        %swap3A_1196 = arith.index_cast %add3A_1187 : i32 to index
        %swap3A_1197 = arith.constant 0 : index
        %swap3A_1198 = tpu.vector_load %arg16[%swap3A_1195, %swap3A_1196, %swap3A_1197] {strides = array<i32>} : memref<4x128x64xf32, #tpu.memory_space<vmem>>, vector<16xf32>,
        tpu.vector_store %arg16[%swap3A_1195, %swap3A_1196, %swap3A_1197], %mul3A_1194 {strides = array<i32>} : memref<4x128x64xf32, #tpu.memory_space<vmem>>, vector<16xf32>,
        %get3A_1199 = arith.index_cast %select_n3A_1050 : i32 to index
        %get3A_1200 = arith.index_cast %add3A_1187 : i32 to index
        %get3A_1201 = arith.constant 16 : index
        %get3A_1202 = tpu.vector_load %arg16[%get3A_1199, %get3A_1200, %get3A_1201] {strides = array<i32>} : memref<4x128x64xf32, #tpu.memory_space<vmem>>, vector<16xf32>,
        %mul3A_1203 = arith.mulf %get3A_1202, %gather3A_1189 : vector<16xf32>
        %swap3A_1204 = arith.index_cast %select_n3A_1050 : i32 to index
        %swap3A_1205 = arith.index_cast %add3A_1187 : i32 to index
        %swap3A_1206 = arith.constant 16 : index
        %swap3A_1207 = tpu.vector_load %arg16[%swap3A_1204, %swap3A_1205, %swap3A_1206] {strides = array<i32>} : memref<4x128x64xf32, #tpu.memory_space<vmem>>, vector<16xf32>,
        tpu.vector_store %arg16[%swap3A_1204, %swap3A_1205, %swap3A_1206], %mul3A_1203 {strides = array<i32>} : memref<4x128x64xf32, #tpu.memory_space<vmem>>, vector<16xf32>,
        %get3A_1208 = arith.index_cast %select_n3A_1050 : i32 to index
        %get3A_1209 = arith.index_cast %add3A_1187 : i32 to index
        %get3A_1210 = arith.constant 32 : index
        %get3A_1211 = tpu.vector_load %arg16[%get3A_1208, %get3A_1209, %get3A_1210] {strides = array<i32>} : memref<4x128x64xf32, #tpu.memory_space<vmem>>, vector<16xf32>,
        %mul3A_1212 = arith.mulf %get3A_1211, %gather3A_1189 : vector<16xf32>
        %swap3A_1213 = arith.index_cast %select_n3A_1050 : i32 to index
        %swap3A_1214 = arith.index_cast %add3A_1187 : i32 to index
        %swap3A_1215 = arith.constant 32 : index
        %swap3A_1216 = tpu.vector_load %arg16[%swap3A_1213, %swap3A_1214, %swap3A_1215] {strides = array<i32>} : memref<4x128x64xf32, #tpu.memory_space<vmem>>, vector<16xf32>,
        tpu.vector_store %arg16[%swap3A_1213, %swap3A_1214, %swap3A_1215], %mul3A_1212 {strides = array<i32>} : memref<4x128x64xf32, #tpu.memory_space<vmem>>, vector<16xf32>,
        %get3A_1217 = arith.index_cast %select_n3A_1050 : i32 to index
        %get3A_1218 = arith.index_cast %add3A_1187 : i32 to index
        %get3A_1219 = arith.constant 48 : index
        %get3A_1220 = tpu.vector_load %arg16[%get3A_1217, %get3A_1218, %get3A_1219] {strides = array<i32>} : memref<4x128x64xf32, #tpu.memory_space<vmem>>, vector<16xf32>,
        %mul3A_1221 = arith.mulf %get3A_1220, %gather3A_1189 : vector<16xf32>
        %swap3A_1222 = arith.index_cast %select_n3A_1050 : i32 to index
        %swap3A_1223 = arith.index_cast %add3A_1187 : i32 to index
        %swap3A_1224 = arith.constant 48 : index
        %swap3A_1225 = tpu.vector_load %arg16[%swap3A_1222, %swap3A_1223, %swap3A_1224] {strides = array<i32>} : memref<4x128x64xf32, #tpu.memory_space<vmem>>, vector<16xf32>,
        tpu.vector_store %arg16[%swap3A_1222, %swap3A_1223, %swap3A_1224], %mul3A_1221 {strides = array<i32>} : memref<4x128x64xf32, #tpu.memory_space<vmem>>, vector<16xf32>,
        %mul3A_1226 = arith.constant 8 : i32
        %mul3A_1227 = arith.muli %scan3A_1098, %mul3A_1226 : i32
        %add3A_1228 = arith.constant 3 : i32
        %add3A_1229 = arith.addi %mul3A_1227, %add3A_1228 : i32
        %broadcast_in_dim3A_1230 = vector.broadcast %add3A_1229 : i32 to vector<16xi32>
        %gather3A_1231 = tpu.vector_load_idx %arg10[%broadcast_in_dim3A, %broadcast_in_dim3A_1230] : memref<81x128xf32, #tpu.memory_space<vmem>>[vector<16xi32>, vector<16xi32>], vector<16xf32>,
        %get3A_1232 = arith.index_cast %select_n3A_1050 : i32 to index
        %get3A_1233 = arith.index_cast %add3A_1229 : i32 to index
        %get3A_1234 = arith.constant 0 : index
        %get3A_1235 = tpu.vector_load %arg16[%get3A_1232, %get3A_1233, %get3A_1234] {strides = array<i32>} : memref<4x128x64xf32, #tpu.memory_space<vmem>>, vector<16xf32>,
        %mul3A_1236 = arith.mulf %get3A_1235, %gather3A_1231 : vector<16xf32>
        %swap3A_1237 = arith.index_cast %select_n3A_1050 : i32 to index
        %swap3A_1238 = arith.index_cast %add3A_1229 : i32 to index
        %swap3A_1239 = arith.constant 0 : index
        %swap3A_1240 = tpu.vector_load %arg16[%swap3A_1237, %swap3A_1238, %swap3A_1239] {strides = array<i32>} : memref<4x128x64xf32, #tpu.memory_space<vmem>>, vector<16xf32>,
        tpu.vector_store %arg16[%swap3A_1237, %swap3A_1238, %swap3A_1239], %mul3A_1236 {strides = array<i32>} : memref<4x128x64xf32, #tpu.memory_space<vmem>>, vector<16xf32>,
        %get3A_1241 = arith.index_cast %select_n3A_1050 : i32 to index
        %get3A_1242 = arith.index_cast %add3A_1229 : i32 to index
        %get3A_1243 = arith.constant 16 : index
        %get3A_1244 = tpu.vector_load %arg16[%get3A_1241, %get3A_1242, %get3A_1243] {strides = array<i32>} : memref<4x128x64xf32, #tpu.memory_space<vmem>>, vector<16xf32>,
        %mul3A_1245 = arith.mulf %get3A_1244, %gather3A_1231 : vector<16xf32>
        %swap3A_1246 = arith.index_cast %select_n3A_1050 : i32 to index
        %swap3A_1247 = arith.index_cast %add3A_1229 : i32 to index
        %swap3A_1248 = arith.constant 16 : index
        %swap3A_1249 = tpu.vector_load %arg16[%swap3A_1246, %swap3A_1247, %swap3A_1248] {strides = array<i32>} : memref<4x128x64xf32, #tpu.memory_space<vmem>>, vector<16xf32>,
        tpu.vector_store %arg16[%swap3A_1246, %swap3A_1247, %swap3A_1248], %mul3A_1245 {strides = array<i32>} : memref<4x128x64xf32, #tpu.memory_space<vmem>>, vector<16xf32>,
        %get3A_1250 = arith.index_cast %select_n3A_1050 : i32 to index
        %get3A_1251 = arith.index_cast %add3A_1229 : i32 to index
        %get3A_1252 = arith.constant 32 : index
        %get3A_1253 = tpu.vector_load %arg16[%get3A_1250, %get3A_1251, %get3A_1252] {strides = array<i32>} : memref<4x128x64xf32, #tpu.memory_space<vmem>>, vector<16xf32>,
        %mul3A_1254 = arith.mulf %get3A_1253, %gather3A_1231 : vector<16xf32>
        %swap3A_1255 = arith.index_cast %select_n3A_1050 : i32 to index
        %swap3A_1256 = arith.index_cast %add3A_1229 : i32 to index
        %swap3A_1257 = arith.constant 32 : index
        %swap3A_1258 = tpu.vector_load %arg16[%swap3A_1255, %swap3A_1256, %swap3A_1257] {strides = array<i32>} : memref<4x128x64xf32, #tpu.memory_space<vmem>>, vector<16xf32>,
        tpu.vector_store %arg16[%swap3A_1255, %swap3A_1256, %swap3A_1257], %mul3A_1254 {strides = array<i32>} : memref<4x128x64xf32, #tpu.memory_space<vmem>>, vector<16xf32>,
        %get3A_1259 = arith.index_cast %select_n3A_1050 : i32 to index
        %get3A_1260 = arith.index_cast %add3A_1229 : i32 to index
        %get3A_1261 = arith.constant 48 : index
        %get3A_1262 = tpu.vector_load %arg16[%get3A_1259, %get3A_1260, %get3A_1261] {strides = array<i32>} : memref<4x128x64xf32, #tpu.memory_space<vmem>>, vector<16xf32>,
        %mul3A_1263 = arith.mulf %get3A_1262, %gather3A_1231 : vector<16xf32>
        %swap3A_1264 = arith.index_cast %select_n3A_1050 : i32 to index
        %swap3A_1265 = arith.index_cast %add3A_1229 : i32 to index
        %swap3A_1266 = arith.constant 48 : index
        %swap3A_1267 = tpu.vector_load %arg16[%swap3A_1264, %swap3A_1265, %swap3A_1266] {strides = array<i32>} : memref<4x128x64xf32, #tpu.memory_space<vmem>>, vector<16xf32>,
        tpu.vector_store %arg16[%swap3A_1264, %swap3A_1265, %swap3A_1266], %mul3A_1263 {strides = array<i32>} : memref<4x128x64xf32, #tpu.memory_space<vmem>>, vector<16xf32>,
        %mul3A_1268 = arith.constant 8 : i32
        %mul3A_1269 = arith.muli %scan3A_1098, %mul3A_1268 : i32
        %add3A_1270 = arith.constant 4 : i32
        %add3A_1271 = arith.addi %mul3A_1269, %add3A_1270 : i32
        %broadcast_in_dim3A_1272 = vector.broadcast %add3A_1271 : i32 to vector<16xi32>
        %gather3A_1273 = tpu.vector_load_idx %arg10[%broadcast_in_dim3A, %broadcast_in_dim3A_1272] : memref<81x128xf32, #tpu.memory_space<vmem>>[vector<16xi32>, vector<16xi32>], vector<16xf32>,
        %get3A_1274 = arith.index_cast %select_n3A_1050 : i32 to index
        %get3A_1275 = arith.index_cast %add3A_1271 : i32 to index
        %get3A_1276 = arith.constant 0 : index
        %get3A_1277 = tpu.vector_load %arg16[%get3A_1274, %get3A_1275, %get3A_1276] {strides = array<i32>} : memref<4x128x64xf32, #tpu.memory_space<vmem>>, vector<16xf32>,
        %mul3A_1278 = arith.mulf %get3A_1277, %gather3A_1273 : vector<16xf32>
        %swap3A_1279 = arith.index_cast %select_n3A_1050 : i32 to index
        %swap3A_1280 = arith.index_cast %add3A_1271 : i32 to index
        %swap3A_1281 = arith.constant 0 : index
        %swap3A_1282 = tpu.vector_load %arg16[%swap3A_1279, %swap3A_1280, %swap3A_1281] {strides = array<i32>} : memref<4x128x64xf32, #tpu.memory_space<vmem>>, vector<16xf32>,
        tpu.vector_store %arg16[%swap3A_1279, %swap3A_1280, %swap3A_1281], %mul3A_1278 {strides = array<i32>} : memref<4x128x64xf32, #tpu.memory_space<vmem>>, vector<16xf32>,
        %get3A_1283 = arith.index_cast %select_n3A_1050 : i32 to index
        %get3A_1284 = arith.index_cast %add3A_1271 : i32 to index
        %get3A_1285 = arith.constant 16 : index
        %get3A_1286 = tpu.vector_load %arg16[%get3A_1283, %get3A_1284, %get3A_1285] {strides = array<i32>} : memref<4x128x64xf32, #tpu.memory_space<vmem>>, vector<16xf32>,
        %mul3A_1287 = arith.mulf %get3A_1286, %gather3A_1273 : vector<16xf32>
        %swap3A_1288 = arith.index_cast %select_n3A_1050 : i32 to index
        %swap3A_1289 = arith.index_cast %add3A_1271 : i32 to index
        %swap3A_1290 = arith.constant 16 : index
        %swap3A_1291 = tpu.vector_load %arg16[%swap3A_1288, %swap3A_1289, %swap3A_1290] {strides = array<i32>} : memref<4x128x64xf32, #tpu.memory_space<vmem>>, vector<16xf32>,
        tpu.vector_store %arg16[%swap3A_1288, %swap3A_1289, %swap3A_1290], %mul3A_1287 {strides = array<i32>} : memref<4x128x64xf32, #tpu.memory_space<vmem>>, vector<16xf32>,
        %get3A_1292 = arith.index_cast %select_n3A_1050 : i32 to index
        %get3A_1293 = arith.index_cast %add3A_1271 : i32 to index
        %get3A_1294 = arith.constant 32 : index
        %get3A_1295 = tpu.vector_load %arg16[%get3A_1292, %get3A_1293, %get3A_1294] {strides = array<i32>} : memref<4x128x64xf32, #tpu.memory_space<vmem>>, vector<16xf32>,
        %mul3A_1296 = arith.mulf %get3A_1295, %gather3A_1273 : vector<16xf32>
        %swap3A_1297 = arith.index_cast %select_n3A_1050 : i32 to index
        %swap3A_1298 = arith.index_cast %add3A_1271 : i32 to index
        %swap3A_1299 = arith.constant 32 : index
        %swap3A_1300 = tpu.vector_load %arg16[%swap3A_1297, %swap3A_1298, %swap3A_1299] {strides = array<i32>} : memref<4x128x64xf32, #tpu.memory_space<vmem>>, vector<16xf32>,
        tpu.vector_store %arg16[%swap3A_1297, %swap3A_1298, %swap3A_1299], %mul3A_1296 {strides = array<i32>} : memref<4x128x64xf32, #tpu.memory_space<vmem>>, vector<16xf32>,
        %get3A_1301 = arith.index_cast %select_n3A_1050 : i32 to index
        %get3A_1302 = arith.index_cast %add3A_1271 : i32 to index
        %get3A_1303 = arith.constant 48 : index
        %get3A_1304 = tpu.vector_load %arg16[%get3A_1301, %get3A_1302, %get3A_1303] {strides = array<i32>} : memref<4x128x64xf32, #tpu.memory_space<vmem>>, vector<16xf32>,
        %mul3A_1305 = arith.mulf %get3A_1304, %gather3A_1273 : vector<16xf32>
        %swap3A_1306 = arith.index_cast %select_n3A_1050 : i32 to index
        %swap3A_1307 = arith.index_cast %add3A_1271 : i32 to index
        %swap3A_1308 = arith.constant 48 : index
        %swap3A_1309 = tpu.vector_load %arg16[%swap3A_1306, %swap3A_1307, %swap3A_1308] {strides = array<i32>} : memref<4x128x64xf32, #tpu.memory_space<vmem>>, vector<16xf32>,
        tpu.vector_store %arg16[%swap3A_1306, %swap3A_1307, %swap3A_1308], %mul3A_1305 {strides = array<i32>} : memref<4x128x64xf32, #tpu.memory_space<vmem>>, vector<16xf32>,
        %mul3A_1310 = arith.constant 8 : i32
        %mul3A_1311 = arith.muli %scan3A_1098, %mul3A_1310 : i32
        %add3A_1312 = arith.constant 5 : i32
        %add3A_1313 = arith.addi %mul3A_1311, %add3A_1312 : i32
        %broadcast_in_dim3A_1314 = vector.broadcast %add3A_1313 : i32 to vector<16xi32>
        %gather3A_1315 = tpu.vector_load_idx %arg10[%broadcast_in_dim3A, %broadcast_in_dim3A_1314] : memref<81x128xf32, #tpu.memory_space<vmem>>[vector<16xi32>, vector<16xi32>], vector<16xf32>,
        %get3A_1316 = arith.index_cast %select_n3A_1050 : i32 to index
        %get3A_1317 = arith.index_cast %add3A_1313 : i32 to index
        %get3A_1318 = arith.constant 0 : index
        %get3A_1319 = tpu.vector_load %arg16[%get3A_1316, %get3A_1317, %get3A_1318] {strides = array<i32>} : memref<4x128x64xf32, #tpu.memory_space<vmem>>, vector<16xf32>,
        %mul3A_1320 = arith.mulf %get3A_1319, %gather3A_1315 : vector<16xf32>
        %swap3A_1321 = arith.index_cast %select_n3A_1050 : i32 to index
        %swap3A_1322 = arith.index_cast %add3A_1313 : i32 to index
        %swap3A_1323 = arith.constant 0 : index
        %swap3A_1324 = tpu.vector_load %arg16[%swap3A_1321, %swap3A_1322, %swap3A_1323] {strides = array<i32>} : memref<4x128x64xf32, #tpu.memory_space<vmem>>, vector<16xf32>,
        tpu.vector_store %arg16[%swap3A_1321, %swap3A_1322, %swap3A_1323], %mul3A_1320 {strides = array<i32>} : memref<4x128x64xf32, #tpu.memory_space<vmem>>, vector<16xf32>,
        %get3A_1325 = arith.index_cast %select_n3A_1050 : i32 to index
        %get3A_1326 = arith.index_cast %add3A_1313 : i32 to index
        %get3A_1327 = arith.constant 16 : index
        %get3A_1328 = tpu.vector_load %arg16[%get3A_1325, %get3A_1326, %get3A_1327] {strides = array<i32>} : memref<4x128x64xf32, #tpu.memory_space<vmem>>, vector<16xf32>,
        %mul3A_1329 = arith.mulf %get3A_1328, %gather3A_1315 : vector<16xf32>
        %swap3A_1330 = arith.index_cast %select_n3A_1050 : i32 to index
        %swap3A_1331 = arith.index_cast %add3A_1313 : i32 to index
        %swap3A_1332 = arith.constant 16 : index
        %swap3A_1333 = tpu.vector_load %arg16[%swap3A_1330, %swap3A_1331, %swap3A_1332] {strides = array<i32>} : memref<4x128x64xf32, #tpu.memory_space<vmem>>, vector<16xf32>,
        tpu.vector_store %arg16[%swap3A_1330, %swap3A_1331, %swap3A_1332], %mul3A_1329 {strides = array<i32>} : memref<4x128x64xf32, #tpu.memory_space<vmem>>, vector<16xf32>,
        %get3A_1334 = arith.index_cast %select_n3A_1050 : i32 to index
        %get3A_1335 = arith.index_cast %add3A_1313 : i32 to index
        %get3A_1336 = arith.constant 32 : index
        %get3A_1337 = tpu.vector_load %arg16[%get3A_1334, %get3A_1335, %get3A_1336] {strides = array<i32>} : memref<4x128x64xf32, #tpu.memory_space<vmem>>, vector<16xf32>,
        %mul3A_1338 = arith.mulf %get3A_1337, %gather3A_1315 : vector<16xf32>
        %swap3A_1339 = arith.index_cast %select_n3A_1050 : i32 to index
        %swap3A_1340 = arith.index_cast %add3A_1313 : i32 to index
        %swap3A_1341 = arith.constant 32 : index
        %swap3A_1342 = tpu.vector_load %arg16[%swap3A_1339, %swap3A_1340, %swap3A_1341] {strides = array<i32>} : memref<4x128x64xf32, #tpu.memory_space<vmem>>, vector<16xf32>,
        tpu.vector_store %arg16[%swap3A_1339, %swap3A_1340, %swap3A_1341], %mul3A_1338 {strides = array<i32>} : memref<4x128x64xf32, #tpu.memory_space<vmem>>, vector<16xf32>,
        %get3A_1343 = arith.index_cast %select_n3A_1050 : i32 to index
        %get3A_1344 = arith.index_cast %add3A_1313 : i32 to index
        %get3A_1345 = arith.constant 48 : index
        %get3A_1346 = tpu.vector_load %arg16[%get3A_1343, %get3A_1344, %get3A_1345] {strides = array<i32>} : memref<4x128x64xf32, #tpu.memory_space<vmem>>, vector<16xf32>,
        %mul3A_1347 = arith.mulf %get3A_1346, %gather3A_1315 : vector<16xf32>
        %swap3A_1348 = arith.index_cast %select_n3A_1050 : i32 to index
        %swap3A_1349 = arith.index_cast %add3A_1313 : i32 to index
        %swap3A_1350 = arith.constant 48 : index
        %swap3A_1351 = tpu.vector_load %arg16[%swap3A_1348, %swap3A_1349, %swap3A_1350] {strides = array<i32>} : memref<4x128x64xf32, #tpu.memory_space<vmem>>, vector<16xf32>,
        tpu.vector_store %arg16[%swap3A_1348, %swap3A_1349, %swap3A_1350], %mul3A_1347 {strides = array<i32>} : memref<4x128x64xf32, #tpu.memory_space<vmem>>, vector<16xf32>,
        %mul3A_1352 = arith.constant 8 : i32
        %mul3A_1353 = arith.muli %scan3A_1098, %mul3A_1352 : i32
        %add3A_1354 = arith.constant 6 : i32
        %add3A_1355 = arith.addi %mul3A_1353, %add3A_1354 : i32
        %broadcast_in_dim3A_1356 = vector.broadcast %add3A_1355 : i32 to vector<16xi32>
        %gather3A_1357 = tpu.vector_load_idx %arg10[%broadcast_in_dim3A, %broadcast_in_dim3A_1356] : memref<81x128xf32, #tpu.memory_space<vmem>>[vector<16xi32>, vector<16xi32>], vector<16xf32>,
        %get3A_1358 = arith.index_cast %select_n3A_1050 : i32 to index
        %get3A_1359 = arith.index_cast %add3A_1355 : i32 to index
        %get3A_1360 = arith.constant 0 : index
        %get3A_1361 = tpu.vector_load %arg16[%get3A_1358, %get3A_1359, %get3A_1360] {strides = array<i32>} : memref<4x128x64xf32, #tpu.memory_space<vmem>>, vector<16xf32>,
        %mul3A_1362 = arith.mulf %get3A_1361, %gather3A_1357 : vector<16xf32>
        %swap3A_1363 = arith.index_cast %select_n3A_1050 : i32 to index
        %swap3A_1364 = arith.index_cast %add3A_1355 : i32 to index
        %swap3A_1365 = arith.constant 0 : index
        %swap3A_1366 = tpu.vector_load %arg16[%swap3A_1363, %swap3A_1364, %swap3A_1365] {strides = array<i32>} : memref<4x128x64xf32, #tpu.memory_space<vmem>>, vector<16xf32>,
        tpu.vector_store %arg16[%swap3A_1363, %swap3A_1364, %swap3A_1365], %mul3A_1362 {strides = array<i32>} : memref<4x128x64xf32, #tpu.memory_space<vmem>>, vector<16xf32>,
        %get3A_1367 = arith.index_cast %select_n3A_1050 : i32 to index
        %get3A_1368 = arith.index_cast %add3A_1355 : i32 to index
        %get3A_1369 = arith.constant 16 : index
        %get3A_1370 = tpu.vector_load %arg16[%get3A_1367, %get3A_1368, %get3A_1369] {strides = array<i32>} : memref<4x128x64xf32, #tpu.memory_space<vmem>>, vector<16xf32>,
        %mul3A_1371 = arith.mulf %get3A_1370, %gather3A_1357 : vector<16xf32>
        %swap3A_1372 = arith.index_cast %select_n3A_1050 : i32 to index
        %swap3A_1373 = arith.index_cast %add3A_1355 : i32 to index
        %swap3A_1374 = arith.constant 16 : index
        %swap3A_1375 = tpu.vector_load %arg16[%swap3A_1372, %swap3A_1373, %swap3A_1374] {strides = array<i32>} : memref<4x128x64xf32, #tpu.memory_space<vmem>>, vector<16xf32>,
        tpu.vector_store %arg16[%swap3A_1372, %swap3A_1373, %swap3A_1374], %mul3A_1371 {strides = array<i32>} : memref<4x128x64xf32, #tpu.memory_space<vmem>>, vector<16xf32>,
        %get3A_1376 = arith.index_cast %select_n3A_1050 : i32 to index
        %get3A_1377 = arith.index_cast %add3A_1355 : i32 to index
        %get3A_1378 = arith.constant 32 : index
        %get3A_1379 = tpu.vector_load %arg16[%get3A_1376, %get3A_1377, %get3A_1378] {strides = array<i32>} : memref<4x128x64xf32, #tpu.memory_space<vmem>>, vector<16xf32>,
        %mul3A_1380 = arith.mulf %get3A_1379, %gather3A_1357 : vector<16xf32>
        %swap3A_1381 = arith.index_cast %select_n3A_1050 : i32 to index
        %swap3A_1382 = arith.index_cast %add3A_1355 : i32 to index
        %swap3A_1383 = arith.constant 32 : index
        %swap3A_1384 = tpu.vector_load %arg16[%swap3A_1381, %swap3A_1382, %swap3A_1383] {strides = array<i32>} : memref<4x128x64xf32, #tpu.memory_space<vmem>>, vector<16xf32>,
        tpu.vector_store %arg16[%swap3A_1381, %swap3A_1382, %swap3A_1383], %mul3A_1380 {strides = array<i32>} : memref<4x128x64xf32, #tpu.memory_space<vmem>>, vector<16xf32>,
        %get3A_1385 = arith.index_cast %select_n3A_1050 : i32 to index
        %get3A_1386 = arith.index_cast %add3A_1355 : i32 to index
        %get3A_1387 = arith.constant 48 : index
        %get3A_1388 = tpu.vector_load %arg16[%get3A_1385, %get3A_1386, %get3A_1387] {strides = array<i32>} : memref<4x128x64xf32, #tpu.memory_space<vmem>>, vector<16xf32>,
        %mul3A_1389 = arith.mulf %get3A_1388, %gather3A_1357 : vector<16xf32>
        %swap3A_1390 = arith.index_cast %select_n3A_1050 : i32 to index
        %swap3A_1391 = arith.index_cast %add3A_1355 : i32 to index
        %swap3A_1392 = arith.constant 48 : index
        %swap3A_1393 = tpu.vector_load %arg16[%swap3A_1390, %swap3A_1391, %swap3A_1392] {strides = array<i32>} : memref<4x128x64xf32, #tpu.memory_space<vmem>>, vector<16xf32>,
        tpu.vector_store %arg16[%swap3A_1390, %swap3A_1391, %swap3A_1392], %mul3A_1389 {strides = array<i32>} : memref<4x128x64xf32, #tpu.memory_space<vmem>>, vector<16xf32>,
        %mul3A_1394 = arith.constant 8 : i32
        %mul3A_1395 = arith.muli %scan3A_1098, %mul3A_1394 : i32
        %add3A_1396 = arith.constant 7 : i32
        %add3A_1397 = arith.addi %mul3A_1395, %add3A_1396 : i32
        %broadcast_in_dim3A_1398 = vector.broadcast %add3A_1397 : i32 to vector<16xi32>
        %gather3A_1399 = tpu.vector_load_idx %arg10[%broadcast_in_dim3A, %broadcast_in_dim3A_1398] : memref<81x128xf32, #tpu.memory_space<vmem>>[vector<16xi32>, vector<16xi32>], vector<16xf32>,
        %get3A_1400 = arith.index_cast %select_n3A_1050 : i32 to index
        %get3A_1401 = arith.index_cast %add3A_1397 : i32 to index
        %get3A_1402 = arith.constant 0 : index
        %get3A_1403 = tpu.vector_load %arg16[%get3A_1400, %get3A_1401, %get3A_1402] {strides = array<i32>} : memref<4x128x64xf32, #tpu.memory_space<vmem>>, vector<16xf32>,
        %mul3A_1404 = arith.mulf %get3A_1403, %gather3A_1399 : vector<16xf32>
        %swap3A_1405 = arith.index_cast %select_n3A_1050 : i32 to index
        %swap3A_1406 = arith.index_cast %add3A_1397 : i32 to index
        %swap3A_1407 = arith.constant 0 : index
        %swap3A_1408 = tpu.vector_load %arg16[%swap3A_1405, %swap3A_1406, %swap3A_1407] {strides = array<i32>} : memref<4x128x64xf32, #tpu.memory_space<vmem>>, vector<16xf32>,
        tpu.vector_store %arg16[%swap3A_1405, %swap3A_1406, %swap3A_1407], %mul3A_1404 {strides = array<i32>} : memref<4x128x64xf32, #tpu.memory_space<vmem>>, vector<16xf32>,
        %get3A_1409 = arith.index_cast %select_n3A_1050 : i32 to index
        %get3A_1410 = arith.index_cast %add3A_1397 : i32 to index
        %get3A_1411 = arith.constant 16 : index
        %get3A_1412 = tpu.vector_load %arg16[%get3A_1409, %get3A_1410, %get3A_1411] {strides = array<i32>} : memref<4x128x64xf32, #tpu.memory_space<vmem>>, vector<16xf32>,
        %mul3A_1413 = arith.mulf %get3A_1412, %gather3A_1399 : vector<16xf32>
        %swap3A_1414 = arith.index_cast %select_n3A_1050 : i32 to index
        %swap3A_1415 = arith.index_cast %add3A_1397 : i32 to index
        %swap3A_1416 = arith.constant 16 : index
        %swap3A_1417 = tpu.vector_load %arg16[%swap3A_1414, %swap3A_1415, %swap3A_1416] {strides = array<i32>} : memref<4x128x64xf32, #tpu.memory_space<vmem>>, vector<16xf32>,
        tpu.vector_store %arg16[%swap3A_1414, %swap3A_1415, %swap3A_1416], %mul3A_1413 {strides = array<i32>} : memref<4x128x64xf32, #tpu.memory_space<vmem>>, vector<16xf32>,
        %get3A_1418 = arith.index_cast %select_n3A_1050 : i32 to index
        %get3A_1419 = arith.index_cast %add3A_1397 : i32 to index
        %get3A_1420 = arith.constant 32 : index
        %get3A_1421 = tpu.vector_load %arg16[%get3A_1418, %get3A_1419, %get3A_1420] {strides = array<i32>} : memref<4x128x64xf32, #tpu.memory_space<vmem>>, vector<16xf32>,
        %mul3A_1422 = arith.mulf %get3A_1421, %gather3A_1399 : vector<16xf32>
        %swap3A_1423 = arith.index_cast %select_n3A_1050 : i32 to index
        %swap3A_1424 = arith.index_cast %add3A_1397 : i32 to index
        %swap3A_1425 = arith.constant 32 : index
        %swap3A_1426 = tpu.vector_load %arg16[%swap3A_1423, %swap3A_1424, %swap3A_1425] {strides = array<i32>} : memref<4x128x64xf32, #tpu.memory_space<vmem>>, vector<16xf32>,
        tpu.vector_store %arg16[%swap3A_1423, %swap3A_1424, %swap3A_1425], %mul3A_1422 {strides = array<i32>} : memref<4x128x64xf32, #tpu.memory_space<vmem>>, vector<16xf32>,
        %get3A_1427 = arith.index_cast %select_n3A_1050 : i32 to index
        %get3A_1428 = arith.index_cast %add3A_1397 : i32 to index
        %get3A_1429 = arith.constant 48 : index
        %get3A_1430 = tpu.vector_load %arg16[%get3A_1427, %get3A_1428, %get3A_1429] {strides = array<i32>} : memref<4x128x64xf32, #tpu.memory_space<vmem>>, vector<16xf32>,
        %mul3A_1431 = arith.mulf %get3A_1430, %gather3A_1399 : vector<16xf32>
        %swap3A_1432 = arith.index_cast %select_n3A_1050 : i32 to index
        %swap3A_1433 = arith.index_cast %add3A_1397 : i32 to index
        %swap3A_1434 = arith.constant 48 : index
        %swap3A_1435 = tpu.vector_load %arg16[%swap3A_1432, %swap3A_1433, %swap3A_1434] {strides = array<i32>} : memref<4x128x64xf32, #tpu.memory_space<vmem>>, vector<16xf32>,
        tpu.vector_store %arg16[%swap3A_1432, %swap3A_1433, %swap3A_1434], %mul3A_1431 {strides = array<i32>} : memref<4x128x64xf32, #tpu.memory_space<vmem>>, vector<16xf32>,
        %scan3A_1436 = arith.constant 0 : i32
        scf.yield %scan3A_1436 : i32
      }
      %scan3A_1077 = arith.constant 16 : i32
      %dma_start3A_1078 = arith.constant 0 : i32
      %dma_start3A_1079 = arith.constant 0 : i32
      %dma_start3A_1080 = tpu.memref_slice %arg16[%select_n3A_1050, %dma_start3A_1078, %dma_start3A_1079] : memref<4x128x64xf32, #tpu.memory_space<vmem>> -> memref<1x128x64xf32, #tpu.memory_space<vmem>>
      %dma_start3A_1081 = tpu.memref_squeeze %dma_start3A_1080 : memref<1x128x64xf32, #tpu.memory_space<vmem>> -> memref<128x64xf32, #tpu.memory_space<vmem>>
      %dma_start3A_1082 = arith.constant 0 : i32
      %dma_start3A_1083 = tpu.memref_slice %arg9[%scan3A_1039, %dma_start3A_1082] : memref<81x128xi32, #tpu.memory_space<vmem>> -> memref<1x128xi32, #tpu.memory_space<vmem>>
      %dma_start3A_1084 = tpu.memref_squeeze %dma_start3A_1083 : memref<1x128xi32, #tpu.memory_space<vmem>> -> memref<128xi32, #tpu.memory_space<vmem>>
      %dma_start3A_1085 = arith.constant 0 : i32
      %dma_start3A_1086 = arith.constant 0 : i32
      %dma_start3A_1087 = tpu.memref_slice %arg20[%dma_start3A_1085, %dma_start3A_1086] : memref<10240x64xf32, #tpu.memory_space<vmem_shared>> -> memref<10240x64xf32, #tpu.memory_space<vmem_shared>>
      %dma_start3A_1088 = tpu.memref_slice %arg18[%select_n3A_1050] : memref<4x!tpu.dma_semaphore, #tpu.memory_space<semaphore_mem>> -> memref<1x!tpu.dma_semaphore, #tpu.memory_space<semaphore_mem>>
      %dma_start3A_1089 = tpu.memref_squeeze %dma_start3A_1088 : memref<1x!tpu.dma_semaphore, #tpu.memory_space<semaphore_mem>> -> memref<!tpu.dma_semaphore, #tpu.memory_space<semaphore_mem>>
      tpu.enqueue_indirect_dma source(%dma_start3A_1081 : memref<128x64xf32, #tpu.memory_space<vmem>>) target(%dma_start3A_1087 : memref<10240x64xf32, #tpu.memory_space<vmem_shared>>) offsets(%dma_start3A_1084 : memref<128xi32, #tpu.memory_space<vmem>>) semaphore(%dma_start3A_1089 : memref<!tpu.dma_semaphore, #tpu.memory_space<semaphore_mem>>) {add = true}
      %add3A_1090 = arith.constant 2 : i32
      %add3A_1091 = arith.addi %scan3A_1039, %add3A_1090 : i32
      %lt3A_1092 = arith.constant 81 : i32
      %lt3A_1093 = arith.cmpi slt, %add3A_1091, %lt3A_1092 : i32
      %convert_element_type3A_1094 = arith.extui %lt3A_1093 : i1 to i32
      %cond3A_1095 = arith.constant 0 : i32
      %cond3A_1096 = arith.cmpi ne, %convert_element_type3A_1094, %cond3A_1095 : i32
      scf.if %cond3A_1096 {
        %jit3A_1098 = arith.constant 4 : i32
        %eq3A_1099 = arith.constant 0 : i32
        %eq3A_1100 = arith.cmpi eq, %jit3A_1098, %eq3A_1099 : i32
        %jit3A_1101 = arith.constant 1 : i32
        %select_n3A_1102 = arith.select %eq3A_1100, %jit3A_1101, %jit3A_1098 : i32
        %rem3A_1103 = arith.remsi %add3A_1091, %select_n3A_1102 : i32
        %ne3A_1104 = arith.constant 0 : i32
        %ne3A_1105 = arith.cmpi ne, %rem3A_1103, %ne3A_1104 : i32
        %lt3A_1106 = arith.constant 0 : i32
        %lt3A_1107 = arith.cmpi slt, %rem3A_1103, %lt3A_1106 : i32
        %lt3A_1108 = arith.constant 0 : i32
        %lt3A_1109 = arith.cmpi slt, %select_n3A_1102, %lt3A_1108 : i32
        %ne3A_1110 = arith.xori %lt3A_1107, %lt3A_1109 : i1
        %and3A_1111 = arith.andi %ne3A_1110, %ne3A_1105 : i1
        %add3A_1112 = arith.addi %rem3A_1103, %select_n3A_1102 : i32
        %select_n3A_1113 = arith.select %and3A_1111, %add3A_1112, %rem3A_1103 : i32
        %jit3A_1114 = arith.constant 4 : i32
        %eq3A_1115 = arith.constant 0 : i32
        %eq3A_1116 = arith.cmpi eq, %jit3A_1114, %eq3A_1115 : i32
        %jit3A_1117 = arith.constant 1 : i32
        %select_n3A_1118 = arith.select %eq3A_1116, %jit3A_1117, %jit3A_1114 : i32
        %rem3A_1119 = arith.remsi %add3A_1091, %select_n3A_1118 : i32
        %ne3A_1120 = arith.constant 0 : i32
        %ne3A_1121 = arith.cmpi ne, %rem3A_1119, %ne3A_1120 : i32
        %lt3A_1122 = arith.constant 0 : i32
        %lt3A_1123 = arith.cmpi slt, %rem3A_1119, %lt3A_1122 : i32
        %lt3A_1124 = arith.constant 0 : i32
        %lt3A_1125 = arith.cmpi slt, %select_n3A_1118, %lt3A_1124 : i32
        %ne3A_1126 = arith.xori %lt3A_1123, %lt3A_1125 : i1
        %and3A_1127 = arith.andi %ne3A_1126, %ne3A_1121 : i1
        %add3A_1128 = arith.addi %rem3A_1119, %select_n3A_1118 : i32
        %select_n3A_1129 = arith.select %and3A_1127, %add3A_1128, %rem3A_1119 : i32
        %dma_start3A_1130 = arith.constant 0 : i32
        %dma_start3A_1131 = arith.constant 0 : i32
        %dma_start3A_1132 = tpu.memref_slice %arg16[%select_n3A_1113, %dma_start3A_1130, %dma_start3A_1131] : memref<4x128x64xf32, #tpu.memory_space<vmem>> -> memref<1x128x64xf32, #tpu.memory_space<vmem>>
        %dma_start3A_1133 = tpu.memref_squeeze %dma_start3A_1132 : memref<1x128x64xf32, #tpu.memory_space<vmem>> -> memref<128x64xf32, #tpu.memory_space<vmem>>
        %dma_start3A_1134 = arith.constant 0 : i32
        %dma_start3A_1135 = tpu.memref_slice %arg11[%add3A_1091, %dma_start3A_1134] : memref<81x128xi32, #tpu.memory_space<vmem>> -> memref<1x128xi32, #tpu.memory_space<vmem>>
        %dma_start3A_1136 = tpu.memref_squeeze %dma_start3A_1135 : memref<1x128xi32, #tpu.memory_space<vmem>> -> memref<128xi32, #tpu.memory_space<vmem>>
        %dma_start3A_1137 = arith.constant 0 : i32
        %dma_start3A_1138 = arith.constant 0 : i32
        %dma_start3A_1139 = tpu.memref_slice %arg6[%arg0, %dma_start3A_1137, %dma_start3A_1138] : memref<2x10240x64xf32, #tpu.memory_space<hbm>> -> memref<1x10240x64xf32, #tpu.memory_space<hbm>>
        %dma_start3A_1140 = tpu.memref_squeeze %dma_start3A_1139 : memref<1x10240x64xf32, #tpu.memory_space<hbm>> -> memref<10240x64xf32, #tpu.memory_space<hbm>>
        %dma_start3A_1141 = arith.constant 0 : i32
        %dma_start3A_1142 = arith.constant 0 : i32
        %dma_start3A_1143 = tpu.memref_slice %dma_start3A_1140[%dma_start3A_1141, %dma_start3A_1142] : memref<10240x64xf32, #tpu.memory_space<hbm>> -> memref<10240x64xf32, #tpu.memory_space<hbm>>
        %dma_start3A_1144 = tpu.memref_slice %arg17[%select_n3A_1129] : memref<4x!tpu.dma_semaphore, #tpu.memory_space<semaphore_mem>> -> memref<1x!tpu.dma_semaphore, #tpu.memory_space<semaphore_mem>>
        %dma_start3A_1145 = tpu.memref_squeeze %dma_start3A_1144 : memref<1x!tpu.dma_semaphore, #tpu.memory_space<semaphore_mem>> -> memref<!tpu.dma_semaphore, #tpu.memory_space<semaphore_mem>>
        tpu.enqueue_indirect_dma source(%dma_start3A_1143 : memref<10240x64xf32, #tpu.memory_space<hbm>>) target(%dma_start3A_1133 : memref<128x64xf32, #tpu.memory_space<vmem>>) offsets(%dma_start3A_1136 : memref<128xi32, #tpu.memory_space<vmem>>) semaphore(%dma_start3A_1145 : memref<!tpu.dma_semaphore, #tpu.memory_space<semaphore_mem>>)
        %get3A_1146 = arith.index_cast %add3A_1091 : i32 to index
        %get3A_1147 = arith.constant 0 : index
        %get3A_1148 = tpu.vector_load %arg11[%get3A_1146, %get3A_1147] {strides = array<i32>} : memref<81x128xi32, #tpu.memory_space<vmem>>, vector<16xi32>,
        %get3A_1149 = arith.index_cast %add3A_1091 : i32 to index
        %get3A_1150 = arith.constant 0 : index
        %get3A_1151 = tpu.vector_load %arg9[%get3A_1149, %get3A_1150] {strides = array<i32>} : memref<81x128xi32, #tpu.memory_space<vmem>>, vector<16xi32>,
        %get3A_1152 = arith.index_cast %add3A_1091 : i32 to index
        %get3A_1153 = arith.constant 0 : index
        %get3A_1154 = tpu.vector_load %arg10[%get3A_1152, %get3A_1153] {strides = array<i32>} : memref<81x128xf32, #tpu.memory_space<vmem>>, vector<16xf32>,
        %gather3A_1155 = tpu.vector_load_idx %arg12[%get3A_1148] : memref<10240xf32, #tpu.memory_space<vmem>>[vector<16xi32>], vector<16xf32>,
        %mul3A_1156 = arith.mulf %gather3A_1155, %get3A_1154 : vector<16xf32>
        %gather3A_1157 = tpu.vector_load_idx %arg12[%get3A_1151] : memref<10240xf32, #tpu.memory_space<vmem>>[vector<16xi32>], vector<16xf32>,
        %mul3A_1158 = arith.mulf %mul3A_1156, %gather3A_1157 : vector<16xf32>
        %swap3A_1159 = arith.index_cast %add3A_1091 : i32 to index
        %swap3A_1160 = arith.constant 0 : index
        %swap3A_1161 = tpu.vector_load %arg10[%swap3A_1159, %swap3A_1160] {strides = array<i32>} : memref<81x128xf32, #tpu.memory_space<vmem>>, vector<16xf32>,
        tpu.vector_store %arg10[%swap3A_1159, %swap3A_1160], %mul3A_1158 {strides = array<i32>} : memref<81x128xf32, #tpu.memory_space<vmem>>, vector<16xf32>,
        %get3A_1162 = arith.index_cast %add3A_1091 : i32 to index
        %get3A_1163 = arith.constant 16 : index
        %get3A_1164 = tpu.vector_load %arg11[%get3A_1162, %get3A_1163] {strides = array<i32>} : memref<81x128xi32, #tpu.memory_space<vmem>>, vector<16xi32>,
        %get3A_1165 = arith.index_cast %add3A_1091 : i32 to index
        %get3A_1166 = arith.constant 16 : index
        %get3A_1167 = tpu.vector_load %arg9[%get3A_1165, %get3A_1166] {strides = array<i32>} : memref<81x128xi32, #tpu.memory_space<vmem>>, vector<16xi32>,
        %get3A_1168 = arith.index_cast %add3A_1091 : i32 to index
        %get3A_1169 = arith.constant 16 : index
        %get3A_1170 = tpu.vector_load %arg10[%get3A_1168, %get3A_1169] {strides = array<i32>} : memref<81x128xf32, #tpu.memory_space<vmem>>, vector<16xf32>,
        %gather3A_1171 = tpu.vector_load_idx %arg12[%get3A_1164] : memref<10240xf32, #tpu.memory_space<vmem>>[vector<16xi32>], vector<16xf32>,
        %mul3A_1172 = arith.mulf %gather3A_1171, %get3A_1170 : vector<16xf32>
        %gather3A_1173 = tpu.vector_load_idx %arg12[%get3A_1167] : memref<10240xf32, #tpu.memory_space<vmem>>[vector<16xi32>], vector<16xf32>,
        %mul3A_1174 = arith.mulf %mul3A_1172, %gather3A_1173 : vector<16xf32>
        %swap3A_1175 = arith.index_cast %add3A_1091 : i32 to index
        %swap3A_1176 = arith.constant 16 : index
        %swap3A_1177 = tpu.vector_load %arg10[%swap3A_1175, %swap3A_1176] {strides = array<i32>} : memref<81x128xf32, #tpu.memory_space<vmem>>, vector<16xf32>,
        tpu.vector_store %arg10[%swap3A_1175, %swap3A_1176], %mul3A_1174 {strides = array<i32>} : memref<81x128xf32, #tpu.memory_space<vmem>>, vector<16xf32>,
        %get3A_1178 = arith.index_cast %add3A_1091 : i32 to index
        %get3A_1179 = arith.constant 32 : index
        %get3A_1180 = tpu.vector_load %arg11[%get3A_1178, %get3A_1179] {strides = array<i32>} : memref<81x128xi32, #tpu.memory_space<vmem>>, vector<16xi32>,
        %get3A_1181 = arith.index_cast %add3A_1091 : i32 to index
        %get3A_1182 = arith.constant 32 : index
        %get3A_1183 = tpu.vector_load %arg9[%get3A_1181, %get3A_1182] {strides = array<i32>} : memref<81x128xi32, #tpu.memory_space<vmem>>, vector<16xi32>,
        %get3A_1184 = arith.index_cast %add3A_1091 : i32 to index
        %get3A_1185 = arith.constant 32 : index
        %get3A_1186 = tpu.vector_load %arg10[%get3A_1184, %get3A_1185] {strides = array<i32>} : memref<81x128xf32, #tpu.memory_space<vmem>>, vector<16xf32>,
        %gather3A_1187 = tpu.vector_load_idx %arg12[%get3A_1180] : memref<10240xf32, #tpu.memory_space<vmem>>[vector<16xi32>], vector<16xf32>,
        %mul3A_1188 = arith.mulf %gather3A_1187, %get3A_1186 : vector<16xf32>
        %gather3A_1189 = tpu.vector_load_idx %arg12[%get3A_1183] : memref<10240xf32, #tpu.memory_space<vmem>>[vector<16xi32>], vector<16xf32>,
        %mul3A_1190 = arith.mulf %mul3A_1188, %gather3A_1189 : vector<16xf32>
        %swap3A_1191 = arith.index_cast %add3A_1091 : i32 to index
        %swap3A_1192 = arith.constant 32 : index
        %swap3A_1193 = tpu.vector_load %arg10[%swap3A_1191, %swap3A_1192] {strides = array<i32>} : memref<81x128xf32, #tpu.memory_space<vmem>>, vector<16xf32>,
        tpu.vector_store %arg10[%swap3A_1191, %swap3A_1192], %mul3A_1190 {strides = array<i32>} : memref<81x128xf32, #tpu.memory_space<vmem>>, vector<16xf32>,
        %get3A_1194 = arith.index_cast %add3A_1091 : i32 to index
        %get3A_1195 = arith.constant 48 : index
        %get3A_1196 = tpu.vector_load %arg11[%get3A_1194, %get3A_1195] {strides = array<i32>} : memref<81x128xi32, #tpu.memory_space<vmem>>, vector<16xi32>,
        %get3A_1197 = arith.index_cast %add3A_1091 : i32 to index
        %get3A_1198 = arith.constant 48 : index
        %get3A_1199 = tpu.vector_load %arg9[%get3A_1197, %get3A_1198] {strides = array<i32>} : memref<81x128xi32, #tpu.memory_space<vmem>>, vector<16xi32>,
        %get3A_1200 = arith.index_cast %add3A_1091 : i32 to index
        %get3A_1201 = arith.constant 48 : index
        %get3A_1202 = tpu.vector_load %arg10[%get3A_1200, %get3A_1201] {strides = array<i32>} : memref<81x128xf32, #tpu.memory_space<vmem>>, vector<16xf32>,
        %gather3A_1203 = tpu.vector_load_idx %arg12[%get3A_1196] : memref<10240xf32, #tpu.memory_space<vmem>>[vector<16xi32>], vector<16xf32>,
        %mul3A_1204 = arith.mulf %gather3A_1203, %get3A_1202 : vector<16xf32>
        %gather3A_1205 = tpu.vector_load_idx %arg12[%get3A_1199] : memref<10240xf32, #tpu.memory_space<vmem>>[vector<16xi32>], vector<16xf32>,
        %mul3A_1206 = arith.mulf %mul3A_1204, %gather3A_1205 : vector<16xf32>
        %swap3A_1207 = arith.index_cast %add3A_1091 : i32 to index
        %swap3A_1208 = arith.constant 48 : index
        %swap3A_1209 = tpu.vector_load %arg10[%swap3A_1207, %swap3A_1208] {strides = array<i32>} : memref<81x128xf32, #tpu.memory_space<vmem>>, vector<16xf32>,
        tpu.vector_store %arg10[%swap3A_1207, %swap3A_1208], %mul3A_1206 {strides = array<i32>} : memref<81x128xf32, #tpu.memory_space<vmem>>, vector<16xf32>,
        %get3A_1210 = arith.index_cast %add3A_1091 : i32 to index
        %get3A_1211 = arith.constant 64 : index
        %get3A_1212 = tpu.vector_load %arg11[%get3A_1210, %get3A_1211] {strides = array<i32>} : memref<81x128xi32, #tpu.memory_space<vmem>>, vector<16xi32>,
        %get3A_1213 = arith.index_cast %add3A_1091 : i32 to index
        %get3A_1214 = arith.constant 64 : index
        %get3A_1215 = tpu.vector_load %arg9[%get3A_1213, %get3A_1214] {strides = array<i32>} : memref<81x128xi32, #tpu.memory_space<vmem>>, vector<16xi32>,
        %get3A_1216 = arith.index_cast %add3A_1091 : i32 to index
        %get3A_1217 = arith.constant 64 : index
        %get3A_1218 = tpu.vector_load %arg10[%get3A_1216, %get3A_1217] {strides = array<i32>} : memref<81x128xf32, #tpu.memory_space<vmem>>, vector<16xf32>,
        %gather3A_1219 = tpu.vector_load_idx %arg12[%get3A_1212] : memref<10240xf32, #tpu.memory_space<vmem>>[vector<16xi32>], vector<16xf32>,
        %mul3A_1220 = arith.mulf %gather3A_1219, %get3A_1218 : vector<16xf32>
        %gather3A_1221 = tpu.vector_load_idx %arg12[%get3A_1215] : memref<10240xf32, #tpu.memory_space<vmem>>[vector<16xi32>], vector<16xf32>,
        %mul3A_1222 = arith.mulf %mul3A_1220, %gather3A_1221 : vector<16xf32>
        %swap3A_1223 = arith.index_cast %add3A_1091 : i32 to index
        %swap3A_1224 = arith.constant 64 : index
        %swap3A_1225 = tpu.vector_load %arg10[%swap3A_1223, %swap3A_1224] {strides = array<i32>} : memref<81x128xf32, #tpu.memory_space<vmem>>, vector<16xf32>,
        tpu.vector_store %arg10[%swap3A_1223, %swap3A_1224], %mul3A_1222 {strides = array<i32>} : memref<81x128xf32, #tpu.memory_space<vmem>>, vector<16xf32>,
        %get3A_1226 = arith.index_cast %add3A_1091 : i32 to index
        %get3A_1227 = arith.constant 80 : index
        %get3A_1228 = tpu.vector_load %arg11[%get3A_1226, %get3A_1227] {strides = array<i32>} : memref<81x128xi32, #tpu.memory_space<vmem>>, vector<16xi32>,
        %get3A_1229 = arith.index_cast %add3A_1091 : i32 to index
        %get3A_1230 = arith.constant 80 : index
        %get3A_1231 = tpu.vector_load %arg9[%get3A_1229, %get3A_1230] {strides = array<i32>} : memref<81x128xi32, #tpu.memory_space<vmem>>, vector<16xi32>,
        %get3A_1232 = arith.index_cast %add3A_1091 : i32 to index
        %get3A_1233 = arith.constant 80 : index
        %get3A_1234 = tpu.vector_load %arg10[%get3A_1232, %get3A_1233] {strides = array<i32>} : memref<81x128xf32, #tpu.memory_space<vmem>>, vector<16xf32>,
        %gather3A_1235 = tpu.vector_load_idx %arg12[%get3A_1228] : memref<10240xf32, #tpu.memory_space<vmem>>[vector<16xi32>], vector<16xf32>,
        %mul3A_1236 = arith.mulf %gather3A_1235, %get3A_1234 : vector<16xf32>
        %gather3A_1237 = tpu.vector_load_idx %arg12[%get3A_1231] : memref<10240xf32, #tpu.memory_space<vmem>>[vector<16xi32>], vector<16xf32>,
        %mul3A_1238 = arith.mulf %mul3A_1236, %gather3A_1237 : vector<16xf32>
        %swap3A_1239 = arith.index_cast %add3A_1091 : i32 to index
        %swap3A_1240 = arith.constant 80 : index
        %swap3A_1241 = tpu.vector_load %arg10[%swap3A_1239, %swap3A_1240] {strides = array<i32>} : memref<81x128xf32, #tpu.memory_space<vmem>>, vector<16xf32>,
        tpu.vector_store %arg10[%swap3A_1239, %swap3A_1240], %mul3A_1238 {strides = array<i32>} : memref<81x128xf32, #tpu.memory_space<vmem>>, vector<16xf32>,
        %get3A_1242 = arith.index_cast %add3A_1091 : i32 to index
        %get3A_1243 = arith.constant 96 : index
        %get3A_1244 = tpu.vector_load %arg11[%get3A_1242, %get3A_1243] {strides = array<i32>} : memref<81x128xi32, #tpu.memory_space<vmem>>, vector<16xi32>,
        %get3A_1245 = arith.index_cast %add3A_1091 : i32 to index
        %get3A_1246 = arith.constant 96 : index
        %get3A_1247 = tpu.vector_load %arg9[%get3A_1245, %get3A_1246] {strides = array<i32>} : memref<81x128xi32, #tpu.memory_space<vmem>>, vector<16xi32>,
        %get3A_1248 = arith.index_cast %add3A_1091 : i32 to index
        %get3A_1249 = arith.constant 96 : index
        %get3A_1250 = tpu.vector_load %arg10[%get3A_1248, %get3A_1249] {strides = array<i32>} : memref<81x128xf32, #tpu.memory_space<vmem>>, vector<16xf32>,
        %gather3A_1251 = tpu.vector_load_idx %arg12[%get3A_1244] : memref<10240xf32, #tpu.memory_space<vmem>>[vector<16xi32>], vector<16xf32>,
        %mul3A_1252 = arith.mulf %gather3A_1251, %get3A_1250 : vector<16xf32>
        %gather3A_1253 = tpu.vector_load_idx %arg12[%get3A_1247] : memref<10240xf32, #tpu.memory_space<vmem>>[vector<16xi32>], vector<16xf32>,
        %mul3A_1254 = arith.mulf %mul3A_1252, %gather3A_1253 : vector<16xf32>
        %swap3A_1255 = arith.index_cast %add3A_1091 : i32 to index
        %swap3A_1256 = arith.constant 96 : index
        %swap3A_1257 = tpu.vector_load %arg10[%swap3A_1255, %swap3A_1256] {strides = array<i32>} : memref<81x128xf32, #tpu.memory_space<vmem>>, vector<16xf32>,
        tpu.vector_store %arg10[%swap3A_1255, %swap3A_1256], %mul3A_1254 {strides = array<i32>} : memref<81x128xf32, #tpu.memory_space<vmem>>, vector<16xf32>,
        %get3A_1258 = arith.index_cast %add3A_1091 : i32 to index
        %get3A_1259 = arith.constant 112 : index
        %get3A_1260 = tpu.vector_load %arg11[%get3A_1258, %get3A_1259] {strides = array<i32>} : memref<81x128xi32, #tpu.memory_space<vmem>>, vector<16xi32>,
        %get3A_1261 = arith.index_cast %add3A_1091 : i32 to index
        %get3A_1262 = arith.constant 112 : index
        %get3A_1263 = tpu.vector_load %arg9[%get3A_1261, %get3A_1262] {strides = array<i32>} : memref<81x128xi32, #tpu.memory_space<vmem>>, vector<16xi32>,
        %get3A_1264 = arith.index_cast %add3A_1091 : i32 to index
        %get3A_1265 = arith.constant 112 : index
        %get3A_1266 = tpu.vector_load %arg10[%get3A_1264, %get3A_1265] {strides = array<i32>} : memref<81x128xf32, #tpu.memory_space<vmem>>, vector<16xf32>,
        %gather3A_1267 = tpu.vector_load_idx %arg12[%get3A_1260] : memref<10240xf32, #tpu.memory_space<vmem>>[vector<16xi32>], vector<16xf32>,
        %mul3A_1268 = arith.mulf %gather3A_1267, %get3A_1266 : vector<16xf32>
        %gather3A_1269 = tpu.vector_load_idx %arg12[%get3A_1263] : memref<10240xf32, #tpu.memory_space<vmem>>[vector<16xi32>], vector<16xf32>,
        %mul3A_1270 = arith.mulf %mul3A_1268, %gather3A_1269 : vector<16xf32>
        %swap3A_1271 = arith.index_cast %add3A_1091 : i32 to index
        %swap3A_1272 = arith.constant 112 : index
        %swap3A_1273 = tpu.vector_load %arg10[%swap3A_1271, %swap3A_1272] {strides = array<i32>} : memref<81x128xf32, #tpu.memory_space<vmem>>, vector<16xf32>,
        tpu.vector_store %arg10[%swap3A_1271, %swap3A_1272], %mul3A_1270 {strides = array<i32>} : memref<81x128xf32, #tpu.memory_space<vmem>>, vector<16xf32>,
      } else {
      }
      %scan3A_1097 = arith.constant 0 : i32
      scf.yield %scan3A_1097 : i32
    }
    %scan3A_968 = arith.constant 81 : i32
    %dma_wait3A_969 = arith.constant 1 : i32
    %dma_wait3A_970 = arith.constant 77 : i32
    %dma_wait3A_971 = arith.constant 1 : i32
    %dma_wait3A_972 = arith.constant 0 : i32
    %dma_wait3A_973 = arith.constant 0 : i32
    %dma_wait3A_974 = tpu.memref_slice %arg16[%dma_wait3A_969, %dma_wait3A_972, %dma_wait3A_973] : memref<4x128x64xf32, #tpu.memory_space<vmem>> -> memref<1x128x64xf32, #tpu.memory_space<vmem>>
    %dma_wait3A_975 = tpu.memref_squeeze %dma_wait3A_974 : memref<1x128x64xf32, #tpu.memory_space<vmem>> -> memref<128x64xf32, #tpu.memory_space<vmem>>
    %dma_wait3A_976 = arith.constant 0 : i32
    %dma_wait3A_977 = tpu.memref_slice %arg9[%dma_wait3A_970, %dma_wait3A_976] : memref<81x128xi32, #tpu.memory_space<vmem>> -> memref<1x128xi32, #tpu.memory_space<vmem>>
    %dma_wait3A_978 = tpu.memref_squeeze %dma_wait3A_977 : memref<1x128xi32, #tpu.memory_space<vmem>> -> memref<128xi32, #tpu.memory_space<vmem>>
    %dma_wait3A_979 = arith.constant 0 : i32
    %dma_wait3A_980 = arith.constant 0 : i32
    %dma_wait3A_981 = tpu.memref_slice %arg20[%dma_wait3A_979, %dma_wait3A_980] : memref<10240x64xf32, #tpu.memory_space<vmem_shared>> -> memref<10240x64xf32, #tpu.memory_space<vmem_shared>>
    %dma_wait3A_982 = tpu.memref_slice %arg18[%dma_wait3A_971] : memref<4x!tpu.dma_semaphore, #tpu.memory_space<semaphore_mem>> -> memref<1x!tpu.dma_semaphore, #tpu.memory_space<semaphore_mem>>
    %dma_wait3A_983 = tpu.memref_squeeze %dma_wait3A_982 : memref<1x!tpu.dma_semaphore, #tpu.memory_space<semaphore_mem>> -> memref<!tpu.dma_semaphore, #tpu.memory_space<semaphore_mem>>
    tpu.wait_indirect_dma semaphore(%dma_wait3A_983 : memref<!tpu.dma_semaphore, #tpu.memory_space<semaphore_mem>>) src(%dma_wait3A_975 : memref<128x64xf32, #tpu.memory_space<vmem>>) dst(%dma_wait3A_981 : memref<10240x64xf32, #tpu.memory_space<vmem_shared>>)
    %dma_wait3A_984 = arith.constant 2 : i32
    %dma_wait3A_985 = arith.constant 78 : i32
    %dma_wait3A_986 = arith.constant 2 : i32
    %dma_wait3A_987 = arith.constant 0 : i32
    %dma_wait3A_988 = arith.constant 0 : i32
    %dma_wait3A_989 = tpu.memref_slice %arg16[%dma_wait3A_984, %dma_wait3A_987, %dma_wait3A_988] : memref<4x128x64xf32, #tpu.memory_space<vmem>> -> memref<1x128x64xf32, #tpu.memory_space<vmem>>
    %dma_wait3A_990 = tpu.memref_squeeze %dma_wait3A_989 : memref<1x128x64xf32, #tpu.memory_space<vmem>> -> memref<128x64xf32, #tpu.memory_space<vmem>>
    %dma_wait3A_991 = arith.constant 0 : i32
    %dma_wait3A_992 = tpu.memref_slice %arg9[%dma_wait3A_985, %dma_wait3A_991] : memref<81x128xi32, #tpu.memory_space<vmem>> -> memref<1x128xi32, #tpu.memory_space<vmem>>
    %dma_wait3A_993 = tpu.memref_squeeze %dma_wait3A_992 : memref<1x128xi32, #tpu.memory_space<vmem>> -> memref<128xi32, #tpu.memory_space<vmem>>
    %dma_wait3A_994 = arith.constant 0 : i32
    %dma_wait3A_995 = arith.constant 0 : i32
    %dma_wait3A_996 = tpu.memref_slice %arg20[%dma_wait3A_994, %dma_wait3A_995] : memref<10240x64xf32, #tpu.memory_space<vmem_shared>> -> memref<10240x64xf32, #tpu.memory_space<vmem_shared>>
    %dma_wait3A_997 = tpu.memref_slice %arg18[%dma_wait3A_986] : memref<4x!tpu.dma_semaphore, #tpu.memory_space<semaphore_mem>> -> memref<1x!tpu.dma_semaphore, #tpu.memory_space<semaphore_mem>>
    %dma_wait3A_998 = tpu.memref_squeeze %dma_wait3A_997 : memref<1x!tpu.dma_semaphore, #tpu.memory_space<semaphore_mem>> -> memref<!tpu.dma_semaphore, #tpu.memory_space<semaphore_mem>>
    tpu.wait_indirect_dma semaphore(%dma_wait3A_998 : memref<!tpu.dma_semaphore, #tpu.memory_space<semaphore_mem>>) src(%dma_wait3A_990 : memref<128x64xf32, #tpu.memory_space<vmem>>) dst(%dma_wait3A_996 : memref<10240x64xf32, #tpu.memory_space<vmem_shared>>)
    %dma_wait3A_999 = arith.constant 3 : i32
    %dma_wait3A_1000 = arith.constant 79 : i32
    %dma_wait3A_1001 = arith.constant 3 : i32
    %dma_wait3A_1002 = arith.constant 0 : i32
    %dma_wait3A_1003 = arith.constant 0 : i32
    %dma_wait3A_1004 = tpu.memref_slice %arg16[%dma_wait3A_999, %dma_wait3A_1002, %dma_wait3A_1003] : memref<4x128x64xf32, #tpu.memory_space<vmem>> -> memref<1x128x64xf32, #tpu.memory_space<vmem>>
    %dma_wait3A_1005 = tpu.memref_squeeze %dma_wait3A_1004 : memref<1x128x64xf32, #tpu.memory_space<vmem>> -> memref<128x64xf32, #tpu.memory_space<vmem>>
    %dma_wait3A_1006 = arith.constant 0 : i32
    %dma_wait3A_1007 = tpu.memref_slice %arg9[%dma_wait3A_1000, %dma_wait3A_1006] : memref<81x128xi32, #tpu.memory_space<vmem>> -> memref<1x128xi32, #tpu.memory_space<vmem>>
    %dma_wait3A_1008 = tpu.memref_squeeze %dma_wait3A_1007 : memref<1x128xi32, #tpu.memory_space<vmem>> -> memref<128xi32, #tpu.memory_space<vmem>>
    %dma_wait3A_1009 = arith.constant 0 : i32
    %dma_wait3A_1010 = arith.constant 0 : i32
    %dma_wait3A_1011 = tpu.memref_slice %arg20[%dma_wait3A_1009, %dma_wait3A_1010] : memref<10240x64xf32, #tpu.memory_space<vmem_shared>> -> memref<10240x64xf32, #tpu.memory_space<vmem_shared>>
    %dma_wait3A_1012 = tpu.memref_slice %arg18[%dma_wait3A_1001] : memref<4x!tpu.dma_semaphore, #tpu.memory_space<semaphore_mem>> -> memref<1x!tpu.dma_semaphore, #tpu.memory_space<semaphore_mem>>
    %dma_wait3A_1013 = tpu.memref_squeeze %dma_wait3A_1012 : memref<1x!tpu.dma_semaphore, #tpu.memory_space<semaphore_mem>> -> memref<!tpu.dma_semaphore, #tpu.memory_space<semaphore_mem>>
    tpu.wait_indirect_dma semaphore(%dma_wait3A_1013 : memref<!tpu.dma_semaphore, #tpu.memory_space<semaphore_mem>>) src(%dma_wait3A_1005 : memref<128x64xf32, #tpu.memory_space<vmem>>) dst(%dma_wait3A_1011 : memref<10240x64xf32, #tpu.memory_space<vmem_shared>>)
    %dma_wait3A_1014 = arith.constant 0 : i32
    %dma_wait3A_1015 = arith.constant 80 : i32
    %dma_wait3A_1016 = arith.constant 0 : i32
    %dma_wait3A_1017 = arith.constant 0 : i32
    %dma_wait3A_1018 = arith.constant 0 : i32
    %dma_wait3A_1019 = tpu.memref_slice %arg16[%dma_wait3A_1014, %dma_wait3A_1017, %dma_wait3A_1018] : memref<4x128x64xf32, #tpu.memory_space<vmem>> -> memref<1x128x64xf32, #tpu.memory_space<vmem>>
    %dma_wait3A_1020 = tpu.memref_squeeze %dma_wait3A_1019 : memref<1x128x64xf32, #tpu.memory_space<vmem>> -> memref<128x64xf32, #tpu.memory_space<vmem>>
    %dma_wait3A_1021 = arith.constant 0 : i32
    %dma_wait3A_1022 = tpu.memref_slice %arg9[%dma_wait3A_1015, %dma_wait3A_1021] : memref<81x128xi32, #tpu.memory_space<vmem>> -> memref<1x128xi32, #tpu.memory_space<vmem>>
    %dma_wait3A_1023 = tpu.memref_squeeze %dma_wait3A_1022 : memref<1x128xi32, #tpu.memory_space<vmem>> -> memref<128xi32, #tpu.memory_space<vmem>>
    %dma_wait3A_1024 = arith.constant 0 : i32
    %dma_wait3A_1025 = arith.constant 0 : i32
    %dma_wait3A_1026 = tpu.memref_slice %arg20[%dma_wait3A_1024, %dma_wait3A_1025] : memref<10240x64xf32, #tpu.memory_space<vmem_shared>> -> memref<10240x64xf32, #tpu.memory_space<vmem_shared>>
    %dma_wait3A_1027 = tpu.memref_slice %arg18[%dma_wait3A_1016] : memref<4x!tpu.dma_semaphore, #tpu.memory_space<semaphore_mem>> -> memref<1x!tpu.dma_semaphore, #tpu.memory_space<semaphore_mem>>
    %dma_wait3A_1028 = tpu.memref_squeeze %dma_wait3A_1027 : memref<1x!tpu.dma_semaphore, #tpu.memory_space<semaphore_mem>> -> memref<!tpu.dma_semaphore, #tpu.memory_space<semaphore_mem>>
    tpu.wait_indirect_dma semaphore(%dma_wait3A_1028 : memref<!tpu.dma_semaphore, #tpu.memory_space<semaphore_mem>>) src(%dma_wait3A_1020 : memref<128x64xf32, #tpu.memory_space<vmem>>) dst(%dma_wait3A_1026 : memref<10240x64xf32, #tpu.memory_space<vmem_shared>>)
    %barrier3A_1029 = arith.constant 0 : index
    tpu.barrier barrier_id(%barrier3A_1029)
    %mul3A_1030 = arith.constant 640 : i32
    %mul3A_1031 = arith.muli %arg1, %mul3A_1030 : i32
    %mul3A_1032 = arith.constant 640 : i32
    %mul3A_1033 = arith.muli %arg1, %mul3A_1032 : i32
    "tpu.region"() ({
      %run_scoped3A_1039 = tpu.sem_alloc : memref<!tpu.dma_semaphore, #tpu.memory_space<semaphore_mem>>
      %dma_start3A_1040 = arith.constant 0 : i32
      %dma_start3A_1041 = arith.constant 0 : i32
      %dma_start3A_1042 = tpu.memref_slice %arg7[%arg0, %dma_start3A_1040, %dma_start3A_1041] : memref<2x10240x64xf32, #tpu.memory_space<hbm>> -> memref<1x10240x64xf32, #tpu.memory_space<hbm>>
      %dma_start3A_1043 = tpu.memref_squeeze %dma_start3A_1042 : memref<1x10240x64xf32, #tpu.memory_space<hbm>> -> memref<10240x64xf32, #tpu.memory_space<hbm>>
      %dma_start3A_1044 = arith.constant 0 : i32
      %dma_start3A_1045 = tpu.memref_slice %dma_start3A_1043[%mul3A_1033, %dma_start3A_1044] : memref<10240x64xf32, #tpu.memory_space<hbm>> -> memref<640x64xf32, #tpu.memory_space<hbm>>
      %dma_start3A_1046 = arith.constant 0 : i32
      %dma_start3A_1047 = tpu.memref_slice %arg20[%mul3A_1031, %dma_start3A_1046] : memref<10240x64xf32, #tpu.memory_space<vmem_shared>> -> memref<640x64xf32, #tpu.memory_space<vmem_shared>>
      tpu.enqueue_dma source(%dma_start3A_1047 : memref<640x64xf32, #tpu.memory_space<vmem_shared>>) target(%dma_start3A_1045 : memref<640x64xf32, #tpu.memory_space<hbm>>) target_semaphore(%run_scoped3A_1039 : memref<!tpu.dma_semaphore, #tpu.memory_space<semaphore_mem>>)
      %dma_wait3A_1048 = arith.constant 0 : i32
      %dma_wait3A_1049 = arith.constant 0 : i32
      %dma_wait3A_1050 = tpu.memref_slice %arg7[%arg0, %dma_wait3A_1048, %dma_wait3A_1049] : memref<2x10240x64xf32, #tpu.memory_space<hbm>> -> memref<1x10240x64xf32, #tpu.memory_space<hbm>>
      %dma_wait3A_1051 = tpu.memref_squeeze %dma_wait3A_1050 : memref<1x10240x64xf32, #tpu.memory_space<hbm>> -> memref<10240x64xf32, #tpu.memory_space<hbm>>
      %dma_wait3A_1052 = arith.constant 0 : i32
      %dma_wait3A_1053 = tpu.memref_slice %dma_wait3A_1051[%mul3A_1033, %dma_wait3A_1052] : memref<10240x64xf32, #tpu.memory_space<hbm>> -> memref<640x64xf32, #tpu.memory_space<hbm>>
      %dma_wait3A_1054 = arith.constant 0 : i32
      %dma_wait3A_1055 = tpu.memref_slice %arg20[%mul3A_1031, %dma_wait3A_1054] : memref<10240x64xf32, #tpu.memory_space<vmem_shared>> -> memref<640x64xf32, #tpu.memory_space<vmem_shared>>
      tpu.wait_dma2 semaphore(%run_scoped3A_1039 : memref<!tpu.dma_semaphore, #tpu.memory_space<semaphore_mem>>) src(%dma_wait3A_1055 : memref<640x64xf32, #tpu.memory_space<vmem_shared>>) dst(%dma_wait3A_1053 : memref<640x64xf32, #tpu.memory_space<hbm>>)
      tpu.yield
    }) : () -> ()
    %eq3A_1034 = arith.constant 0 : i32
    %eq3A_1035 = arith.cmpi eq, %arg0, %eq3A_1034 : i32
    %convert_element_type3A_1036 = arith.extui %eq3A_1035 : i1 to i32
    %cond3A_1037 = arith.constant 0 : i32
    %cond3A_1038 = arith.cmpi ne, %convert_element_type3A_1036, %cond3A_1037 : i32
    scf.if %cond3A_1038 {
      %mul3A_1039 = arith.constant 640 : i32
      %mul3A_1040 = arith.muli %arg1, %mul3A_1039 : i32
      %mul3A_1041 = arith.constant 640 : i32
      %mul3A_1042 = arith.muli %arg1, %mul3A_1041 : i32
      "tpu.region"() ({
        %run_scoped3A_1043 = tpu.sem_alloc : memref<!tpu.dma_semaphore, #tpu.memory_space<semaphore_mem>>
        %dma_start3A_1044 = tpu.memref_slice %arg8[%mul3A_1042] : memref<10240xf32, #tpu.memory_space<hbm>> -> memref<640xf32, #tpu.memory_space<hbm>>
        %dma_start3A_1045 = tpu.memref_slice %arg22[%mul3A_1040] : memref<10240xf32, #tpu.memory_space<vmem_shared>> -> memref<640xf32, #tpu.memory_space<vmem_shared>>
        tpu.enqueue_dma source(%dma_start3A_1045 : memref<640xf32, #tpu.memory_space<vmem_shared>>) target(%dma_start3A_1044 : memref<640xf32, #tpu.memory_space<hbm>>) target_semaphore(%run_scoped3A_1043 : memref<!tpu.dma_semaphore, #tpu.memory_space<semaphore_mem>>)
        %dma_wait3A_1046 = tpu.memref_slice %arg8[%mul3A_1042] : memref<10240xf32, #tpu.memory_space<hbm>> -> memref<640xf32, #tpu.memory_space<hbm>>
        %dma_wait3A_1047 = tpu.memref_slice %arg22[%mul3A_1040] : memref<10240xf32, #tpu.memory_space<vmem_shared>> -> memref<640xf32, #tpu.memory_space<vmem_shared>>
        tpu.wait_dma2 semaphore(%run_scoped3A_1043 : memref<!tpu.dma_semaphore, #tpu.memory_space<semaphore_mem>>) src(%dma_wait3A_1047 : memref<640xf32, #tpu.memory_space<vmem_shared>>) dst(%dma_wait3A_1046 : memref<640xf32, #tpu.memory_space<hbm>>)
        tpu.yield
      }) : () -> ()
    } else {
    }
    return
  }
}

module attributes {stable_mosaic.version = 14 : i64} {
  func.func @body(%arg0: i32, %arg1: memref<2x2048x64xf32, #tpu.memory_space<vmem>>, %arg2: memref<2048x128xf32, #tpu.memory_space<vmem>>, %arg3: memref<16x128xf32, #tpu.memory_space<vmem>>, %arg4: memref<128x384xf32, #tpu.memory_space<vmem>>, %arg5: memref<1x384xf32, #tpu.memory_space<vmem>>, %arg6: memref<128x384xf32, #tpu.memory_space<vmem>>, %arg7: memref<128x256xf32, #tpu.memory_space<vmem>>, %arg8: memref<1x256xf32, #tpu.memory_space<vmem>>, %arg9: memref<128x128xf32, #tpu.memory_space<vmem>>, %arg10: memref<1x128xf32, #tpu.memory_space<vmem>>, %arg11: memref<2048x128xf32, #tpu.memory_space<vmem>>, %arg12: memref<16x128xf32, #tpu.memory_space<vmem>>) attributes {dimension_semantics = [#tpu.dimension_semantics<arbitrary>], iteration_bounds = array<i64: 5>, scalar_prefetch = 0 : i64, scratch_operands = 0 : i64, tpu.core_type = #tpu.core_type<tc>, window_params = [{transform_indices = @transform_0, window_bounds = array<i64: 2, 2048, 64>}, {transform_indices = @transform_1, window_bounds = array<i64: 2048, 128>}, {transform_indices = @transform_2, window_bounds = array<i64: 16, 128>}, {pipeline_mode = #tpu.pipeline_mode<synchronous>, transform_indices = @transform_3, window_bounds = array<i64: 128, 384>}, {pipeline_mode = #tpu.pipeline_mode<synchronous>, transform_indices = @transform_4, window_bounds = array<i64: 1, 384>}, {pipeline_mode = #tpu.pipeline_mode<synchronous>, transform_indices = @transform_5, window_bounds = array<i64: 128, 384>}, {pipeline_mode = #tpu.pipeline_mode<synchronous>, transform_indices = @transform_6, window_bounds = array<i64: 128, 256>}, {pipeline_mode = #tpu.pipeline_mode<synchronous>, transform_indices = @transform_7, window_bounds = array<i64: 1, 256>}, {pipeline_mode = #tpu.pipeline_mode<synchronous>, transform_indices = @transform_8, window_bounds = array<i64: 128, 128>}, {pipeline_mode = #tpu.pipeline_mode<synchronous>, transform_indices = @transform_9, window_bounds = array<i64: 1, 128>}, {transform_indices = @transform_10, window_bounds = array<i64: 2048, 128>}, {pipeline_mode = #tpu.pipeline_mode<synchronous>, transform_indices = @transform_11, window_bounds = array<i64: 16, 128>}]} {
    %get3A = arith.constant 0 : index
    %get3A_0 = arith.constant 0 : index
    %get3A_1 = vector.load %arg4[%get3A, %get3A_0] : memref<128x384xf32, #tpu.memory_space<vmem>>, vector<128x384xf32>
    %get3A_2 = arith.constant 0 : index
    %get3A_3 = arith.constant 0 : index
    %get3A_4 = arith.constant 0 : index
    %get3A_5 = vector.load %arg1[%get3A_2, %get3A_3, %get3A_4] : memref<2x2048x64xf32, #tpu.memory_space<vmem>>, vector<1x2048x64xf32>
    %get3A_6 = vector.shape_cast %get3A_5 : vector<1x2048x64xf32> to vector<2048x64xf32>
    %slice3A = vector.extract_strided_slice %get3A_1 {offsets = [0, 0], sizes = [64, 384], strides = [1, 1]} : vector<128x384xf32> to vector<64x384xf32>
    %dot_general3A = arith.constant dense<0.000000e+00> : vector<2048x384xf32>
    %dot_general3A_7 = tpu.matmul %get3A_6, %slice3A, %dot_general3A {dimension_numbers = #tpu.dot_dimension_numbers<[1], [0], [0], [1], [0, 0, 1, 1], [], []>, transpose_lhs_hint = false} : vector<2048x64xf32>, vector<64x384xf32>, vector<2048x384xf32> -> vector<2048x384xf32>
    %get3A_8 = arith.constant 1 : index
    %get3A_9 = arith.constant 0 : index
    %get3A_10 = arith.constant 0 : index
    %get3A_11 = vector.load %arg1[%get3A_8, %get3A_9, %get3A_10] : memref<2x2048x64xf32, #tpu.memory_space<vmem>>, vector<1x2048x64xf32>
    %get3A_12 = vector.shape_cast %get3A_11 : vector<1x2048x64xf32> to vector<2048x64xf32>
    %slice3A_13 = vector.extract_strided_slice %get3A_1 {offsets = [64, 0], sizes = [64, 384], strides = [1, 1]} : vector<128x384xf32> to vector<64x384xf32>
    %dot_general3A_14 = arith.constant dense<0.000000e+00> : vector<2048x384xf32>
    %dot_general3A_15 = tpu.matmul %get3A_12, %slice3A_13, %dot_general3A_14 {dimension_numbers = #tpu.dot_dimension_numbers<[1], [0], [0], [1], [0, 0, 1, 1], [], []>, transpose_lhs_hint = false} : vector<2048x64xf32>, vector<64x384xf32>, vector<2048x384xf32> -> vector<2048x384xf32>
    %add3A = arith.addf %dot_general3A_7, %dot_general3A_15 : vector<2048x384xf32>
    %get3A_16 = arith.constant 0 : index
    %get3A_17 = arith.constant 0 : index
    %get3A_18 = vector.load %arg5[%get3A_16, %get3A_17] : memref<1x384xf32, #tpu.memory_space<vmem>>, vector<1x384xf32>
    %add3A_19 = vector.broadcast %get3A_18 : vector<1x384xf32> to vector<2048x384xf32>
    %add3A_20 = arith.addf %add3A, %add3A_19 : vector<2048x384xf32>
    %slice3A_21 = vector.extract_strided_slice %add3A_20 {offsets = [0, 0], sizes = [2048, 128], strides = [1, 1]} : vector<2048x384xf32> to vector<2048x128xf32>
    %get3A_22 = arith.constant 0 : index
    %get3A_23 = arith.constant 0 : index
    %get3A_24 = vector.load %arg6[%get3A_22, %get3A_23] : memref<128x384xf32, #tpu.memory_space<vmem>>, vector<128x128xf32>
    %dot_general3A_25 = arith.constant dense<0.000000e+00> : vector<2048x128xf32>
    %dot_general3A_26 = tpu.matmul %slice3A_21, %get3A_24, %dot_general3A_25 {dimension_numbers = #tpu.dot_dimension_numbers<[1], [0], [0], [1], [0, 0, 1, 1], [], []>, transpose_lhs_hint = false} : vector<2048x128xf32>, vector<128x128xf32>, vector<2048x128xf32> -> vector<2048x128xf32>
    %slice3A_27 = vector.extract_strided_slice %add3A_20 {offsets = [0, 128], sizes = [2048, 128], strides = [1, 1]} : vector<2048x384xf32> to vector<2048x128xf32>
    %get3A_28 = arith.constant 0 : index
    %get3A_29 = arith.constant 128 : index
    %get3A_30 = vector.load %arg6[%get3A_28, %get3A_29] : memref<128x384xf32, #tpu.memory_space<vmem>>, vector<128x128xf32>
    %dot_general3A_31 = arith.constant dense<0.000000e+00> : vector<2048x128xf32>
    %dot_general3A_32 = tpu.matmul %slice3A_27, %get3A_30, %dot_general3A_31 {dimension_numbers = #tpu.dot_dimension_numbers<[1], [0], [0], [1], [0, 0, 1, 1], [], []>, transpose_lhs_hint = false} : vector<2048x128xf32>, vector<128x128xf32>, vector<2048x128xf32> -> vector<2048x128xf32>
    %slice3A_33 = vector.extract_strided_slice %add3A_20 {offsets = [0, 256], sizes = [2048, 128], strides = [1, 1]} : vector<2048x384xf32> to vector<2048x128xf32>
    %get3A_34 = arith.constant 0 : index
    %get3A_35 = arith.constant 256 : index
    %get3A_36 = vector.load %arg6[%get3A_34, %get3A_35] : memref<128x384xf32, #tpu.memory_space<vmem>>, vector<128x128xf32>
    %dot_general3A_37 = arith.constant dense<0.000000e+00> : vector<2048x128xf32>
    %dot_general3A_38 = tpu.matmul %slice3A_33, %get3A_36, %dot_general3A_37 {dimension_numbers = #tpu.dot_dimension_numbers<[1], [0], [0], [1], [0, 0, 1, 1], [], []>, transpose_lhs_hint = false} : vector<2048x128xf32>, vector<128x128xf32>, vector<2048x128xf32> -> vector<2048x128xf32>
    %get3A_39 = arith.constant 0 : index
    %get3A_40 = arith.constant 0 : index
    %get3A_41 = vector.load %arg2[%get3A_39, %get3A_40] : memref<2048x128xf32, #tpu.memory_space<vmem>>, vector<2048x128xf32>
    %get3A_42 = arith.constant 0 : index
    %get3A_43 = arith.constant 0 : index
    %get3A_44 = vector.load %arg7[%get3A_42, %get3A_43] : memref<128x256xf32, #tpu.memory_space<vmem>>, vector<128x256xf32>
    %dot_general3A_45 = arith.constant dense<0.000000e+00> : vector<2048x256xf32>
    %dot_general3A_46 = tpu.matmul %get3A_41, %get3A_44, %dot_general3A_45 {dimension_numbers = #tpu.dot_dimension_numbers<[1], [0], [0], [1], [0, 0, 1, 1], [], []>, transpose_lhs_hint = false} : vector<2048x128xf32>, vector<128x256xf32>, vector<2048x256xf32> -> vector<2048x256xf32>
    %slice3A_47 = vector.extract_strided_slice %dot_general3A_46 {offsets = [0, 0], sizes = [2048, 128], strides = [1, 1]} : vector<2048x256xf32> to vector<2048x128xf32>
    %add3A_48 = arith.addf %dot_general3A_26, %slice3A_47 : vector<2048x128xf32>
    %get3A_49 = arith.constant 0 : index
    %get3A_50 = arith.constant 0 : index
    %get3A_51 = vector.load %arg8[%get3A_49, %get3A_50] : memref<1x256xf32, #tpu.memory_space<vmem>>, vector<1x256xf32>
    %slice3A_52 = vector.extract_strided_slice %get3A_51 {offsets = [0, 0], sizes = [1, 128], strides = [1, 1]} : vector<1x256xf32> to vector<1x128xf32>
    %add3A_53 = vector.broadcast %slice3A_52 : vector<1x128xf32> to vector<2048x128xf32>
    %add3A_54 = arith.addf %add3A_48, %add3A_53 : vector<2048x128xf32>
    %logistic3A = arith.negf %add3A_54 : vector<2048x128xf32>
    %logistic3A_55 = math.exp %logistic3A : vector<2048x128xf32>
    %logistic3A_56 = arith.constant 1.000000e+00 : f32
    %logistic3A_57 = vector.broadcast %logistic3A_56 : f32 to vector<2048x128xf32>
    %logistic3A_58 = arith.addf %logistic3A_57, %logistic3A_55 : vector<2048x128xf32>
    %logistic3A_59 = arith.divf %logistic3A_57, %logistic3A_58 : vector<2048x128xf32>
    %slice3A_60 = vector.extract_strided_slice %dot_general3A_46 {offsets = [0, 128], sizes = [2048, 128], strides = [1, 1]} : vector<2048x256xf32> to vector<2048x128xf32>
    %add3A_61 = arith.addf %dot_general3A_32, %slice3A_60 : vector<2048x128xf32>
    %get3A_62 = arith.constant 0 : index
    %get3A_63 = arith.constant 0 : index
    %get3A_64 = vector.load %arg8[%get3A_62, %get3A_63] : memref<1x256xf32, #tpu.memory_space<vmem>>, vector<1x256xf32>
    %slice3A_65 = vector.extract_strided_slice %get3A_64 {offsets = [0, 128], sizes = [1, 128], strides = [1, 1]} : vector<1x256xf32> to vector<1x128xf32>
    %add3A_66 = vector.broadcast %slice3A_65 : vector<1x128xf32> to vector<2048x128xf32>
    %add3A_67 = arith.addf %add3A_61, %add3A_66 : vector<2048x128xf32>
    %logistic3A_68 = arith.negf %add3A_67 : vector<2048x128xf32>
    %logistic3A_69 = math.exp %logistic3A_68 : vector<2048x128xf32>
    %logistic3A_70 = arith.constant 1.000000e+00 : f32
    %logistic3A_71 = vector.broadcast %logistic3A_70 : f32 to vector<2048x128xf32>
    %logistic3A_72 = arith.addf %logistic3A_71, %logistic3A_69 : vector<2048x128xf32>
    %logistic3A_73 = arith.divf %logistic3A_71, %logistic3A_72 : vector<2048x128xf32>
    %mul3A = arith.mulf %get3A_41, %logistic3A_73 : vector<2048x128xf32>
    %get3A_74 = arith.constant 0 : index
    %get3A_75 = arith.constant 0 : index
    %get3A_76 = vector.load %arg9[%get3A_74, %get3A_75] : memref<128x128xf32, #tpu.memory_space<vmem>>, vector<128x128xf32>
    %dot_general3A_77 = arith.constant dense<0.000000e+00> : vector<2048x128xf32>
    %dot_general3A_78 = tpu.matmul %mul3A, %get3A_76, %dot_general3A_77 {dimension_numbers = #tpu.dot_dimension_numbers<[1], [0], [0], [1], [0, 0, 1, 1], [], []>, transpose_lhs_hint = false} : vector<2048x128xf32>, vector<128x128xf32>, vector<2048x128xf32> -> vector<2048x128xf32>
    %add3A_79 = arith.addf %dot_general3A_38, %dot_general3A_78 : vector<2048x128xf32>
    %get3A_80 = arith.constant 0 : index
    %get3A_81 = arith.constant 0 : index
    %get3A_82 = vector.load %arg10[%get3A_80, %get3A_81] : memref<1x128xf32, #tpu.memory_space<vmem>>, vector<1x128xf32>
    %add3A_83 = vector.broadcast %get3A_82 : vector<1x128xf32> to vector<2048x128xf32>
    %add3A_84 = arith.addf %add3A_79, %add3A_83 : vector<2048x128xf32>
    %tanh3A = math.tanh %add3A_84 : vector<2048x128xf32>
    %mul3A_85 = arith.mulf %logistic3A_59, %get3A_41 : vector<2048x128xf32>
    %sub3A = arith.constant 1.000000e+00 : f32
    %sub3A_86 = vector.broadcast %sub3A : f32 to vector<2048x128xf32>
    %sub3A_87 = arith.subf %sub3A_86, %logistic3A_59 : vector<2048x128xf32>
    %mul3A_88 = arith.mulf %sub3A_87, %tanh3A : vector<2048x128xf32>
    %add3A_89 = arith.addf %mul3A_85, %mul3A_88 : vector<2048x128xf32>
    %swap3A = arith.constant 0 : index
    %swap3A_90 = arith.constant 0 : index
    %swap3A_91 = vector.load %arg11[%swap3A, %swap3A_90] : memref<2048x128xf32, #tpu.memory_space<vmem>>, vector<2048x128xf32>
    tpu.vector_store %arg11[%swap3A, %swap3A_90], %add3A_89 {strides = array<i32>} : memref<2048x128xf32, #tpu.memory_space<vmem>>, vector<2048x128xf32>,
    %iota3A = tpu.iota {dimensions = array<i32: 0>} : vector<16x128xi32>
    %iota3A_92 = tpu.iota {dimensions = array<i32: 1>} : vector<16x128xi32>
    %mul3A_93 = arith.constant 2048 : i32
    %mul3A_94 = arith.muli %arg0, %mul3A_93 : i32
    %mul3A_95 = arith.constant 128 : i32
    %mul3A_96 = vector.broadcast %mul3A_95 : i32 to vector<16x128xi32>
    %mul3A_97 = arith.muli %iota3A, %mul3A_96 : vector<16x128xi32>
    %add3A_98 = vector.broadcast %mul3A_94 : i32 to vector<16x128xi32>
    %add3A_99 = arith.addi %add3A_98, %mul3A_97 : vector<16x128xi32>
    %add3A_100 = arith.addi %add3A_99, %iota3A_92 : vector<16x128xi32>
    %lt3A = arith.constant 10000 : i32
    %lt3A_101 = vector.broadcast %lt3A : i32 to vector<16x128xi32>
    %lt3A_102 = arith.cmpi slt, %add3A_100, %lt3A_101 : vector<16x128xi32>
    %get3A_103 = arith.constant 0 : index
    %get3A_104 = arith.constant 0 : index
    %get3A_105 = vector.load %arg3[%get3A_103, %get3A_104] : memref<16x128xf32, #tpu.memory_space<vmem>>, vector<16x128xf32>
    %jit3A = arith.constant 0.000000e+00 : f32
    %broadcast_in_dim3A = vector.broadcast %jit3A : f32 to vector<16x128xf32>
    %select_n3A = arith.select %lt3A_102, %get3A_105, %broadcast_in_dim3A : vector<16x128xi1>, vector<16x128xf32>
    %max3A = arith.constant 0.000000e+00 : f32
    %max3A_106 = vector.broadcast %max3A : f32 to vector<2048x128xf32>
    %max3A_107 = arith.maximumf %add3A_89, %max3A_106 : vector<2048x128xf32>
    %reshape3A = vector.shape_cast %max3A_107 : vector<2048x128xf32> to vector<16x128x128xf32>
    %dot_general3A_108 = arith.constant dense<0.000000e+00> : vector<16x128xf32>
    %dot_general3A_109 = tpu.matmul %select_n3A, %reshape3A, %dot_general3A_108 {dimension_numbers = #tpu.dot_dimension_numbers<[1], [1], [], [2], [0, 0, 1, 2], [0], [0]>, transpose_lhs_hint = false} : vector<16x128xf32>, vector<16x128x128xf32>, vector<16x128xf32> -> vector<16x128xf32>
    %eq3A = arith.constant 0 : i32
    %eq3A_110 = arith.cmpi eq, %arg0, %eq3A : i32
    %convert_element_type3A = arith.extui %eq3A_110 : i1 to i32
    %cond3A = arith.constant 0 : i32
    %cond3A_111 = arith.cmpi ne, %convert_element_type3A, %cond3A : i32
    scf.if %cond3A_111 {
      %broadcast_in_dim3A_119 = arith.constant 0.000000e+00 : f32
      %broadcast_in_dim3A_120 = vector.broadcast %broadcast_in_dim3A_119 : f32 to vector<16x128xf32>
      %swap3A_121 = arith.constant 0 : index
      %swap3A_122 = arith.constant 0 : index
      %swap3A_123 = vector.load %arg12[%swap3A_121, %swap3A_122] : memref<16x128xf32, #tpu.memory_space<vmem>>, vector<16x128xf32>
      tpu.vector_store %arg12[%swap3A_121, %swap3A_122], %broadcast_in_dim3A_120 {strides = array<i32>} : memref<16x128xf32, #tpu.memory_space<vmem>>, vector<16x128xf32>,
    } else {
    }
    %get3A_112 = arith.constant 0 : index
    %get3A_113 = arith.constant 0 : index
    %get3A_114 = vector.load %arg12[%get3A_112, %get3A_113] : memref<16x128xf32, #tpu.memory_space<vmem>>, vector<16x128xf32>
    %add3A_115 = arith.addf %get3A_114, %dot_general3A_109 : vector<16x128xf32>
    %swap3A_116 = arith.constant 0 : index
    %swap3A_117 = arith.constant 0 : index
    %swap3A_118 = vector.load %arg12[%swap3A_116, %swap3A_117] : memref<16x128xf32, #tpu.memory_space<vmem>>, vector<16x128xf32>
    tpu.vector_store %arg12[%swap3A_116, %swap3A_117], %add3A_115 {strides = array<i32>} : memref<16x128xf32, #tpu.memory_space<vmem>>, vector<16x128xf32>,
    return
  }
  func.func @transform_0(%arg0: i32) -> (i32, i32, i32) {
    %c0_i32 = arith.constant 0 : i32
    %c0_i32_0 = arith.constant 0 : i32
    %c0_i32_1 = arith.constant 0 : i32
    return %c0_i32, %arg0, %c0_i32_0 : i32, i32, i32
  }
  func.func @transform_1(%arg0: i32) -> (i32, i32) {
    %c0_i32 = arith.constant 0 : i32
    %c0_i32_0 = arith.constant 0 : i32
    return %arg0, %c0_i32 : i32, i32
  }
  func.func @transform_2(%arg0: i32) -> (i32, i32) {
    %c0_i32 = arith.constant 0 : i32
    %c0_i32_0 = arith.constant 0 : i32
    return %arg0, %c0_i32 : i32, i32
  }
  func.func @transform_3(%arg0: i32) -> (i32, i32) {
    %c0_i32 = arith.constant 0 : i32
    %c0_i32_0 = arith.constant 0 : i32
    %c0_i32_1 = arith.constant 0 : i32
    return %c0_i32, %c0_i32_0 : i32, i32
  }
  func.func @transform_4(%arg0: i32) -> (i32, i32) {
    %c0_i32 = arith.constant 0 : i32
    %c0_i32_0 = arith.constant 0 : i32
    %c0_i32_1 = arith.constant 0 : i32
    return %c0_i32, %c0_i32_0 : i32, i32
  }
  func.func @transform_5(%arg0: i32) -> (i32, i32) {
    %c0_i32 = arith.constant 0 : i32
    %c0_i32_0 = arith.constant 0 : i32
    %c0_i32_1 = arith.constant 0 : i32
    return %c0_i32, %c0_i32_0 : i32, i32
  }
  func.func @transform_6(%arg0: i32) -> (i32, i32) {
    %c0_i32 = arith.constant 0 : i32
    %c0_i32_0 = arith.constant 0 : i32
    %c0_i32_1 = arith.constant 0 : i32
    return %c0_i32, %c0_i32_0 : i32, i32
  }
  func.func @transform_7(%arg0: i32) -> (i32, i32) {
    %c0_i32 = arith.constant 0 : i32
    %c0_i32_0 = arith.constant 0 : i32
    %c0_i32_1 = arith.constant 0 : i32
    return %c0_i32, %c0_i32_0 : i32, i32
  }
  func.func @transform_8(%arg0: i32) -> (i32, i32) {
    %c0_i32 = arith.constant 0 : i32
    %c0_i32_0 = arith.constant 0 : i32
    %c0_i32_1 = arith.constant 0 : i32
    return %c0_i32, %c0_i32_0 : i32, i32
  }
  func.func @transform_9(%arg0: i32) -> (i32, i32) {
    %c0_i32 = arith.constant 0 : i32
    %c0_i32_0 = arith.constant 0 : i32
    %c0_i32_1 = arith.constant 0 : i32
    return %c0_i32, %c0_i32_0 : i32, i32
  }
  func.func @transform_10(%arg0: i32) -> (i32, i32) {
    %c0_i32 = arith.constant 0 : i32
    %c0_i32_0 = arith.constant 0 : i32
    return %arg0, %c0_i32 : i32, i32
  }
  func.func @transform_11(%arg0: i32) -> (i32, i32) {
    %c0_i32 = arith.constant 0 : i32
    %c0_i32_0 = arith.constant 0 : i32
    %c0_i32_1 = arith.constant 0 : i32
    return %c0_i32, %c0_i32_0 : i32, i32
  }
}

</mosaic_0001>

<sc_bundles>
// kernel: kernel.4.cloned.1.call-start
scs
__scs_entry_jumppad:
0x0: {  	(pc) =	sbr.rel $0x88, $3  }
0x1: {  	(tag) =	ssettag $0x0;
	lr =	simm.s32 $0x1  }
0x2: {  	[smem:$0x3F89] =	sst lr;
	_ =	strace $0xD0000000  }
0x3: {  	_ = 	snop  }
0x4: {  	_ = 	snop  }
0x5: {  	_ = 	snop  }
0x6: {  	_ = 	snop  }
0x7: {  	_ = 	snop  }
__scs_overlays_trampoline_lowered:
0x8: {  	[smem:$0x3F98] =	sst s0  }
0x9: {  	[smem:$0x3F99] =	sst s1  }
0xa: {  	[smem:$0x3F9A] =	sst s2  }
0xb: {  	[smem:$0x3F9B] =	sst s3  }
0xc: {  	[smem:$0x3F9C] =	sst s4  }
0xd: {  	[smem:$0x3F9D] =	sst s5  }
0xe: {  	[smem:$0x3F9E] =	sst s6  }
0xf: {  	[smem:$0x3F9F] =	sst s7  }
0x10: {  	[smem:$0x3FA0] =	sst s8  }
0x11: {  	[smem:$0x3FA1] =	sst s9;
	s0 =	simm.s32 @!p0 $0x0  }
0x12: {  	s1 =	sld [smem:$0x3F87];
	s0 =	simm.s32 @p0 $0x1  }
0x13: {  	[smem:$0x3FA2] =	sst s0;
	s0 =	simm.s32 @!p1 $0x0  }
0x14: {  	s2 =	sld [smem:$0x3F86];
	s0 =	simm.s32 @p1 $0x1  }
0x15: {  	[smem:$0x3FA3] =	sst s0;
	s0 =	simm.s32 @!p2 $0x0  }
0x16: {  	s3 =	sld [smem:$0x3FDB];
	s0 =	simm.s32 @p2 $0x1  }
0x17: {  	s4 =	simm.s32 $0x1BF5;
	[smem:$0x3FA5] =	sst s0  }
0x18: {  	s0 =	sld [smem:$0x3F88];
	_ =	swait.ge [sflag:s4], $0x0  }
0x19: {  	s7 =	sld [smem:$0x3F89]  }
0x1a: {  	s8 =	sadd.s32 $0xFFFFE003, lr  }
0x1b: {  	s9 =	sadd.s32 $0xFFFFFEF7, lr;
	s5 =	simm.s32 $0xFFFFFFFF;
	p2 =	slt.u32 s8, $0xFFFFF086  }
0x1c: {  	p1 =	slt.u32 s9, $0xF7A;
	s5 =	simm.s32 @!p2 $0x0  }
0x1d: {  	s5 =	simm.s32 @p1 $0x1;
	p0 =	seq.s32 s7, s2  }
0x1e: {  	s7 =	smul.u32 @!p0 $0xF7A, s2;
	p2 =	seq.s32 @!p0 s5, $0x0  }
0x1f: {  	s9 =	smul.u32 $0xF7A, s1;
	s8 =	simm.s32 @!p0 $0x1BF5;
	p2 =	por !p2, p0  }
0x20: {  	[sflag:s8] =	ssyncset.s32 @!p0 $0xFFFFF086;
	s6 =	sadd.s32 @!p0 s3, s7;
	s7 =	simm.s32 @!p0 $0x108  }
0x21: {  	s3 =	sadd.s32 s3, s9;
	s6 =	sadd.s32 @!p0 $0x88, s6;
	s7 =	simm.s32 @p2 $0x1082  }
0x22: {  	[simem:s7], [sflag:s8] =	dma.local @!p0 [hbm:s6], $0xF7A  }
0x23: {  	s9 =	sor.u32 $0xD0000000, s2;
	s6 =	simm.s32 $0x108;
	_ =	swait.ge @!p0 [sflag:s8], $0x0  }
0x24: {  	s3 =	sadd.s32 $0x88, s3;
	s6 =	simm.s32 @!p1 $0x1082;
	[sflag:s4] =	ssyncset.s32 $0xFFFFF086  }
0x25: {  	[simem:s6], [sflag:s4] =	dma.local [hbm:s3], $0xF7A  }
0x26: {  	[smem:$0x3F89] =	sst s1;
	(tag) =	ssettag s2;
	_ =	strace s9  }
0x27: {  	s1 =	sld [smem:$0x3F99]  }
0x28: {  	s2 =	sld [smem:$0x3F9A]  }
0x29: {  	s4 =	sld [smem:$0x3F9C]  }
0x2a: {  	p0 =	seq.s32 s5, $0x0;
	s5 =	sld [smem:$0x3F9D]  }
0x2b: {  	s6 =	sld [smem:$0x3F9E]  }
0x2c: {  	s7 =	sld [smem:$0x3F9F]  }
0x2d: {  	s3 =	simm.s32 $0x108;
	s8 =	sld [smem:$0x3FA0]  }
0x2e: {  	s3 =	simm.s32 @!p0 $0x1082;
	s9 =	sld [smem:$0x3FA1]  }
0x2f: {  	lr =	sadd.s32 s0, s3;
	s0 =	sld [smem:$0x3F98]  }
0x30: {  	s3 =	sld [smem:$0x3F9B]  }
0x31: {  	[smem:$0x3FA4] =	sst s10  }
0x32: {  	s10 =	sld [smem:$0x3FA2];
	_ =	sdelay $0x3  }
0x33: {  	p0 =	seq.s32 s10, $0x1;
	s10 =	sld [smem:$0x3FA4];
	_ =	sdelay $0x3  }
0x34: {  	[smem:$0x3FA4] =	sst s10  }
0x35: {  	s10 =	sld [smem:$0x3FA3];
	_ =	sdelay $0x3  }
0x36: {  	p1 =	seq.s32 s10, $0x1;
	s10 =	sld [smem:$0x3FA4];
	_ =	sdelay $0x3  }
0x37: {  	[smem:$0x3FA4] =	sst s10  }
0x38: {  	s10 =	sld [smem:$0x3FA5]  }
0x39: {  	_ = 	snop;
	(pc) =	sbr.ind lr, $3  }
0x3a: {  	_ = 	snop  }
0x3b: {  	_ = 	snop  }
0x3c: {  	p2 =	seq.s32 s10, $0x1;
	s10 =	sld [smem:$0x3FA4]  }
0x3d: {  	_ =	shalt  }
0x3e: {  	_ =	shalt  }
0x3f: {  	_ =	shalt  }
0x40: {  	_ =	shalt  }
0x41: {  	_ =	shalt  }
0x42: {  	_ =	shalt  }
0x43: {  	_ =	shalt  }
0x44: {  	_ =	shalt  }
0x45: {  	_ =	shalt  }
0x46: {  	_ =	shalt  }
0x47: {  	_ =	shalt  }
0x48: {  	_ =	shalt  }
0x49: {  	_ =	shalt  }
0x4a: {  	_ =	shalt  }
0x4b: {  	_ =	shalt  }
0x4c: {  	_ =	shalt  }
0x4d: {  	_ =	shalt  }
0x4e: {  	_ =	shalt  }
0x4f: {  	_ =	shalt  }
0x50: {  	_ =	shalt  }
0x51: {  	_ =	shalt  }
0x52: {  	_ =	shalt  }
0x53: {  	_ =	shalt  }
0x54: {  	_ =	shalt  }
0x55: {  	_ =	shalt  }
0x56: {  	_ =	shalt  }
0x57: {  	_ =	shalt  }
0x58: {  	_ =	shalt  }
0x59: {  	_ =	shalt  }
0x5a: {  	_ =	shalt  }
0x5b: {  	_ =	shalt  }
0x5c: {  	_ =	shalt  }
0x5d: {  	_ =	shalt  }
0x5e: {  	_ =	shalt  }
0x5f: {  	_ =	shalt  }
0x60: {  	_ =	shalt  }
0x61: {  	_ =	shalt  }
0x62: {  	_ =	shalt  }
0x63: {  	_ =	shalt  }
0x64: {  	_ =	shalt  }
0x65: {  	_ =	shalt  }
0x66: {  	_ =	shalt  }
0x67: {  	_ =	shalt  }
0x68: {  	_ =	shalt  }
0x69: {  	_ =	shalt  }
0x6a: {  	_ =	shalt  }
0x6b: {  	_ =	shalt  }
0x6c: {  	_ =	shalt  }
0x6d: {  	_ =	shalt  }
0x6e: {  	_ =	shalt  }
0x6f: {  	_ =	shalt  }
0x70: {  	_ =	shalt  }
0x71: {  	_ =	shalt  }
0x72: {  	_ =	shalt  }
0x73: {  	_ =	shalt  }
0x74: {  	_ =	shalt  }
0x75: {  	_ =	shalt  }
0x76: {  	_ =	shalt  }
0x77: {  	_ =	shalt  }
0x78: {  	_ =	shalt  }
0x79: {  	_ =	shalt  }
0x7a: {  	_ =	shalt  }
0x7b: {  	_ =	shalt  }
0x7c: {  	_ =	shalt  }
0x7d: {  	_ =	shalt  }
0x7e: {  	_ =	shalt  }
0x7f: {  	_ =	shalt  }
0x80: {  	_ =	shalt  }
0x81: {  	_ =	shalt  }
0x82: {  	_ =	shalt  }
0x83: {  	_ =	shalt  }
0x84: {  	_ =	shalt  }
0x85: {  	_ =	shalt  }
0x86: {  	_ =	shalt  }
0x87: {  	_ =	shalt  }
.Lfunc_end0:
.L_simem_size_0:
called_computation_lowered:
.L_overlay_start_0:
0x88: {  	s2 =	sld [smem:$0x3FD9]  }
0x89: {  	s3 =	sld [smem:$0x3FFE];
	_ =	sdelay $0x1  }
0x8a: {  	s1 =	srdreg.scid  }
0x8b: {  	s0 =	sand.u32 $0x1, s1  }
0x8c: {  	s14 =	sshll.u32 s0, $0xA;
	s2 =	sadd.s32 s3, s2  }
0x8d: {  	s2 =	sadd.s32 s2, s14  }
0x8e: {  	[smem:$0x3FB0] =	sst s2  }
0x8f: {  	_ = 	snop  }
0x90: {  	s2 =	sld [smem:$0x3FD0];
	_ =	sdelay $0x2  }
0x91: {  	s15 =	simm.s32 $0xA;
	s4 =	simm.s32 $0x10  }
0x92: {  	[smem:s4], [sflag:s15] =	dma.local [hbm:s2], $0x1  }
0x93: {  	_ =	swait.eq [sflag:s15], $0x1  }
0x94: {  	[sflag:s15] =	ssyncset.done $0x0  }
0x95: {  	[sflag:s15] =	ssyncadd.s32 $0xFFFFFFFF  }
0x96: {  	s16 =	sld [smem:$0x11];
	(tm) =	ssettm $0x1  }
0x97: {  	s17 =	sld [smem:$0x3FFB];
	_ =	sdelay $0x3  }
0x98: {  	_ =	strace s17  }
0x99: {  	s3 =	sld [smem:$0x3FFC];
	_ =	sdelay $0x3  }
0x9a: {  	_ =	strace s3  }
0x9b: {  	s3 =	sld [smem:$0x3FFD];
	_ =	sdelay $0x3  }
0x9c: {  	_ =	strace s3  }
0x9d: {  	_ =	strace $0x8FFFFFFF  }
0x9e: {  	s18 =	sld [smem:$0x3FDB];
	_ =	sdelay $0x1  }
0x9f: {  	s19 =	simm.s32 $_scs_section_size  }
0xa0: {  	s5 =	simm.s32 $_size__tile_overlayer_lowered;
	s6 =	simm.s32 $_tile_overlayer_lowered  }
0xa1: {  	s22 =	simm.s32 $0x1BFF;
	s21 =	sshll.u32 s6, $0x1;
	s3 =	sadd.s32 s19, s18  }
0xa2: {  	s7 =	simm.s32 $0x0;
	s20 =	sshll.u32 s5, $0x1;
	s5 =	sadd.s32 s21, s3  }
0xa3: {  	[timem:s7], [sflag:s22] =	dma.local [hbm:s5], s20  }
0xa4: {  	_ =	swait.ge [sflag:s22], s20  }
0xa5: {  	s4 =	ssub.s32 $0x0, s20;
	[sflag:s22] =	ssyncset.done $0x0  }
0xa6: {  	[sflag:s22] =	ssyncadd.s32 s4;
	_ =	sdelay $0x1  }
0xa7: {  	s23 =	simm.s32 $0x1B8B  }
0xa8: {  	_ =	swait.ge [sflag:s23], $0x1  }
0xa9: {  	[sflag:s23] =	ssyncset.done $0x0  }
0xaa: {  	s25 =	simm.s32 $0x1B8E;
	s24 =	sld [smem:$0x3FFE];
	[sflag:s23] =	ssyncadd.s32 $0xFFFFFFFF  }
0xab: {  	s26 =	simm.s32 $execute0_lowered;
	[smem:$0x3FD2] =	sst s25  }
0xac: {  	s5 =	sshll.u32 s26, $0x1;
	_ =	strace $0x80000046;
	[dreg:$0x1] =	wrdreg $0xFFFFFFFF  }
0xad: {  	s28 =	simm.s32 $_size_execute0_lowered;
	s3 =	sadd.s32 s3, s5;
	[dreg:$0x0] =	wrdreg $0x0  }
0xae: {  	s5 =	sshll.u32 s28, $0x1;
	[dreg:$0x2] =	wrdreg s3  }
0xaf: {  	[dreg:$0x3] =	wrdreg s5  }
0xb0: {  	[dreg:$0x4] =	wrdreg $0xC0  }
0xb1: {  	_ =	task [dreg:s7], $0x5FFFF  }
0xb2: {  	[dreg:$0x1] =	wrdreg $0xFFFFFFFF  }
0xb3: {  	[dreg:$0x0] =	wrdreg $0x60  }
0xb4: {  	[dreg:$0x2] =	wrdreg s16  }
0xb5: {  	[dreg:$0x3] =	wrdreg s24  }
0xb6: {  	[dreg:$0x4] =	wrdreg $0x12C800  }
0xb7: {  	[dreg:$0x5] =	wrdreg $0x1CC800  }
0xb8: {  	[dreg:$0x6] =	wrdreg $0x1CF000  }
0xb9: {  	[dreg:$0x7] =	wrdreg $0x1D1800  }
0xba: {  	[dreg:$0x8] =	wrdreg $0x9  }
0xbb: {  	_ =	task.clear_ibuf [dreg:s7], $0x9FFFF;
	_ =	strace $0x90000046  }
0xbc: {  	s29 =	simm.s32 $0x9;
	_ =	strace $0x80000048  }
0xbd: {  	_ =	swait.ge [sflag:s29], $0x1  }
0xbe: {  	[sflag:s29] =	ssyncadd.s32 $0xFFFFFFFF  }
0xbf: {  	_ =	strace $0x90000048  }
0xc0: {  	_ =	sfence  }
0xc1: {  	s30 =	sld [smem:$0x0];
	_ =	sdelay $0x2  }
0xc2: {  	s31 =	sshll.u32 s1, $0xD;
	s1 =	sshrl.u32 s1, $0x2  }
0xc3: {  	s3 =	sand.u32 $0x4000, s31;
	s1 =	sadd.s32 s1, s30  }
0xc4: {  	s0 =	sor.u32 s3, s0;
	s1 =	sshll.u32 s1, $0x11  }
0xc5: {  	s0 =	sor.u32 s1, s0  }
0xc6: {  	s0 =	sadd.s32 $0x8F2B, s0  }
0xc7: {  	[sflag:s0] =	ssyncadd.remote.s32 $0x1  }
0xc8: {  	_ =	sfence.sel $0xFFFF  }
0xc9: {  	[dreg:$0x0] =	wrdreg $0xFFFFFFFF;
	(pc) =	sbr.abs _section_cstart, $3  }
0xca: {  	[dreg:$0x1] =	wrdreg $0xFFFFFFFF  }
0xcb: {  	_ =	task.clear_ibuf [dreg:s7], $0x2FFFF;
	_ =	strace $0x9FFFFFFF  }
0xcc: {  	(tm) =	ssettm $0x7FFFFFFF  }
0xcd: {  	_ =	shalt  }
tec
execute0_lowered:
.L_overlay_start_1:
0x0: {  	(tag) =	ssettag $0x1  }
0x1: {  	s0 =	rddreg [dreg:$0x0]  }
0x2: {  	s4 =	rddreg [dreg:$0x1]  }
0x3: {  	s1 =	rddreg [dreg:$0x2]  }
0x4: {  	s2 =	rddreg [dreg:$0x3];
	s22 =	stileid.u32  }
0x5: {  	s3 =	rddreg [dreg:$0x4];
	s17 =	smul.u32 $0x30, s22  }
0x6: {  	s21 =	rddreg [dreg:$0x5];
	s12 =	smul.u32 $0x280, s22  }
0x7: {  	s6 =	simm.s32 $0x0;
	s5 =	srdreg.scid;
	s16 =	smul.u32 $0x510, s22  }
0x8: {  	[smem:$0x7FF] =	sst s6;
	s9 =	smul.u32 $0x28000, s22  }
0x9: {  	s5 =	sand.u32 $0x1, s5;
	s10 =	sadd.s32 $0x2C200, s4;
	s13 =	smul.u32 $0x2880, s22  }
0xa: {  	s11 =	sadd.s32 $0x36800, s4;
	_ =	strace $0x80000047;
	s7 =	smul.u32 $0x14000, s5  }
0xb: {  	s8 =	ssub.s32 $0x2, s5;
	s6 =	sadd.s32 s17, s4;
	s18 =	sshrl.u32 s12, $0x3  }
0xc: {  	s19 =	sshrl.u32 s8, $0x1;
	s9 =	sshrl.u32 s9, $0x2;
	s20 =	sadd.s32 s11, s16  }
0xd: {  	s26 =	sadd.s32 s0, s16;
	s15 =	sadd.s32 s7, s4;
	s4 =	sadd.s32 s18, s4  }
0xe: {  	s18 =	ssub.s32 s8, s19;
	[dreg:$0x7] =	wrdreg s20;
	s19 =	sadd.s32 s9, s1  }
0xf: {  	s17 =	smul.u32 $0xA000, s22;
	[dreg:$0xb] =	wrdreg s26;
	s23 =	sadd.s32 $0x800, s19  }
0x10: {  	s13 =	sshrl.u32 s13, $0x3;
	s24 =	sadd.s32 $0x1000, s19;
	[dreg:$0x8] =	wrdreg s23  }
0x11: {  	s20 =	sadd.s32 $0x5100, s13;
	s25 =	sadd.s32 $0x1800, s19;
	[dreg:$0x9] =	wrdreg s24  }
0x12: {  	s28 =	sadd.s32 s10, s16;
	s0 =	sadd.s32 s0, s20;
	[dreg:$0xa] =	wrdreg s25  }
0x13: {  	s14 =	sadd.s32 s11, s20;
	s11 =	sadd.s32 $0x2000, s19;
	[dreg:$0xc] =	wrdreg s0  }
0x14: {  	s9 =	sadd.s32 s17, s1;
	s16 =	sadd.s32 $0x2800, s19;
	[dreg:$0xd] =	wrdreg s11  }
0x15: {  	s8 =	sshrl.u32 s17, $0x3;
	s17 =	sadd.s32 $0x3000, s19;
	[dreg:$0xf] =	wrdreg s16  }
0x16: {  	s13 =	sadd.s32 s10, s20;
	s20 =	sadd.s32 $0x3800, s19;
	[dreg:$0x10] =	wrdreg s17  }
0x17: {  	s26 =	sadd.s32 $0x5800, s19;
	[dreg:$0x11] =	wrdreg s20  }
0x18: {  	p0 =	sne.s32 s5, $0x0;
	s5 =	sadd.s32 $0x6000, s19;
	[dreg:$0x15] =	wrdreg s26  }
0x19: {  	s7 =	sadd.s32 $0x40A00, s15;
	s10 =	sadd.s32 $0x7800, s19;
	[dreg:$0x16] =	wrdreg s5  }
0x1a: {  	s0 =	sadd.s32 s8, s7;
	[dreg:$0x19] =	wrdreg s10  }
0x1b: {  	s23 =	sadd.s32 $0x4000, s19;
	[dreg:$0xe] =	wrdreg s0  }
0x1c: {  	s24 =	sadd.s32 $0x4800, s19;
	[dreg:$0x12] =	wrdreg s23  }
0x1d: {  	s25 =	sadd.s32 $0x5000, s19;
	[dreg:$0x13] =	wrdreg s24  }
0x1e: {  	s7 =	sadd.s32 $0x6800, s19;
	[dreg:$0x14] =	wrdreg s25  }
0x1f: {  	s29 =	simm.s32 $0x6;
	s8 =	sadd.s32 $0x7000, s19;
	[dreg:$0x17] =	wrdreg s7  }
0x20: {  	s30 =	simm.s32 $0x7;
	s11 =	sadd.s32 $0x8000, s19;
	[dreg:$0x18] =	wrdreg s8  }
0x21: {  	s31 =	simm.s32 $0x5;
	s16 =	sadd.s32 $0x8800, s19;
	[dreg:$0x1a] =	wrdreg s11  }
0x22: {  	p1 =	sne.s32 s22, $0x0;
	s17 =	sadd.s32 $0x9000, s19;
	[dreg:$0x1b] =	wrdreg s16  }
0x23: {  	s22 =	simm.s32 $0x80;
	s19 =	sadd.s32 $0x9800, s19;
	[dreg:$0x1c] =	wrdreg s17  }
0x24: {  	s20 =	sadd.s32 $0x36400, s6;
	s10 =	sadd.s32 $0x4200, s15;
	[dreg:$0x1d] =	wrdreg s19  }
0x25: {  	s26 =	smax.u32 s18, $0x1;
	s18 =	simm.s32 $0x2880;
	[dreg:$0x1e] =	wrdreg s20  }
0x26: {  	s23 =	sadd.s32 $0x68A00, s4;
	s24 =	sadd.s32 s12, s2;
	s25 =	sadd.s32 s12, s21  }
.Ltmp0:
0x27: {  	s0 =	sadd.s32 s12, s3;
	[smem:$0x7FC] =	sst s26;
	(pc) =	sbr.rel .LBB2_1-.Ltmp0, $4  }
0x28: {  	s19 =	simm.s32 $0xA180;
	s20 =	simm.s32 $0xA;
	[dreg:$0x1f] =	wrdreg s23  }
0x29: {  	s21 =	simm.s32 $0x9;
	s26 =	simm.s32 $0x0;
	[smem:$0x7FA] =	sst s24  }
0x2a: {  	v2 =	vimm.s32 $0x0;
	vm0 =	vcmask $0x300;
	[smem:$0x7FB] =	sst s25;
	s0 =	sshrl.u32 @!p0 s0, $0x3;
	s23 =	simm.s32 $0x7980  }
0x2b: {  	v0 =	vimm.f32 $0.0e+00;
	v1 =	vimm.f32 $1.000000000e+00;
	v2 =	vsel vm0, $0x3, v2;
	s24 =	simm.s32 $0x5100;
	s25 =	simm.s32 $0x8;
	[smem:$0x7FD] =	sst s0  }
.LBB2_23:
0x2c: {  	_ =	swait.ge [sflag:s29], $0x2000  }
0x2d: {  	[sflag:s29] =	ssyncset.done $0x0  }
0x2e: {  	[sflag:s29] =	ssyncadd.s32 $0xFFFFE000  }
0x2f: {  	_ =	swait.ge [sflag:s30], $0x2000  }
0x30: {  	[sflag:s30] =	ssyncset.done $0x0  }
0x31: {  	[sflag:s30] =	ssyncadd.s32 $0xFFFFE000  }
0x32: {  	_ =	swait.ge [sflag:s25], $0x2000  }
0x33: {  	[sflag:s25] =	ssyncset.done $0x0  }
0x34: {  	[sflag:s25] =	ssyncadd.s32 $0xFFFFE000  }
0x35: {  	_ =	swait.ge [sflag:s31], $0x2000  }
0x36: {  	[sflag:s31] =	ssyncset.done $0x0  }
0x37: {  	s0 =	stileid.u32;
	[sflag:s31] =	ssyncadd.s32 $0xFFFFE000  }
0x38: {  	s0 =	sshll.u32 s0, $0x6;
	[bflag:$0x0] =	sbarrier.arrive $0xFFFF  }
0x39: {  	s3 =	sshrl.u32 s9, $0x3;
	s0 =	sor.u32 $0x1C0A, s0;
	s4 =	rddreg [dreg:$0xe]  }
0x3a: {  	[hbm:s4], [sflag:s0] =	dma.local [spmem:s3], $0x1400  }
0x3b: {  	_ =	swait.ge [sflag:s20], $0x1400  }
0x3c: {  	s4 =	sld [smem:$0x7FD]  }
0x3d: {  	[sflag:s20] =	ssyncset.done $0x0  }
0x3e: {  	s3 =	rddreg [dreg:$0x1f];
	[sflag:s20] =	ssyncadd.s32 $0xFFFFEC00  }
0x3f: {  	[hbm:s3], [sflag:s0] =	dma.local @!p0 [spmem:s4], $0x50  }
0x40: {  	s0 =	simm.s32 @!p0 $0xA  }
0x41: {  	_ =	swait.ge @!p0 [sflag:s0], $0x50  }
0x42: {  	s17 =	sld [smem:$0x7FC];
	_ =	sdelay $0x1  }
0x43: {  	s26 =	sadd.s32 $0x1, s26  }
0x44: {  	p2 =	sne.s32 s26, s17  }
.Ltmp1:
0x45: {  	_ = 	snop;
	(pc) =	sbr.rel @!p2 .LBB2_24-.Ltmp1, $3  }
0x46: {  	_ =	sdelay $0x1  }
0x47: {  	[sflag:s0] =	ssyncset.done @!p0 $0x0  }
0x48: {  	s28 =	smov.u32 s8;
	s3 =	smov.u32 s7;
	[sflag:s0] =	ssyncadd.s32 @!p0 $0xFFFFFFB0  }
.LBB2_1:
0x49: {  	s0 =	simm.s32 $0x0  }
0x4a: {  	[tilespmem:s0], [sflag:$0x9] =	stream.linear.gather [hbm4b:s28+s0], $0x2880, $0x38;
	[tilespmem:$0x1D400] =	vst v63  }
0x4b: {  	s4 =	rddreg [dreg:$0x7]  }
0x4c: {  	[tilespmem:s18], [sflag:$0x9] =	stream.linear.gather [hbm4b:s4+s0], $0x2880, $0x38;
	[tilespmem:$0x1D400] =	vst v63  }
0x4d: {  	s0 =	simm.s32 $0x0  }
.LBB2_2:
0x4e: {  	p2 =	sne.s32 s0, $0x9FC0  }
.Ltmp2:
0x4f: {  	_ = 	snop;
	(pc) =	sbr.rel @p2 .LBB2_2-.Ltmp2, $3  }
0x50: {  	_ =	sdelay $0x1  }
0x51: {  	s4 =	sshra.s32 s0, $0x2  }
0x52: {  	s0 =	sadd.s32 $0x40, s0;
	[tilespmem:s4+$0x7980] =	vst v0  }
0x53: {  	s4 =	simm.s32 $0x100;
	s0 =	simm.s32 $0x0  }
.LBB2_4:
0x54: {  	p2 =	sne.s32 s4, $0x1F00;
	[tilespmem:s0+$0xA1B0] =	vst v0;
	s5 =	smov.u32 s4;
	s4 =	sadd.s32 $0x100, s4  }
.Ltmp3:
0x55: {  	[tilespmem:s0+$0xA1A0] =	vst v0;
	(pc) =	sbr.rel @p2 .LBB2_4-.Ltmp3, $3  }
0x56: {  	[tilespmem:s0+$0xA180] =	vst v0  }
0x57: {  	[tilespmem:s0+$0xA190] =	vst v0;
	_ =	sdelay $0x1  }
0x58: {  	s0 =	sshra.s32 s5, $0x2  }
0x59: {  	[tilespmem:s0+$0xA1B0] =	vst v0  }
0x5a: {  	[tilespmem:s0+$0xA1A0] =	vst v0  }
0x5b: {  	[tilespmem:s0+$0xA180] =	vst v0  }
0x5c: {  	[tilespmem:s0+$0xA190] =	vst v0  }
0x5d: {  	[tilespmem:$0xAB00] =	vst v1  }
0x5e: {  	[tilespmem:$0xAB80] =	vst v1  }
0x5f: {  	[tilespmem:$0xAC00] =	vst v1  }
0x60: {  	[tilespmem:$0xAB10] =	vst v1  }
0x61: {  	[tilespmem:$0xAB90] =	vst v1  }
0x62: {  	[tilespmem:$0xAC10] =	vst v1  }
0x63: {  	[tilespmem:$0xAB20] =	vst v1  }
0x64: {  	[tilespmem:$0xABA0] =	vst v1  }
0x65: {  	[tilespmem:$0xAC20] =	vst v1  }
0x66: {  	[tilespmem:$0xAB30] =	vst v1  }
0x67: {  	[tilespmem:$0xABB0] =	vst v1  }
0x68: {  	[tilespmem:$0xAC30] =	vst v1  }
0x69: {  	[tilespmem:$0xAB40] =	vst v1  }
0x6a: {  	[tilespmem:$0xABC0] =	vst v1  }
0x6b: {  	[tilespmem:$0xAC40] =	vst v1  }
0x6c: {  	[tilespmem:$0xAB50] =	vst v1  }
0x6d: {  	[tilespmem:$0xABD0] =	vst v1  }
0x6e: {  	[tilespmem:$0xAC50] =	vst v1  }
0x6f: {  	[tilespmem:$0xAB60] =	vst v1  }
0x70: {  	[tilespmem:$0xABE0] =	vst v1  }
0x71: {  	[tilespmem:$0xAC60] =	vst v1  }
0x72: {  	[tilespmem:$0xAB70] =	vst v1  }
0x73: {  	[tilespmem:$0xABF0] =	vst v1  }
0x74: {  	[tilespmem:$0xAC70] =	vst v1  }
0x75: {  	[spmem:s9] =	stream.linear.scatter [tilespmem:s19], [sflag:$0xA], $0x800, $0x38;
	[tilespmem:$0x1D400] =	vst v63  }
0x76: {  	_ =	swait.ge [sflag:s20], $0x800  }
0x77: {  	[sflag:s20] =	ssyncset.done $0x0  }
0x78: {  	s5 =	rddreg [dreg:$0x8];
	[sflag:s20] =	ssyncadd.s32 $0xFFFFF800  }
0x79: {  	[spmem:s5] =	stream.linear.scatter [tilespmem:s19], [sflag:$0xA], $0x800, $0x38;
	[tilespmem:$0x1D400] =	vst v63  }
0x7a: {  	_ =	swait.ge [sflag:s20], $0x800  }
0x7b: {  	[sflag:s20] =	ssyncset.done $0x0  }
0x7c: {  	s6 =	rddreg [dreg:$0x9];
	[sflag:s20] =	ssyncadd.s32 $0xFFFFF800  }
0x7d: {  	[spmem:s6] =	stream.linear.scatter [tilespmem:s19], [sflag:$0xA], $0x800, $0x38;
	[tilespmem:$0x1D400] =	vst v63  }
0x7e: {  	_ =	swait.ge [sflag:s20], $0x800  }
0x7f: {  	[sflag:s20] =	ssyncset.done $0x0  }
0x80: {  	s7 =	rddreg [dreg:$0xa];
	[sflag:s20] =	ssyncadd.s32 $0xFFFFF800  }
0x81: {  	[spmem:s7] =	stream.linear.scatter [tilespmem:s19], [sflag:$0xA], $0x800, $0x38;
	[tilespmem:$0x1D400] =	vst v63  }
0x82: {  	_ =	swait.ge [sflag:s20], $0x800  }
0x83: {  	[sflag:s20] =	ssyncset.done $0x0  }
0x84: {  	s8 =	rddreg [dreg:$0xd];
	[sflag:s20] =	ssyncadd.s32 $0xFFFFF800  }
0x85: {  	[spmem:s8] =	stream.linear.scatter [tilespmem:s19], [sflag:$0xA], $0x800, $0x38;
	[tilespmem:$0x1D400] =	vst v63  }
0x86: {  	_ =	swait.ge [sflag:s20], $0x800  }
0x87: {  	[sflag:s20] =	ssyncset.done $0x0  }
0x88: {  	s11 =	rddreg [dreg:$0xf];
	[sflag:s20] =	ssyncadd.s32 $0xFFFFF800  }
0x89: {  	[spmem:s11] =	stream.linear.scatter [tilespmem:s19], [sflag:$0xA], $0x800, $0x38;
	[tilespmem:$0x1D400] =	vst v63  }
0x8a: {  	_ =	swait.ge [sflag:s20], $0x800  }
0x8b: {  	[sflag:s20] =	ssyncset.done $0x0  }
0x8c: {  	s12 =	rddreg [dreg:$0x10];
	[sflag:s20] =	ssyncadd.s32 $0xFFFFF800  }
0x8d: {  	[spmem:s12] =	stream.linear.scatter [tilespmem:s19], [sflag:$0xA], $0x800, $0x38;
	[tilespmem:$0x1D400] =	vst v63  }
0x8e: {  	_ =	swait.ge [sflag:s20], $0x800  }
0x8f: {  	[sflag:s20] =	ssyncset.done $0x0  }
0x90: {  	s15 =	rddreg [dreg:$0x11];
	[sflag:s20] =	ssyncadd.s32 $0xFFFFF800  }
0x91: {  	[spmem:s15] =	stream.linear.scatter [tilespmem:s19], [sflag:$0xA], $0x800, $0x38;
	[tilespmem:$0x1D400] =	vst v63  }
0x92: {  	_ =	swait.ge [sflag:s20], $0x800  }
0x93: {  	[sflag:s20] =	ssyncset.done $0x0  }
0x94: {  	s16 =	rddreg [dreg:$0x12];
	[sflag:s20] =	ssyncadd.s32 $0xFFFFF800  }
0x95: {  	[spmem:s16] =	stream.linear.scatter [tilespmem:s19], [sflag:$0xA], $0x800, $0x38;
	[tilespmem:$0x1D400] =	vst v63  }
0x96: {  	_ =	swait.ge [sflag:s20], $0x800  }
0x97: {  	[sflag:s20] =	ssyncset.done $0x0  }
0x98: {  	s17 =	rddreg [dreg:$0x13];
	[sflag:s20] =	ssyncadd.s32 $0xFFFFF800  }
0x99: {  	[spmem:s17] =	stream.linear.scatter [tilespmem:s19], [sflag:$0xA], $0x800, $0x38;
	[tilespmem:$0x1D400] =	vst v63  }
0x9a: {  	_ =	swait.ge [sflag:s20], $0x800  }
0x9b: {  	[sflag:s20] =	ssyncset.done $0x0  }
0x9c: {  	s4 =	rddreg [dreg:$0x14];
	[sflag:s20] =	ssyncadd.s32 $0xFFFFF800  }
0x9d: {  	[spmem:s4] =	stream.linear.scatter [tilespmem:s19], [sflag:$0xA], $0x800, $0x38;
	[tilespmem:$0x1D400] =	vst v63  }
0x9e: {  	_ =	swait.ge [sflag:s20], $0x800  }
0x9f: {  	[sflag:s20] =	ssyncset.done $0x0  }
0xa0: {  	s5 =	rddreg [dreg:$0x15];
	[sflag:s20] =	ssyncadd.s32 $0xFFFFF800  }
0xa1: {  	[spmem:s5] =	stream.linear.scatter [tilespmem:s19], [sflag:$0xA], $0x800, $0x38;
	[tilespmem:$0x1D400] =	vst v63  }
0xa2: {  	_ =	swait.ge [sflag:s20], $0x800  }
0xa3: {  	[sflag:s20] =	ssyncset.done $0x0  }
0xa4: {  	s6 =	rddreg [dreg:$0x16];
	[sflag:s20] =	ssyncadd.s32 $0xFFFFF800  }
0xa5: {  	[spmem:s6] =	stream.linear.scatter [tilespmem:s19], [sflag:$0xA], $0x800, $0x38;
	[tilespmem:$0x1D400] =	vst v63  }
0xa6: {  	_ =	swait.ge [sflag:s20], $0x800  }
0xa7: {  	[sflag:s20] =	ssyncset.done $0x0  }
0xa8: {  	s7 =	rddreg [dreg:$0x17];
	[sflag:s20] =	ssyncadd.s32 $0xFFFFF800  }
0xa9: {  	[spmem:s7] =	stream.linear.scatter [tilespmem:s19], [sflag:$0xA], $0x800, $0x38;
	[tilespmem:$0x1D400] =	vst v63  }
0xaa: {  	_ =	swait.ge [sflag:s20], $0x800  }
0xab: {  	[sflag:s20] =	ssyncset.done $0x0  }
0xac: {  	s8 =	rddreg [dreg:$0x18];
	[sflag:s20] =	ssyncadd.s32 $0xFFFFF800  }
0xad: {  	[spmem:s8] =	stream.linear.scatter [tilespmem:s19], [sflag:$0xA], $0x800, $0x38;
	[tilespmem:$0x1D400] =	vst v63  }
0xae: {  	_ =	swait.ge [sflag:s20], $0x800  }
0xaf: {  	[sflag:s20] =	ssyncset.done $0x0  }
0xb0: {  	s11 =	rddreg [dreg:$0x19];
	[sflag:s20] =	ssyncadd.s32 $0xFFFFF800  }
0xb1: {  	[spmem:s11] =	stream.linear.scatter [tilespmem:s19], [sflag:$0xA], $0x800, $0x38;
	[tilespmem:$0x1D400] =	vst v63  }
0xb2: {  	_ =	swait.ge [sflag:s20], $0x800  }
0xb3: {  	[sflag:s20] =	ssyncset.done $0x0  }
0xb4: {  	s12 =	rddreg [dreg:$0x1a];
	[sflag:s20] =	ssyncadd.s32 $0xFFFFF800  }
0xb5: {  	[spmem:s12] =	stream.linear.scatter [tilespmem:s19], [sflag:$0xA], $0x800, $0x38;
	[tilespmem:$0x1D400] =	vst v63  }
0xb6: {  	_ =	swait.ge [sflag:s20], $0x800  }
0xb7: {  	[sflag:s20] =	ssyncset.done $0x0  }
0xb8: {  	s15 =	rddreg [dreg:$0x1b];
	[sflag:s20] =	ssyncadd.s32 $0xFFFFF800  }
0xb9: {  	[spmem:s15] =	stream.linear.scatter [tilespmem:s19], [sflag:$0xA], $0x800, $0x38;
	[tilespmem:$0x1D400] =	vst v63  }
0xba: {  	_ =	swait.ge [sflag:s20], $0x800  }
0xbb: {  	[sflag:s20] =	ssyncset.done $0x0  }
0xbc: {  	s16 =	rddreg [dreg:$0x1c];
	[sflag:s20] =	ssyncadd.s32 $0xFFFFF800  }
0xbd: {  	[spmem:s16] =	stream.linear.scatter [tilespmem:s19], [sflag:$0xA], $0x800, $0x38;
	[tilespmem:$0x1D400] =	vst v63  }
0xbe: {  	_ =	swait.ge [sflag:s20], $0x800  }
0xbf: {  	[sflag:s20] =	ssyncset.done $0x0  }
0xc0: {  	s17 =	rddreg [dreg:$0x1d];
	[sflag:s20] =	ssyncadd.s32 $0xFFFFF800  }
0xc1: {  	[spmem:s17] =	stream.linear.scatter [tilespmem:s19], [sflag:$0xA], $0x800, $0x38;
	[tilespmem:$0x1D400] =	vst v63  }
0xc2: {  	_ =	swait.ge [sflag:s20], $0x800  }
0xc3: {  	[sflag:s20] =	ssyncset.done $0x0  }
0xc4: {  	s0 =	simm.s32 @!p1 $0x7980;
	s4 =	simm.s32 @!p1 $0xA;
	[sflag:s20] =	ssyncadd.s32 $0xFFFFF800  }
0xc5: {  	[spmem:s2] =	stream.linear.scatter @!p1 [tilespmem:s0], [sflag:$0xA], $0x2800, $0x38;
	[tilespmem:$0x1D400] =	vst v63  }
0xc6: {  	_ =	swait.ge @!p1 [sflag:s4], $0x2800  }
0xc7: {  	[sflag:s4] =	ssyncset.done @!p1 $0x0  }
0xc8: {  	[sflag:s4] =	ssyncadd.s32 @!p1 $0xFFFFD800  }
0xc9: {  	[spmem:s3] =	stream.linear.scatter @!p1 [tilespmem:s0], [sflag:$0xA], $0x2800, $0x38;
	[tilespmem:$0x1D400] =	vst v63  }
0xca: {  	_ =	swait.ge @!p1 [sflag:s4], $0x2800  }
0xcb: {  	[sflag:s4] =	ssyncset.done @!p1 $0x0  }
0xcc: {  	[sflag:s4] =	ssyncadd.s32 @!p1 $0xFFFFD800  }
0xcd: {  	[bflag:$0x0] =	sbarrier.arrive $0xFFFF  }
0xce: {  	_ =	swait.ge [sflag:s21], $0x2880  }
0xcf: {  	[sflag:s21] =	ssyncset.done $0x0  }
0xd0: {  	[sflag:s21] =	ssyncadd.s32 $0xFFFFD780  }
0xd1: {  	_ =	swait.ge [sflag:s21], $0x2880  }
0xd2: {  	s5 =	simm.s32 $0x2880;
	[sflag:s21] =	ssyncset.done $0x0  }
0xd3: {  	s0 =	simm.s32 $0x200;
	s4 =	simm.s32 $0x0;
	[sflag:s21] =	ssyncadd.s32 $0xFFFFD780  }
.LBB2_6:
0xd4: {  	[spmem:s2] =	stream.indirect.scatter.add.f32 [tilespmem:s5], [sflag:$0x9], $0x1, s4, s22, $0xb8;
	[tilespmem:$0x1D400] =	vst v63  }
0xd5: {  	s4 =	smov.u32 s0;
	p2 =	sne.s32 s0, $0xA000  }
.Ltmp4:
0xd6: {  	s0 =	sadd.s32 $0x200, s0;
	(pc) =	sbr.rel @p2 .LBB2_6-.Ltmp4, $3  }
0xd7: {  	_ =	sdelay $0x1  }
0xd8: {  	s4 =	sshra.s32 s4, $0x2  }
0xd9: {  	s5 =	sadd.s32 $0x2880, s4  }
0xda: {  	[spmem:s2] =	stream.indirect.scatter.add.f32 [tilespmem:s5], [sflag:$0x9], $0x1, s4, s22, $0xb8;
	[tilespmem:$0x1D400] =	vst v63  }
0xdb: {  	_ =	swait.ge [sflag:s21], $0x2880  }
0xdc: {  	[sflag:s21] =	ssyncset.done $0x0  }
0xdd: {  	s0 =	simm.s32 $0x0;
	[sflag:s21] =	ssyncadd.s32 $0xFFFFD780  }
0xde: {  	[tilespmem:s0], [sflag:$0xA] =	stream.linear.gather [hbm4b:s13+s0], $0x2880, $0x38;
	[tilespmem:$0x1D400] =	vst v63  }
0xdf: {  	_ =	swait.ge [sflag:s20], $0x2880  }
0xe0: {  	[sflag:s20] =	ssyncset.done $0x0  }
0xe1: {  	[sflag:s20] =	ssyncadd.s32 $0xFFFFD780  }
0xe2: {  	[tilespmem:s18], [sflag:$0xA] =	stream.linear.gather [hbm4b:s14+s0], $0x2880, $0x38;
	[tilespmem:$0x1D400] =	vst v63  }
0xe3: {  	_ =	swait.ge [sflag:s20], $0x2880  }
0xe4: {  	s4 =	simm.s32 $0x0;
	[sflag:s20] =	ssyncset.done $0x0  }
0xe5: {  	s5 =	simm.s32 $0x2880;
	s0 =	simm.s32 $0x200;
	[sflag:s20] =	ssyncadd.s32 $0xFFFFD780  }
.LBB2_8:
0xe6: {  	[spmem:s2] =	stream.indirect.scatter.add.f32 [tilespmem:s5], [sflag:$0x9], $0x1, s4, s22, $0xb8;
	[tilespmem:$0x1D400] =	vst v63  }
0xe7: {  	s4 =	smov.u32 s0;
	p2 =	sne.s32 s0, $0xA000  }
.Ltmp5:
0xe8: {  	s0 =	sadd.s32 $0x200, s0;
	(pc) =	sbr.rel @p2 .LBB2_8-.Ltmp5, $3  }
0xe9: {  	_ =	sdelay $0x1  }
0xea: {  	s4 =	sshra.s32 s4, $0x2  }
0xeb: {  	s5 =	sadd.s32 $0x2880, s4  }
0xec: {  	[spmem:s2] =	stream.indirect.scatter.add.f32 [tilespmem:s5], [sflag:$0x9], $0x1, s4, s22, $0xb8;
	[tilespmem:$0x1D400] =	vst v63  }
0xed: {  	_ =	swait.ge [sflag:s21], $0x2880  }
0xee: {  	[sflag:s21] =	ssyncset.done $0x0  }
0xef: {  	[sflag:s21] =	ssyncadd.s32 $0xFFFFD780  }
0xf0: {  	[bflag:$0x0] =	sbarrier.arrive $0xFFFF  }
0xf1: {  	s0 =	sld [smem:$0x7FA];
	_ =	sdelay $0x2  }
0xf2: {  	[tilespmem:s23], [sflag:$0xA] =	stream.linear.gather [spmem:s0], $0x280, $0x38;
	[tilespmem:$0x1D400] =	vst v63  }
0xf3: {  	_ =	swait.ge [sflag:s20], $0x280  }
0xf4: {  	[sflag:s20] =	ssyncset.done $0x0  }
0xf5: {  	s4 =	simm.s32 $0x40;
	s0 =	simm.s32 $0x0;
	[sflag:s20] =	ssyncadd.s32 $0xFFFFFD80  }
.LBB2_10:
0xf6: {  	p2 =	sne.s32 s4, $0x9C0;
	v3 =	vld [tilespmem:s0+$0x7980];
	_ =	sdelay $0x4  }
0xf7: {  	v3 =	vmax.f32 v3, $1.000000000e+00  }
0xf8: {  	v4 =	vshrl.u32 v3, $0x1;
	v3 =	vmul.f32 $5.000000000e-01, v3  }
0xf9: {  	v4 =	vsub.s32 $0x5F3759DF, v4  }
0xfa: {  	v5 =	vmul.f32 v4, v3;
	_ =	sdelay $0x1  }
0xfb: {  	v5 =	vmul.f32 v4, v5;
	_ =	sdelay $0x1  }
0xfc: {  	v5 =	vsub.f32 $1.500000000e+00, v5;
	_ =	sdelay $0x1  }
0xfd: {  	v4 =	vmul.f32 v4, v5;
	_ =	sdelay $0x1  }
0xfe: {  	v5 =	vmul.f32 v4, v3;
	_ =	sdelay $0x1  }
0xff: {  	v5 =	vmul.f32 v5, v4;
	_ =	sdelay $0x1  }
0x100: {  	v5 =	vsub.f32 $1.500000000e+00, v5;
	_ =	sdelay $0x1  }
0x101: {  	v4 =	vmul.f32 v5, v4;
	_ =	sdelay $0x1  }
0x102: {  	v3 =	vmul.f32 v4, v3;
	_ =	sdelay $0x1  }
0x103: {  	v3 =	vmul.f32 v3, v4;
	_ =	sdelay $0x1  }
.Ltmp6:
0x104: {  	v3 =	vsub.f32 $1.500000000e+00, v3;
	(pc) =	sbr.rel @p2 .LBB2_10-.Ltmp6, $3  }
0x105: {  	_ = 	snop  }
0x106: {  	v3 =	vmul.f32 v3, v4;
	_ =	sdelay $0x1  }
0x107: {  	[tilespmem:s0+$0x7980] =	vst v3;
	s0 =	sshra.s32 s4, $0x2;
	s4 =	sadd.s32 $0x40, s4  }
0x108: {  	v3 =	vld [tilespmem:s0+$0x7980];
	_ =	sdelay $0x4  }
0x109: {  	v3 =	vmax.f32 v3, $1.000000000e+00  }
0x10a: {  	v4 =	vshrl.u32 v3, $0x1;
	v3 =	vmul.f32 $5.000000000e-01, v3  }
0x10b: {  	v4 =	vsub.s32 $0x5F3759DF, v4  }
0x10c: {  	v5 =	vmul.f32 v4, v3;
	_ =	sdelay $0x1  }
0x10d: {  	v5 =	vmul.f32 v4, v5;
	_ =	sdelay $0x1  }
0x10e: {  	v5 =	vsub.f32 $1.500000000e+00, v5;
	_ =	sdelay $0x1  }
0x10f: {  	v4 =	vmul.f32 v4, v5;
	_ =	sdelay $0x1  }
0x110: {  	v5 =	vmul.f32 v4, v3;
	_ =	sdelay $0x1  }
0x111: {  	v5 =	vmul.f32 v5, v4;
	_ =	sdelay $0x1  }
0x112: {  	v5 =	vsub.f32 $1.500000000e+00, v5;
	_ =	sdelay $0x1  }
0x113: {  	v4 =	vmul.f32 v5, v4;
	_ =	sdelay $0x1  }
0x114: {  	v3 =	vmul.f32 v4, v3;
	_ =	sdelay $0x1  }
0x115: {  	v3 =	vmul.f32 v3, v4;
	_ =	sdelay $0x1  }
0x116: {  	v3 =	vsub.f32 $1.500000000e+00, v3;
	_ =	sdelay $0x1  }
0x117: {  	s15 =	sld [smem:$0x7FB];
	v3 =	vmul.f32 v3, v4;
	_ =	sdelay $0x1  }
0x118: {  	[tilespmem:s0+$0x7980] =	vst v3  }
0x119: {  	[spmem:s15] =	stream.linear.scatter [tilespmem:s23], [sflag:$0xA], $0x280, $0x38;
	[tilespmem:$0x1D400] =	vst v63  }
0x11a: {  	_ =	swait.ge [sflag:s20], $0x280  }
0x11b: {  	[sflag:s20] =	ssyncset.done $0x0  }
0x11c: {  	[sflag:s20] =	ssyncadd.s32 $0xFFFFFD80  }
0x11d: {  	[bflag:$0x0] =	sbarrier.arrive $0xFFFF  }
0x11e: {  	s16 =	rddreg [dreg:$0x5]  }
0x11f: {  	[tilespmem:s23], [sflag:$0xA] =	stream.linear.gather [spmem:s16], $0x2800, $0x38;
	[tilespmem:$0x1D400] =	vst v63  }
0x120: {  	_ =	swait.ge [sflag:s20], $0x2800  }
0x121: {  	s5 =	simm.s32 $0xA980;
	[sflag:s20] =	ssyncset.done $0x0  }
0x122: {  	s0 =	simm.s32 $0x0;
	s4 =	rddreg [dreg:$0x1e];
	[sflag:s20] =	ssyncadd.s32 $0xFFFFD800  }
0x123: {  	[tilespmem:s5], [sflag:$0xA] =	stream.linear.gather [hbm4b:s4+s0], $0x180, $0x38;
	[tilespmem:$0x1D400] =	vst v63  }
0x124: {  	_ =	swait.ge [sflag:s20], $0x180  }
0x125: {  	[sflag:s20] =	ssyncset.done $0x0  }
0x126: {  	s17 =	simm.s32 $0xAB00;
	[sflag:s20] =	ssyncadd.s32 $0xFFFFFE80  }
0x127: {  	[spmem:s3] =	stream.indirect.scatter.add.f32 [tilespmem:s17], [sflag:$0xA], $0x1, s5, s22, $0xb8;
	[tilespmem:$0x1D400] =	vst v63  }
0x128: {  	_ =	swait.ge [sflag:s20], $0x80  }
0x129: {  	[sflag:s20] =	ssyncset.done $0x0  }
0x12a: {  	s6 =	simm.s32 $0xAA00;
	s7 =	simm.s32 $0xAB80;
	[sflag:s20] =	ssyncadd.s32 $0xFFFFFF80  }
0x12b: {  	[spmem:s3] =	stream.indirect.scatter.add.f32 [tilespmem:s7], [sflag:$0xA], $0x1, s6, s22, $0xb8;
	[tilespmem:$0x1D400] =	vst v63  }
0x12c: {  	_ =	swait.ge [sflag:s20], $0x80  }
0x12d: {  	[sflag:s20] =	ssyncset.done $0x0  }
0x12e: {  	s8 =	simm.s32 $0xAA80;
	s11 =	simm.s32 $0xAC00;
	[sflag:s20] =	ssyncadd.s32 $0xFFFFFF80  }
0x12f: {  	[spmem:s3] =	stream.indirect.scatter.add.f32 [tilespmem:s11], [sflag:$0xA], $0x1, s8, s22, $0xb8;
	[tilespmem:$0x1D400] =	vst v63  }
0x130: {  	_ =	swait.ge [sflag:s20], $0x80  }
0x131: {  	[sflag:s20] =	ssyncset.done $0x0  }
0x132: {  	s12 =	rddreg [dreg:$0xb];
	[sflag:s20] =	ssyncadd.s32 $0xFFFFFF80  }
0x133: {  	[tilespmem:s24], [sflag:$0xA] =	stream.linear.gather [hbm4b:s12+s0], $0x2880, $0x38;
	[tilespmem:$0x1D400] =	vst v63  }
0x134: {  	_ =	swait.ge [sflag:s20], $0x2880  }
0x135: {  	[sflag:s20] =	ssyncset.done $0x0  }
0x136: {  	[sflag:s20] =	ssyncadd.s32 $0xFFFFD780  }
0x137: {  	[tilespmem:s0], [sflag:$0xA] =	stream.linear.gather [hbm4b:s28+s0], $0x2880, $0x38;
	[tilespmem:$0x1D400] =	vst v63  }
0x138: {  	_ =	swait.ge [sflag:s20], $0x2880  }
0x139: {  	[sflag:s20] =	ssyncset.done $0x0  }
0x13a: {  	s15 =	rddreg [dreg:$0x7];
	[sflag:s20] =	ssyncadd.s32 $0xFFFFD780  }
0x13b: {  	[tilespmem:s18], [sflag:$0xA] =	stream.linear.gather [hbm4b:s15+s0], $0x2880, $0x38;
	[tilespmem:$0x1D400] =	vst v63  }
0x13c: {  	_ =	swait.ge [sflag:s20], $0x2880  }
0x13d: {  	[sflag:s20] =	ssyncset.done $0x0  }
0x13e: {  	s16 =	simm.s32 $0xAC80;
	[sflag:s20] =	ssyncadd.s32 $0xFFFFD780  }
0x13f: {  	[tilespmem:s16], [sflag:$0x1] =	stream.indirect.gather [hbm4b:s10+s22], $0x40, s24, s22, $0xb8;
	[tilespmem:$0x1D400] =	vst v63  }
0x140: {  	s17 =	simm.s32 $0x5180;
	s8 =	smov.u32 s28;
	s28 =	simm.s32 $0xCC80  }
0x141: {  	[tilespmem:s28], [sflag:$0x2] =	stream.indirect.gather [hbm4b:s10+s22], $0x40, s17, s22, $0xb8;
	[tilespmem:$0x1D400] =	vst v63  }
0x142: {  	v3 =	vld [tilespmem:$0x5100];
	_ =	sdelay $0x1  }
0x143: {  	v59 =	vld [tilespmem:$0x0];
	_ =	sdelay $0x4  }
0x144: {  	v60 =	vld [tilespmem:$0x2880]  }
0x145: {  	v3 =	vld.idx.msk [tilespmem:v3+s23+$0x0], $0xffff  }
0x146: {  	v6 =	vld [tilespmem:$0x5110]  }
0x147: {  	v4 =	vld.idx.msk [tilespmem:v59+s23+$0x0], $0xffff;
	_ =	sdelay $0x1  }
0x148: {  	v7 =	vld [tilespmem:$0x10]  }
0x149: {  	v3 =	vmul.f32 v3, v60;
	_ =	sdelay $0x1  }
0x14a: {  	v3 =	vmul.f32 v4, v3;
	_ =	sdelay $0x1  }
0x14b: {  	[tilespmem:$0x2880] =	vst v3;
	v3 =	vld [tilespmem:$0x2890]  }
0x14c: {  	v61 =	vld.idx.msk [tilespmem:v6+s23+$0x0], $0xffff  }
0x14d: {  	v63 =	vld [tilespmem:$0x5120]  }
0x14e: {  	v62 =	vld.idx.msk [tilespmem:v7+s23+$0x0], $0xffff;
	_ =	sdelay $0x1  }
0x14f: {  	v9 =	vld [tilespmem:$0x20]  }
0x150: {  	v3 =	vmul.f32 v61, v3;
	_ =	sdelay $0x1  }
0x151: {  	v3 =	vmul.f32 v62, v3;
	_ =	sdelay $0x1  }
0x152: {  	[tilespmem:$0x2890] =	vst v3;
	v3 =	vld [tilespmem:$0x28A0]  }
0x153: {  	v10 =	vld.idx.msk [tilespmem:v63+s23+$0x0], $0xffff  }
0x154: {  	v12 =	vld [tilespmem:$0x5130]  }
0x155: {  	v11 =	vld.idx.msk [tilespmem:v9+s23+$0x0], $0xffff;
	_ =	sdelay $0x1  }
0x156: {  	v13 =	vld [tilespmem:$0x30]  }
0x157: {  	v3 =	vmul.f32 v10, v3;
	_ =	sdelay $0x1  }
0x158: {  	v3 =	vmul.f32 v11, v3;
	_ =	sdelay $0x1  }
0x159: {  	[tilespmem:$0x28A0] =	vst v3;
	v3 =	vld [tilespmem:$0x28B0]  }
0x15a: {  	v14 =	vld.idx.msk [tilespmem:v12+s23+$0x0], $0xffff  }
0x15b: {  	v16 =	vld [tilespmem:$0x5140]  }
0x15c: {  	v15 =	vld.idx.msk [tilespmem:v13+s23+$0x0], $0xffff;
	_ =	sdelay $0x1  }
0x15d: {  	v17 =	vld [tilespmem:$0x40]  }
0x15e: {  	v3 =	vmul.f32 v14, v3;
	_ =	sdelay $0x1  }
0x15f: {  	v3 =	vmul.f32 v15, v3;
	_ =	sdelay $0x1  }
0x160: {  	[tilespmem:$0x28B0] =	vst v3;
	v3 =	vld [tilespmem:$0x28C0]  }
0x161: {  	v18 =	vld.idx.msk [tilespmem:v16+s23+$0x0], $0xffff  }
0x162: {  	v20 =	vld [tilespmem:$0x5150]  }
0x163: {  	v19 =	vld.idx.msk [tilespmem:v17+s23+$0x0], $0xffff;
	_ =	sdelay $0x1  }
0x164: {  	v21 =	vld [tilespmem:$0x50]  }
0x165: {  	v3 =	vmul.f32 v18, v3;
	_ =	sdelay $0x1  }
0x166: {  	v3 =	vmul.f32 v19, v3;
	_ =	sdelay $0x1  }
0x167: {  	[tilespmem:$0x28C0] =	vst v3;
	v3 =	vld [tilespmem:$0x28D0]  }
0x168: {  	v22 =	vld.idx.msk [tilespmem:v20+s23+$0x0], $0xffff  }
0x169: {  	v24 =	vld [tilespmem:$0x5160]  }
0x16a: {  	v23 =	vld.idx.msk [tilespmem:v21+s23+$0x0], $0xffff;
	_ =	sdelay $0x1  }
0x16b: {  	v25 =	vld [tilespmem:$0x60]  }
0x16c: {  	v3 =	vmul.f32 v22, v3;
	_ =	sdelay $0x1  }
0x16d: {  	v3 =	vmul.f32 v23, v3;
	_ =	sdelay $0x1  }
0x16e: {  	[tilespmem:$0x28D0] =	vst v3;
	v3 =	vld [tilespmem:$0x28E0]  }
0x16f: {  	v26 =	vld.idx.msk [tilespmem:v24+s23+$0x0], $0xffff  }
0x170: {  	v28 =	vld [tilespmem:$0x5170]  }
0x171: {  	v27 =	vld.idx.msk [tilespmem:v25+s23+$0x0], $0xffff;
	_ =	sdelay $0x1  }
0x172: {  	v29 =	vld [tilespmem:$0x70]  }
0x173: {  	v3 =	vmul.f32 v26, v3;
	_ =	sdelay $0x1  }
0x174: {  	v3 =	vmul.f32 v27, v3;
	_ =	sdelay $0x1  }
0x175: {  	[tilespmem:$0x28E0] =	vst v3;
	v3 =	vld [tilespmem:$0x28F0]  }
0x176: {  	v30 =	vld.idx.msk [tilespmem:v28+s23+$0x0], $0xffff  }
0x177: {  	v32 =	vld [tilespmem:$0x5180]  }
0x178: {  	v31 =	vld.idx.msk [tilespmem:v29+s23+$0x0], $0xffff;
	_ =	sdelay $0x1  }
0x179: {  	v33 =	vld [tilespmem:$0x80]  }
0x17a: {  	v3 =	vmul.f32 v30, v3;
	_ =	sdelay $0x1  }
0x17b: {  	v3 =	vmul.f32 v31, v3;
	_ =	sdelay $0x1  }
0x17c: {  	[tilespmem:$0x28F0] =	vst v3;
	v3 =	vld [tilespmem:$0x2900]  }
0x17d: {  	v34 =	vld.idx.msk [tilespmem:v32+s23+$0x0], $0xffff  }
0x17e: {  	v36 =	vld [tilespmem:$0x5190]  }
0x17f: {  	v35 =	vld.idx.msk [tilespmem:v33+s23+$0x0], $0xffff;
	_ =	sdelay $0x1  }
0x180: {  	v37 =	vld [tilespmem:$0x90]  }
0x181: {  	v3 =	vmul.f32 v34, v3;
	_ =	sdelay $0x1  }
0x182: {  	v3 =	vmul.f32 v35, v3;
	_ =	sdelay $0x1  }
0x183: {  	[tilespmem:$0x2900] =	vst v3;
	v3 =	vld [tilespmem:$0x2910]  }
0x184: {  	v38 =	vld.idx.msk [tilespmem:v36+s23+$0x0], $0xffff  }
0x185: {  	v40 =	vld [tilespmem:$0x51A0]  }
0x186: {  	v39 =	vld.idx.msk [tilespmem:v37+s23+$0x0], $0xffff;
	_ =	sdelay $0x1  }
0x187: {  	v41 =	vld [tilespmem:$0xA0]  }
0x188: {  	v3 =	vmul.f32 v38, v3;
	_ =	sdelay $0x1  }
0x189: {  	v3 =	vmul.f32 v39, v3;
	_ =	sdelay $0x1  }
0x18a: {  	[tilespmem:$0x2910] =	vst v3;
	v3 =	vld [tilespmem:$0x2920]  }
0x18b: {  	v42 =	vld.idx.msk [tilespmem:v40+s23+$0x0], $0xffff  }
0x18c: {  	v44 =	vld [tilespmem:$0x51B0]  }
0x18d: {  	v43 =	vld.idx.msk [tilespmem:v41+s23+$0x0], $0xffff;
	_ =	sdelay $0x1  }
0x18e: {  	v45 =	vld [tilespmem:$0xB0]  }
0x18f: {  	v3 =	vmul.f32 v42, v3;
	_ =	sdelay $0x1  }
0x190: {  	v3 =	vmul.f32 v43, v3;
	_ =	sdelay $0x1  }
0x191: {  	[tilespmem:$0x2920] =	vst v3;
	v3 =	vld [tilespmem:$0x2930]  }
0x192: {  	v46 =	vld.idx.msk [tilespmem:v44+s23+$0x0], $0xffff  }
0x193: {  	v48 =	vld [tilespmem:$0x51C0]  }
0x194: {  	v47 =	vld.idx.msk [tilespmem:v45+s23+$0x0], $0xffff;
	_ =	sdelay $0x1  }
0x195: {  	v49 =	vld [tilespmem:$0xC0]  }
0x196: {  	v3 =	vmul.f32 v46, v3;
	_ =	sdelay $0x1  }
0x197: {  	v3 =	vmul.f32 v47, v3;
	_ =	sdelay $0x1  }
0x198: {  	[tilespmem:$0x2930] =	vst v3;
	v3 =	vld [tilespmem:$0x2940]  }
0x199: {  	v50 =	vld.idx.msk [tilespmem:v48+s23+$0x0], $0xffff  }
0x19a: {  	v52 =	vld [tilespmem:$0x51D0]  }
0x19b: {  	v51 =	vld.idx.msk [tilespmem:v49+s23+$0x0], $0xffff;
	_ =	sdelay $0x1  }
0x19c: {  	v53 =	vld [tilespmem:$0xD0]  }
0x19d: {  	v3 =	vmul.f32 v50, v3;
	_ =	sdelay $0x1  }
0x19e: {  	v3 =	vmul.f32 v51, v3;
	_ =	sdelay $0x1  }
0x19f: {  	[tilespmem:$0x2940] =	vst v3;
	v3 =	vld [tilespmem:$0x2950]  }
0x1a0: {  	v54 =	vld.idx.msk [tilespmem:v52+s23+$0x0], $0xffff  }
0x1a1: {  	v56 =	vld [tilespmem:$0x51E0]  }
0x1a2: {  	v55 =	vld.idx.msk [tilespmem:v53+s23+$0x0], $0xffff;
	_ =	sdelay $0x1  }
0x1a3: {  	v57 =	vld [tilespmem:$0xE0]  }
0x1a4: {  	v3 =	vmul.f32 v54, v3;
	_ =	sdelay $0x1  }
0x1a5: {  	v3 =	vmul.f32 v55, v3;
	_ =	sdelay $0x1  }
0x1a6: {  	[tilespmem:$0x2950] =	vst v3;
	v3 =	vld [tilespmem:$0x2960]  }
0x1a7: {  	v58 =	vld.idx.msk [tilespmem:v56+s23+$0x0], $0xffff  }
0x1a8: {  	v60 =	vld [tilespmem:$0x51F0]  }
0x1a9: {  	v59 =	vld.idx.msk [tilespmem:v57+s23+$0x0], $0xffff;
	_ =	sdelay $0x1  }
0x1aa: {  	v61 =	vld [tilespmem:$0xF0]  }
0x1ab: {  	v3 =	vmul.f32 v58, v3;
	_ =	sdelay $0x1  }
0x1ac: {  	v3 =	vmul.f32 v59, v3;
	_ =	sdelay $0x1  }
0x1ad: {  	[tilespmem:$0x2960] =	vst v3;
	v3 =	vld [tilespmem:$0x2970]  }
0x1ae: {  	v62 =	vld.idx.msk [tilespmem:v60+s23+$0x0], $0xffff;
	_ =	sdelay $0x1  }
0x1af: {  	v63 =	vld.idx.msk [tilespmem:v61+s23+$0x0], $0xffff;
	_ =	sdelay $0x2  }
.Ltmp7:
0x1b0: {  	v3 =	vmul.f32 v62, v3;
	(pc) =	sbr.rel .LBB2_12-.Ltmp7, $3  }
0x1b1: {  	_ = 	snop  }
0x1b2: {  	v3 =	vmul.f32 v63, v3;
	_ =	sdelay $0x1  }
0x1b3: {  	s4 =	simm.s32 $0x0;
	s7 =	smov.u32 s3;
	[tilespmem:$0x2970] =	vst v3  }
.LBB2_16:
0x1b4: {  	s4 =	sadd.s32 $0x1, s4  }
0x1b5: {  	p2 =	sne.s32 s4, $0x51  }
.Ltmp8:
0x1b6: {  	_ = 	snop;
	(pc) =	sbr.rel @!p2 .LBB2_17-.Ltmp8, $2  }
0x1b7: {  	_ =	sdelay $0x2  }
0x1b8: {  	s0 =	sadd.s32 $0x1, s0  }
.LBB2_12:
0x1b9: {  	s5 =	simm.s32 $0x0  }
0x1ba: {  	v3 =	vmov s5  }
0x1bb: {  	s6 =	sshll.u32 s4, $0x7;
	s28 =	sand.u32 $0x3, s4;
	p2 =	slt.u32 s4, $0x4;
	v4 =	vshrl.u32 v3, $0x3  }
0x1bc: {  	s5 =	sadd.s32 @!p2 $0x5, s28;
	v3 =	vmov s6;
	v4 =	vshll.u32 v4, v2  }
0x1bd: {  	_ =	swait.ge @!p2 [sflag:s5], $0x2000;
	v4 =	vadd.s32 v3, v4  }
0x1be: {  	[sflag:s5] =	ssyncset.done @!p2 $0x0;
	v4 =	vbroadcast v4, $0x0  }
0x1bf: {  	s16 =	sadd.s32 $0x1, s28;
	[sflag:s5] =	ssyncadd.s32 @!p2 $0xFFFFE000  }
0x1c0: {  	s11 =	sand.u32 $0x3, s0;
	_ =	swait.ge [sflag:s16], $0x2000  }
0x1c1: {  	s11 =	sshll.u32 s11, $0xD;
	[sflag:s16] =	ssyncset.done $0x0  }
0x1c2: {  	s5 =	sadd.s32 $0xAD80, s11;
	[sflag:s16] =	ssyncadd.s32 $0xFFFFE000  }
0x1c3: {  	v6 =	vld [tilespmem:s5+$0xFFFFFF10]  }
0x1c4: {  	s17 =	simm.s32 $0x1;
	v5 =	vld.idx.msk [tilespmem:v4+s18+$0x0], $0xffff  }
0x1c5: {  	v7 =	vld [tilespmem:s5+$0xFFFFFF30];
	v4 =	vmov s17  }
0x1c6: {  	v9 =	vld [tilespmem:s5+$0xFFFFFF00];
	v8 =	vshrl.u32 v4, $0x3  }
0x1c7: {  	v10 =	vld [tilespmem:s5+$0xFFFFFF20];
	v4 =	vor.u32 $0x1, v3;
	v8 =	vshll.u32 v8, v2  }
0x1c8: {  	v8 =	vadd.s32 v8, v4  }
0x1c9: {  	v8 =	vbroadcast v8, $0x0;
	v6 =	vmul.f32 v6, v5  }
0x1ca: {  	v7 =	vmul.f32 v7, v5  }
0x1cb: {  	v9 =	vmul.f32 v9, v5;
	[tilespmem:s5+$0xFFFFFF10] =	vst v6  }
0x1cc: {  	v5 =	vmul.f32 v10, v5;
	[tilespmem:s5+$0xFFFFFF30] =	vst v7  }
0x1cd: {  	[tilespmem:s5+$0xFFFFFF00] =	vst v9  }
0x1ce: {  	v11 =	vld [tilespmem:s5+$0xFFFFFF50];
	[tilespmem:s5+$0xFFFFFF20] =	vst v5  }
0x1cf: {  	s3 =	simm.s32 $0x2;
	v6 =	vld.idx.msk [tilespmem:v8+s18+$0x0], $0xffff  }
0x1d0: {  	v5 =	vmov s3;
	v7 =	vld [tilespmem:s5+$0xFFFFFF70]  }
0x1d1: {  	v9 =	vld [tilespmem:s5+$0xFFFFFF60];
	v8 =	vshrl.u32 v5, $0x3  }
0x1d2: {  	v10 =	vld [tilespmem:s5+$0xFFFFFF40];
	v5 =	vor.u32 $0x2, v3;
	v8 =	vshll.u32 v8, v2  }
0x1d3: {  	v8 =	vadd.s32 v8, v5  }
0x1d4: {  	v8 =	vbroadcast v8, $0x0;
	v11 =	vmul.f32 v11, v6  }
0x1d5: {  	v7 =	vmul.f32 v7, v6  }
0x1d6: {  	v9 =	vmul.f32 v9, v6;
	[tilespmem:s5+$0xFFFFFF50] =	vst v11  }
0x1d7: {  	v6 =	vmul.f32 v10, v6;
	[tilespmem:s5+$0xFFFFFF70] =	vst v7  }
0x1d8: {  	[tilespmem:s5+$0xFFFFFF60] =	vst v9  }
0x1d9: {  	v12 =	vld [tilespmem:s5+$0xFFFFFF80];
	[tilespmem:s5+$0xFFFFFF40] =	vst v6  }
0x1da: {  	s12 =	simm.s32 $0x3;
	v7 =	vld.idx.msk [tilespmem:v8+s18+$0x0], $0xffff  }
0x1db: {  	v6 =	vmov s12;
	v8 =	vld [tilespmem:s5+$0xFFFFFFB0]  }
0x1dc: {  	v13 =	vld [tilespmem:s5+$0xFFFFFF90];
	v9 =	vshrl.u32 v6, $0x3  }
0x1dd: {  	v10 =	vld [tilespmem:s5+$0xFFFFFFA0];
	v6 =	vor.u32 $0x3, v3;
	v9 =	vshll.u32 v9, v2  }
0x1de: {  	v9 =	vadd.s32 v9, v6  }
0x1df: {  	v9 =	vbroadcast v9, $0x0;
	v11 =	vmul.f32 v12, v7  }
0x1e0: {  	v8 =	vmul.f32 v8, v7  }
0x1e1: {  	v12 =	vmul.f32 v13, v7;
	[tilespmem:s5+$0xFFFFFF80] =	vst v11  }
0x1e2: {  	v7 =	vmul.f32 v10, v7;
	[tilespmem:s5+$0xFFFFFFB0] =	vst v8  }
0x1e3: {  	[tilespmem:s5+$0xFFFFFF90] =	vst v12  }
0x1e4: {  	v11 =	vld [tilespmem:s5+$0xFFFFFFF0];
	[tilespmem:s5+$0xFFFFFFA0] =	vst v7  }
0x1e5: {  	s15 =	simm.s32 $0x4;
	v7 =	vld.idx.msk [tilespmem:v9+s18+$0x0], $0xffff  }
0x1e6: {  	v8 =	vmov s15;
	v9 =	vld [tilespmem:s5+$0xFFFFFFE0]  }
0x1e7: {  	v10 =	vld [tilespmem:s5+$0xFFFFFFD0];
	v12 =	vshrl.u32 v8, $0x3  }
0x1e8: {  	v13 =	vld [tilespmem:s5+$0xFFFFFFC0];
	v8 =	vor.u32 $0x4, v3;
	v12 =	vshll.u32 v12, v2  }
0x1e9: {  	v12 =	vadd.s32 v12, v8  }
0x1ea: {  	v15 =	vbroadcast v12, $0x0;
	v11 =	vmul.f32 v11, v7  }
0x1eb: {  	v9 =	vmul.f32 v9, v7  }
0x1ec: {  	v10 =	vmul.f32 v10, v7;
	[tilespmem:s5+$0xFFFFFFF0] =	vst v11  }
0x1ed: {  	s16 =	simm.s32 $0x5;
	v14 =	vld [tilespmem:s5+$0x20];
	v7 =	vmul.f32 v13, v7;
	[tilespmem:s5+$0xFFFFFFE0] =	vst v9  }
0x1ee: {  	v16 =	vld [tilespmem:s5+$0x10];
	v9 =	vmov s16;
	[tilespmem:s5+$0xFFFFFFD0] =	vst v10  }
0x1ef: {  	v12 =	vld [tilespmem:s5+$0x0];
	[tilespmem:s5+$0xFFFFFFC0] =	vst v7;
	v9 =	vshrl.u32 v9, $0x3  }
0x1f0: {  	s17 =	sshll.u32 s28, $0xD;
	v10 =	vor.u32 $0x5, v3;
	v7 =	vshll.u32 v9, v2;
	v15 =	vld.idx.msk [tilespmem:v15+s18+$0x0], $0xffff  }
0x1f1: {  	s11 =	sadd.s32 $0xAC80, s17;
	v11 =	vld [tilespmem:s5+$0x30];
	v13 =	vadd.s32 v7, v10  }
0x1f2: {  	s12 =	smov.u32 s5;
	s15 =	simm.s32 $0x7;
	s16 =	simm.s32 $0xF;
	v9 =	vor.u32 $0x6, v3;
	v7 =	vor.u32 $0x7, v3;
	v13 =	vbroadcast v13, $0x0  }
.LBB2_13:
0x1f3: {  	p2 =	sne.s32 s16, $0x7F  }
0x1f4: {  	s5 =	sadd.s32 $0x200, s5;
	s17 =	smov.u32 s16;
	s16 =	sadd.s32 $0x8, s16  }
0x1f5: {  	v14 =	vmul.f32 v14, v15;
	v16 =	vmul.f32 v16, v15  }
0x1f6: {  	v12 =	vmul.f32 v12, v15;
	v11 =	vmul.f32 v11, v15;
	v15 =	vld [tilespmem:s12+$0x70]  }
0x1f7: {  	[tilespmem:s12+$0x10] =	vst v16;
	v16 =	vld [tilespmem:s12+$0x40]  }
0x1f8: {  	[tilespmem:s12+$0x0] =	vst v12  }
0x1f9: {  	[tilespmem:s12+$0x20] =	vst v14  }
0x1fa: {  	[tilespmem:s12+$0x30] =	vst v11;
	v11 =	vld [tilespmem:s12+$0x60]  }
0x1fb: {  	v12 =	vld.idx.msk [tilespmem:v13+s18+$0x0], $0xffff  }
0x1fc: {  	v13 =	vld [tilespmem:s12+$0x50]  }
0x1fd: {  	s3 =	sadd.s32 $0xFFFFFFFF, s15  }
0x1fe: {  	v14 =	vmov s3  }
0x1ff: {  	v14 =	vshrl.u32 v14, $0x3  }
0x200: {  	v14 =	vshll.u32 v14, v2  }
0x201: {  	v14 =	vadd.s32 v14, v9;
	v11 =	vmul.f32 v11, v12;
	v13 =	vmul.f32 v13, v12  }
0x202: {  	v14 =	vbroadcast v14, $0x0;
	v16 =	vmul.f32 v16, v12  }
0x203: {  	[tilespmem:s12+$0x60] =	vst v11;
	v11 =	vmul.f32 v15, v12  }
0x204: {  	[tilespmem:s12+$0x50] =	vst v13;
	v12 =	vld [tilespmem:s12+$0xB0]  }
0x205: {  	[tilespmem:s12+$0x40] =	vst v16  }
0x206: {  	s3 =	sadd.s32 $0xFFFFFFF9, s17  }
0x207: {  	v13 =	vmov s3;
	[tilespmem:s12+$0x70] =	vst v11;
	v11 =	vld [tilespmem:s12+$0x90]  }
0x208: {  	v13 =	vshrl.u32 v13, $0x3;
	v14 =	vld.idx.msk [tilespmem:v14+s18+$0x0], $0xffff  }
0x209: {  	v13 =	vshll.u32 v13, v2;
	v15 =	vld [tilespmem:s12+$0xA0]  }
0x20a: {  	v13 =	vadd.s32 v3, v13;
	v16 =	vld [tilespmem:s12+$0x80]  }
0x20b: {  	v17 =	vmov s15;
	s15 =	smov.u32 s17;
	v13 =	vbroadcast v13, $0x0  }
0x20c: {  	v17 =	vshrl.u32 v17, $0x3  }
0x20d: {  	v17 =	vshll.u32 v17, v2  }
0x20e: {  	v17 =	vadd.s32 v17, v7;
	v12 =	vmul.f32 v12, v14;
	v15 =	vmul.f32 v15, v14  }
0x20f: {  	v17 =	vbroadcast v17, $0x0;
	v16 =	vmul.f32 v16, v14;
	v18 =	vld [tilespmem:s12+$0xD0]  }
0x210: {  	v11 =	vmul.f32 v11, v14;
	v19 =	vld [tilespmem:s5+$0xFFFFFF30];
	[tilespmem:s12+$0xA0] =	vst v15  }
0x211: {  	[tilespmem:s12+$0x80] =	vst v16  }
0x212: {  	s3 =	sadd.s32 $0xFFFFFFFA, s15;
	[tilespmem:s12+$0x90] =	vst v11;
	v11 =	vld [tilespmem:s12+$0xC0]  }
0x213: {  	v14 =	vmov s3;
	[tilespmem:s12+$0xB0] =	vst v12  }
0x214: {  	v12 =	vshrl.u32 v14, $0x3;
	v14 =	vld [tilespmem:s12+$0xF0]  }
0x215: {  	v12 =	vshll.u32 v12, v2;
	v15 =	vld.idx.msk [tilespmem:v17+s18+$0x0], $0xffff  }
0x216: {  	v12 =	vadd.s32 v12, v4  }
0x217: {  	v12 =	vbroadcast v12, $0x0;
	v16 =	vld [tilespmem:s12+$0xE0];
	_ =	sdelay $0x3  }
0x218: {  	v11 =	vmul.f32 v11, v15;
	v17 =	vmul.f32 v18, v15  }
0x219: {  	v14 =	vmul.f32 v14, v15;
	v16 =	vmul.f32 v16, v15  }
0x21a: {  	v15 =	vld [tilespmem:s5+$0xFFFFFF20];
	[tilespmem:s12+$0xC0] =	vst v11  }
0x21b: {  	[tilespmem:s12+$0xE0] =	vst v16  }
0x21c: {  	[tilespmem:s12+$0xF0] =	vst v14  }
0x21d: {  	[tilespmem:s12+$0xD0] =	vst v17;
	s12 =	smov.u32 s5  }
0x21e: {  	v11 =	vld.idx.msk [tilespmem:v13+s18+$0x0], $0xffff  }
0x21f: {  	v13 =	vld [tilespmem:s5+$0xFFFFFF10]  }
0x220: {  	v14 =	vld [tilespmem:s5+$0xFFFFFF00];
	_ =	sdelay $0x1  }
0x221: {  	v16 =	vld [tilespmem:s5+$0xFFFFFF50];
	_ =	sdelay $0x1  }
0x222: {  	s3 =	sadd.s32 $0xFFFFFFFB, s15;
	v15 =	vmul.f32 v15, v11;
	v13 =	vmul.f32 v13, v11  }
0x223: {  	v17 =	vmov s3;
	v14 =	vmul.f32 v14, v11;
	v11 =	vmul.f32 v19, v11  }
0x224: {  	v17 =	vshrl.u32 v17, $0x3;
	[tilespmem:s5+$0xFFFFFF10] =	vst v13;
	v13 =	vld [tilespmem:s5+$0xFFFFFF70]  }
0x225: {  	[tilespmem:s5+$0xFFFFFF30] =	vst v11;
	v11 =	vshll.u32 v17, v2  }
0x226: {  	[tilespmem:s5+$0xFFFFFF00] =	vst v14;
	v11 =	vadd.s32 v11, v5  }
0x227: {  	[tilespmem:s5+$0xFFFFFF20] =	vst v15  }
0x228: {  	v11 =	vbroadcast v11, $0x0;
	v12 =	vld.idx.msk [tilespmem:v12+s18+$0x0], $0xffff  }
0x229: {  	v14 =	vld [tilespmem:s5+$0xFFFFFF40]  }
0x22a: {  	v15 =	vld [tilespmem:s5+$0xFFFFFF60];
	_ =	sdelay $0x2  }
0x22b: {  	v17 =	vld [tilespmem:s5+$0xFFFFFF90]  }
0x22c: {  	v16 =	vmul.f32 v16, v12;
	v14 =	vmul.f32 v14, v12  }
0x22d: {  	s3 =	sadd.s32 $0xFFFFFFFC, s15;
	v15 =	vmul.f32 v15, v12;
	v12 =	vmul.f32 v13, v12;
	v13 =	vld [tilespmem:s5+$0xFFFFFF80]  }
0x22e: {  	[tilespmem:s5+$0xFFFFFF50] =	vst v16;
	v16 =	vmov s3  }
0x22f: {  	[tilespmem:s5+$0xFFFFFF70] =	vst v12;
	v12 =	vshrl.u32 v16, $0x3  }
0x230: {  	[tilespmem:s5+$0xFFFFFF60] =	vst v15;
	v12 =	vshll.u32 v12, v2  }
0x231: {  	[tilespmem:s5+$0xFFFFFF40] =	vst v14;
	v14 =	vld [tilespmem:s5+$0xFFFFFFA0];
	v12 =	vadd.s32 v12, v6  }
0x232: {  	v11 =	vld.idx.msk [tilespmem:v11+s18+$0x0], $0xffff  }
0x233: {  	v15 =	vld [tilespmem:s5+$0xFFFFFFB0]  }
0x234: {  	v12 =	vbroadcast v12, $0x0;
	_ =	sdelay $0x3  }
0x235: {  	v13 =	vmul.f32 v13, v11;
	v15 =	vmul.f32 v15, v11  }
0x236: {  	v16 =	vmul.f32 v17, v11;
	v11 =	vmul.f32 v14, v11  }
0x237: {  	[tilespmem:s5+$0xFFFFFF80] =	vst v13;
	v13 =	vld [tilespmem:s5+$0xFFFFFFF0]  }
0x238: {  	[tilespmem:s5+$0xFFFFFFB0] =	vst v15;
	v14 =	vld [tilespmem:s5+$0xFFFFFFD0]  }
0x239: {  	[tilespmem:s5+$0xFFFFFF90] =	vst v16  }
0x23a: {  	[tilespmem:s5+$0xFFFFFFA0] =	vst v11;
	v11 =	vld [tilespmem:s5+$0xFFFFFFC0]  }
0x23b: {  	s3 =	sadd.s32 $0xFFFFFFFD, s15;
	v15 =	vld [tilespmem:s5+$0xFFFFFFE0]  }
0x23c: {  	v16 =	vmov s3;
	v12 =	vld.idx.msk [tilespmem:v12+s18+$0x0], $0xffff  }
0x23d: {  	v16 =	vshrl.u32 v16, $0x3  }
0x23e: {  	v16 =	vshll.u32 v16, v2  }
0x23f: {  	v16 =	vadd.s32 v16, v8  }
0x240: {  	v16 =	vbroadcast v16, $0x0;
	_ =	sdelay $0x1  }
0x241: {  	v17 =	vmul.f32 v11, v12;
	v11 =	vmul.f32 v13, v12  }
0x242: {  	v13 =	vmul.f32 v14, v12;
	v12 =	vmul.f32 v15, v12  }
0x243: {  	[tilespmem:s5+$0xFFFFFFF0] =	vst v11;
	v11 =	vld [tilespmem:s5+$0x30]  }
0x244: {  	[tilespmem:s5+$0xFFFFFFE0] =	vst v12;
	v12 =	vld [tilespmem:s5+$0x0]  }
0x245: {  	[tilespmem:s5+$0xFFFFFFD0] =	vst v13  }
0x246: {  	s3 =	sadd.s32 $0xFFFFFFFE, s15;
	[tilespmem:s5+$0xFFFFFFC0] =	vst v17  }
0x247: {  	v13 =	vmov s3;
	v14 =	vld [tilespmem:s5+$0x20]  }
.Ltmp9:
0x248: {  	v13 =	vshrl.u32 v13, $0x3;
	v15 =	vld.idx.msk [tilespmem:v16+s18+$0x0], $0xffff;
	(pc) =	sbr.rel @p2 .LBB2_13-.Ltmp9, $3  }
0x249: {  	v13 =	vshll.u32 v13, v2;
	v16 =	vld [tilespmem:s5+$0x10]  }
0x24a: {  	v13 =	vadd.s32 v13, v10;
	_ =	sdelay $0x1  }
0x24b: {  	v13 =	vbroadcast v13, $0x0  }
0x24c: {  	v4 =	vmul.f32 v12, v15  }
0x24d: {  	v3 =	vmul.f32 v16, v15  }
0x24e: {  	v5 =	vmul.f32 v14, v15;
	[tilespmem:s12+$0x0] =	vst v4  }
0x24f: {  	[tilespmem:s12+$0x10] =	vst v3;
	v3 =	vmul.f32 v11, v15  }
0x250: {  	[tilespmem:s12+$0x20] =	vst v5  }
0x251: {  	[tilespmem:s12+$0x30] =	vst v3;
	v3 =	vld [tilespmem:s12+$0x60]  }
0x252: {  	s3 =	sadd.s32 $0xFFFFFFFF, s15;
	v4 =	vld.idx.msk [tilespmem:v13+s18+$0x0], $0xffff  }
0x253: {  	v54 =	vld [tilespmem:s12+$0x50];
	v8 =	vmov s3  }
0x254: {  	v6 =	vld [tilespmem:s12+$0x40];
	v8 =	vshrl.u32 v8, $0x3  }
0x255: {  	v10 =	vld [tilespmem:s12+$0x70];
	v8 =	vshll.u32 v8, v2  }
0x256: {  	v8 =	vadd.s32 v8, v9  }
0x257: {  	v8 =	vbroadcast v8, $0x0;
	v3 =	vmul.f32 v3, v4  }
0x258: {  	v5 =	vmul.f32 v54, v4  }
0x259: {  	v6 =	vmul.f32 v6, v4;
	[tilespmem:s12+$0x60] =	vst v3  }
0x25a: {  	v3 =	vmul.f32 v10, v4;
	[tilespmem:s12+$0x50] =	vst v5  }
0x25b: {  	[tilespmem:s12+$0x40] =	vst v6  }
0x25c: {  	v55 =	vld [tilespmem:s12+$0xA0];
	[tilespmem:s12+$0x70] =	vst v3  }
0x25d: {  	v3 =	vld.idx.msk [tilespmem:v8+s18+$0x0], $0xffff  }
0x25e: {  	v56 =	vld [tilespmem:s12+$0x80];
	v58 =	vmov s15  }
0x25f: {  	v57 =	vld [tilespmem:s12+$0x90];
	v8 =	vshrl.u32 v58, $0x3  }
0x260: {  	v59 =	vld [tilespmem:s12+$0xB0];
	v8 =	vshll.u32 v8, v2  }
0x261: {  	v7 =	vadd.s32 v8, v7  }
0x262: {  	v7 =	vbroadcast v7, $0x0;
	v4 =	vmul.f32 v55, v3  }
0x263: {  	v5 =	vmul.f32 v56, v3  }
0x264: {  	v6 =	vmul.f32 v57, v3;
	[tilespmem:s12+$0xA0] =	vst v4  }
0x265: {  	v3 =	vmul.f32 v59, v3;
	[tilespmem:s12+$0x80] =	vst v5  }
0x266: {  	[tilespmem:s12+$0x90] =	vst v6  }
0x267: {  	v61 =	vld [tilespmem:s12+$0xC0];
	[tilespmem:s12+$0xB0] =	vst v3  }
0x268: {  	v3 =	vld.idx.msk [tilespmem:v7+s18+$0x0], $0xffff  }
0x269: {  	v62 =	vld [tilespmem:s12+$0xE0]  }
0x26a: {  	v63 =	vld [tilespmem:s12+$0xF0]  }
0x26b: {  	v60 =	vld [tilespmem:s12+$0xD0];
	_ =	sdelay $0x1  }
0x26c: {  	v4 =	vmul.f32 v61, v3  }
0x26d: {  	p2 =	sgt.u32 s4, $0x4E;
	v5 =	vmul.f32 v62, v3  }
.Ltmp10:
0x26e: {  	v6 =	vmul.f32 v63, v3;
	[tilespmem:s12+$0xC0] =	vst v4;
	(pc) =	sbr.rel @p2 .LBB2_16-.Ltmp10, $4  }
0x26f: {  	v3 =	vmul.f32 v60, v3;
	[tilespmem:s12+$0xE0] =	vst v5  }
0x270: {  	[tilespmem:s12+$0xF0] =	vst v6  }
0x271: {  	s17 =	sand.u32 $0x3FFFFF80, s6;
	s5 =	sadd.s32 $0x5, s28;
	[tilespmem:s12+$0xD0] =	vst v3  }
0x272: {  	[spmem:s1] =	stream.indirect.scatter.add.f32 [tilespmem:s11], [sflag:s5], $0x40, s17, s22, $0xb8;
	[tilespmem:$0x1D400] =	vst v63  }
0x273: {  	s3 =	sadd.s32 $0x2, s4  }
0x274: {  	s6 =	sand.u32 $0x3, s3  }
0x275: {  	s5 =	sshll.u32 s3, $0x7;
	s11 =	sshll.u32 s6, $0xD  }
0x276: {  	s28 =	sadd.s32 $0x5100, s5;
	s6 =	sadd.s32 $0x1, s6;
	s17 =	sadd.s32 $0xAC80, s11  }
0x277: {  	[tilespmem:s17], [sflag:s6] =	stream.indirect.gather [hbm4b:s10+s22], $0x40, s28, s22, $0xb8;
	[tilespmem:$0x1D400] =	vst v63  }
0x278: {  	v3 =	vld [tilespmem:s5+$0x5100];
	_ =	sdelay $0x1  }
0x279: {  	v4 =	vld [tilespmem:s5+$0x0];
	_ =	sdelay $0x4  }
0x27a: {  	v5 =	vld [tilespmem:s5+$0x2880]  }
0x27b: {  	v3 =	vld.idx.msk [tilespmem:v3+s23+$0x0], $0xffff  }
0x27c: {  	v6 =	vld [tilespmem:s5+$0x5110]  }
0x27d: {  	v4 =	vld.idx.msk [tilespmem:v4+s23+$0x0], $0xffff;
	_ =	sdelay $0x1  }
0x27e: {  	v7 =	vld [tilespmem:s5+$0x10]  }
0x27f: {  	v3 =	vmul.f32 v3, v5;
	_ =	sdelay $0x1  }
0x280: {  	v3 =	vmul.f32 v4, v3;
	_ =	sdelay $0x1  }
0x281: {  	[tilespmem:s5+$0x2880] =	vst v3;
	v3 =	vld [tilespmem:s5+$0x2890]  }
0x282: {  	v38 =	vld.idx.msk [tilespmem:v6+s23+$0x0], $0xffff  }
0x283: {  	v40 =	vld [tilespmem:s5+$0x5120]  }
0x284: {  	v39 =	vld.idx.msk [tilespmem:v7+s23+$0x0], $0xffff;
	_ =	sdelay $0x1  }
0x285: {  	v41 =	vld [tilespmem:s5+$0x20]  }
0x286: {  	v3 =	vmul.f32 v38, v3;
	_ =	sdelay $0x1  }
0x287: {  	v3 =	vmul.f32 v39, v3;
	_ =	sdelay $0x1  }
0x288: {  	[tilespmem:s5+$0x2890] =	vst v3;
	v3 =	vld [tilespmem:s5+$0x28A0]  }
0x289: {  	v42 =	vld.idx.msk [tilespmem:v40+s23+$0x0], $0xffff  }
0x28a: {  	v44 =	vld [tilespmem:s5+$0x5130]  }
0x28b: {  	v43 =	vld.idx.msk [tilespmem:v41+s23+$0x0], $0xffff;
	_ =	sdelay $0x1  }
0x28c: {  	v45 =	vld [tilespmem:s5+$0x30]  }
0x28d: {  	v3 =	vmul.f32 v42, v3;
	_ =	sdelay $0x1  }
0x28e: {  	v3 =	vmul.f32 v43, v3;
	_ =	sdelay $0x1  }
0x28f: {  	[tilespmem:s5+$0x28A0] =	vst v3;
	v3 =	vld [tilespmem:s5+$0x28B0]  }
0x290: {  	v46 =	vld.idx.msk [tilespmem:v44+s23+$0x0], $0xffff  }
0x291: {  	v48 =	vld [tilespmem:s5+$0x5140]  }
0x292: {  	v47 =	vld.idx.msk [tilespmem:v45+s23+$0x0], $0xffff;
	_ =	sdelay $0x1  }
0x293: {  	v49 =	vld [tilespmem:s5+$0x40]  }
0x294: {  	v3 =	vmul.f32 v46, v3;
	_ =	sdelay $0x1  }
0x295: {  	v3 =	vmul.f32 v47, v3;
	_ =	sdelay $0x1  }
0x296: {  	[tilespmem:s5+$0x28B0] =	vst v3;
	v3 =	vld [tilespmem:s5+$0x28C0]  }
0x297: {  	v50 =	vld.idx.msk [tilespmem:v48+s23+$0x0], $0xffff  }
0x298: {  	v52 =	vld [tilespmem:s5+$0x5150]  }
0x299: {  	v51 =	vld.idx.msk [tilespmem:v49+s23+$0x0], $0xffff;
	_ =	sdelay $0x1  }
0x29a: {  	v53 =	vld [tilespmem:s5+$0x50]  }
0x29b: {  	v3 =	vmul.f32 v50, v3;
	_ =	sdelay $0x1  }
0x29c: {  	v3 =	vmul.f32 v51, v3;
	_ =	sdelay $0x1  }
0x29d: {  	[tilespmem:s5+$0x28C0] =	vst v3;
	v3 =	vld [tilespmem:s5+$0x28D0]  }
0x29e: {  	v54 =	vld.idx.msk [tilespmem:v52+s23+$0x0], $0xffff  }
0x29f: {  	v56 =	vld [tilespmem:s5+$0x5160]  }
0x2a0: {  	v55 =	vld.idx.msk [tilespmem:v53+s23+$0x0], $0xffff;
	_ =	sdelay $0x1  }
0x2a1: {  	v57 =	vld [tilespmem:s5+$0x60]  }
0x2a2: {  	v3 =	vmul.f32 v54, v3;
	_ =	sdelay $0x1  }
0x2a3: {  	v3 =	vmul.f32 v55, v3;
	_ =	sdelay $0x1  }
0x2a4: {  	[tilespmem:s5+$0x28D0] =	vst v3;
	v3 =	vld [tilespmem:s5+$0x28E0]  }
0x2a5: {  	v58 =	vld.idx.msk [tilespmem:v56+s23+$0x0], $0xffff  }
0x2a6: {  	v60 =	vld [tilespmem:s5+$0x5170]  }
0x2a7: {  	v59 =	vld.idx.msk [tilespmem:v57+s23+$0x0], $0xffff;
	_ =	sdelay $0x1  }
0x2a8: {  	v61 =	vld [tilespmem:s5+$0x70]  }
0x2a9: {  	v3 =	vmul.f32 v58, v3;
	_ =	sdelay $0x1  }
0x2aa: {  	v3 =	vmul.f32 v59, v3;
	_ =	sdelay $0x1  }
0x2ab: {  	[tilespmem:s5+$0x28E0] =	vst v3;
	v3 =	vld [tilespmem:s5+$0x28F0]  }
0x2ac: {  	v62 =	vld.idx.msk [tilespmem:v60+s23+$0x0], $0xffff;
	_ =	sdelay $0x1  }
0x2ad: {  	v63 =	vld.idx.msk [tilespmem:v61+s23+$0x0], $0xffff;
	_ =	sdelay $0x2  }
.Ltmp11:
0x2ae: {  	v3 =	vmul.f32 v62, v3;
	(pc) =	sbr.rel .LBB2_16-.Ltmp11, $3  }
0x2af: {  	_ = 	snop  }
0x2b0: {  	v3 =	vmul.f32 v63, v3;
	_ =	sdelay $0x1  }
0x2b1: {  	[tilespmem:s5+$0x28F0] =	vst v3  }
.LBB2_17:
0x2b2: {  	_ =	swait.ge [sflag:s29], $0x2000  }
0x2b3: {  	[sflag:s29] =	ssyncset.done $0x0  }
0x2b4: {  	[sflag:s29] =	ssyncadd.s32 $0xFFFFE000  }
0x2b5: {  	_ =	swait.ge [sflag:s30], $0x2000  }
0x2b6: {  	[sflag:s30] =	ssyncset.done $0x0  }
0x2b7: {  	[sflag:s30] =	ssyncadd.s32 $0xFFFFE000  }
0x2b8: {  	_ =	swait.ge [sflag:s25], $0x2000  }
0x2b9: {  	[sflag:s25] =	ssyncset.done $0x0  }
0x2ba: {  	[sflag:s25] =	ssyncadd.s32 $0xFFFFE000  }
0x2bb: {  	_ =	swait.ge [sflag:s31], $0x2000  }
0x2bc: {  	[sflag:s31] =	ssyncset.done $0x0  }
0x2bd: {  	s0 =	simm.s32 $0x0;
	s3 =	rddreg [dreg:$0xc];
	[sflag:s31] =	ssyncadd.s32 $0xFFFFE000  }
0x2be: {  	[tilespmem:s24], [sflag:$0xA] =	stream.linear.gather [hbm4b:s3+s0], $0x2880, $0x38;
	[tilespmem:$0x1D400] =	vst v63  }
0x2bf: {  	_ =	swait.ge [sflag:s20], $0x2880  }
0x2c0: {  	[sflag:s20] =	ssyncset.done $0x0  }
0x2c1: {  	[sflag:s20] =	ssyncadd.s32 $0xFFFFD780  }
0x2c2: {  	[tilespmem:s0], [sflag:$0xA] =	stream.linear.gather [hbm4b:s13+s0], $0x2880, $0x38;
	[tilespmem:$0x1D400] =	vst v63  }
0x2c3: {  	_ =	swait.ge [sflag:s20], $0x2880  }
0x2c4: {  	[sflag:s20] =	ssyncset.done $0x0  }
0x2c5: {  	[sflag:s20] =	ssyncadd.s32 $0xFFFFD780  }
0x2c6: {  	[tilespmem:s18], [sflag:$0xA] =	stream.linear.gather [hbm4b:s14+s0], $0x2880, $0x38;
	[tilespmem:$0x1D400] =	vst v63  }
0x2c7: {  	_ =	swait.ge [sflag:s20], $0x2880  }
0x2c8: {  	[sflag:s20] =	ssyncset.done $0x0  }
0x2c9: {  	s17 =	simm.s32 $0xAC80;
	[sflag:s20] =	ssyncadd.s32 $0xFFFFD780  }
0x2ca: {  	[tilespmem:s17], [sflag:$0x1] =	stream.indirect.gather [hbm4b:s10+s22], $0x40, s24, s22, $0xb8;
	[tilespmem:$0x1D400] =	vst v63  }
0x2cb: {  	s28 =	simm.s32 $0x5180;
	s4 =	simm.s32 $0xCC80  }
0x2cc: {  	[tilespmem:s4], [sflag:$0x2] =	stream.indirect.gather [hbm4b:s10+s22], $0x40, s28, s22, $0xb8;
	[tilespmem:$0x1D400] =	vst v63  }
0x2cd: {  	v3 =	vld [tilespmem:$0x5100];
	_ =	sdelay $0x1  }
0x2ce: {  	v4 =	vld [tilespmem:$0x0];
	_ =	sdelay $0x4  }
0x2cf: {  	v5 =	vld [tilespmem:$0x2880]  }
0x2d0: {  	v3 =	vld.idx.msk [tilespmem:v3+s23+$0x0], $0xffff  }
0x2d1: {  	v6 =	vld [tilespmem:$0x5110]  }
0x2d2: {  	v4 =	vld.idx.msk [tilespmem:v4+s23+$0x0], $0xffff;
	_ =	sdelay $0x1  }
0x2d3: {  	v7 =	vld [tilespmem:$0x10]  }
0x2d4: {  	v3 =	vmul.f32 v3, v5;
	_ =	sdelay $0x1  }
0x2d5: {  	v3 =	vmul.f32 v4, v3;
	_ =	sdelay $0x1  }
0x2d6: {  	[tilespmem:$0x2880] =	vst v3;
	v3 =	vld [tilespmem:$0x2890]  }
0x2d7: {  	v61 =	vld.idx.msk [tilespmem:v6+s23+$0x0], $0xffff  }
0x2d8: {  	v63 =	vld [tilespmem:$0x5120]  }
0x2d9: {  	v62 =	vld.idx.msk [tilespmem:v7+s23+$0x0], $0xffff;
	_ =	sdelay $0x1  }
0x2da: {  	v9 =	vld [tilespmem:$0x20]  }
0x2db: {  	v3 =	vmul.f32 v61, v3;
	_ =	sdelay $0x1  }
0x2dc: {  	v3 =	vmul.f32 v62, v3;
	_ =	sdelay $0x1  }
0x2dd: {  	[tilespmem:$0x2890] =	vst v3;
	v3 =	vld [tilespmem:$0x28A0]  }
0x2de: {  	v10 =	vld.idx.msk [tilespmem:v63+s23+$0x0], $0xffff  }
0x2df: {  	v12 =	vld [tilespmem:$0x5130]  }
0x2e0: {  	v11 =	vld.idx.msk [tilespmem:v9+s23+$0x0], $0xffff;
	_ =	sdelay $0x1  }
0x2e1: {  	v13 =	vld [tilespmem:$0x30]  }
0x2e2: {  	v3 =	vmul.f32 v10, v3;
	_ =	sdelay $0x1  }
0x2e3: {  	v3 =	vmul.f32 v11, v3;
	_ =	sdelay $0x1  }
0x2e4: {  	[tilespmem:$0x28A0] =	vst v3;
	v3 =	vld [tilespmem:$0x28B0]  }
0x2e5: {  	v14 =	vld.idx.msk [tilespmem:v12+s23+$0x0], $0xffff  }
0x2e6: {  	v16 =	vld [tilespmem:$0x5140]  }
0x2e7: {  	v15 =	vld.idx.msk [tilespmem:v13+s23+$0x0], $0xffff;
	_ =	sdelay $0x1  }
0x2e8: {  	v17 =	vld [tilespmem:$0x40]  }
0x2e9: {  	v3 =	vmul.f32 v14, v3;
	_ =	sdelay $0x1  }
0x2ea: {  	v3 =	vmul.f32 v15, v3;
	_ =	sdelay $0x1  }
0x2eb: {  	[tilespmem:$0x28B0] =	vst v3;
	v3 =	vld [tilespmem:$0x28C0]  }
0x2ec: {  	v18 =	vld.idx.msk [tilespmem:v16+s23+$0x0], $0xffff  }
0x2ed: {  	v20 =	vld [tilespmem:$0x5150]  }
0x2ee: {  	v19 =	vld.idx.msk [tilespmem:v17+s23+$0x0], $0xffff;
	_ =	sdelay $0x1  }
0x2ef: {  	v21 =	vld [tilespmem:$0x50]  }
0x2f0: {  	v3 =	vmul.f32 v18, v3;
	_ =	sdelay $0x1  }
0x2f1: {  	v3 =	vmul.f32 v19, v3;
	_ =	sdelay $0x1  }
0x2f2: {  	[tilespmem:$0x28C0] =	vst v3;
	v3 =	vld [tilespmem:$0x28D0]  }
0x2f3: {  	v22 =	vld.idx.msk [tilespmem:v20+s23+$0x0], $0xffff  }
0x2f4: {  	v24 =	vld [tilespmem:$0x5160]  }
0x2f5: {  	v23 =	vld.idx.msk [tilespmem:v21+s23+$0x0], $0xffff;
	_ =	sdelay $0x1  }
0x2f6: {  	v25 =	vld [tilespmem:$0x60]  }
0x2f7: {  	v3 =	vmul.f32 v22, v3;
	_ =	sdelay $0x1  }
0x2f8: {  	v3 =	vmul.f32 v23, v3;
	_ =	sdelay $0x1  }
0x2f9: {  	[tilespmem:$0x28D0] =	vst v3;
	v3 =	vld [tilespmem:$0x28E0]  }
0x2fa: {  	v26 =	vld.idx.msk [tilespmem:v24+s23+$0x0], $0xffff  }
0x2fb: {  	v28 =	vld [tilespmem:$0x5170]  }
0x2fc: {  	v27 =	vld.idx.msk [tilespmem:v25+s23+$0x0], $0xffff;
	_ =	sdelay $0x1  }
0x2fd: {  	v29 =	vld [tilespmem:$0x70]  }
0x2fe: {  	v3 =	vmul.f32 v26, v3;
	_ =	sdelay $0x1  }
0x2ff: {  	v3 =	vmul.f32 v27, v3;
	_ =	sdelay $0x1  }
0x300: {  	[tilespmem:$0x28E0] =	vst v3;
	v3 =	vld [tilespmem:$0x28F0]  }
0x301: {  	v30 =	vld.idx.msk [tilespmem:v28+s23+$0x0], $0xffff  }
0x302: {  	v32 =	vld [tilespmem:$0x5180]  }
0x303: {  	v31 =	vld.idx.msk [tilespmem:v29+s23+$0x0], $0xffff;
	_ =	sdelay $0x1  }
0x304: {  	v33 =	vld [tilespmem:$0x80]  }
0x305: {  	v3 =	vmul.f32 v30, v3;
	_ =	sdelay $0x1  }
0x306: {  	v3 =	vmul.f32 v31, v3;
	_ =	sdelay $0x1  }
0x307: {  	[tilespmem:$0x28F0] =	vst v3;
	v3 =	vld [tilespmem:$0x2900]  }
0x308: {  	v34 =	vld.idx.msk [tilespmem:v32+s23+$0x0], $0xffff  }
0x309: {  	v36 =	vld [tilespmem:$0x5190]  }
0x30a: {  	v35 =	vld.idx.msk [tilespmem:v33+s23+$0x0], $0xffff;
	_ =	sdelay $0x1  }
0x30b: {  	v37 =	vld [tilespmem:$0x90]  }
0x30c: {  	v3 =	vmul.f32 v34, v3;
	_ =	sdelay $0x1  }
0x30d: {  	v3 =	vmul.f32 v35, v3;
	_ =	sdelay $0x1  }
0x30e: {  	[tilespmem:$0x2900] =	vst v3;
	v3 =	vld [tilespmem:$0x2910]  }
0x30f: {  	v38 =	vld.idx.msk [tilespmem:v36+s23+$0x0], $0xffff  }
0x310: {  	v40 =	vld [tilespmem:$0x51A0]  }
0x311: {  	v39 =	vld.idx.msk [tilespmem:v37+s23+$0x0], $0xffff;
	_ =	sdelay $0x1  }
0x312: {  	v41 =	vld [tilespmem:$0xA0]  }
0x313: {  	v3 =	vmul.f32 v38, v3;
	_ =	sdelay $0x1  }
0x314: {  	v3 =	vmul.f32 v39, v3;
	_ =	sdelay $0x1  }
0x315: {  	[tilespmem:$0x2910] =	vst v3;
	v3 =	vld [tilespmem:$0x2920]  }
0x316: {  	v42 =	vld.idx.msk [tilespmem:v40+s23+$0x0], $0xffff  }
0x317: {  	v44 =	vld [tilespmem:$0x51B0]  }
0x318: {  	v43 =	vld.idx.msk [tilespmem:v41+s23+$0x0], $0xffff;
	_ =	sdelay $0x1  }
0x319: {  	v45 =	vld [tilespmem:$0xB0]  }
0x31a: {  	v3 =	vmul.f32 v42, v3;
	_ =	sdelay $0x1  }
0x31b: {  	v3 =	vmul.f32 v43, v3;
	_ =	sdelay $0x1  }
0x31c: {  	[tilespmem:$0x2920] =	vst v3;
	v3 =	vld [tilespmem:$0x2930]  }
0x31d: {  	v46 =	vld.idx.msk [tilespmem:v44+s23+$0x0], $0xffff  }
0x31e: {  	v48 =	vld [tilespmem:$0x51C0]  }
0x31f: {  	v47 =	vld.idx.msk [tilespmem:v45+s23+$0x0], $0xffff;
	_ =	sdelay $0x1  }
0x320: {  	v49 =	vld [tilespmem:$0xC0]  }
0x321: {  	v3 =	vmul.f32 v46, v3;
	_ =	sdelay $0x1  }
0x322: {  	v3 =	vmul.f32 v47, v3;
	_ =	sdelay $0x1  }
0x323: {  	[tilespmem:$0x2930] =	vst v3;
	v3 =	vld [tilespmem:$0x2940]  }
0x324: {  	v50 =	vld.idx.msk [tilespmem:v48+s23+$0x0], $0xffff  }
0x325: {  	v52 =	vld [tilespmem:$0x51D0]  }
0x326: {  	v51 =	vld.idx.msk [tilespmem:v49+s23+$0x0], $0xffff;
	_ =	sdelay $0x1  }
0x327: {  	v53 =	vld [tilespmem:$0xD0]  }
0x328: {  	v3 =	vmul.f32 v50, v3;
	_ =	sdelay $0x1  }
0x329: {  	v3 =	vmul.f32 v51, v3;
	_ =	sdelay $0x1  }
0x32a: {  	[tilespmem:$0x2940] =	vst v3;
	v3 =	vld [tilespmem:$0x2950]  }
0x32b: {  	v54 =	vld.idx.msk [tilespmem:v52+s23+$0x0], $0xffff  }
0x32c: {  	v56 =	vld [tilespmem:$0x51E0]  }
0x32d: {  	v55 =	vld.idx.msk [tilespmem:v53+s23+$0x0], $0xffff;
	_ =	sdelay $0x1  }
0x32e: {  	v57 =	vld [tilespmem:$0xE0]  }
0x32f: {  	v3 =	vmul.f32 v54, v3;
	_ =	sdelay $0x1  }
0x330: {  	v3 =	vmul.f32 v55, v3;
	_ =	sdelay $0x1  }
0x331: {  	[tilespmem:$0x2950] =	vst v3;
	v3 =	vld [tilespmem:$0x2960]  }
0x332: {  	v58 =	vld.idx.msk [tilespmem:v56+s23+$0x0], $0xffff  }
0x333: {  	v60 =	vld [tilespmem:$0x51F0]  }
0x334: {  	v59 =	vld.idx.msk [tilespmem:v57+s23+$0x0], $0xffff;
	_ =	sdelay $0x1  }
0x335: {  	v61 =	vld [tilespmem:$0xF0]  }
0x336: {  	v3 =	vmul.f32 v58, v3;
	_ =	sdelay $0x1  }
0x337: {  	v3 =	vmul.f32 v59, v3;
	_ =	sdelay $0x1  }
0x338: {  	[tilespmem:$0x2960] =	vst v3;
	v3 =	vld [tilespmem:$0x2970]  }
0x339: {  	v62 =	vld.idx.msk [tilespmem:v60+s23+$0x0], $0xffff;
	_ =	sdelay $0x1  }
0x33a: {  	v63 =	vld.idx.msk [tilespmem:v61+s23+$0x0], $0xffff;
	_ =	sdelay $0x2  }
.Ltmp12:
0x33b: {  	v3 =	vmul.f32 v62, v3;
	(pc) =	sbr.rel .LBB2_18-.Ltmp12, $3  }
0x33c: {  	_ = 	snop  }
0x33d: {  	v3 =	vmul.f32 v63, v3;
	_ =	sdelay $0x1  }
0x33e: {  	s4 =	simm.s32 $0x0;
	[tilespmem:$0x2970] =	vst v3  }
.LBB2_22:
0x33f: {  	s4 =	sadd.s32 $0x1, s4  }
0x340: {  	p2 =	sne.s32 s4, $0x51  }
.Ltmp13:
0x341: {  	_ = 	snop;
	(pc) =	sbr.rel @!p2 .LBB2_23-.Ltmp13, $2  }
0x342: {  	_ =	sdelay $0x2  }
0x343: {  	s0 =	sadd.s32 $0x1, s0  }
.LBB2_18:
0x344: {  	s3 =	simm.s32 $0x0  }
0x345: {  	v3 =	vmov s3  }
0x346: {  	s6 =	sshll.u32 s4, $0x7;
	s28 =	sand.u32 $0x3, s4;
	p2 =	slt.u32 s4, $0x4;
	v4 =	vshrl.u32 v3, $0x3  }
0x347: {  	s3 =	sadd.s32 @!p2 $0x5, s28;
	v3 =	vmov s6;
	v4 =	vshll.u32 v4, v2  }
0x348: {  	_ =	swait.ge @!p2 [sflag:s3], $0x2000;
	v4 =	vadd.s32 v3, v4  }
0x349: {  	[sflag:s3] =	ssyncset.done @!p2 $0x0;
	v4 =	vbroadcast v4, $0x0  }
0x34a: {  	s16 =	sadd.s32 $0x1, s28;
	[sflag:s3] =	ssyncadd.s32 @!p2 $0xFFFFE000  }
0x34b: {  	s5 =	sand.u32 $0x3, s0;
	_ =	swait.ge [sflag:s16], $0x2000  }
0x34c: {  	s5 =	sshll.u32 s5, $0xD;
	[sflag:s16] =	ssyncset.done $0x0  }
0x34d: {  	s5 =	sadd.s32 $0xAD80, s5;
	[sflag:s16] =	ssyncadd.s32 $0xFFFFE000  }
0x34e: {  	v6 =	vld [tilespmem:s5+$0xFFFFFF10]  }
0x34f: {  	s17 =	simm.s32 $0x1;
	v5 =	vld.idx.msk [tilespmem:v4+s18+$0x0], $0xffff  }
0x350: {  	v7 =	vld [tilespmem:s5+$0xFFFFFF30];
	v4 =	vmov s17  }
0x351: {  	v9 =	vld [tilespmem:s5+$0xFFFFFF00];
	v8 =	vshrl.u32 v4, $0x3  }
0x352: {  	v10 =	vld [tilespmem:s5+$0xFFFFFF20];
	v4 =	vor.u32 $0x1, v3;
	v8 =	vshll.u32 v8, v2  }
0x353: {  	v8 =	vadd.s32 v8, v4  }
0x354: {  	v8 =	vbroadcast v8, $0x0;
	v6 =	vmul.f32 v6, v5  }
0x355: {  	v7 =	vmul.f32 v7, v5  }
0x356: {  	v9 =	vmul.f32 v9, v5;
	[tilespmem:s5+$0xFFFFFF10] =	vst v6  }
0x357: {  	v5 =	vmul.f32 v10, v5;
	[tilespmem:s5+$0xFFFFFF30] =	vst v7  }
0x358: {  	[tilespmem:s5+$0xFFFFFF00] =	vst v9  }
0x359: {  	v11 =	vld [tilespmem:s5+$0xFFFFFF50];
	[tilespmem:s5+$0xFFFFFF20] =	vst v5  }
0x35a: {  	s11 =	simm.s32 $0x2;
	v6 =	vld.idx.msk [tilespmem:v8+s18+$0x0], $0xffff  }
0x35b: {  	v5 =	vmov s11;
	v7 =	vld [tilespmem:s5+$0xFFFFFF70]  }
0x35c: {  	v9 =	vld [tilespmem:s5+$0xFFFFFF60];
	v8 =	vshrl.u32 v5, $0x3  }
0x35d: {  	v10 =	vld [tilespmem:s5+$0xFFFFFF40];
	v5 =	vor.u32 $0x2, v3;
	v8 =	vshll.u32 v8, v2  }
0x35e: {  	v8 =	vadd.s32 v8, v5  }
0x35f: {  	v8 =	vbroadcast v8, $0x0;
	v11 =	vmul.f32 v11, v6  }
0x360: {  	v7 =	vmul.f32 v7, v6  }
0x361: {  	v9 =	vmul.f32 v9, v6;
	[tilespmem:s5+$0xFFFFFF50] =	vst v11  }
0x362: {  	v6 =	vmul.f32 v10, v6;
	[tilespmem:s5+$0xFFFFFF70] =	vst v7  }
0x363: {  	[tilespmem:s5+$0xFFFFFF60] =	vst v9  }
0x364: {  	v12 =	vld [tilespmem:s5+$0xFFFFFF80];
	[tilespmem:s5+$0xFFFFFF40] =	vst v6  }
0x365: {  	s12 =	simm.s32 $0x3;
	v7 =	vld.idx.msk [tilespmem:v8+s18+$0x0], $0xffff  }
0x366: {  	v6 =	vmov s12;
	v8 =	vld [tilespmem:s5+$0xFFFFFFB0]  }
0x367: {  	v13 =	vld [tilespmem:s5+$0xFFFFFF90];
	v9 =	vshrl.u32 v6, $0x3  }
0x368: {  	v10 =	vld [tilespmem:s5+$0xFFFFFFA0];
	v6 =	vor.u32 $0x3, v3;
	v9 =	vshll.u32 v9, v2  }
0x369: {  	v9 =	vadd.s32 v9, v6  }
0x36a: {  	v9 =	vbroadcast v9, $0x0;
	v11 =	vmul.f32 v12, v7  }
0x36b: {  	v8 =	vmul.f32 v8, v7  }
0x36c: {  	v12 =	vmul.f32 v13, v7;
	[tilespmem:s5+$0xFFFFFF80] =	vst v11  }
0x36d: {  	v7 =	vmul.f32 v10, v7;
	[tilespmem:s5+$0xFFFFFFB0] =	vst v8  }
0x36e: {  	[tilespmem:s5+$0xFFFFFF90] =	vst v12  }
0x36f: {  	v11 =	vld [tilespmem:s5+$0xFFFFFFF0];
	[tilespmem:s5+$0xFFFFFFA0] =	vst v7  }
0x370: {  	s15 =	simm.s32 $0x4;
	v7 =	vld.idx.msk [tilespmem:v9+s18+$0x0], $0xffff  }
0x371: {  	v8 =	vmov s15;
	v9 =	vld [tilespmem:s5+$0xFFFFFFE0]  }
0x372: {  	v10 =	vld [tilespmem:s5+$0xFFFFFFD0];
	v12 =	vshrl.u32 v8, $0x3  }
0x373: {  	v13 =	vld [tilespmem:s5+$0xFFFFFFC0];
	v8 =	vor.u32 $0x4, v3;
	v12 =	vshll.u32 v12, v2  }
0x374: {  	v12 =	vadd.s32 v12, v8  }
0x375: {  	v15 =	vbroadcast v12, $0x0;
	v11 =	vmul.f32 v11, v7  }
0x376: {  	v9 =	vmul.f32 v9, v7  }
0x377: {  	v10 =	vmul.f32 v10, v7;
	[tilespmem:s5+$0xFFFFFFF0] =	vst v11  }
0x378: {  	s16 =	simm.s32 $0x5;
	v14 =	vld [tilespmem:s5+$0x20];
	v7 =	vmul.f32 v13, v7;
	[tilespmem:s5+$0xFFFFFFE0] =	vst v9  }
0x379: {  	v16 =	vld [tilespmem:s5+$0x10];
	v9 =	vmov s16;
	[tilespmem:s5+$0xFFFFFFD0] =	vst v10  }
0x37a: {  	v12 =	vld [tilespmem:s5+$0x0];
	[tilespmem:s5+$0xFFFFFFC0] =	vst v7;
	v9 =	vshrl.u32 v9, $0x3  }
0x37b: {  	s17 =	sshll.u32 s28, $0xD;
	v10 =	vor.u32 $0x5, v3;
	v7 =	vshll.u32 v9, v2;
	v15 =	vld.idx.msk [tilespmem:v15+s18+$0x0], $0xffff  }
0x37c: {  	s11 =	sadd.s32 $0xAC80, s17;
	v11 =	vld [tilespmem:s5+$0x30];
	v13 =	vadd.s32 v7, v10  }
0x37d: {  	s12 =	smov.u32 s5;
	s15 =	simm.s32 $0x7;
	s16 =	simm.s32 $0xF;
	v9 =	vor.u32 $0x6, v3;
	v7 =	vor.u32 $0x7, v3;
	v13 =	vbroadcast v13, $0x0  }
.LBB2_19:
0x37e: {  	p2 =	sne.s32 s16, $0x7F  }
0x37f: {  	s5 =	sadd.s32 $0x200, s5;
	s17 =	smov.u32 s16;
	s16 =	sadd.s32 $0x8, s16  }
0x380: {  	v14 =	vmul.f32 v14, v15;
	v16 =	vmul.f32 v16, v15  }
0x381: {  	v12 =	vmul.f32 v12, v15;
	v11 =	vmul.f32 v11, v15;
	v15 =	vld [tilespmem:s12+$0x70]  }
0x382: {  	[tilespmem:s12+$0x10] =	vst v16;
	v16 =	vld [tilespmem:s12+$0x40]  }
0x383: {  	[tilespmem:s12+$0x0] =	vst v12  }
0x384: {  	[tilespmem:s12+$0x20] =	vst v14  }
0x385: {  	[tilespmem:s12+$0x30] =	vst v11;
	v11 =	vld [tilespmem:s12+$0x60]  }
0x386: {  	v12 =	vld.idx.msk [tilespmem:v13+s18+$0x0], $0xffff  }
0x387: {  	v13 =	vld [tilespmem:s12+$0x50]  }
0x388: {  	s3 =	sadd.s32 $0xFFFFFFFF, s15  }
0x389: {  	v14 =	vmov s3  }
0x38a: {  	v14 =	vshrl.u32 v14, $0x3  }
0x38b: {  	v14 =	vshll.u32 v14, v2  }
0x38c: {  	v14 =	vadd.s32 v14, v9;
	v11 =	vmul.f32 v11, v12;
	v13 =	vmul.f32 v13, v12  }
0x38d: {  	v14 =	vbroadcast v14, $0x0;
	v16 =	vmul.f32 v16, v12  }
0x38e: {  	[tilespmem:s12+$0x60] =	vst v11;
	v11 =	vmul.f32 v15, v12  }
0x38f: {  	[tilespmem:s12+$0x50] =	vst v13;
	v12 =	vld [tilespmem:s12+$0xB0]  }
0x390: {  	[tilespmem:s12+$0x40] =	vst v16  }
0x391: {  	s3 =	sadd.s32 $0xFFFFFFF9, s17  }
0x392: {  	v13 =	vmov s3;
	[tilespmem:s12+$0x70] =	vst v11;
	v11 =	vld [tilespmem:s12+$0x90]  }
0x393: {  	v13 =	vshrl.u32 v13, $0x3;
	v14 =	vld.idx.msk [tilespmem:v14+s18+$0x0], $0xffff  }
0x394: {  	v13 =	vshll.u32 v13, v2;
	v15 =	vld [tilespmem:s12+$0xA0]  }
0x395: {  	v13 =	vadd.s32 v3, v13;
	v16 =	vld [tilespmem:s12+$0x80]  }
0x396: {  	v17 =	vmov s15;
	s15 =	smov.u32 s17;
	v13 =	vbroadcast v13, $0x0  }
0x397: {  	v17 =	vshrl.u32 v17, $0x3  }
0x398: {  	v17 =	vshll.u32 v17, v2  }
0x399: {  	v17 =	vadd.s32 v17, v7;
	v12 =	vmul.f32 v12, v14;
	v15 =	vmul.f32 v15, v14  }
0x39a: {  	v17 =	vbroadcast v17, $0x0;
	v16 =	vmul.f32 v16, v14;
	v18 =	vld [tilespmem:s12+$0xD0]  }
0x39b: {  	v11 =	vmul.f32 v11, v14;
	v19 =	vld [tilespmem:s5+$0xFFFFFF30];
	[tilespmem:s12+$0xA0] =	vst v15  }
0x39c: {  	[tilespmem:s12+$0x80] =	vst v16  }
0x39d: {  	s3 =	sadd.s32 $0xFFFFFFFA, s15;
	[tilespmem:s12+$0x90] =	vst v11;
	v11 =	vld [tilespmem:s12+$0xC0]  }
0x39e: {  	v14 =	vmov s3;
	[tilespmem:s12+$0xB0] =	vst v12  }
0x39f: {  	v12 =	vshrl.u32 v14, $0x3;
	v14 =	vld [tilespmem:s12+$0xF0]  }
0x3a0: {  	v12 =	vshll.u32 v12, v2;
	v15 =	vld.idx.msk [tilespmem:v17+s18+$0x0], $0xffff  }
0x3a1: {  	v12 =	vadd.s32 v12, v4  }
0x3a2: {  	v12 =	vbroadcast v12, $0x0;
	v16 =	vld [tilespmem:s12+$0xE0];
	_ =	sdelay $0x3  }
0x3a3: {  	v11 =	vmul.f32 v11, v15;
	v17 =	vmul.f32 v18, v15  }
0x3a4: {  	v14 =	vmul.f32 v14, v15;
	v16 =	vmul.f32 v16, v15  }
0x3a5: {  	v15 =	vld [tilespmem:s5+$0xFFFFFF20];
	[tilespmem:s12+$0xC0] =	vst v11  }
0x3a6: {  	[tilespmem:s12+$0xE0] =	vst v16  }
0x3a7: {  	[tilespmem:s12+$0xF0] =	vst v14  }
0x3a8: {  	[tilespmem:s12+$0xD0] =	vst v17;
	s12 =	smov.u32 s5  }
0x3a9: {  	v11 =	vld.idx.msk [tilespmem:v13+s18+$0x0], $0xffff  }
0x3aa: {  	v13 =	vld [tilespmem:s5+$0xFFFFFF10]  }
0x3ab: {  	v14 =	vld [tilespmem:s5+$0xFFFFFF00];
	_ =	sdelay $0x1  }
0x3ac: {  	v16 =	vld [tilespmem:s5+$0xFFFFFF50];
	_ =	sdelay $0x1  }
0x3ad: {  	s3 =	sadd.s32 $0xFFFFFFFB, s15;
	v15 =	vmul.f32 v15, v11;
	v13 =	vmul.f32 v13, v11  }
0x3ae: {  	v17 =	vmov s3;
	v14 =	vmul.f32 v14, v11;
	v11 =	vmul.f32 v19, v11  }
0x3af: {  	v17 =	vshrl.u32 v17, $0x3;
	[tilespmem:s5+$0xFFFFFF10] =	vst v13;
	v13 =	vld [tilespmem:s5+$0xFFFFFF70]  }
0x3b0: {  	[tilespmem:s5+$0xFFFFFF30] =	vst v11;
	v11 =	vshll.u32 v17, v2  }
0x3b1: {  	[tilespmem:s5+$0xFFFFFF00] =	vst v14;
	v11 =	vadd.s32 v11, v5  }
0x3b2: {  	[tilespmem:s5+$0xFFFFFF20] =	vst v15  }
0x3b3: {  	v11 =	vbroadcast v11, $0x0;
	v12 =	vld.idx.msk [tilespmem:v12+s18+$0x0], $0xffff  }
0x3b4: {  	v14 =	vld [tilespmem:s5+$0xFFFFFF40]  }
0x3b5: {  	v15 =	vld [tilespmem:s5+$0xFFFFFF60];
	_ =	sdelay $0x2  }
0x3b6: {  	v17 =	vld [tilespmem:s5+$0xFFFFFF90]  }
0x3b7: {  	v16 =	vmul.f32 v16, v12;
	v14 =	vmul.f32 v14, v12  }
0x3b8: {  	s3 =	sadd.s32 $0xFFFFFFFC, s15;
	v15 =	vmul.f32 v15, v12;
	v12 =	vmul.f32 v13, v12;
	v13 =	vld [tilespmem:s5+$0xFFFFFF80]  }
0x3b9: {  	[tilespmem:s5+$0xFFFFFF50] =	vst v16;
	v16 =	vmov s3  }
0x3ba: {  	[tilespmem:s5+$0xFFFFFF70] =	vst v12;
	v12 =	vshrl.u32 v16, $0x3  }
0x3bb: {  	[tilespmem:s5+$0xFFFFFF60] =	vst v15;
	v12 =	vshll.u32 v12, v2  }
0x3bc: {  	[tilespmem:s5+$0xFFFFFF40] =	vst v14;
	v14 =	vld [tilespmem:s5+$0xFFFFFFA0];
	v12 =	vadd.s32 v12, v6  }
0x3bd: {  	v11 =	vld.idx.msk [tilespmem:v11+s18+$0x0], $0xffff  }
0x3be: {  	v15 =	vld [tilespmem:s5+$0xFFFFFFB0]  }
0x3bf: {  	v12 =	vbroadcast v12, $0x0;
	_ =	sdelay $0x3  }
0x3c0: {  	v13 =	vmul.f32 v13, v11;
	v15 =	vmul.f32 v15, v11  }
0x3c1: {  	v16 =	vmul.f32 v17, v11;
	v11 =	vmul.f32 v14, v11  }
0x3c2: {  	[tilespmem:s5+$0xFFFFFF80] =	vst v13;
	v13 =	vld [tilespmem:s5+$0xFFFFFFF0]  }
0x3c3: {  	[tilespmem:s5+$0xFFFFFFB0] =	vst v15;
	v14 =	vld [tilespmem:s5+$0xFFFFFFD0]  }
0x3c4: {  	[tilespmem:s5+$0xFFFFFF90] =	vst v16  }
0x3c5: {  	[tilespmem:s5+$0xFFFFFFA0] =	vst v11;
	v11 =	vld [tilespmem:s5+$0xFFFFFFC0]  }
0x3c6: {  	s3 =	sadd.s32 $0xFFFFFFFD, s15;
	v15 =	vld [tilespmem:s5+$0xFFFFFFE0]  }
0x3c7: {  	v16 =	vmov s3;
	v12 =	vld.idx.msk [tilespmem:v12+s18+$0x0], $0xffff  }
0x3c8: {  	v16 =	vshrl.u32 v16, $0x3  }
0x3c9: {  	v16 =	vshll.u32 v16, v2  }
0x3ca: {  	v16 =	vadd.s32 v16, v8  }
0x3cb: {  	v16 =	vbroadcast v16, $0x0;
	_ =	sdelay $0x1  }
0x3cc: {  	v17 =	vmul.f32 v11, v12;
	v11 =	vmul.f32 v13, v12  }
0x3cd: {  	v13 =	vmul.f32 v14, v12;
	v12 =	vmul.f32 v15, v12  }
0x3ce: {  	[tilespmem:s5+$0xFFFFFFF0] =	vst v11;
	v11 =	vld [tilespmem:s5+$0x30]  }
0x3cf: {  	[tilespmem:s5+$0xFFFFFFE0] =	vst v12;
	v12 =	vld [tilespmem:s5+$0x0]  }
0x3d0: {  	[tilespmem:s5+$0xFFFFFFD0] =	vst v13  }
0x3d1: {  	s3 =	sadd.s32 $0xFFFFFFFE, s15;
	[tilespmem:s5+$0xFFFFFFC0] =	vst v17  }
0x3d2: {  	v13 =	vmov s3;
	v14 =	vld [tilespmem:s5+$0x20]  }
.Ltmp14:
0x3d3: {  	v13 =	vshrl.u32 v13, $0x3;
	v15 =	vld.idx.msk [tilespmem:v16+s18+$0x0], $0xffff;
	(pc) =	sbr.rel @p2 .LBB2_19-.Ltmp14, $3  }
0x3d4: {  	v13 =	vshll.u32 v13, v2;
	v16 =	vld [tilespmem:s5+$0x10]  }
0x3d5: {  	v13 =	vadd.s32 v13, v10;
	_ =	sdelay $0x1  }
0x3d6: {  	v13 =	vbroadcast v13, $0x0  }
0x3d7: {  	v4 =	vmul.f32 v12, v15  }
0x3d8: {  	v3 =	vmul.f32 v16, v15  }
0x3d9: {  	v5 =	vmul.f32 v14, v15;
	[tilespmem:s12+$0x0] =	vst v4  }
0x3da: {  	[tilespmem:s12+$0x10] =	vst v3;
	v3 =	vmul.f32 v11, v15  }
0x3db: {  	[tilespmem:s12+$0x20] =	vst v5  }
0x3dc: {  	[tilespmem:s12+$0x30] =	vst v3;
	v3 =	vld [tilespmem:s12+$0x60]  }
0x3dd: {  	s3 =	sadd.s32 $0xFFFFFFFF, s15;
	v4 =	vld.idx.msk [tilespmem:v13+s18+$0x0], $0xffff  }
0x3de: {  	v54 =	vld [tilespmem:s12+$0x50];
	v8 =	vmov s3  }
0x3df: {  	v6 =	vld [tilespmem:s12+$0x40];
	v8 =	vshrl.u32 v8, $0x3  }
0x3e0: {  	v10 =	vld [tilespmem:s12+$0x70];
	v8 =	vshll.u32 v8, v2  }
0x3e1: {  	v8 =	vadd.s32 v8, v9  }
0x3e2: {  	v8 =	vbroadcast v8, $0x0;
	v3 =	vmul.f32 v3, v4  }
0x3e3: {  	v5 =	vmul.f32 v54, v4  }
0x3e4: {  	v6 =	vmul.f32 v6, v4;
	[tilespmem:s12+$0x60] =	vst v3  }
0x3e5: {  	v3 =	vmul.f32 v10, v4;
	[tilespmem:s12+$0x50] =	vst v5  }
0x3e6: {  	[tilespmem:s12+$0x40] =	vst v6  }
0x3e7: {  	v55 =	vld [tilespmem:s12+$0xA0];
	[tilespmem:s12+$0x70] =	vst v3  }
0x3e8: {  	v3 =	vld.idx.msk [tilespmem:v8+s18+$0x0], $0xffff  }
0x3e9: {  	v56 =	vld [tilespmem:s12+$0x80];
	v58 =	vmov s15  }
0x3ea: {  	v57 =	vld [tilespmem:s12+$0x90];
	v8 =	vshrl.u32 v58, $0x3  }
0x3eb: {  	v59 =	vld [tilespmem:s12+$0xB0];
	v8 =	vshll.u32 v8, v2  }
0x3ec: {  	v7 =	vadd.s32 v8, v7  }
0x3ed: {  	v7 =	vbroadcast v7, $0x0;
	v4 =	vmul.f32 v55, v3  }
0x3ee: {  	v5 =	vmul.f32 v56, v3  }
0x3ef: {  	v6 =	vmul.f32 v57, v3;
	[tilespmem:s12+$0xA0] =	vst v4  }
0x3f0: {  	v3 =	vmul.f32 v59, v3;
	[tilespmem:s12+$0x80] =	vst v5  }
0x3f1: {  	[tilespmem:s12+$0x90] =	vst v6  }
0x3f2: {  	v61 =	vld [tilespmem:s12+$0xC0];
	[tilespmem:s12+$0xB0] =	vst v3  }
0x3f3: {  	v3 =	vld.idx.msk [tilespmem:v7+s18+$0x0], $0xffff  }
0x3f4: {  	v62 =	vld [tilespmem:s12+$0xE0]  }
0x3f5: {  	v63 =	vld [tilespmem:s12+$0xF0]  }
0x3f6: {  	v60 =	vld [tilespmem:s12+$0xD0];
	_ =	sdelay $0x1  }
0x3f7: {  	v4 =	vmul.f32 v61, v3  }
0x3f8: {  	p2 =	sgt.u32 s4, $0x4E;
	v5 =	vmul.f32 v62, v3  }
.Ltmp15:
0x3f9: {  	v6 =	vmul.f32 v63, v3;
	[tilespmem:s12+$0xC0] =	vst v4;
	(pc) =	sbr.rel @p2 .LBB2_22-.Ltmp15, $4  }
0x3fa: {  	v3 =	vmul.f32 v60, v3;
	[tilespmem:s12+$0xE0] =	vst v5  }
0x3fb: {  	[tilespmem:s12+$0xF0] =	vst v6  }
0x3fc: {  	s17 =	sand.u32 $0x3FFFFF80, s6;
	s5 =	sadd.s32 $0x5, s28;
	[tilespmem:s12+$0xD0] =	vst v3  }
0x3fd: {  	[spmem:s1] =	stream.indirect.scatter.add.f32 [tilespmem:s11], [sflag:s5], $0x40, s17, s22, $0xb8;
	[tilespmem:$0x1D400] =	vst v63  }
0x3fe: {  	s3 =	sadd.s32 $0x2, s4  }
0x3ff: {  	s6 =	sand.u32 $0x3, s3  }
0x400: {  	s5 =	sshll.u32 s3, $0x7;
	s11 =	sshll.u32 s6, $0xD  }
0x401: {  	s28 =	sadd.s32 $0x5100, s5;
	s6 =	sadd.s32 $0x1, s6;
	s17 =	sadd.s32 $0xAC80, s11  }
0x402: {  	[tilespmem:s17], [sflag:s6] =	stream.indirect.gather [hbm4b:s10+s22], $0x40, s28, s22, $0xb8;
	[tilespmem:$0x1D400] =	vst v63  }
0x403: {  	v3 =	vld [tilespmem:s5+$0x5100];
	_ =	sdelay $0x1  }
0x404: {  	v4 =	vld [tilespmem:s5+$0x0];
	_ =	sdelay $0x4  }
0x405: {  	v5 =	vld [tilespmem:s5+$0x2880]  }
0x406: {  	v3 =	vld.idx.msk [tilespmem:v3+s23+$0x0], $0xffff  }
0x407: {  	v6 =	vld [tilespmem:s5+$0x5110]  }
0x408: {  	v4 =	vld.idx.msk [tilespmem:v4+s23+$0x0], $0xffff;
	_ =	sdelay $0x1  }
0x409: {  	v7 =	vld [tilespmem:s5+$0x10]  }
0x40a: {  	v3 =	vmul.f32 v3, v5;
	_ =	sdelay $0x1  }
0x40b: {  	v3 =	vmul.f32 v4, v3;
	_ =	sdelay $0x1  }
0x40c: {  	[tilespmem:s5+$0x2880] =	vst v3;
	v3 =	vld [tilespmem:s5+$0x2890]  }
0x40d: {  	v38 =	vld.idx.msk [tilespmem:v6+s23+$0x0], $0xffff  }
0x40e: {  	v40 =	vld [tilespmem:s5+$0x5120]  }
0x40f: {  	v39 =	vld.idx.msk [tilespmem:v7+s23+$0x0], $0xffff;
	_ =	sdelay $0x1  }
0x410: {  	v41 =	vld [tilespmem:s5+$0x20]  }
0x411: {  	v3 =	vmul.f32 v38, v3;
	_ =	sdelay $0x1  }
0x412: {  	v3 =	vmul.f32 v39, v3;
	_ =	sdelay $0x1  }
0x413: {  	[tilespmem:s5+$0x2890] =	vst v3;
	v3 =	vld [tilespmem:s5+$0x28A0]  }
0x414: {  	v42 =	vld.idx.msk [tilespmem:v40+s23+$0x0], $0xffff  }
0x415: {  	v44 =	vld [tilespmem:s5+$0x5130]  }
0x416: {  	v43 =	vld.idx.msk [tilespmem:v41+s23+$0x0], $0xffff;
	_ =	sdelay $0x1  }
0x417: {  	v45 =	vld [tilespmem:s5+$0x30]  }
0x418: {  	v3 =	vmul.f32 v42, v3;
	_ =	sdelay $0x1  }
0x419: {  	v3 =	vmul.f32 v43, v3;
	_ =	sdelay $0x1  }
0x41a: {  	[tilespmem:s5+$0x28A0] =	vst v3;
	v3 =	vld [tilespmem:s5+$0x28B0]  }
0x41b: {  	v46 =	vld.idx.msk [tilespmem:v44+s23+$0x0], $0xffff  }
0x41c: {  	v48 =	vld [tilespmem:s5+$0x5140]  }
0x41d: {  	v47 =	vld.idx.msk [tilespmem:v45+s23+$0x0], $0xffff;
	_ =	sdelay $0x1  }
0x41e: {  	v49 =	vld [tilespmem:s5+$0x40]  }
0x41f: {  	v3 =	vmul.f32 v46, v3;
	_ =	sdelay $0x1  }
0x420: {  	v3 =	vmul.f32 v47, v3;
	_ =	sdelay $0x1  }
0x421: {  	[tilespmem:s5+$0x28B0] =	vst v3;
	v3 =	vld [tilespmem:s5+$0x28C0]  }
0x422: {  	v50 =	vld.idx.msk [tilespmem:v48+s23+$0x0], $0xffff  }
0x423: {  	v52 =	vld [tilespmem:s5+$0x5150]  }
0x424: {  	v51 =	vld.idx.msk [tilespmem:v49+s23+$0x0], $0xffff;
	_ =	sdelay $0x1  }
0x425: {  	v53 =	vld [tilespmem:s5+$0x50]  }
0x426: {  	v3 =	vmul.f32 v50, v3;
	_ =	sdelay $0x1  }
0x427: {  	v3 =	vmul.f32 v51, v3;
	_ =	sdelay $0x1  }
0x428: {  	[tilespmem:s5+$0x28C0] =	vst v3;
	v3 =	vld [tilespmem:s5+$0x28D0]  }
0x429: {  	v54 =	vld.idx.msk [tilespmem:v52+s23+$0x0], $0xffff  }
0x42a: {  	v56 =	vld [tilespmem:s5+$0x5160]  }
0x42b: {  	v55 =	vld.idx.msk [tilespmem:v53+s23+$0x0], $0xffff;
	_ =	sdelay $0x1  }
0x42c: {  	v57 =	vld [tilespmem:s5+$0x60]  }
0x42d: {  	v3 =	vmul.f32 v54, v3;
	_ =	sdelay $0x1  }
0x42e: {  	v3 =	vmul.f32 v55, v3;
	_ =	sdelay $0x1  }
0x42f: {  	[tilespmem:s5+$0x28D0] =	vst v3;
	v3 =	vld [tilespmem:s5+$0x28E0]  }
0x430: {  	v58 =	vld.idx.msk [tilespmem:v56+s23+$0x0], $0xffff  }
0x431: {  	v60 =	vld [tilespmem:s5+$0x5170]  }
0x432: {  	v59 =	vld.idx.msk [tilespmem:v57+s23+$0x0], $0xffff;
	_ =	sdelay $0x1  }
0x433: {  	v61 =	vld [tilespmem:s5+$0x70]  }
0x434: {  	v3 =	vmul.f32 v58, v3;
	_ =	sdelay $0x1  }
0x435: {  	v3 =	vmul.f32 v59, v3;
	_ =	sdelay $0x1  }
0x436: {  	[tilespmem:s5+$0x28E0] =	vst v3;
	v3 =	vld [tilespmem:s5+$0x28F0]  }
0x437: {  	v62 =	vld.idx.msk [tilespmem:v60+s23+$0x0], $0xffff;
	_ =	sdelay $0x1  }
0x438: {  	v63 =	vld.idx.msk [tilespmem:v61+s23+$0x0], $0xffff;
	_ =	sdelay $0x2  }
.Ltmp16:
0x439: {  	v3 =	vmul.f32 v62, v3;
	(pc) =	sbr.rel .LBB2_22-.Ltmp16, $3  }
0x43a: {  	_ = 	snop  }
0x43b: {  	v3 =	vmul.f32 v63, v3;
	_ =	sdelay $0x1  }
0x43c: {  	[tilespmem:s5+$0x28F0] =	vst v3  }
.LBB2_24:
0x43d: {  	_ =	sfence.sel $0x180000  }
0x43e: {  	[bflag:$0x0] =	sbarrier.arrive $0xFFFF  }
0x43f: {  	_ =	strace $0x90000047  }
0x440: {  	[bflag:$0x2] =	sbarrier.arrive $0xFFFF  }
0x441: {  	s0 =	rddreg [dreg:$0x6]  }
0x442: {  	s0 =	sadd.s32 @!p1 $0x100000, s0  }
0x443: {  	[sflag:s0] =	ssyncadd.tile.s32 @!p1 $0x1;
	_ =	shalt  }
.Lfunc_end2:
_tile_overlayer_lowered:
.L_overlay_start_2:
0x444: {  	(tag) =	ssettag $0x2  }
0x445: {  	s0 =	rddreg [dreg:$0x0];
	s2 =	stileid.u32  }
0x446: {  	s1 =	rddreg [dreg:$0x1];
	p0 =	sne.s32 s2, $0x0  }
0x447: {  	s3 =	rddreg [dreg:$0x2];
	[bflag:$0x3] =	sbarrier.arrive $0xFFFF;
	s2 =	simm.s32 @!p0 $0x1C0A  }
0x448: {  	[timem:s3], [sflag:s2] =	dma.local @!p0 [hbm:s0], s1  }
0x449: {  	s0 =	simm.s32 @!p0 $0xA  }
0x44a: {  	_ =	swait.ge @!p0 [sflag:s0], s1  }
0x44b: {  	s1 =	ssub.s32 @!p0 $0x0, s1;
	[sflag:s0] =	ssyncset.done @!p0 $0x0  }
0x44c: {  	[sflag:s0] =	ssyncadd.s32 @!p0 s1  }
0x44d: {  	[bflag:$0x3] =	sbarrier.arrive $0xFFFF  }
0x44e: {  	_ =	shalt  }

</sc_bundles>
